<compile_context>
chip_gen: v7x
topology: tpu7x:2x2x1
jax: 0.10.2.dev20260603
libtpu: 0.0.44.dev20260713+nightly
codegen_flags: <defaults>
</compile_context>

<pallas_src>
import functools

import jax
import jax.numpy as jnp
from jax import lax
from jax.experimental import pallas as pl
from jax.experimental.pallas import tpu as pltpu
from jax.experimental.pallas import tpu_sc as plsc

NC = 2
NS = 16
GRP = 128


def _mesh():
  return plsc.VectorSubcoreMesh(core_axis_name="c", subcore_axis_name="s")


_SC_PARAMS = pltpu.CompilerParams(use_tc_tiling_on_sc=False)



_NW = NC * NS


def _group_split(n_groups, k):
  base = n_groups // _NW
  rem = n_groups % _NW
  ldg = base + (1 if rem else 0)
  unif = -(-ldg // k) * k
  return base, rem, ldg, unif


def _load_indices(edge_hbm, dim, goff, dst, ldg, base, rem, unif, n_real, n):
  pltpu.sync_copy(edge_hbm.at[dim, pl.ds(goff, ldg)], dst.at[pl.ds(0, ldg)])
  for r in range(base if rem else ldg, unif):
    @pl.when(r >= n_real)
    def _fill():
      for i in range(GRP // 16):
        dst[r, pl.ds(i * 16, 16)] = jnp.full((16,), n, jnp.int32)


@functools.lru_cache(maxsize=None)
def _make_deg_kernel(n_pad, n_groups, n):
  rpt = n_pad // NS
  DK = 8
  base, rem, ldg, unif = _group_split(n_groups, DK)

  @functools.partial(
      pl.kernel, mesh=_mesh(),
      out_type=jax.ShapeDtypeStruct((NC, n_pad), jnp.float32),
      compiler_params=_SC_PARAMS,
      scratch_types=[
          pltpu.VMEM((unif, GRP), jnp.int32),
          pltpu.VMEM((GRP,), jnp.float32),
          pltpu.VMEM_SHARED((n_pad,), jnp.float32),
          pltpu.SemaphoreType.DMA,
      ],
  )
  def deg_kernel(edge_hbm, zeros_hbm, out_hbm, rowv, ones_v, acc, sem):
    cid = lax.axis_index("c")
    sid = lax.axis_index("s")
    wid = sid * NC + cid
    goff = wid * base + (jnp.maximum(0, wid - (_NW - rem)) if rem else 0)
    n_real = base + jnp.where(wid >= _NW - rem, 1, 0) if rem else base
    for i in range(GRP // 16):
      ones_v[pl.ds(i * 16, 16)] = jnp.ones((16,), jnp.float32)
    pltpu.sync_copy(zeros_hbm.at[pl.ds(sid * rpt, rpt)],
                    acc.at[pl.ds(sid * rpt, rpt)])
    plsc.subcore_barrier()
    _load_indices(edge_hbm, 0, goff, rowv, ldg, base, rem, unif, n_real, n)

    def body(s, carry):
      for k in range(DK):
        pltpu.async_copy(ones_v, acc.at[rowv.at[s * DK + k]], sem, add=True)
      for k in range(DK):
        pltpu.make_async_copy(ones_v, acc.at[rowv.at[0]], sem).wait()
      return carry

    lax.fori_loop(0, unif // DK, body, 0)
    plsc.subcore_barrier()
    pltpu.sync_copy(acc.at[pl.ds(sid * rpt, rpt)],
                    out_hbm.at[cid, pl.ds(sid * rpt, rpt)])

  return deg_kernel


@functools.lru_cache(maxsize=None)
def _make_gs_kernel(n_pad, n_groups, n, width):
  rpt = n_pad // NS
  K = 8
  base, rem, ldg, unif = _group_split(n_groups, K)
  nsteps = unif // K

  @functools.partial(
      pl.kernel, mesh=_mesh(),
      out_type=jax.ShapeDtypeStruct((NC, n_pad, width), jnp.float32),
      compiler_params=_SC_PARAMS,
      scratch_types=[
          pltpu.VMEM((unif, GRP), jnp.int32),
          pltpu.VMEM((unif, GRP), jnp.int32),
          pltpu.VMEM((2, K, GRP, width), jnp.float32),
          pltpu.VMEM_SHARED((n_pad, width), jnp.float32),
          pltpu.VMEM_SHARED((n_pad, width), jnp.float32),
          pltpu.SemaphoreType.DMA,
          pltpu.SemaphoreType.DMA,
      ],
  )
  def gs_kernel(z_hbm, edge_hbm, zeros_hbm, out_hbm,
                colv, rowv, bufs, acc, z_sh, sem_g, sem_s):
    cid = lax.axis_index("c")
    sid = lax.axis_index("s")
    wid = sid * NC + cid
    goff = wid * base + (jnp.maximum(0, wid - (_NW - rem)) if rem else 0)
    n_real = base + jnp.where(wid >= _NW - rem, 1, 0) if rem else base
    pltpu.sync_copy(zeros_hbm.at[pl.ds(sid * rpt, rpt)],
                    acc.at[pl.ds(sid * rpt, rpt)])
    pltpu.sync_copy(z_hbm.at[pl.ds(sid * rpt, rpt)],
                    z_sh.at[pl.ds(sid * rpt, rpt)])
    _load_indices(edge_hbm, 1, goff, colv, ldg, base, rem, unif, n_real, n)
    _load_indices(edge_hbm, 0, goff, rowv, ldg, base, rem, unif, n_real, n)
    plsc.subcore_barrier()

    for k in range(K):
      pltpu.async_copy(z_sh.at[colv.at[k]], bufs.at[0, k], sem_g)

    def body(s, carry):
      cur = lax.rem(s, 2)
      for k in range(K):
        pltpu.make_async_copy(z_sh.at[colv.at[0]], bufs.at[cur, k],
                              sem_g).wait()

      @pl.when(s < nsteps - 1)
      def _fire_next():
        for k in range(K):
          pltpu.async_copy(z_sh.at[colv.at[(s + 1) * K + k]],
                           bufs.at[1 - cur, k], sem_g)

      for k in range(K):
        pltpu.async_copy(bufs.at[cur, k], acc.at[rowv.at[s * K + k]],
                         sem_s, add=True)
      for k in range(K):
        pltpu.make_async_copy(bufs.at[cur, k], acc.at[rowv.at[0]],
                              sem_s).wait()
      return carry

    lax.fori_loop(0, nsteps, body, 0)
    plsc.subcore_barrier()
    pltpu.sync_copy(acc.at[pl.ds(sid * rpt, rpt)],
                    out_hbm.at[cid, pl.ds(sid * rpt, rpt)])

  return gs_kernel



def _tc_a0_body(x_ref, w1_ref, b1_ref, hlin0_ref, y1_ref):
  x = x_ref[...]
  hlin0_ref[...] = (
      jnp.dot(x, w1_ref[0], preferred_element_type=jnp.float32) + b1_ref[...])
  y1_ref[...] = jnp.dot(x, w1_ref[1], preferred_element_type=jnp.float32)


def _tc_a1_body(n, deg_ref, y1_ref, dinv_ref, z1p_ref):
  deg = deg_ref[:, 0:1] + deg_ref[:, 1:2]
  dinv = jnp.where(deg > 0, lax.rsqrt(jnp.maximum(deg, 1.0)), 0.0)
  dinv_ref[...] = dinv
  z1p_ref[...] = jnp.zeros_like(z1p_ref)
  z1p_ref[0:n, :] = dinv[0:n, :] * y1_ref[...]


def _tc_b_body(n, hlin0_ref, g1_ref, dinv_ref, w2_ref, b2_ref,
               hlin20_ref, z2p_ref):
  dinv = dinv_ref[0:n, :]
  s = g1_ref[0, 0:n, :] + g1_ref[1, 0:n, :]
  h = jnp.maximum(hlin0_ref[...] - dinv * s, 0.0)
  hlin20_ref[...] = (
      jnp.dot(h, w2_ref[0], preferred_element_type=jnp.float32) + b2_ref[...])
  y2 = jnp.dot(h, w2_ref[1], preferred_element_type=jnp.float32)
  z2p_ref[...] = jnp.zeros_like(z2p_ref)
  z2p_ref[0:n, :] = dinv * y2


def _tc_c_body(n, hlin20_ref, g2_ref, dinv_ref, out_ref):
  dinv = dinv_ref[0:n, :]
  s = g2_ref[0, 0:n, :] + g2_ref[1, 0:n, :]
  o = hlin20_ref[...] - dinv * s
  m = jnp.max(o, axis=1, keepdims=True)
  lse = jnp.log(jnp.sum(jnp.exp(o - m), axis=1, keepdims=True)) + m
  out_ref[...] = o - lse



def kernel(x, edge_index, W1, b1, W2, b2):
  n, f_in = x.shape
  e = edge_index.shape[1]
  hid = W1.shape[2]
  ncls = W2.shape[2]

  n_pad = -(-(n + 1) // (NS * GRP)) * (NS * GRP)
  if e % GRP:
    tail = jnp.full((2, GRP - e % GRP), n, dtype=jnp.int32)
    edge_index = jnp.concatenate([edge_index, tail], axis=1)
  n_groups = edge_index.shape[1] // GRP
  edge3 = edge_index.reshape(2, n_groups, GRP)
  zeros1 = jnp.zeros((n_pad,), jnp.float32)
  zeros_h = jnp.zeros((n_pad, hid), jnp.float32)
  zeros_c = jnp.zeros((n_pad, ncls), jnp.float32)

  deg2 = _make_deg_kernel(n_pad, n_groups, n)(edge3, zeros1)
  degT = deg2.T

  hlin0, y1 = pl.pallas_call(
      _tc_a0_body,
      out_shape=[
          jax.ShapeDtypeStruct((n, hid), jnp.float32),
          jax.ShapeDtypeStruct((n, hid), jnp.float32),
      ],
  )(x, W1, b1.reshape(1, -1))

  dinvp, z1p = pl.pallas_call(
      functools.partial(_tc_a1_body, n),
      out_shape=[
          jax.ShapeDtypeStruct((n_pad, 1), jnp.float32),
          jax.ShapeDtypeStruct((n_pad, hid), jnp.float32),
      ],
  )(degT, y1)

  g1 = _make_gs_kernel(n_pad, n_groups, n, hid)(z1p, edge3, zeros_h)

  hlin20, z2p = pl.pallas_call(
      functools.partial(_tc_b_body, n),
      out_shape=[
          jax.ShapeDtypeStruct((n, ncls), jnp.float32),
          jax.ShapeDtypeStruct((n_pad, ncls), jnp.float32),
      ],
  )(hlin0, g1, dinvp, W2, b2.reshape(1, -1))

  g2 = _make_gs_kernel(n_pad, n_groups, n, ncls)(z2p, edge3, zeros_c)

  out = pl.pallas_call(
      functools.partial(_tc_c_body, n),
      out_shape=jax.ShapeDtypeStruct((n, ncls), jnp.float32),
  )(hlin20, g2, dinvp)

  return out

# --- scband reference (transcript-rebuilt; emitter-appended) ---
"""Pipeline reference for scband-cheb-net-4320737100467 (READ-ONLY COPY).

The authoritative reference and input builder live on the scoring server;
editing this copy changes nothing except your own understanding.
"""

import jax, jax.numpy as jnp
import numpy as np

N = 10000
E = 320000
F_IN = 128
HID = 32
NCLS = 16


def setup_inputs(seed: int = 0) -> dict:
    key = jax.random.key(seed)
    k1, k2, k3, k4, k5, k6 = jax.random.split(key, 6)
    x = jax.random.normal(k1, (N, F_IN), dtype=jnp.float32)
    edge_index = jax.random.randint(k2, (2, E), 0, N, dtype=jnp.int32)
    # ChebConv weights: shape [K, in, out], glorot-ish scale
    W1 = jax.random.normal(k3, (2, F_IN, HID), dtype=jnp.float32) * (1.0 / np.sqrt(F_IN))
    b1 = jnp.zeros((HID,), dtype=jnp.float32)
    W2 = jax.random.normal(k4, (2, HID, NCLS), dtype=jnp.float32) * (1.0 / np.sqrt(HID))
    b2 = jnp.zeros((NCLS,), dtype=jnp.float32)
    return {"x": x, "edge_index": edge_index, "W1": W1, "b1": b1, "W2": W2, "b2": b2}


def _cheb_conv(x, row, col, n_nodes, W, b):
    # PyG ChebConv with K=2, sym normalization, lambda_max=2.0:
    # scaled Laplacian L_hat = -D^{-1/2} A D^{-1/2}
    deg = jnp.zeros((n_nodes,), dtype=x.dtype).at[row].add(jnp.ones_like(row, dtype=x.dtype))
    deg_inv_sqrt = jnp.where(deg > 0, jax.lax.rsqrt(jnp.maximum(deg, 1.0)), 0.0)
    norm = -deg_inv_sqrt[row] * deg_inv_sqrt[col]
    Tx0 = x
    msg = norm[:, None] * x[col]  # gather
    Tx1 = jnp.zeros_like(x).at[row].add(msg)  # scatter-add
    return Tx0 @ W[0] + Tx1 @ W[1] + b


def reference(x, edge_index, W1, b1, W2, b2):
    n_nodes = x.shape[0]
    row = edge_index[0]
    col = edge_index[1]
    h = jax.nn.relu(_cheb_conv(x, row, col, n_nodes, W1, b1))
    # dropout in eval mode: identity
    out = _cheb_conv(h, row, col, n_nodes, W2, b2)
    return jax.nn.log_softmax(out, axis=1)

if __name__ == "__main__":
    import jax
    _d = setup_inputs()
    print(jax.jit(kernel)(*tuple(_d.values())))

</pallas_src>

<mosaic_0001>
#map = affine_map<(d0, d1) -> (0, 0)>
#map1 = affine_map<(d0, d1) -> (0, 0, 0)>
module attributes {stable_mosaic.version = 14 : i64} {
  func.func @gs_kernel(%arg0: i32, %arg1: i32, %arg2: memref<10240x16xf32, #tpu.memory_space<hbm>>, %arg3: memref<2x2500x128xi32, #tpu.memory_space<hbm>>, %arg4: memref<10240x16xf32, #tpu.memory_space<hbm>>, %arg5: memref<2x10240x16xf32, #tpu.memory_space<hbm>>, %arg6: memref<80x128xi32, #tpu.memory_space<vmem>>, %arg7: memref<80x128xi32, #tpu.memory_space<vmem>>, %arg8: memref<2x8x128x16xf32, #tpu.memory_space<vmem>>, %arg9: memref<10240x16xf32, #tpu.memory_space<vmem_shared>>, %arg10: memref<10240x16xf32, #tpu.memory_space<vmem_shared>>, %arg11: memref<!tpu.dma_semaphore, #tpu.memory_space<semaphore_mem>>, %arg12: memref<!tpu.dma_semaphore, #tpu.memory_space<semaphore_mem>>) attributes {dimension_semantics = [#tpu.dimension_semantics<core_parallel>, #tpu.dimension_semantics<subcore_parallel>], iteration_bounds = array<i64: 2, 16>, scalar_prefetch = 0 : i64, scratch_operands = 7 : i64, tpu.core_type = #tpu.core_type<sc_vector_subcore>, window_params = [{transform_indices = #map}, {transform_indices = #map1}, {transform_indices = #map}, {transform_indices = #map1}]} {
    %mul3A = arith.constant 2 : i32
    %mul3A_0 = arith.muli %arg1, %mul3A : i32
    %add3A = arith.addi %mul3A_0, %arg0 : i32
    %mul3A_1 = arith.constant 78 : i32
    %mul3A_2 = arith.muli %add3A, %mul3A_1 : i32
    %sub3A = arith.constant 28 : i32
    %sub3A_3 = arith.subi %add3A, %sub3A : i32
    %max3A = arith.constant 0 : i32
    %max3A_4 = arith.maxsi %max3A, %sub3A_3 : i32
    %add3A_5 = arith.addi %mul3A_2, %max3A_4 : i32
    %ge3A = arith.constant 28 : i32
    %ge3A_6 = arith.cmpi sge, %add3A, %ge3A : i32
    %jit3A = arith.constant 1 : i32
    %jit3A_7 = arith.constant 0 : i32
    %select_n3A = arith.select %ge3A_6, %jit3A, %jit3A_7 : i32
    %add3A_8 = arith.constant 78 : i32
    %add3A_9 = arith.addi %add3A_8, %select_n3A : i32
    %mul3A_10 = arith.constant 640 : i32
    %mul3A_11 = arith.muli %arg1, %mul3A_10 : i32
    %mul3A_12 = arith.constant 640 : i32
    %mul3A_13 = arith.muli %arg1, %mul3A_12 : i32
    "tpu.region"() ({
      %run_scoped3A_149 = tpu.sem_alloc : memref<!tpu.dma_semaphore, #tpu.memory_space<semaphore_mem>>
      %dma_start3A_150 = arith.constant 0 : i32
      %dma_start3A_151 = tpu.memref_slice %arg9[%mul3A_13, %dma_start3A_150] : memref<10240x16xf32, #tpu.memory_space<vmem_shared>> -> memref<640x16xf32, #tpu.memory_space<vmem_shared>>
      %dma_start3A_152 = arith.constant 0 : i32
      %dma_start3A_153 = tpu.memref_slice %arg4[%mul3A_11, %dma_start3A_152] : memref<10240x16xf32, #tpu.memory_space<hbm>> -> memref<640x16xf32, #tpu.memory_space<hbm>>
      tpu.enqueue_dma source(%dma_start3A_153 : memref<640x16xf32, #tpu.memory_space<hbm>>) target(%dma_start3A_151 : memref<640x16xf32, #tpu.memory_space<vmem_shared>>) target_semaphore(%run_scoped3A_149 : memref<!tpu.dma_semaphore, #tpu.memory_space<semaphore_mem>>)
      %dma_wait3A = arith.constant 0 : i32
      %dma_wait3A_154 = tpu.memref_slice %arg9[%mul3A_13, %dma_wait3A] : memref<10240x16xf32, #tpu.memory_space<vmem_shared>> -> memref<640x16xf32, #tpu.memory_space<vmem_shared>>
      %dma_wait3A_155 = arith.constant 0 : i32
      %dma_wait3A_156 = tpu.memref_slice %arg4[%mul3A_11, %dma_wait3A_155] : memref<10240x16xf32, #tpu.memory_space<hbm>> -> memref<640x16xf32, #tpu.memory_space<hbm>>
      tpu.wait_dma2 semaphore(%run_scoped3A_149 : memref<!tpu.dma_semaphore, #tpu.memory_space<semaphore_mem>>) src(%dma_wait3A_156 : memref<640x16xf32, #tpu.memory_space<hbm>>) dst(%dma_wait3A_154 : memref<640x16xf32, #tpu.memory_space<vmem_shared>>)
      tpu.yield
    }) : () -> ()
    %mul3A_14 = arith.constant 640 : i32
    %mul3A_15 = arith.muli %arg1, %mul3A_14 : i32
    %mul3A_16 = arith.constant 640 : i32
    %mul3A_17 = arith.muli %arg1, %mul3A_16 : i32
    "tpu.region"() ({
      %run_scoped3A_149 = tpu.sem_alloc : memref<!tpu.dma_semaphore, #tpu.memory_space<semaphore_mem>>
      %dma_start3A_150 = arith.constant 0 : i32
      %dma_start3A_151 = tpu.memref_slice %arg10[%mul3A_17, %dma_start3A_150] : memref<10240x16xf32, #tpu.memory_space<vmem_shared>> -> memref<640x16xf32, #tpu.memory_space<vmem_shared>>
      %dma_start3A_152 = arith.constant 0 : i32
      %dma_start3A_153 = tpu.memref_slice %arg2[%mul3A_15, %dma_start3A_152] : memref<10240x16xf32, #tpu.memory_space<hbm>> -> memref<640x16xf32, #tpu.memory_space<hbm>>
      tpu.enqueue_dma source(%dma_start3A_153 : memref<640x16xf32, #tpu.memory_space<hbm>>) target(%dma_start3A_151 : memref<640x16xf32, #tpu.memory_space<vmem_shared>>) target_semaphore(%run_scoped3A_149 : memref<!tpu.dma_semaphore, #tpu.memory_space<semaphore_mem>>)
      %dma_wait3A = arith.constant 0 : i32
      %dma_wait3A_154 = tpu.memref_slice %arg10[%mul3A_17, %dma_wait3A] : memref<10240x16xf32, #tpu.memory_space<vmem_shared>> -> memref<640x16xf32, #tpu.memory_space<vmem_shared>>
      %dma_wait3A_155 = arith.constant 0 : i32
      %dma_wait3A_156 = tpu.memref_slice %arg2[%mul3A_15, %dma_wait3A_155] : memref<10240x16xf32, #tpu.memory_space<hbm>> -> memref<640x16xf32, #tpu.memory_space<hbm>>
      tpu.wait_dma2 semaphore(%run_scoped3A_149 : memref<!tpu.dma_semaphore, #tpu.memory_space<semaphore_mem>>) src(%dma_wait3A_156 : memref<640x16xf32, #tpu.memory_space<hbm>>) dst(%dma_wait3A_154 : memref<640x16xf32, #tpu.memory_space<vmem_shared>>)
      tpu.yield
    }) : () -> ()
    %run_scoped3A = arith.constant 1 : i32
    "tpu.region"() ({
      %run_scoped3A_149 = tpu.sem_alloc : memref<!tpu.dma_semaphore, #tpu.memory_space<semaphore_mem>>
      %dma_start3A_150 = arith.constant 0 : i32
      %dma_start3A_151 = arith.constant 0 : i32
      %dma_start3A_152 = tpu.memref_slice %arg6[%dma_start3A_150, %dma_start3A_151] : memref<80x128xi32, #tpu.memory_space<vmem>> -> memref<79x128xi32, #tpu.memory_space<vmem>>
      %dma_start3A_153 = arith.constant 0 : i32
      %dma_start3A_154 = tpu.memref_slice %arg3[%run_scoped3A, %add3A_5, %dma_start3A_153] : memref<2x2500x128xi32, #tpu.memory_space<hbm>> -> memref<1x79x128xi32, #tpu.memory_space<hbm>>
      %dma_start3A_155 = tpu.memref_squeeze %dma_start3A_154 : memref<1x79x128xi32, #tpu.memory_space<hbm>> -> memref<79x128xi32, #tpu.memory_space<hbm>>
      %dma_start3A_156 = arith.constant 0 : i32
      %dma_start3A_157 = arith.constant 0 : i32
      %dma_start3A_158 = tpu.memref_slice %arg6[%dma_start3A_156, %dma_start3A_157] : memref<80x128xi32, #tpu.memory_space<vmem>> -> memref<79x128xi32, #tpu.memory_space<vmem>>
      %dma_start3A_159 = arith.constant 0 : i32
      %dma_start3A_160 = tpu.memref_slice %arg3[%run_scoped3A, %add3A_5, %dma_start3A_159] : memref<2x2500x128xi32, #tpu.memory_space<hbm>> -> memref<1x79x128xi32, #tpu.memory_space<hbm>>
      %dma_start3A_161 = tpu.memref_squeeze %dma_start3A_160 : memref<1x79x128xi32, #tpu.memory_space<hbm>> -> memref<79x128xi32, #tpu.memory_space<hbm>>
      tpu.enqueue_dma source(%dma_start3A_161 : memref<79x128xi32, #tpu.memory_space<hbm>>) target(%dma_start3A_158 : memref<79x128xi32, #tpu.memory_space<vmem>>) target_semaphore(%run_scoped3A_149 : memref<!tpu.dma_semaphore, #tpu.memory_space<semaphore_mem>>)
      %dma_wait3A = arith.constant 0 : i32
      %dma_wait3A_162 = arith.constant 0 : i32
      %dma_wait3A_163 = tpu.memref_slice %arg6[%dma_wait3A, %dma_wait3A_162] : memref<80x128xi32, #tpu.memory_space<vmem>> -> memref<79x128xi32, #tpu.memory_space<vmem>>
      %dma_wait3A_164 = arith.constant 0 : i32
      %dma_wait3A_165 = tpu.memref_slice %arg3[%run_scoped3A, %add3A_5, %dma_wait3A_164] : memref<2x2500x128xi32, #tpu.memory_space<hbm>> -> memref<1x79x128xi32, #tpu.memory_space<hbm>>
      %dma_wait3A_166 = tpu.memref_squeeze %dma_wait3A_165 : memref<1x79x128xi32, #tpu.memory_space<hbm>> -> memref<79x128xi32, #tpu.memory_space<hbm>>
      %dma_wait3A_167 = arith.constant 0 : i32
      %dma_wait3A_168 = arith.constant 0 : i32
      %dma_wait3A_169 = tpu.memref_slice %arg6[%dma_wait3A_167, %dma_wait3A_168] : memref<80x128xi32, #tpu.memory_space<vmem>> -> memref<79x128xi32, #tpu.memory_space<vmem>>
      %dma_wait3A_170 = arith.constant 0 : i32
      %dma_wait3A_171 = tpu.memref_slice %arg3[%run_scoped3A, %add3A_5, %dma_wait3A_170] : memref<2x2500x128xi32, #tpu.memory_space<hbm>> -> memref<1x79x128xi32, #tpu.memory_space<hbm>>
      %dma_wait3A_172 = tpu.memref_squeeze %dma_wait3A_171 : memref<1x79x128xi32, #tpu.memory_space<hbm>> -> memref<79x128xi32, #tpu.memory_space<hbm>>
      tpu.wait_dma2 semaphore(%run_scoped3A_149 : memref<!tpu.dma_semaphore, #tpu.memory_space<semaphore_mem>>) src(%dma_wait3A_172 : memref<79x128xi32, #tpu.memory_space<hbm>>) dst(%dma_wait3A_169 : memref<79x128xi32, #tpu.memory_space<vmem>>)
      tpu.yield
    }) : () -> ()
    %le3A = arith.constant 78 : i32
    %le3A_18 = arith.cmpi sle, %add3A_9, %le3A : i32
    %convert_element_type3A = arith.extui %le3A_18 : i1 to i32
    %cond3A = arith.constant 0 : i32
    %cond3A_19 = arith.cmpi ne, %convert_element_type3A, %cond3A : i32
    scf.if %cond3A_19 {
      %broadcast_in_dim3A = arith.constant 10000 : i32
      %broadcast_in_dim3A_149 = vector.broadcast %broadcast_in_dim3A : i32 to vector<16xi32>
      %swap3A = arith.constant 78 : i32
      %swap3A_150 = arith.index_cast %swap3A : i32 to index
      %swap3A_151 = arith.constant 0 : index
      %swap3A_152 = tpu.vector_load %arg6[%swap3A_150, %swap3A_151] {strides = array<i32>} : memref<80x128xi32, #tpu.memory_space<vmem>>, vector<1x16xi32>,
      %swap3A_153 = vector.shape_cast %swap3A_152 : vector<1x16xi32> to vector<16xi32>
      %swap3A_154 = vector.shape_cast %broadcast_in_dim3A_149 : vector<16xi32> to vector<1x16xi32>
      tpu.vector_store %arg6[%swap3A_150, %swap3A_151], %swap3A_154 {strides = array<i32>} : memref<80x128xi32, #tpu.memory_space<vmem>>, vector<1x16xi32>,
      %broadcast_in_dim3A_155 = arith.constant 10000 : i32
      %broadcast_in_dim3A_156 = vector.broadcast %broadcast_in_dim3A_155 : i32 to vector<16xi32>
      %swap3A_157 = arith.constant 78 : i32
      %swap3A_158 = arith.index_cast %swap3A_157 : i32 to index
      %swap3A_159 = arith.constant 16 : index
      %swap3A_160 = tpu.vector_load %arg6[%swap3A_158, %swap3A_159] {strides = array<i32>} : memref<80x128xi32, #tpu.memory_space<vmem>>, vector<1x16xi32>,
      %swap3A_161 = vector.shape_cast %swap3A_160 : vector<1x16xi32> to vector<16xi32>
      %swap3A_162 = vector.shape_cast %broadcast_in_dim3A_156 : vector<16xi32> to vector<1x16xi32>
      tpu.vector_store %arg6[%swap3A_158, %swap3A_159], %swap3A_162 {strides = array<i32>} : memref<80x128xi32, #tpu.memory_space<vmem>>, vector<1x16xi32>,
      %broadcast_in_dim3A_163 = arith.constant 10000 : i32
      %broadcast_in_dim3A_164 = vector.broadcast %broadcast_in_dim3A_163 : i32 to vector<16xi32>
      %swap3A_165 = arith.constant 78 : i32
      %swap3A_166 = arith.index_cast %swap3A_165 : i32 to index
      %swap3A_167 = arith.constant 32 : index
      %swap3A_168 = tpu.vector_load %arg6[%swap3A_166, %swap3A_167] {strides = array<i32>} : memref<80x128xi32, #tpu.memory_space<vmem>>, vector<1x16xi32>,
      %swap3A_169 = vector.shape_cast %swap3A_168 : vector<1x16xi32> to vector<16xi32>
      %swap3A_170 = vector.shape_cast %broadcast_in_dim3A_164 : vector<16xi32> to vector<1x16xi32>
      tpu.vector_store %arg6[%swap3A_166, %swap3A_167], %swap3A_170 {strides = array<i32>} : memref<80x128xi32, #tpu.memory_space<vmem>>, vector<1x16xi32>,
      %broadcast_in_dim3A_171 = arith.constant 10000 : i32
      %broadcast_in_dim3A_172 = vector.broadcast %broadcast_in_dim3A_171 : i32 to vector<16xi32>
      %swap3A_173 = arith.constant 78 : i32
      %swap3A_174 = arith.index_cast %swap3A_173 : i32 to index
      %swap3A_175 = arith.constant 48 : index
      %swap3A_176 = tpu.vector_load %arg6[%swap3A_174, %swap3A_175] {strides = array<i32>} : memref<80x128xi32, #tpu.memory_space<vmem>>, vector<1x16xi32>,
      %swap3A_177 = vector.shape_cast %swap3A_176 : vector<1x16xi32> to vector<16xi32>
      %swap3A_178 = vector.shape_cast %broadcast_in_dim3A_172 : vector<16xi32> to vector<1x16xi32>
      tpu.vector_store %arg6[%swap3A_174, %swap3A_175], %swap3A_178 {strides = array<i32>} : memref<80x128xi32, #tpu.memory_space<vmem>>, vector<1x16xi32>,
      %broadcast_in_dim3A_179 = arith.constant 10000 : i32
      %broadcast_in_dim3A_180 = vector.broadcast %broadcast_in_dim3A_179 : i32 to vector<16xi32>
      %swap3A_181 = arith.constant 78 : i32
      %swap3A_182 = arith.index_cast %swap3A_181 : i32 to index
      %swap3A_183 = arith.constant 64 : index
      %swap3A_184 = tpu.vector_load %arg6[%swap3A_182, %swap3A_183] {strides = array<i32>} : memref<80x128xi32, #tpu.memory_space<vmem>>, vector<1x16xi32>,
      %swap3A_185 = vector.shape_cast %swap3A_184 : vector<1x16xi32> to vector<16xi32>
      %swap3A_186 = vector.shape_cast %broadcast_in_dim3A_180 : vector<16xi32> to vector<1x16xi32>
      tpu.vector_store %arg6[%swap3A_182, %swap3A_183], %swap3A_186 {strides = array<i32>} : memref<80x128xi32, #tpu.memory_space<vmem>>, vector<1x16xi32>,
      %broadcast_in_dim3A_187 = arith.constant 10000 : i32
      %broadcast_in_dim3A_188 = vector.broadcast %broadcast_in_dim3A_187 : i32 to vector<16xi32>
      %swap3A_189 = arith.constant 78 : i32
      %swap3A_190 = arith.index_cast %swap3A_189 : i32 to index
      %swap3A_191 = arith.constant 80 : index
      %swap3A_192 = tpu.vector_load %arg6[%swap3A_190, %swap3A_191] {strides = array<i32>} : memref<80x128xi32, #tpu.memory_space<vmem>>, vector<1x16xi32>,
      %swap3A_193 = vector.shape_cast %swap3A_192 : vector<1x16xi32> to vector<16xi32>
      %swap3A_194 = vector.shape_cast %broadcast_in_dim3A_188 : vector<16xi32> to vector<1x16xi32>
      tpu.vector_store %arg6[%swap3A_190, %swap3A_191], %swap3A_194 {strides = array<i32>} : memref<80x128xi32, #tpu.memory_space<vmem>>, vector<1x16xi32>,
      %broadcast_in_dim3A_195 = arith.constant 10000 : i32
      %broadcast_in_dim3A_196 = vector.broadcast %broadcast_in_dim3A_195 : i32 to vector<16xi32>
      %swap3A_197 = arith.constant 78 : i32
      %swap3A_198 = arith.index_cast %swap3A_197 : i32 to index
      %swap3A_199 = arith.constant 96 : index
      %swap3A_200 = tpu.vector_load %arg6[%swap3A_198, %swap3A_199] {strides = array<i32>} : memref<80x128xi32, #tpu.memory_space<vmem>>, vector<1x16xi32>,
      %swap3A_201 = vector.shape_cast %swap3A_200 : vector<1x16xi32> to vector<16xi32>
      %swap3A_202 = vector.shape_cast %broadcast_in_dim3A_196 : vector<16xi32> to vector<1x16xi32>
      tpu.vector_store %arg6[%swap3A_198, %swap3A_199], %swap3A_202 {strides = array<i32>} : memref<80x128xi32, #tpu.memory_space<vmem>>, vector<1x16xi32>,
      %broadcast_in_dim3A_203 = arith.constant 10000 : i32
      %broadcast_in_dim3A_204 = vector.broadcast %broadcast_in_dim3A_203 : i32 to vector<16xi32>
      %swap3A_205 = arith.constant 78 : i32
      %swap3A_206 = arith.index_cast %swap3A_205 : i32 to index
      %swap3A_207 = arith.constant 112 : index
      %swap3A_208 = tpu.vector_load %arg6[%swap3A_206, %swap3A_207] {strides = array<i32>} : memref<80x128xi32, #tpu.memory_space<vmem>>, vector<1x16xi32>,
      %swap3A_209 = vector.shape_cast %swap3A_208 : vector<1x16xi32> to vector<16xi32>
      %swap3A_210 = vector.shape_cast %broadcast_in_dim3A_204 : vector<16xi32> to vector<1x16xi32>
      tpu.vector_store %arg6[%swap3A_206, %swap3A_207], %swap3A_210 {strides = array<i32>} : memref<80x128xi32, #tpu.memory_space<vmem>>, vector<1x16xi32>,
    } else {
    }
    %le3A_20 = arith.constant 79 : i32
    %le3A_21 = arith.cmpi sle, %add3A_9, %le3A_20 : i32
    %convert_element_type3A_22 = arith.extui %le3A_21 : i1 to i32
    %cond3A_23 = arith.constant 0 : i32
    %cond3A_24 = arith.cmpi ne, %convert_element_type3A_22, %cond3A_23 : i32
    scf.if %cond3A_24 {
      %broadcast_in_dim3A = arith.constant 10000 : i32
      %broadcast_in_dim3A_149 = vector.broadcast %broadcast_in_dim3A : i32 to vector<16xi32>
      %swap3A = arith.constant 79 : i32
      %swap3A_150 = arith.index_cast %swap3A : i32 to index
      %swap3A_151 = arith.constant 0 : index
      %swap3A_152 = tpu.vector_load %arg6[%swap3A_150, %swap3A_151] {strides = array<i32>} : memref<80x128xi32, #tpu.memory_space<vmem>>, vector<1x16xi32>,
      %swap3A_153 = vector.shape_cast %swap3A_152 : vector<1x16xi32> to vector<16xi32>
      %swap3A_154 = vector.shape_cast %broadcast_in_dim3A_149 : vector<16xi32> to vector<1x16xi32>
      tpu.vector_store %arg6[%swap3A_150, %swap3A_151], %swap3A_154 {strides = array<i32>} : memref<80x128xi32, #tpu.memory_space<vmem>>, vector<1x16xi32>,
      %broadcast_in_dim3A_155 = arith.constant 10000 : i32
      %broadcast_in_dim3A_156 = vector.broadcast %broadcast_in_dim3A_155 : i32 to vector<16xi32>
      %swap3A_157 = arith.constant 79 : i32
      %swap3A_158 = arith.index_cast %swap3A_157 : i32 to index
      %swap3A_159 = arith.constant 16 : index
      %swap3A_160 = tpu.vector_load %arg6[%swap3A_158, %swap3A_159] {strides = array<i32>} : memref<80x128xi32, #tpu.memory_space<vmem>>, vector<1x16xi32>,
      %swap3A_161 = vector.shape_cast %swap3A_160 : vector<1x16xi32> to vector<16xi32>
      %swap3A_162 = vector.shape_cast %broadcast_in_dim3A_156 : vector<16xi32> to vector<1x16xi32>
      tpu.vector_store %arg6[%swap3A_158, %swap3A_159], %swap3A_162 {strides = array<i32>} : memref<80x128xi32, #tpu.memory_space<vmem>>, vector<1x16xi32>,
      %broadcast_in_dim3A_163 = arith.constant 10000 : i32
      %broadcast_in_dim3A_164 = vector.broadcast %broadcast_in_dim3A_163 : i32 to vector<16xi32>
      %swap3A_165 = arith.constant 79 : i32
      %swap3A_166 = arith.index_cast %swap3A_165 : i32 to index
      %swap3A_167 = arith.constant 32 : index
      %swap3A_168 = tpu.vector_load %arg6[%swap3A_166, %swap3A_167] {strides = array<i32>} : memref<80x128xi32, #tpu.memory_space<vmem>>, vector<1x16xi32>,
      %swap3A_169 = vector.shape_cast %swap3A_168 : vector<1x16xi32> to vector<16xi32>
      %swap3A_170 = vector.shape_cast %broadcast_in_dim3A_164 : vector<16xi32> to vector<1x16xi32>
      tpu.vector_store %arg6[%swap3A_166, %swap3A_167], %swap3A_170 {strides = array<i32>} : memref<80x128xi32, #tpu.memory_space<vmem>>, vector<1x16xi32>,
      %broadcast_in_dim3A_171 = arith.constant 10000 : i32
      %broadcast_in_dim3A_172 = vector.broadcast %broadcast_in_dim3A_171 : i32 to vector<16xi32>
      %swap3A_173 = arith.constant 79 : i32
      %swap3A_174 = arith.index_cast %swap3A_173 : i32 to index
      %swap3A_175 = arith.constant 48 : index
      %swap3A_176 = tpu.vector_load %arg6[%swap3A_174, %swap3A_175] {strides = array<i32>} : memref<80x128xi32, #tpu.memory_space<vmem>>, vector<1x16xi32>,
      %swap3A_177 = vector.shape_cast %swap3A_176 : vector<1x16xi32> to vector<16xi32>
      %swap3A_178 = vector.shape_cast %broadcast_in_dim3A_172 : vector<16xi32> to vector<1x16xi32>
      tpu.vector_store %arg6[%swap3A_174, %swap3A_175], %swap3A_178 {strides = array<i32>} : memref<80x128xi32, #tpu.memory_space<vmem>>, vector<1x16xi32>,
      %broadcast_in_dim3A_179 = arith.constant 10000 : i32
      %broadcast_in_dim3A_180 = vector.broadcast %broadcast_in_dim3A_179 : i32 to vector<16xi32>
      %swap3A_181 = arith.constant 79 : i32
      %swap3A_182 = arith.index_cast %swap3A_181 : i32 to index
      %swap3A_183 = arith.constant 64 : index
      %swap3A_184 = tpu.vector_load %arg6[%swap3A_182, %swap3A_183] {strides = array<i32>} : memref<80x128xi32, #tpu.memory_space<vmem>>, vector<1x16xi32>,
      %swap3A_185 = vector.shape_cast %swap3A_184 : vector<1x16xi32> to vector<16xi32>
      %swap3A_186 = vector.shape_cast %broadcast_in_dim3A_180 : vector<16xi32> to vector<1x16xi32>
      tpu.vector_store %arg6[%swap3A_182, %swap3A_183], %swap3A_186 {strides = array<i32>} : memref<80x128xi32, #tpu.memory_space<vmem>>, vector<1x16xi32>,
      %broadcast_in_dim3A_187 = arith.constant 10000 : i32
      %broadcast_in_dim3A_188 = vector.broadcast %broadcast_in_dim3A_187 : i32 to vector<16xi32>
      %swap3A_189 = arith.constant 79 : i32
      %swap3A_190 = arith.index_cast %swap3A_189 : i32 to index
      %swap3A_191 = arith.constant 80 : index
      %swap3A_192 = tpu.vector_load %arg6[%swap3A_190, %swap3A_191] {strides = array<i32>} : memref<80x128xi32, #tpu.memory_space<vmem>>, vector<1x16xi32>,
      %swap3A_193 = vector.shape_cast %swap3A_192 : vector<1x16xi32> to vector<16xi32>
      %swap3A_194 = vector.shape_cast %broadcast_in_dim3A_188 : vector<16xi32> to vector<1x16xi32>
      tpu.vector_store %arg6[%swap3A_190, %swap3A_191], %swap3A_194 {strides = array<i32>} : memref<80x128xi32, #tpu.memory_space<vmem>>, vector<1x16xi32>,
      %broadcast_in_dim3A_195 = arith.constant 10000 : i32
      %broadcast_in_dim3A_196 = vector.broadcast %broadcast_in_dim3A_195 : i32 to vector<16xi32>
      %swap3A_197 = arith.constant 79 : i32
      %swap3A_198 = arith.index_cast %swap3A_197 : i32 to index
      %swap3A_199 = arith.constant 96 : index
      %swap3A_200 = tpu.vector_load %arg6[%swap3A_198, %swap3A_199] {strides = array<i32>} : memref<80x128xi32, #tpu.memory_space<vmem>>, vector<1x16xi32>,
      %swap3A_201 = vector.shape_cast %swap3A_200 : vector<1x16xi32> to vector<16xi32>
      %swap3A_202 = vector.shape_cast %broadcast_in_dim3A_196 : vector<16xi32> to vector<1x16xi32>
      tpu.vector_store %arg6[%swap3A_198, %swap3A_199], %swap3A_202 {strides = array<i32>} : memref<80x128xi32, #tpu.memory_space<vmem>>, vector<1x16xi32>,
      %broadcast_in_dim3A_203 = arith.constant 10000 : i32
      %broadcast_in_dim3A_204 = vector.broadcast %broadcast_in_dim3A_203 : i32 to vector<16xi32>
      %swap3A_205 = arith.constant 79 : i32
      %swap3A_206 = arith.index_cast %swap3A_205 : i32 to index
      %swap3A_207 = arith.constant 112 : index
      %swap3A_208 = tpu.vector_load %arg6[%swap3A_206, %swap3A_207] {strides = array<i32>} : memref<80x128xi32, #tpu.memory_space<vmem>>, vector<1x16xi32>,
      %swap3A_209 = vector.shape_cast %swap3A_208 : vector<1x16xi32> to vector<16xi32>
      %swap3A_210 = vector.shape_cast %broadcast_in_dim3A_204 : vector<16xi32> to vector<1x16xi32>
      tpu.vector_store %arg6[%swap3A_206, %swap3A_207], %swap3A_210 {strides = array<i32>} : memref<80x128xi32, #tpu.memory_space<vmem>>, vector<1x16xi32>,
    } else {
    }
    %run_scoped3A_25 = arith.constant 0 : i32
    "tpu.region"() ({
      %run_scoped3A_149 = tpu.sem_alloc : memref<!tpu.dma_semaphore, #tpu.memory_space<semaphore_mem>>
      %dma_start3A_150 = arith.constant 0 : i32
      %dma_start3A_151 = arith.constant 0 : i32
      %dma_start3A_152 = tpu.memref_slice %arg7[%dma_start3A_150, %dma_start3A_151] : memref<80x128xi32, #tpu.memory_space<vmem>> -> memref<79x128xi32, #tpu.memory_space<vmem>>
      %dma_start3A_153 = arith.constant 0 : i32
      %dma_start3A_154 = tpu.memref_slice %arg3[%run_scoped3A_25, %add3A_5, %dma_start3A_153] : memref<2x2500x128xi32, #tpu.memory_space<hbm>> -> memref<1x79x128xi32, #tpu.memory_space<hbm>>
      %dma_start3A_155 = tpu.memref_squeeze %dma_start3A_154 : memref<1x79x128xi32, #tpu.memory_space<hbm>> -> memref<79x128xi32, #tpu.memory_space<hbm>>
      %dma_start3A_156 = arith.constant 0 : i32
      %dma_start3A_157 = arith.constant 0 : i32
      %dma_start3A_158 = tpu.memref_slice %arg7[%dma_start3A_156, %dma_start3A_157] : memref<80x128xi32, #tpu.memory_space<vmem>> -> memref<79x128xi32, #tpu.memory_space<vmem>>
      %dma_start3A_159 = arith.constant 0 : i32
      %dma_start3A_160 = tpu.memref_slice %arg3[%run_scoped3A_25, %add3A_5, %dma_start3A_159] : memref<2x2500x128xi32, #tpu.memory_space<hbm>> -> memref<1x79x128xi32, #tpu.memory_space<hbm>>
      %dma_start3A_161 = tpu.memref_squeeze %dma_start3A_160 : memref<1x79x128xi32, #tpu.memory_space<hbm>> -> memref<79x128xi32, #tpu.memory_space<hbm>>
      tpu.enqueue_dma source(%dma_start3A_161 : memref<79x128xi32, #tpu.memory_space<hbm>>) target(%dma_start3A_158 : memref<79x128xi32, #tpu.memory_space<vmem>>) target_semaphore(%run_scoped3A_149 : memref<!tpu.dma_semaphore, #tpu.memory_space<semaphore_mem>>)
      %dma_wait3A = arith.constant 0 : i32
      %dma_wait3A_162 = arith.constant 0 : i32
      %dma_wait3A_163 = tpu.memref_slice %arg7[%dma_wait3A, %dma_wait3A_162] : memref<80x128xi32, #tpu.memory_space<vmem>> -> memref<79x128xi32, #tpu.memory_space<vmem>>
      %dma_wait3A_164 = arith.constant 0 : i32
      %dma_wait3A_165 = tpu.memref_slice %arg3[%run_scoped3A_25, %add3A_5, %dma_wait3A_164] : memref<2x2500x128xi32, #tpu.memory_space<hbm>> -> memref<1x79x128xi32, #tpu.memory_space<hbm>>
      %dma_wait3A_166 = tpu.memref_squeeze %dma_wait3A_165 : memref<1x79x128xi32, #tpu.memory_space<hbm>> -> memref<79x128xi32, #tpu.memory_space<hbm>>
      %dma_wait3A_167 = arith.constant 0 : i32
      %dma_wait3A_168 = arith.constant 0 : i32
      %dma_wait3A_169 = tpu.memref_slice %arg7[%dma_wait3A_167, %dma_wait3A_168] : memref<80x128xi32, #tpu.memory_space<vmem>> -> memref<79x128xi32, #tpu.memory_space<vmem>>
      %dma_wait3A_170 = arith.constant 0 : i32
      %dma_wait3A_171 = tpu.memref_slice %arg3[%run_scoped3A_25, %add3A_5, %dma_wait3A_170] : memref<2x2500x128xi32, #tpu.memory_space<hbm>> -> memref<1x79x128xi32, #tpu.memory_space<hbm>>
      %dma_wait3A_172 = tpu.memref_squeeze %dma_wait3A_171 : memref<1x79x128xi32, #tpu.memory_space<hbm>> -> memref<79x128xi32, #tpu.memory_space<hbm>>
      tpu.wait_dma2 semaphore(%run_scoped3A_149 : memref<!tpu.dma_semaphore, #tpu.memory_space<semaphore_mem>>) src(%dma_wait3A_172 : memref<79x128xi32, #tpu.memory_space<hbm>>) dst(%dma_wait3A_169 : memref<79x128xi32, #tpu.memory_space<vmem>>)
      tpu.yield
    }) : () -> ()
    %le3A_26 = arith.constant 78 : i32
    %le3A_27 = arith.cmpi sle, %add3A_9, %le3A_26 : i32
    %convert_element_type3A_28 = arith.extui %le3A_27 : i1 to i32
    %cond3A_29 = arith.constant 0 : i32
    %cond3A_30 = arith.cmpi ne, %convert_element_type3A_28, %cond3A_29 : i32
    scf.if %cond3A_30 {
      %broadcast_in_dim3A = arith.constant 10000 : i32
      %broadcast_in_dim3A_149 = vector.broadcast %broadcast_in_dim3A : i32 to vector<16xi32>
      %swap3A = arith.constant 78 : i32
      %swap3A_150 = arith.index_cast %swap3A : i32 to index
      %swap3A_151 = arith.constant 0 : index
      %swap3A_152 = tpu.vector_load %arg7[%swap3A_150, %swap3A_151] {strides = array<i32>} : memref<80x128xi32, #tpu.memory_space<vmem>>, vector<1x16xi32>,
      %swap3A_153 = vector.shape_cast %swap3A_152 : vector<1x16xi32> to vector<16xi32>
      %swap3A_154 = vector.shape_cast %broadcast_in_dim3A_149 : vector<16xi32> to vector<1x16xi32>
      tpu.vector_store %arg7[%swap3A_150, %swap3A_151], %swap3A_154 {strides = array<i32>} : memref<80x128xi32, #tpu.memory_space<vmem>>, vector<1x16xi32>,
      %broadcast_in_dim3A_155 = arith.constant 10000 : i32
      %broadcast_in_dim3A_156 = vector.broadcast %broadcast_in_dim3A_155 : i32 to vector<16xi32>
      %swap3A_157 = arith.constant 78 : i32
      %swap3A_158 = arith.index_cast %swap3A_157 : i32 to index
      %swap3A_159 = arith.constant 16 : index
      %swap3A_160 = tpu.vector_load %arg7[%swap3A_158, %swap3A_159] {strides = array<i32>} : memref<80x128xi32, #tpu.memory_space<vmem>>, vector<1x16xi32>,
      %swap3A_161 = vector.shape_cast %swap3A_160 : vector<1x16xi32> to vector<16xi32>
      %swap3A_162 = vector.shape_cast %broadcast_in_dim3A_156 : vector<16xi32> to vector<1x16xi32>
      tpu.vector_store %arg7[%swap3A_158, %swap3A_159], %swap3A_162 {strides = array<i32>} : memref<80x128xi32, #tpu.memory_space<vmem>>, vector<1x16xi32>,
      %broadcast_in_dim3A_163 = arith.constant 10000 : i32
      %broadcast_in_dim3A_164 = vector.broadcast %broadcast_in_dim3A_163 : i32 to vector<16xi32>
      %swap3A_165 = arith.constant 78 : i32
      %swap3A_166 = arith.index_cast %swap3A_165 : i32 to index
      %swap3A_167 = arith.constant 32 : index
      %swap3A_168 = tpu.vector_load %arg7[%swap3A_166, %swap3A_167] {strides = array<i32>} : memref<80x128xi32, #tpu.memory_space<vmem>>, vector<1x16xi32>,
      %swap3A_169 = vector.shape_cast %swap3A_168 : vector<1x16xi32> to vector<16xi32>
      %swap3A_170 = vector.shape_cast %broadcast_in_dim3A_164 : vector<16xi32> to vector<1x16xi32>
      tpu.vector_store %arg7[%swap3A_166, %swap3A_167], %swap3A_170 {strides = array<i32>} : memref<80x128xi32, #tpu.memory_space<vmem>>, vector<1x16xi32>,
      %broadcast_in_dim3A_171 = arith.constant 10000 : i32
      %broadcast_in_dim3A_172 = vector.broadcast %broadcast_in_dim3A_171 : i32 to vector<16xi32>
      %swap3A_173 = arith.constant 78 : i32
      %swap3A_174 = arith.index_cast %swap3A_173 : i32 to index
      %swap3A_175 = arith.constant 48 : index
      %swap3A_176 = tpu.vector_load %arg7[%swap3A_174, %swap3A_175] {strides = array<i32>} : memref<80x128xi32, #tpu.memory_space<vmem>>, vector<1x16xi32>,
      %swap3A_177 = vector.shape_cast %swap3A_176 : vector<1x16xi32> to vector<16xi32>
      %swap3A_178 = vector.shape_cast %broadcast_in_dim3A_172 : vector<16xi32> to vector<1x16xi32>
      tpu.vector_store %arg7[%swap3A_174, %swap3A_175], %swap3A_178 {strides = array<i32>} : memref<80x128xi32, #tpu.memory_space<vmem>>, vector<1x16xi32>,
      %broadcast_in_dim3A_179 = arith.constant 10000 : i32
      %broadcast_in_dim3A_180 = vector.broadcast %broadcast_in_dim3A_179 : i32 to vector<16xi32>
      %swap3A_181 = arith.constant 78 : i32
      %swap3A_182 = arith.index_cast %swap3A_181 : i32 to index
      %swap3A_183 = arith.constant 64 : index
      %swap3A_184 = tpu.vector_load %arg7[%swap3A_182, %swap3A_183] {strides = array<i32>} : memref<80x128xi32, #tpu.memory_space<vmem>>, vector<1x16xi32>,
      %swap3A_185 = vector.shape_cast %swap3A_184 : vector<1x16xi32> to vector<16xi32>
      %swap3A_186 = vector.shape_cast %broadcast_in_dim3A_180 : vector<16xi32> to vector<1x16xi32>
      tpu.vector_store %arg7[%swap3A_182, %swap3A_183], %swap3A_186 {strides = array<i32>} : memref<80x128xi32, #tpu.memory_space<vmem>>, vector<1x16xi32>,
      %broadcast_in_dim3A_187 = arith.constant 10000 : i32
      %broadcast_in_dim3A_188 = vector.broadcast %broadcast_in_dim3A_187 : i32 to vector<16xi32>
      %swap3A_189 = arith.constant 78 : i32
      %swap3A_190 = arith.index_cast %swap3A_189 : i32 to index
      %swap3A_191 = arith.constant 80 : index
      %swap3A_192 = tpu.vector_load %arg7[%swap3A_190, %swap3A_191] {strides = array<i32>} : memref<80x128xi32, #tpu.memory_space<vmem>>, vector<1x16xi32>,
      %swap3A_193 = vector.shape_cast %swap3A_192 : vector<1x16xi32> to vector<16xi32>
      %swap3A_194 = vector.shape_cast %broadcast_in_dim3A_188 : vector<16xi32> to vector<1x16xi32>
      tpu.vector_store %arg7[%swap3A_190, %swap3A_191], %swap3A_194 {strides = array<i32>} : memref<80x128xi32, #tpu.memory_space<vmem>>, vector<1x16xi32>,
      %broadcast_in_dim3A_195 = arith.constant 10000 : i32
      %broadcast_in_dim3A_196 = vector.broadcast %broadcast_in_dim3A_195 : i32 to vector<16xi32>
      %swap3A_197 = arith.constant 78 : i32
      %swap3A_198 = arith.index_cast %swap3A_197 : i32 to index
      %swap3A_199 = arith.constant 96 : index
      %swap3A_200 = tpu.vector_load %arg7[%swap3A_198, %swap3A_199] {strides = array<i32>} : memref<80x128xi32, #tpu.memory_space<vmem>>, vector<1x16xi32>,
      %swap3A_201 = vector.shape_cast %swap3A_200 : vector<1x16xi32> to vector<16xi32>
      %swap3A_202 = vector.shape_cast %broadcast_in_dim3A_196 : vector<16xi32> to vector<1x16xi32>
      tpu.vector_store %arg7[%swap3A_198, %swap3A_199], %swap3A_202 {strides = array<i32>} : memref<80x128xi32, #tpu.memory_space<vmem>>, vector<1x16xi32>,
      %broadcast_in_dim3A_203 = arith.constant 10000 : i32
      %broadcast_in_dim3A_204 = vector.broadcast %broadcast_in_dim3A_203 : i32 to vector<16xi32>
      %swap3A_205 = arith.constant 78 : i32
      %swap3A_206 = arith.index_cast %swap3A_205 : i32 to index
      %swap3A_207 = arith.constant 112 : index
      %swap3A_208 = tpu.vector_load %arg7[%swap3A_206, %swap3A_207] {strides = array<i32>} : memref<80x128xi32, #tpu.memory_space<vmem>>, vector<1x16xi32>,
      %swap3A_209 = vector.shape_cast %swap3A_208 : vector<1x16xi32> to vector<16xi32>
      %swap3A_210 = vector.shape_cast %broadcast_in_dim3A_204 : vector<16xi32> to vector<1x16xi32>
      tpu.vector_store %arg7[%swap3A_206, %swap3A_207], %swap3A_210 {strides = array<i32>} : memref<80x128xi32, #tpu.memory_space<vmem>>, vector<1x16xi32>,
    } else {
    }
    %le3A_31 = arith.constant 79 : i32
    %le3A_32 = arith.cmpi sle, %add3A_9, %le3A_31 : i32
    %convert_element_type3A_33 = arith.extui %le3A_32 : i1 to i32
    %cond3A_34 = arith.constant 0 : i32
    %cond3A_35 = arith.cmpi ne, %convert_element_type3A_33, %cond3A_34 : i32
    scf.if %cond3A_35 {
      %broadcast_in_dim3A = arith.constant 10000 : i32
      %broadcast_in_dim3A_149 = vector.broadcast %broadcast_in_dim3A : i32 to vector<16xi32>
      %swap3A = arith.constant 79 : i32
      %swap3A_150 = arith.index_cast %swap3A : i32 to index
      %swap3A_151 = arith.constant 0 : index
      %swap3A_152 = tpu.vector_load %arg7[%swap3A_150, %swap3A_151] {strides = array<i32>} : memref<80x128xi32, #tpu.memory_space<vmem>>, vector<1x16xi32>,
      %swap3A_153 = vector.shape_cast %swap3A_152 : vector<1x16xi32> to vector<16xi32>
      %swap3A_154 = vector.shape_cast %broadcast_in_dim3A_149 : vector<16xi32> to vector<1x16xi32>
      tpu.vector_store %arg7[%swap3A_150, %swap3A_151], %swap3A_154 {strides = array<i32>} : memref<80x128xi32, #tpu.memory_space<vmem>>, vector<1x16xi32>,
      %broadcast_in_dim3A_155 = arith.constant 10000 : i32
      %broadcast_in_dim3A_156 = vector.broadcast %broadcast_in_dim3A_155 : i32 to vector<16xi32>
      %swap3A_157 = arith.constant 79 : i32
      %swap3A_158 = arith.index_cast %swap3A_157 : i32 to index
      %swap3A_159 = arith.constant 16 : index
      %swap3A_160 = tpu.vector_load %arg7[%swap3A_158, %swap3A_159] {strides = array<i32>} : memref<80x128xi32, #tpu.memory_space<vmem>>, vector<1x16xi32>,
      %swap3A_161 = vector.shape_cast %swap3A_160 : vector<1x16xi32> to vector<16xi32>
      %swap3A_162 = vector.shape_cast %broadcast_in_dim3A_156 : vector<16xi32> to vector<1x16xi32>
      tpu.vector_store %arg7[%swap3A_158, %swap3A_159], %swap3A_162 {strides = array<i32>} : memref<80x128xi32, #tpu.memory_space<vmem>>, vector<1x16xi32>,
      %broadcast_in_dim3A_163 = arith.constant 10000 : i32
      %broadcast_in_dim3A_164 = vector.broadcast %broadcast_in_dim3A_163 : i32 to vector<16xi32>
      %swap3A_165 = arith.constant 79 : i32
      %swap3A_166 = arith.index_cast %swap3A_165 : i32 to index
      %swap3A_167 = arith.constant 32 : index
      %swap3A_168 = tpu.vector_load %arg7[%swap3A_166, %swap3A_167] {strides = array<i32>} : memref<80x128xi32, #tpu.memory_space<vmem>>, vector<1x16xi32>,
      %swap3A_169 = vector.shape_cast %swap3A_168 : vector<1x16xi32> to vector<16xi32>
      %swap3A_170 = vector.shape_cast %broadcast_in_dim3A_164 : vector<16xi32> to vector<1x16xi32>
      tpu.vector_store %arg7[%swap3A_166, %swap3A_167], %swap3A_170 {strides = array<i32>} : memref<80x128xi32, #tpu.memory_space<vmem>>, vector<1x16xi32>,
      %broadcast_in_dim3A_171 = arith.constant 10000 : i32
      %broadcast_in_dim3A_172 = vector.broadcast %broadcast_in_dim3A_171 : i32 to vector<16xi32>
      %swap3A_173 = arith.constant 79 : i32
      %swap3A_174 = arith.index_cast %swap3A_173 : i32 to index
      %swap3A_175 = arith.constant 48 : index
      %swap3A_176 = tpu.vector_load %arg7[%swap3A_174, %swap3A_175] {strides = array<i32>} : memref<80x128xi32, #tpu.memory_space<vmem>>, vector<1x16xi32>,
      %swap3A_177 = vector.shape_cast %swap3A_176 : vector<1x16xi32> to vector<16xi32>
      %swap3A_178 = vector.shape_cast %broadcast_in_dim3A_172 : vector<16xi32> to vector<1x16xi32>
      tpu.vector_store %arg7[%swap3A_174, %swap3A_175], %swap3A_178 {strides = array<i32>} : memref<80x128xi32, #tpu.memory_space<vmem>>, vector<1x16xi32>,
      %broadcast_in_dim3A_179 = arith.constant 10000 : i32
      %broadcast_in_dim3A_180 = vector.broadcast %broadcast_in_dim3A_179 : i32 to vector<16xi32>
      %swap3A_181 = arith.constant 79 : i32
      %swap3A_182 = arith.index_cast %swap3A_181 : i32 to index
      %swap3A_183 = arith.constant 64 : index
      %swap3A_184 = tpu.vector_load %arg7[%swap3A_182, %swap3A_183] {strides = array<i32>} : memref<80x128xi32, #tpu.memory_space<vmem>>, vector<1x16xi32>,
      %swap3A_185 = vector.shape_cast %swap3A_184 : vector<1x16xi32> to vector<16xi32>
      %swap3A_186 = vector.shape_cast %broadcast_in_dim3A_180 : vector<16xi32> to vector<1x16xi32>
      tpu.vector_store %arg7[%swap3A_182, %swap3A_183], %swap3A_186 {strides = array<i32>} : memref<80x128xi32, #tpu.memory_space<vmem>>, vector<1x16xi32>,
      %broadcast_in_dim3A_187 = arith.constant 10000 : i32
      %broadcast_in_dim3A_188 = vector.broadcast %broadcast_in_dim3A_187 : i32 to vector<16xi32>
      %swap3A_189 = arith.constant 79 : i32
      %swap3A_190 = arith.index_cast %swap3A_189 : i32 to index
      %swap3A_191 = arith.constant 80 : index
      %swap3A_192 = tpu.vector_load %arg7[%swap3A_190, %swap3A_191] {strides = array<i32>} : memref<80x128xi32, #tpu.memory_space<vmem>>, vector<1x16xi32>,
      %swap3A_193 = vector.shape_cast %swap3A_192 : vector<1x16xi32> to vector<16xi32>
      %swap3A_194 = vector.shape_cast %broadcast_in_dim3A_188 : vector<16xi32> to vector<1x16xi32>
      tpu.vector_store %arg7[%swap3A_190, %swap3A_191], %swap3A_194 {strides = array<i32>} : memref<80x128xi32, #tpu.memory_space<vmem>>, vector<1x16xi32>,
      %broadcast_in_dim3A_195 = arith.constant 10000 : i32
      %broadcast_in_dim3A_196 = vector.broadcast %broadcast_in_dim3A_195 : i32 to vector<16xi32>
      %swap3A_197 = arith.constant 79 : i32
      %swap3A_198 = arith.index_cast %swap3A_197 : i32 to index
      %swap3A_199 = arith.constant 96 : index
      %swap3A_200 = tpu.vector_load %arg7[%swap3A_198, %swap3A_199] {strides = array<i32>} : memref<80x128xi32, #tpu.memory_space<vmem>>, vector<1x16xi32>,
      %swap3A_201 = vector.shape_cast %swap3A_200 : vector<1x16xi32> to vector<16xi32>
      %swap3A_202 = vector.shape_cast %broadcast_in_dim3A_196 : vector<16xi32> to vector<1x16xi32>
      tpu.vector_store %arg7[%swap3A_198, %swap3A_199], %swap3A_202 {strides = array<i32>} : memref<80x128xi32, #tpu.memory_space<vmem>>, vector<1x16xi32>,
      %broadcast_in_dim3A_203 = arith.constant 10000 : i32
      %broadcast_in_dim3A_204 = vector.broadcast %broadcast_in_dim3A_203 : i32 to vector<16xi32>
      %swap3A_205 = arith.constant 79 : i32
      %swap3A_206 = arith.index_cast %swap3A_205 : i32 to index
      %swap3A_207 = arith.constant 112 : index
      %swap3A_208 = tpu.vector_load %arg7[%swap3A_206, %swap3A_207] {strides = array<i32>} : memref<80x128xi32, #tpu.memory_space<vmem>>, vector<1x16xi32>,
      %swap3A_209 = vector.shape_cast %swap3A_208 : vector<1x16xi32> to vector<16xi32>
      %swap3A_210 = vector.shape_cast %broadcast_in_dim3A_204 : vector<16xi32> to vector<1x16xi32>
      tpu.vector_store %arg7[%swap3A_206, %swap3A_207], %swap3A_210 {strides = array<i32>} : memref<80x128xi32, #tpu.memory_space<vmem>>, vector<1x16xi32>,
    } else {
    }
    %barrier3A = arith.constant 0 : index
    tpu.barrier barrier_id(%barrier3A)
    %dma_start3A = arith.constant 0 : i32
    %dma_start3A_36 = arith.constant 0 : i32
    %dma_start3A_37 = arith.constant 0 : i32
    %dma_start3A_38 = arith.constant 0 : i32
    %dma_start3A_39 = arith.constant 0 : i32
    %dma_start3A_40 = tpu.memref_slice %arg8[%dma_start3A_36, %dma_start3A_37, %dma_start3A_38, %dma_start3A_39] : memref<2x8x128x16xf32, #tpu.memory_space<vmem>> -> memref<1x1x128x16xf32, #tpu.memory_space<vmem>>
    %dma_start3A_41 = tpu.memref_squeeze %dma_start3A_40 : memref<1x1x128x16xf32, #tpu.memory_space<vmem>> -> memref<128x16xf32, #tpu.memory_space<vmem>>
    %dma_start3A_42 = arith.constant 0 : i32
    %dma_start3A_43 = tpu.memref_slice %arg6[%dma_start3A, %dma_start3A_42] : memref<80x128xi32, #tpu.memory_space<vmem>> -> memref<1x128xi32, #tpu.memory_space<vmem>>
    %dma_start3A_44 = tpu.memref_squeeze %dma_start3A_43 : memref<1x128xi32, #tpu.memory_space<vmem>> -> memref<128xi32, #tpu.memory_space<vmem>>
    %dma_start3A_45 = arith.constant 0 : i32
    %dma_start3A_46 = arith.constant 0 : i32
    %dma_start3A_47 = tpu.memref_slice %arg10[%dma_start3A_45, %dma_start3A_46] : memref<10240x16xf32, #tpu.memory_space<vmem_shared>> -> memref<10240x16xf32, #tpu.memory_space<vmem_shared>>
    tpu.enqueue_indirect_dma source(%dma_start3A_47 : memref<10240x16xf32, #tpu.memory_space<vmem_shared>>) target(%dma_start3A_41 : memref<128x16xf32, #tpu.memory_space<vmem>>) offsets(%dma_start3A_44 : memref<128xi32, #tpu.memory_space<vmem>>) semaphore(%arg11 : memref<!tpu.dma_semaphore, #tpu.memory_space<semaphore_mem>>)
    %dma_start3A_48 = arith.constant 1 : i32
    %dma_start3A_49 = arith.constant 0 : i32
    %dma_start3A_50 = arith.constant 1 : i32
    %dma_start3A_51 = arith.constant 0 : i32
    %dma_start3A_52 = arith.constant 0 : i32
    %dma_start3A_53 = tpu.memref_slice %arg8[%dma_start3A_49, %dma_start3A_50, %dma_start3A_51, %dma_start3A_52] : memref<2x8x128x16xf32, #tpu.memory_space<vmem>> -> memref<1x1x128x16xf32, #tpu.memory_space<vmem>>
    %dma_start3A_54 = tpu.memref_squeeze %dma_start3A_53 : memref<1x1x128x16xf32, #tpu.memory_space<vmem>> -> memref<128x16xf32, #tpu.memory_space<vmem>>
    %dma_start3A_55 = arith.constant 0 : i32
    %dma_start3A_56 = tpu.memref_slice %arg6[%dma_start3A_48, %dma_start3A_55] : memref<80x128xi32, #tpu.memory_space<vmem>> -> memref<1x128xi32, #tpu.memory_space<vmem>>
    %dma_start3A_57 = tpu.memref_squeeze %dma_start3A_56 : memref<1x128xi32, #tpu.memory_space<vmem>> -> memref<128xi32, #tpu.memory_space<vmem>>
    %dma_start3A_58 = arith.constant 0 : i32
    %dma_start3A_59 = arith.constant 0 : i32
    %dma_start3A_60 = tpu.memref_slice %arg10[%dma_start3A_58, %dma_start3A_59] : memref<10240x16xf32, #tpu.memory_space<vmem_shared>> -> memref<10240x16xf32, #tpu.memory_space<vmem_shared>>
    tpu.enqueue_indirect_dma source(%dma_start3A_60 : memref<10240x16xf32, #tpu.memory_space<vmem_shared>>) target(%dma_start3A_54 : memref<128x16xf32, #tpu.memory_space<vmem>>) offsets(%dma_start3A_57 : memref<128xi32, #tpu.memory_space<vmem>>) semaphore(%arg11 : memref<!tpu.dma_semaphore, #tpu.memory_space<semaphore_mem>>)
    %dma_start3A_61 = arith.constant 2 : i32
    %dma_start3A_62 = arith.constant 0 : i32
    %dma_start3A_63 = arith.constant 2 : i32
    %dma_start3A_64 = arith.constant 0 : i32
    %dma_start3A_65 = arith.constant 0 : i32
    %dma_start3A_66 = tpu.memref_slice %arg8[%dma_start3A_62, %dma_start3A_63, %dma_start3A_64, %dma_start3A_65] : memref<2x8x128x16xf32, #tpu.memory_space<vmem>> -> memref<1x1x128x16xf32, #tpu.memory_space<vmem>>
    %dma_start3A_67 = tpu.memref_squeeze %dma_start3A_66 : memref<1x1x128x16xf32, #tpu.memory_space<vmem>> -> memref<128x16xf32, #tpu.memory_space<vmem>>
    %dma_start3A_68 = arith.constant 0 : i32
    %dma_start3A_69 = tpu.memref_slice %arg6[%dma_start3A_61, %dma_start3A_68] : memref<80x128xi32, #tpu.memory_space<vmem>> -> memref<1x128xi32, #tpu.memory_space<vmem>>
    %dma_start3A_70 = tpu.memref_squeeze %dma_start3A_69 : memref<1x128xi32, #tpu.memory_space<vmem>> -> memref<128xi32, #tpu.memory_space<vmem>>
    %dma_start3A_71 = arith.constant 0 : i32
    %dma_start3A_72 = arith.constant 0 : i32
    %dma_start3A_73 = tpu.memref_slice %arg10[%dma_start3A_71, %dma_start3A_72] : memref<10240x16xf32, #tpu.memory_space<vmem_shared>> -> memref<10240x16xf32, #tpu.memory_space<vmem_shared>>
    tpu.enqueue_indirect_dma source(%dma_start3A_73 : memref<10240x16xf32, #tpu.memory_space<vmem_shared>>) target(%dma_start3A_67 : memref<128x16xf32, #tpu.memory_space<vmem>>) offsets(%dma_start3A_70 : memref<128xi32, #tpu.memory_space<vmem>>) semaphore(%arg11 : memref<!tpu.dma_semaphore, #tpu.memory_space<semaphore_mem>>)
    %dma_start3A_74 = arith.constant 3 : i32
    %dma_start3A_75 = arith.constant 0 : i32
    %dma_start3A_76 = arith.constant 3 : i32
    %dma_start3A_77 = arith.constant 0 : i32
    %dma_start3A_78 = arith.constant 0 : i32
    %dma_start3A_79 = tpu.memref_slice %arg8[%dma_start3A_75, %dma_start3A_76, %dma_start3A_77, %dma_start3A_78] : memref<2x8x128x16xf32, #tpu.memory_space<vmem>> -> memref<1x1x128x16xf32, #tpu.memory_space<vmem>>
    %dma_start3A_80 = tpu.memref_squeeze %dma_start3A_79 : memref<1x1x128x16xf32, #tpu.memory_space<vmem>> -> memref<128x16xf32, #tpu.memory_space<vmem>>
    %dma_start3A_81 = arith.constant 0 : i32
    %dma_start3A_82 = tpu.memref_slice %arg6[%dma_start3A_74, %dma_start3A_81] : memref<80x128xi32, #tpu.memory_space<vmem>> -> memref<1x128xi32, #tpu.memory_space<vmem>>
    %dma_start3A_83 = tpu.memref_squeeze %dma_start3A_82 : memref<1x128xi32, #tpu.memory_space<vmem>> -> memref<128xi32, #tpu.memory_space<vmem>>
    %dma_start3A_84 = arith.constant 0 : i32
    %dma_start3A_85 = arith.constant 0 : i32
    %dma_start3A_86 = tpu.memref_slice %arg10[%dma_start3A_84, %dma_start3A_85] : memref<10240x16xf32, #tpu.memory_space<vmem_shared>> -> memref<10240x16xf32, #tpu.memory_space<vmem_shared>>
    tpu.enqueue_indirect_dma source(%dma_start3A_86 : memref<10240x16xf32, #tpu.memory_space<vmem_shared>>) target(%dma_start3A_80 : memref<128x16xf32, #tpu.memory_space<vmem>>) offsets(%dma_start3A_83 : memref<128xi32, #tpu.memory_space<vmem>>) semaphore(%arg11 : memref<!tpu.dma_semaphore, #tpu.memory_space<semaphore_mem>>)
    %dma_start3A_87 = arith.constant 4 : i32
    %dma_start3A_88 = arith.constant 0 : i32
    %dma_start3A_89 = arith.constant 4 : i32
    %dma_start3A_90 = arith.constant 0 : i32
    %dma_start3A_91 = arith.constant 0 : i32
    %dma_start3A_92 = tpu.memref_slice %arg8[%dma_start3A_88, %dma_start3A_89, %dma_start3A_90, %dma_start3A_91] : memref<2x8x128x16xf32, #tpu.memory_space<vmem>> -> memref<1x1x128x16xf32, #tpu.memory_space<vmem>>
    %dma_start3A_93 = tpu.memref_squeeze %dma_start3A_92 : memref<1x1x128x16xf32, #tpu.memory_space<vmem>> -> memref<128x16xf32, #tpu.memory_space<vmem>>
    %dma_start3A_94 = arith.constant 0 : i32
    %dma_start3A_95 = tpu.memref_slice %arg6[%dma_start3A_87, %dma_start3A_94] : memref<80x128xi32, #tpu.memory_space<vmem>> -> memref<1x128xi32, #tpu.memory_space<vmem>>
    %dma_start3A_96 = tpu.memref_squeeze %dma_start3A_95 : memref<1x128xi32, #tpu.memory_space<vmem>> -> memref<128xi32, #tpu.memory_space<vmem>>
    %dma_start3A_97 = arith.constant 0 : i32
    %dma_start3A_98 = arith.constant 0 : i32
    %dma_start3A_99 = tpu.memref_slice %arg10[%dma_start3A_97, %dma_start3A_98] : memref<10240x16xf32, #tpu.memory_space<vmem_shared>> -> memref<10240x16xf32, #tpu.memory_space<vmem_shared>>
    tpu.enqueue_indirect_dma source(%dma_start3A_99 : memref<10240x16xf32, #tpu.memory_space<vmem_shared>>) target(%dma_start3A_93 : memref<128x16xf32, #tpu.memory_space<vmem>>) offsets(%dma_start3A_96 : memref<128xi32, #tpu.memory_space<vmem>>) semaphore(%arg11 : memref<!tpu.dma_semaphore, #tpu.memory_space<semaphore_mem>>)
    %dma_start3A_100 = arith.constant 5 : i32
    %dma_start3A_101 = arith.constant 0 : i32
    %dma_start3A_102 = arith.constant 5 : i32
    %dma_start3A_103 = arith.constant 0 : i32
    %dma_start3A_104 = arith.constant 0 : i32
    %dma_start3A_105 = tpu.memref_slice %arg8[%dma_start3A_101, %dma_start3A_102, %dma_start3A_103, %dma_start3A_104] : memref<2x8x128x16xf32, #tpu.memory_space<vmem>> -> memref<1x1x128x16xf32, #tpu.memory_space<vmem>>
    %dma_start3A_106 = tpu.memref_squeeze %dma_start3A_105 : memref<1x1x128x16xf32, #tpu.memory_space<vmem>> -> memref<128x16xf32, #tpu.memory_space<vmem>>
    %dma_start3A_107 = arith.constant 0 : i32
    %dma_start3A_108 = tpu.memref_slice %arg6[%dma_start3A_100, %dma_start3A_107] : memref<80x128xi32, #tpu.memory_space<vmem>> -> memref<1x128xi32, #tpu.memory_space<vmem>>
    %dma_start3A_109 = tpu.memref_squeeze %dma_start3A_108 : memref<1x128xi32, #tpu.memory_space<vmem>> -> memref<128xi32, #tpu.memory_space<vmem>>
    %dma_start3A_110 = arith.constant 0 : i32
    %dma_start3A_111 = arith.constant 0 : i32
    %dma_start3A_112 = tpu.memref_slice %arg10[%dma_start3A_110, %dma_start3A_111] : memref<10240x16xf32, #tpu.memory_space<vmem_shared>> -> memref<10240x16xf32, #tpu.memory_space<vmem_shared>>
    tpu.enqueue_indirect_dma source(%dma_start3A_112 : memref<10240x16xf32, #tpu.memory_space<vmem_shared>>) target(%dma_start3A_106 : memref<128x16xf32, #tpu.memory_space<vmem>>) offsets(%dma_start3A_109 : memref<128xi32, #tpu.memory_space<vmem>>) semaphore(%arg11 : memref<!tpu.dma_semaphore, #tpu.memory_space<semaphore_mem>>)
    %dma_start3A_113 = arith.constant 6 : i32
    %dma_start3A_114 = arith.constant 0 : i32
    %dma_start3A_115 = arith.constant 6 : i32
    %dma_start3A_116 = arith.constant 0 : i32
    %dma_start3A_117 = arith.constant 0 : i32
    %dma_start3A_118 = tpu.memref_slice %arg8[%dma_start3A_114, %dma_start3A_115, %dma_start3A_116, %dma_start3A_117] : memref<2x8x128x16xf32, #tpu.memory_space<vmem>> -> memref<1x1x128x16xf32, #tpu.memory_space<vmem>>
    %dma_start3A_119 = tpu.memref_squeeze %dma_start3A_118 : memref<1x1x128x16xf32, #tpu.memory_space<vmem>> -> memref<128x16xf32, #tpu.memory_space<vmem>>
    %dma_start3A_120 = arith.constant 0 : i32
    %dma_start3A_121 = tpu.memref_slice %arg6[%dma_start3A_113, %dma_start3A_120] : memref<80x128xi32, #tpu.memory_space<vmem>> -> memref<1x128xi32, #tpu.memory_space<vmem>>
    %dma_start3A_122 = tpu.memref_squeeze %dma_start3A_121 : memref<1x128xi32, #tpu.memory_space<vmem>> -> memref<128xi32, #tpu.memory_space<vmem>>
    %dma_start3A_123 = arith.constant 0 : i32
    %dma_start3A_124 = arith.constant 0 : i32
    %dma_start3A_125 = tpu.memref_slice %arg10[%dma_start3A_123, %dma_start3A_124] : memref<10240x16xf32, #tpu.memory_space<vmem_shared>> -> memref<10240x16xf32, #tpu.memory_space<vmem_shared>>
    tpu.enqueue_indirect_dma source(%dma_start3A_125 : memref<10240x16xf32, #tpu.memory_space<vmem_shared>>) target(%dma_start3A_119 : memref<128x16xf32, #tpu.memory_space<vmem>>) offsets(%dma_start3A_122 : memref<128xi32, #tpu.memory_space<vmem>>) semaphore(%arg11 : memref<!tpu.dma_semaphore, #tpu.memory_space<semaphore_mem>>)
    %dma_start3A_126 = arith.constant 7 : i32
    %dma_start3A_127 = arith.constant 0 : i32
    %dma_start3A_128 = arith.constant 7 : i32
    %dma_start3A_129 = arith.constant 0 : i32
    %dma_start3A_130 = arith.constant 0 : i32
    %dma_start3A_131 = tpu.memref_slice %arg8[%dma_start3A_127, %dma_start3A_128, %dma_start3A_129, %dma_start3A_130] : memref<2x8x128x16xf32, #tpu.memory_space<vmem>> -> memref<1x1x128x16xf32, #tpu.memory_space<vmem>>
    %dma_start3A_132 = tpu.memref_squeeze %dma_start3A_131 : memref<1x1x128x16xf32, #tpu.memory_space<vmem>> -> memref<128x16xf32, #tpu.memory_space<vmem>>
    %dma_start3A_133 = arith.constant 0 : i32
    %dma_start3A_134 = tpu.memref_slice %arg6[%dma_start3A_126, %dma_start3A_133] : memref<80x128xi32, #tpu.memory_space<vmem>> -> memref<1x128xi32, #tpu.memory_space<vmem>>
    %dma_start3A_135 = tpu.memref_squeeze %dma_start3A_134 : memref<1x128xi32, #tpu.memory_space<vmem>> -> memref<128xi32, #tpu.memory_space<vmem>>
    %dma_start3A_136 = arith.constant 0 : i32
    %dma_start3A_137 = arith.constant 0 : i32
    %dma_start3A_138 = tpu.memref_slice %arg10[%dma_start3A_136, %dma_start3A_137] : memref<10240x16xf32, #tpu.memory_space<vmem_shared>> -> memref<10240x16xf32, #tpu.memory_space<vmem_shared>>
    tpu.enqueue_indirect_dma source(%dma_start3A_138 : memref<10240x16xf32, #tpu.memory_space<vmem_shared>>) target(%dma_start3A_132 : memref<128x16xf32, #tpu.memory_space<vmem>>) offsets(%dma_start3A_135 : memref<128xi32, #tpu.memory_space<vmem>>) semaphore(%arg11 : memref<!tpu.dma_semaphore, #tpu.memory_space<semaphore_mem>>)
    %scan3A = arith.constant 0 : i32
    %scan3A_139 = arith.constant 0 : i32
    %scan3A_140 = arith.constant 10 : i32
    %scan3A_141 = arith.addi %scan3A_139, %scan3A_140 : i32
    %scan3A_142 = arith.constant 1 : i32
    scf.for %scan3A_149 = %scan3A_139 to %scan3A_141 step %scan3A_142  : i32 {
      %rem3A = arith.constant 2 : i32
      %rem3A_150 = arith.remsi %scan3A_149, %rem3A : i32
      %dma_wait3A = arith.constant 0 : i32
      %dma_wait3A_151 = arith.constant 0 : i32
      %dma_wait3A_152 = arith.constant 0 : i32
      %dma_wait3A_153 = arith.constant 0 : i32
      %dma_wait3A_154 = tpu.memref_slice %arg8[%rem3A_150, %dma_wait3A_151, %dma_wait3A_152, %dma_wait3A_153] : memref<2x8x128x16xf32, #tpu.memory_space<vmem>> -> memref<1x1x128x16xf32, #tpu.memory_space<vmem>>
      %dma_wait3A_155 = tpu.memref_squeeze %dma_wait3A_154 : memref<1x1x128x16xf32, #tpu.memory_space<vmem>> -> memref<128x16xf32, #tpu.memory_space<vmem>>
      %dma_wait3A_156 = arith.constant 0 : i32
      %dma_wait3A_157 = tpu.memref_slice %arg6[%dma_wait3A, %dma_wait3A_156] : memref<80x128xi32, #tpu.memory_space<vmem>> -> memref<1x128xi32, #tpu.memory_space<vmem>>
      %dma_wait3A_158 = tpu.memref_squeeze %dma_wait3A_157 : memref<1x128xi32, #tpu.memory_space<vmem>> -> memref<128xi32, #tpu.memory_space<vmem>>
      %dma_wait3A_159 = arith.constant 0 : i32
      %dma_wait3A_160 = arith.constant 0 : i32
      %dma_wait3A_161 = tpu.memref_slice %arg10[%dma_wait3A_159, %dma_wait3A_160] : memref<10240x16xf32, #tpu.memory_space<vmem_shared>> -> memref<10240x16xf32, #tpu.memory_space<vmem_shared>>
      tpu.wait_indirect_dma semaphore(%arg11 : memref<!tpu.dma_semaphore, #tpu.memory_space<semaphore_mem>>) src(%dma_wait3A_161 : memref<10240x16xf32, #tpu.memory_space<vmem_shared>>) dst(%dma_wait3A_155 : memref<128x16xf32, #tpu.memory_space<vmem>>)
      %dma_wait3A_162 = arith.constant 0 : i32
      %dma_wait3A_163 = arith.constant 1 : i32
      %dma_wait3A_164 = arith.constant 0 : i32
      %dma_wait3A_165 = arith.constant 0 : i32
      %dma_wait3A_166 = tpu.memref_slice %arg8[%rem3A_150, %dma_wait3A_163, %dma_wait3A_164, %dma_wait3A_165] : memref<2x8x128x16xf32, #tpu.memory_space<vmem>> -> memref<1x1x128x16xf32, #tpu.memory_space<vmem>>
      %dma_wait3A_167 = tpu.memref_squeeze %dma_wait3A_166 : memref<1x1x128x16xf32, #tpu.memory_space<vmem>> -> memref<128x16xf32, #tpu.memory_space<vmem>>
      %dma_wait3A_168 = arith.constant 0 : i32
      %dma_wait3A_169 = tpu.memref_slice %arg6[%dma_wait3A_162, %dma_wait3A_168] : memref<80x128xi32, #tpu.memory_space<vmem>> -> memref<1x128xi32, #tpu.memory_space<vmem>>
      %dma_wait3A_170 = tpu.memref_squeeze %dma_wait3A_169 : memref<1x128xi32, #tpu.memory_space<vmem>> -> memref<128xi32, #tpu.memory_space<vmem>>
      %dma_wait3A_171 = arith.constant 0 : i32
      %dma_wait3A_172 = arith.constant 0 : i32
      %dma_wait3A_173 = tpu.memref_slice %arg10[%dma_wait3A_171, %dma_wait3A_172] : memref<10240x16xf32, #tpu.memory_space<vmem_shared>> -> memref<10240x16xf32, #tpu.memory_space<vmem_shared>>
      tpu.wait_indirect_dma semaphore(%arg11 : memref<!tpu.dma_semaphore, #tpu.memory_space<semaphore_mem>>) src(%dma_wait3A_173 : memref<10240x16xf32, #tpu.memory_space<vmem_shared>>) dst(%dma_wait3A_167 : memref<128x16xf32, #tpu.memory_space<vmem>>)
      %dma_wait3A_174 = arith.constant 0 : i32
      %dma_wait3A_175 = arith.constant 2 : i32
      %dma_wait3A_176 = arith.constant 0 : i32
      %dma_wait3A_177 = arith.constant 0 : i32
      %dma_wait3A_178 = tpu.memref_slice %arg8[%rem3A_150, %dma_wait3A_175, %dma_wait3A_176, %dma_wait3A_177] : memref<2x8x128x16xf32, #tpu.memory_space<vmem>> -> memref<1x1x128x16xf32, #tpu.memory_space<vmem>>
      %dma_wait3A_179 = tpu.memref_squeeze %dma_wait3A_178 : memref<1x1x128x16xf32, #tpu.memory_space<vmem>> -> memref<128x16xf32, #tpu.memory_space<vmem>>
      %dma_wait3A_180 = arith.constant 0 : i32
      %dma_wait3A_181 = tpu.memref_slice %arg6[%dma_wait3A_174, %dma_wait3A_180] : memref<80x128xi32, #tpu.memory_space<vmem>> -> memref<1x128xi32, #tpu.memory_space<vmem>>
      %dma_wait3A_182 = tpu.memref_squeeze %dma_wait3A_181 : memref<1x128xi32, #tpu.memory_space<vmem>> -> memref<128xi32, #tpu.memory_space<vmem>>
      %dma_wait3A_183 = arith.constant 0 : i32
      %dma_wait3A_184 = arith.constant 0 : i32
      %dma_wait3A_185 = tpu.memref_slice %arg10[%dma_wait3A_183, %dma_wait3A_184] : memref<10240x16xf32, #tpu.memory_space<vmem_shared>> -> memref<10240x16xf32, #tpu.memory_space<vmem_shared>>
      tpu.wait_indirect_dma semaphore(%arg11 : memref<!tpu.dma_semaphore, #tpu.memory_space<semaphore_mem>>) src(%dma_wait3A_185 : memref<10240x16xf32, #tpu.memory_space<vmem_shared>>) dst(%dma_wait3A_179 : memref<128x16xf32, #tpu.memory_space<vmem>>)
      %dma_wait3A_186 = arith.constant 0 : i32
      %dma_wait3A_187 = arith.constant 3 : i32
      %dma_wait3A_188 = arith.constant 0 : i32
      %dma_wait3A_189 = arith.constant 0 : i32
      %dma_wait3A_190 = tpu.memref_slice %arg8[%rem3A_150, %dma_wait3A_187, %dma_wait3A_188, %dma_wait3A_189] : memref<2x8x128x16xf32, #tpu.memory_space<vmem>> -> memref<1x1x128x16xf32, #tpu.memory_space<vmem>>
      %dma_wait3A_191 = tpu.memref_squeeze %dma_wait3A_190 : memref<1x1x128x16xf32, #tpu.memory_space<vmem>> -> memref<128x16xf32, #tpu.memory_space<vmem>>
      %dma_wait3A_192 = arith.constant 0 : i32
      %dma_wait3A_193 = tpu.memref_slice %arg6[%dma_wait3A_186, %dma_wait3A_192] : memref<80x128xi32, #tpu.memory_space<vmem>> -> memref<1x128xi32, #tpu.memory_space<vmem>>
      %dma_wait3A_194 = tpu.memref_squeeze %dma_wait3A_193 : memref<1x128xi32, #tpu.memory_space<vmem>> -> memref<128xi32, #tpu.memory_space<vmem>>
      %dma_wait3A_195 = arith.constant 0 : i32
      %dma_wait3A_196 = arith.constant 0 : i32
      %dma_wait3A_197 = tpu.memref_slice %arg10[%dma_wait3A_195, %dma_wait3A_196] : memref<10240x16xf32, #tpu.memory_space<vmem_shared>> -> memref<10240x16xf32, #tpu.memory_space<vmem_shared>>
      tpu.wait_indirect_dma semaphore(%arg11 : memref<!tpu.dma_semaphore, #tpu.memory_space<semaphore_mem>>) src(%dma_wait3A_197 : memref<10240x16xf32, #tpu.memory_space<vmem_shared>>) dst(%dma_wait3A_191 : memref<128x16xf32, #tpu.memory_space<vmem>>)
      %dma_wait3A_198 = arith.constant 0 : i32
      %dma_wait3A_199 = arith.constant 4 : i32
      %dma_wait3A_200 = arith.constant 0 : i32
      %dma_wait3A_201 = arith.constant 0 : i32
      %dma_wait3A_202 = tpu.memref_slice %arg8[%rem3A_150, %dma_wait3A_199, %dma_wait3A_200, %dma_wait3A_201] : memref<2x8x128x16xf32, #tpu.memory_space<vmem>> -> memref<1x1x128x16xf32, #tpu.memory_space<vmem>>
      %dma_wait3A_203 = tpu.memref_squeeze %dma_wait3A_202 : memref<1x1x128x16xf32, #tpu.memory_space<vmem>> -> memref<128x16xf32, #tpu.memory_space<vmem>>
      %dma_wait3A_204 = arith.constant 0 : i32
      %dma_wait3A_205 = tpu.memref_slice %arg6[%dma_wait3A_198, %dma_wait3A_204] : memref<80x128xi32, #tpu.memory_space<vmem>> -> memref<1x128xi32, #tpu.memory_space<vmem>>
      %dma_wait3A_206 = tpu.memref_squeeze %dma_wait3A_205 : memref<1x128xi32, #tpu.memory_space<vmem>> -> memref<128xi32, #tpu.memory_space<vmem>>
      %dma_wait3A_207 = arith.constant 0 : i32
      %dma_wait3A_208 = arith.constant 0 : i32
      %dma_wait3A_209 = tpu.memref_slice %arg10[%dma_wait3A_207, %dma_wait3A_208] : memref<10240x16xf32, #tpu.memory_space<vmem_shared>> -> memref<10240x16xf32, #tpu.memory_space<vmem_shared>>
      tpu.wait_indirect_dma semaphore(%arg11 : memref<!tpu.dma_semaphore, #tpu.memory_space<semaphore_mem>>) src(%dma_wait3A_209 : memref<10240x16xf32, #tpu.memory_space<vmem_shared>>) dst(%dma_wait3A_203 : memref<128x16xf32, #tpu.memory_space<vmem>>)
      %dma_wait3A_210 = arith.constant 0 : i32
      %dma_wait3A_211 = arith.constant 5 : i32
      %dma_wait3A_212 = arith.constant 0 : i32
      %dma_wait3A_213 = arith.constant 0 : i32
      %dma_wait3A_214 = tpu.memref_slice %arg8[%rem3A_150, %dma_wait3A_211, %dma_wait3A_212, %dma_wait3A_213] : memref<2x8x128x16xf32, #tpu.memory_space<vmem>> -> memref<1x1x128x16xf32, #tpu.memory_space<vmem>>
      %dma_wait3A_215 = tpu.memref_squeeze %dma_wait3A_214 : memref<1x1x128x16xf32, #tpu.memory_space<vmem>> -> memref<128x16xf32, #tpu.memory_space<vmem>>
      %dma_wait3A_216 = arith.constant 0 : i32
      %dma_wait3A_217 = tpu.memref_slice %arg6[%dma_wait3A_210, %dma_wait3A_216] : memref<80x128xi32, #tpu.memory_space<vmem>> -> memref<1x128xi32, #tpu.memory_space<vmem>>
      %dma_wait3A_218 = tpu.memref_squeeze %dma_wait3A_217 : memref<1x128xi32, #tpu.memory_space<vmem>> -> memref<128xi32, #tpu.memory_space<vmem>>
      %dma_wait3A_219 = arith.constant 0 : i32
      %dma_wait3A_220 = arith.constant 0 : i32
      %dma_wait3A_221 = tpu.memref_slice %arg10[%dma_wait3A_219, %dma_wait3A_220] : memref<10240x16xf32, #tpu.memory_space<vmem_shared>> -> memref<10240x16xf32, #tpu.memory_space<vmem_shared>>
      tpu.wait_indirect_dma semaphore(%arg11 : memref<!tpu.dma_semaphore, #tpu.memory_space<semaphore_mem>>) src(%dma_wait3A_221 : memref<10240x16xf32, #tpu.memory_space<vmem_shared>>) dst(%dma_wait3A_215 : memref<128x16xf32, #tpu.memory_space<vmem>>)
      %dma_wait3A_222 = arith.constant 0 : i32
      %dma_wait3A_223 = arith.constant 6 : i32
      %dma_wait3A_224 = arith.constant 0 : i32
      %dma_wait3A_225 = arith.constant 0 : i32
      %dma_wait3A_226 = tpu.memref_slice %arg8[%rem3A_150, %dma_wait3A_223, %dma_wait3A_224, %dma_wait3A_225] : memref<2x8x128x16xf32, #tpu.memory_space<vmem>> -> memref<1x1x128x16xf32, #tpu.memory_space<vmem>>
      %dma_wait3A_227 = tpu.memref_squeeze %dma_wait3A_226 : memref<1x1x128x16xf32, #tpu.memory_space<vmem>> -> memref<128x16xf32, #tpu.memory_space<vmem>>
      %dma_wait3A_228 = arith.constant 0 : i32
      %dma_wait3A_229 = tpu.memref_slice %arg6[%dma_wait3A_222, %dma_wait3A_228] : memref<80x128xi32, #tpu.memory_space<vmem>> -> memref<1x128xi32, #tpu.memory_space<vmem>>
      %dma_wait3A_230 = tpu.memref_squeeze %dma_wait3A_229 : memref<1x128xi32, #tpu.memory_space<vmem>> -> memref<128xi32, #tpu.memory_space<vmem>>
      %dma_wait3A_231 = arith.constant 0 : i32
      %dma_wait3A_232 = arith.constant 0 : i32
      %dma_wait3A_233 = tpu.memref_slice %arg10[%dma_wait3A_231, %dma_wait3A_232] : memref<10240x16xf32, #tpu.memory_space<vmem_shared>> -> memref<10240x16xf32, #tpu.memory_space<vmem_shared>>
      tpu.wait_indirect_dma semaphore(%arg11 : memref<!tpu.dma_semaphore, #tpu.memory_space<semaphore_mem>>) src(%dma_wait3A_233 : memref<10240x16xf32, #tpu.memory_space<vmem_shared>>) dst(%dma_wait3A_227 : memref<128x16xf32, #tpu.memory_space<vmem>>)
      %dma_wait3A_234 = arith.constant 0 : i32
      %dma_wait3A_235 = arith.constant 7 : i32
      %dma_wait3A_236 = arith.constant 0 : i32
      %dma_wait3A_237 = arith.constant 0 : i32
      %dma_wait3A_238 = tpu.memref_slice %arg8[%rem3A_150, %dma_wait3A_235, %dma_wait3A_236, %dma_wait3A_237] : memref<2x8x128x16xf32, #tpu.memory_space<vmem>> -> memref<1x1x128x16xf32, #tpu.memory_space<vmem>>
      %dma_wait3A_239 = tpu.memref_squeeze %dma_wait3A_238 : memref<1x1x128x16xf32, #tpu.memory_space<vmem>> -> memref<128x16xf32, #tpu.memory_space<vmem>>
      %dma_wait3A_240 = arith.constant 0 : i32
      %dma_wait3A_241 = tpu.memref_slice %arg6[%dma_wait3A_234, %dma_wait3A_240] : memref<80x128xi32, #tpu.memory_space<vmem>> -> memref<1x128xi32, #tpu.memory_space<vmem>>
      %dma_wait3A_242 = tpu.memref_squeeze %dma_wait3A_241 : memref<1x128xi32, #tpu.memory_space<vmem>> -> memref<128xi32, #tpu.memory_space<vmem>>
      %dma_wait3A_243 = arith.constant 0 : i32
      %dma_wait3A_244 = arith.constant 0 : i32
      %dma_wait3A_245 = tpu.memref_slice %arg10[%dma_wait3A_243, %dma_wait3A_244] : memref<10240x16xf32, #tpu.memory_space<vmem_shared>> -> memref<10240x16xf32, #tpu.memory_space<vmem_shared>>
      tpu.wait_indirect_dma semaphore(%arg11 : memref<!tpu.dma_semaphore, #tpu.memory_space<semaphore_mem>>) src(%dma_wait3A_245 : memref<10240x16xf32, #tpu.memory_space<vmem_shared>>) dst(%dma_wait3A_239 : memref<128x16xf32, #tpu.memory_space<vmem>>)
      %lt3A = arith.constant 9 : i32
      %lt3A_246 = arith.cmpi slt, %scan3A_149, %lt3A : i32
      %convert_element_type3A_247 = arith.extui %lt3A_246 : i1 to i32
      %cond3A_248 = arith.constant 0 : i32
      %cond3A_249 = arith.cmpi ne, %convert_element_type3A_247, %cond3A_248 : i32
      scf.if %cond3A_249 {
        %add3A_466 = arith.constant 1 : i32
        %add3A_467 = arith.addi %scan3A_149, %add3A_466 : i32
        %mul3A_468 = arith.constant 8 : i32
        %mul3A_469 = arith.muli %add3A_467, %mul3A_468 : i32
        %add3A_470 = arith.constant 0 : i32
        %add3A_471 = arith.addi %mul3A_469, %add3A_470 : i32
        %sub3A_472 = arith.constant 1 : i32
        %sub3A_473 = arith.subi %sub3A_472, %rem3A_150 : i32
        %dma_start3A_474 = arith.constant 0 : i32
        %dma_start3A_475 = arith.constant 0 : i32
        %dma_start3A_476 = arith.constant 0 : i32
        %dma_start3A_477 = tpu.memref_slice %arg8[%sub3A_473, %dma_start3A_474, %dma_start3A_475, %dma_start3A_476] : memref<2x8x128x16xf32, #tpu.memory_space<vmem>> -> memref<1x1x128x16xf32, #tpu.memory_space<vmem>>
        %dma_start3A_478 = tpu.memref_squeeze %dma_start3A_477 : memref<1x1x128x16xf32, #tpu.memory_space<vmem>> -> memref<128x16xf32, #tpu.memory_space<vmem>>
        %dma_start3A_479 = arith.constant 0 : i32
        %dma_start3A_480 = tpu.memref_slice %arg6[%add3A_471, %dma_start3A_479] : memref<80x128xi32, #tpu.memory_space<vmem>> -> memref<1x128xi32, #tpu.memory_space<vmem>>
        %dma_start3A_481 = tpu.memref_squeeze %dma_start3A_480 : memref<1x128xi32, #tpu.memory_space<vmem>> -> memref<128xi32, #tpu.memory_space<vmem>>
        %dma_start3A_482 = arith.constant 0 : i32
        %dma_start3A_483 = arith.constant 0 : i32
        %dma_start3A_484 = tpu.memref_slice %arg10[%dma_start3A_482, %dma_start3A_483] : memref<10240x16xf32, #tpu.memory_space<vmem_shared>> -> memref<10240x16xf32, #tpu.memory_space<vmem_shared>>
        tpu.enqueue_indirect_dma source(%dma_start3A_484 : memref<10240x16xf32, #tpu.memory_space<vmem_shared>>) target(%dma_start3A_478 : memref<128x16xf32, #tpu.memory_space<vmem>>) offsets(%dma_start3A_481 : memref<128xi32, #tpu.memory_space<vmem>>) semaphore(%arg11 : memref<!tpu.dma_semaphore, #tpu.memory_space<semaphore_mem>>)
        %add3A_485 = arith.constant 1 : i32
        %add3A_486 = arith.addi %scan3A_149, %add3A_485 : i32
        %mul3A_487 = arith.constant 8 : i32
        %mul3A_488 = arith.muli %add3A_486, %mul3A_487 : i32
        %add3A_489 = arith.constant 1 : i32
        %add3A_490 = arith.addi %mul3A_488, %add3A_489 : i32
        %sub3A_491 = arith.constant 1 : i32
        %sub3A_492 = arith.subi %sub3A_491, %rem3A_150 : i32
        %dma_start3A_493 = arith.constant 1 : i32
        %dma_start3A_494 = arith.constant 0 : i32
        %dma_start3A_495 = arith.constant 0 : i32
        %dma_start3A_496 = tpu.memref_slice %arg8[%sub3A_492, %dma_start3A_493, %dma_start3A_494, %dma_start3A_495] : memref<2x8x128x16xf32, #tpu.memory_space<vmem>> -> memref<1x1x128x16xf32, #tpu.memory_space<vmem>>
        %dma_start3A_497 = tpu.memref_squeeze %dma_start3A_496 : memref<1x1x128x16xf32, #tpu.memory_space<vmem>> -> memref<128x16xf32, #tpu.memory_space<vmem>>
        %dma_start3A_498 = arith.constant 0 : i32
        %dma_start3A_499 = tpu.memref_slice %arg6[%add3A_490, %dma_start3A_498] : memref<80x128xi32, #tpu.memory_space<vmem>> -> memref<1x128xi32, #tpu.memory_space<vmem>>
        %dma_start3A_500 = tpu.memref_squeeze %dma_start3A_499 : memref<1x128xi32, #tpu.memory_space<vmem>> -> memref<128xi32, #tpu.memory_space<vmem>>
        %dma_start3A_501 = arith.constant 0 : i32
        %dma_start3A_502 = arith.constant 0 : i32
        %dma_start3A_503 = tpu.memref_slice %arg10[%dma_start3A_501, %dma_start3A_502] : memref<10240x16xf32, #tpu.memory_space<vmem_shared>> -> memref<10240x16xf32, #tpu.memory_space<vmem_shared>>
        tpu.enqueue_indirect_dma source(%dma_start3A_503 : memref<10240x16xf32, #tpu.memory_space<vmem_shared>>) target(%dma_start3A_497 : memref<128x16xf32, #tpu.memory_space<vmem>>) offsets(%dma_start3A_500 : memref<128xi32, #tpu.memory_space<vmem>>) semaphore(%arg11 : memref<!tpu.dma_semaphore, #tpu.memory_space<semaphore_mem>>)
        %add3A_504 = arith.constant 1 : i32
        %add3A_505 = arith.addi %scan3A_149, %add3A_504 : i32
        %mul3A_506 = arith.constant 8 : i32
        %mul3A_507 = arith.muli %add3A_505, %mul3A_506 : i32
        %add3A_508 = arith.constant 2 : i32
        %add3A_509 = arith.addi %mul3A_507, %add3A_508 : i32
        %sub3A_510 = arith.constant 1 : i32
        %sub3A_511 = arith.subi %sub3A_510, %rem3A_150 : i32
        %dma_start3A_512 = arith.constant 2 : i32
        %dma_start3A_513 = arith.constant 0 : i32
        %dma_start3A_514 = arith.constant 0 : i32
        %dma_start3A_515 = tpu.memref_slice %arg8[%sub3A_511, %dma_start3A_512, %dma_start3A_513, %dma_start3A_514] : memref<2x8x128x16xf32, #tpu.memory_space<vmem>> -> memref<1x1x128x16xf32, #tpu.memory_space<vmem>>
        %dma_start3A_516 = tpu.memref_squeeze %dma_start3A_515 : memref<1x1x128x16xf32, #tpu.memory_space<vmem>> -> memref<128x16xf32, #tpu.memory_space<vmem>>
        %dma_start3A_517 = arith.constant 0 : i32
        %dma_start3A_518 = tpu.memref_slice %arg6[%add3A_509, %dma_start3A_517] : memref<80x128xi32, #tpu.memory_space<vmem>> -> memref<1x128xi32, #tpu.memory_space<vmem>>
        %dma_start3A_519 = tpu.memref_squeeze %dma_start3A_518 : memref<1x128xi32, #tpu.memory_space<vmem>> -> memref<128xi32, #tpu.memory_space<vmem>>
        %dma_start3A_520 = arith.constant 0 : i32
        %dma_start3A_521 = arith.constant 0 : i32
        %dma_start3A_522 = tpu.memref_slice %arg10[%dma_start3A_520, %dma_start3A_521] : memref<10240x16xf32, #tpu.memory_space<vmem_shared>> -> memref<10240x16xf32, #tpu.memory_space<vmem_shared>>
        tpu.enqueue_indirect_dma source(%dma_start3A_522 : memref<10240x16xf32, #tpu.memory_space<vmem_shared>>) target(%dma_start3A_516 : memref<128x16xf32, #tpu.memory_space<vmem>>) offsets(%dma_start3A_519 : memref<128xi32, #tpu.memory_space<vmem>>) semaphore(%arg11 : memref<!tpu.dma_semaphore, #tpu.memory_space<semaphore_mem>>)
        %add3A_523 = arith.constant 1 : i32
        %add3A_524 = arith.addi %scan3A_149, %add3A_523 : i32
        %mul3A_525 = arith.constant 8 : i32
        %mul3A_526 = arith.muli %add3A_524, %mul3A_525 : i32
        %add3A_527 = arith.constant 3 : i32
        %add3A_528 = arith.addi %mul3A_526, %add3A_527 : i32
        %sub3A_529 = arith.constant 1 : i32
        %sub3A_530 = arith.subi %sub3A_529, %rem3A_150 : i32
        %dma_start3A_531 = arith.constant 3 : i32
        %dma_start3A_532 = arith.constant 0 : i32
        %dma_start3A_533 = arith.constant 0 : i32
        %dma_start3A_534 = tpu.memref_slice %arg8[%sub3A_530, %dma_start3A_531, %dma_start3A_532, %dma_start3A_533] : memref<2x8x128x16xf32, #tpu.memory_space<vmem>> -> memref<1x1x128x16xf32, #tpu.memory_space<vmem>>
        %dma_start3A_535 = tpu.memref_squeeze %dma_start3A_534 : memref<1x1x128x16xf32, #tpu.memory_space<vmem>> -> memref<128x16xf32, #tpu.memory_space<vmem>>
        %dma_start3A_536 = arith.constant 0 : i32
        %dma_start3A_537 = tpu.memref_slice %arg6[%add3A_528, %dma_start3A_536] : memref<80x128xi32, #tpu.memory_space<vmem>> -> memref<1x128xi32, #tpu.memory_space<vmem>>
        %dma_start3A_538 = tpu.memref_squeeze %dma_start3A_537 : memref<1x128xi32, #tpu.memory_space<vmem>> -> memref<128xi32, #tpu.memory_space<vmem>>
        %dma_start3A_539 = arith.constant 0 : i32
        %dma_start3A_540 = arith.constant 0 : i32
        %dma_start3A_541 = tpu.memref_slice %arg10[%dma_start3A_539, %dma_start3A_540] : memref<10240x16xf32, #tpu.memory_space<vmem_shared>> -> memref<10240x16xf32, #tpu.memory_space<vmem_shared>>
        tpu.enqueue_indirect_dma source(%dma_start3A_541 : memref<10240x16xf32, #tpu.memory_space<vmem_shared>>) target(%dma_start3A_535 : memref<128x16xf32, #tpu.memory_space<vmem>>) offsets(%dma_start3A_538 : memref<128xi32, #tpu.memory_space<vmem>>) semaphore(%arg11 : memref<!tpu.dma_semaphore, #tpu.memory_space<semaphore_mem>>)
        %add3A_542 = arith.constant 1 : i32
        %add3A_543 = arith.addi %scan3A_149, %add3A_542 : i32
        %mul3A_544 = arith.constant 8 : i32
        %mul3A_545 = arith.muli %add3A_543, %mul3A_544 : i32
        %add3A_546 = arith.constant 4 : i32
        %add3A_547 = arith.addi %mul3A_545, %add3A_546 : i32
        %sub3A_548 = arith.constant 1 : i32
        %sub3A_549 = arith.subi %sub3A_548, %rem3A_150 : i32
        %dma_start3A_550 = arith.constant 4 : i32
        %dma_start3A_551 = arith.constant 0 : i32
        %dma_start3A_552 = arith.constant 0 : i32
        %dma_start3A_553 = tpu.memref_slice %arg8[%sub3A_549, %dma_start3A_550, %dma_start3A_551, %dma_start3A_552] : memref<2x8x128x16xf32, #tpu.memory_space<vmem>> -> memref<1x1x128x16xf32, #tpu.memory_space<vmem>>
        %dma_start3A_554 = tpu.memref_squeeze %dma_start3A_553 : memref<1x1x128x16xf32, #tpu.memory_space<vmem>> -> memref<128x16xf32, #tpu.memory_space<vmem>>
        %dma_start3A_555 = arith.constant 0 : i32
        %dma_start3A_556 = tpu.memref_slice %arg6[%add3A_547, %dma_start3A_555] : memref<80x128xi32, #tpu.memory_space<vmem>> -> memref<1x128xi32, #tpu.memory_space<vmem>>
        %dma_start3A_557 = tpu.memref_squeeze %dma_start3A_556 : memref<1x128xi32, #tpu.memory_space<vmem>> -> memref<128xi32, #tpu.memory_space<vmem>>
        %dma_start3A_558 = arith.constant 0 : i32
        %dma_start3A_559 = arith.constant 0 : i32
        %dma_start3A_560 = tpu.memref_slice %arg10[%dma_start3A_558, %dma_start3A_559] : memref<10240x16xf32, #tpu.memory_space<vmem_shared>> -> memref<10240x16xf32, #tpu.memory_space<vmem_shared>>
        tpu.enqueue_indirect_dma source(%dma_start3A_560 : memref<10240x16xf32, #tpu.memory_space<vmem_shared>>) target(%dma_start3A_554 : memref<128x16xf32, #tpu.memory_space<vmem>>) offsets(%dma_start3A_557 : memref<128xi32, #tpu.memory_space<vmem>>) semaphore(%arg11 : memref<!tpu.dma_semaphore, #tpu.memory_space<semaphore_mem>>)
        %add3A_561 = arith.constant 1 : i32
        %add3A_562 = arith.addi %scan3A_149, %add3A_561 : i32
        %mul3A_563 = arith.constant 8 : i32
        %mul3A_564 = arith.muli %add3A_562, %mul3A_563 : i32
        %add3A_565 = arith.constant 5 : i32
        %add3A_566 = arith.addi %mul3A_564, %add3A_565 : i32
        %sub3A_567 = arith.constant 1 : i32
        %sub3A_568 = arith.subi %sub3A_567, %rem3A_150 : i32
        %dma_start3A_569 = arith.constant 5 : i32
        %dma_start3A_570 = arith.constant 0 : i32
        %dma_start3A_571 = arith.constant 0 : i32
        %dma_start3A_572 = tpu.memref_slice %arg8[%sub3A_568, %dma_start3A_569, %dma_start3A_570, %dma_start3A_571] : memref<2x8x128x16xf32, #tpu.memory_space<vmem>> -> memref<1x1x128x16xf32, #tpu.memory_space<vmem>>
        %dma_start3A_573 = tpu.memref_squeeze %dma_start3A_572 : memref<1x1x128x16xf32, #tpu.memory_space<vmem>> -> memref<128x16xf32, #tpu.memory_space<vmem>>
        %dma_start3A_574 = arith.constant 0 : i32
        %dma_start3A_575 = tpu.memref_slice %arg6[%add3A_566, %dma_start3A_574] : memref<80x128xi32, #tpu.memory_space<vmem>> -> memref<1x128xi32, #tpu.memory_space<vmem>>
        %dma_start3A_576 = tpu.memref_squeeze %dma_start3A_575 : memref<1x128xi32, #tpu.memory_space<vmem>> -> memref<128xi32, #tpu.memory_space<vmem>>
        %dma_start3A_577 = arith.constant 0 : i32
        %dma_start3A_578 = arith.constant 0 : i32
        %dma_start3A_579 = tpu.memref_slice %arg10[%dma_start3A_577, %dma_start3A_578] : memref<10240x16xf32, #tpu.memory_space<vmem_shared>> -> memref<10240x16xf32, #tpu.memory_space<vmem_shared>>
        tpu.enqueue_indirect_dma source(%dma_start3A_579 : memref<10240x16xf32, #tpu.memory_space<vmem_shared>>) target(%dma_start3A_573 : memref<128x16xf32, #tpu.memory_space<vmem>>) offsets(%dma_start3A_576 : memref<128xi32, #tpu.memory_space<vmem>>) semaphore(%arg11 : memref<!tpu.dma_semaphore, #tpu.memory_space<semaphore_mem>>)
        %add3A_580 = arith.constant 1 : i32
        %add3A_581 = arith.addi %scan3A_149, %add3A_580 : i32
        %mul3A_582 = arith.constant 8 : i32
        %mul3A_583 = arith.muli %add3A_581, %mul3A_582 : i32
        %add3A_584 = arith.constant 6 : i32
        %add3A_585 = arith.addi %mul3A_583, %add3A_584 : i32
        %sub3A_586 = arith.constant 1 : i32
        %sub3A_587 = arith.subi %sub3A_586, %rem3A_150 : i32
        %dma_start3A_588 = arith.constant 6 : i32
        %dma_start3A_589 = arith.constant 0 : i32
        %dma_start3A_590 = arith.constant 0 : i32
        %dma_start3A_591 = tpu.memref_slice %arg8[%sub3A_587, %dma_start3A_588, %dma_start3A_589, %dma_start3A_590] : memref<2x8x128x16xf32, #tpu.memory_space<vmem>> -> memref<1x1x128x16xf32, #tpu.memory_space<vmem>>
        %dma_start3A_592 = tpu.memref_squeeze %dma_start3A_591 : memref<1x1x128x16xf32, #tpu.memory_space<vmem>> -> memref<128x16xf32, #tpu.memory_space<vmem>>
        %dma_start3A_593 = arith.constant 0 : i32
        %dma_start3A_594 = tpu.memref_slice %arg6[%add3A_585, %dma_start3A_593] : memref<80x128xi32, #tpu.memory_space<vmem>> -> memref<1x128xi32, #tpu.memory_space<vmem>>
        %dma_start3A_595 = tpu.memref_squeeze %dma_start3A_594 : memref<1x128xi32, #tpu.memory_space<vmem>> -> memref<128xi32, #tpu.memory_space<vmem>>
        %dma_start3A_596 = arith.constant 0 : i32
        %dma_start3A_597 = arith.constant 0 : i32
        %dma_start3A_598 = tpu.memref_slice %arg10[%dma_start3A_596, %dma_start3A_597] : memref<10240x16xf32, #tpu.memory_space<vmem_shared>> -> memref<10240x16xf32, #tpu.memory_space<vmem_shared>>
        tpu.enqueue_indirect_dma source(%dma_start3A_598 : memref<10240x16xf32, #tpu.memory_space<vmem_shared>>) target(%dma_start3A_592 : memref<128x16xf32, #tpu.memory_space<vmem>>) offsets(%dma_start3A_595 : memref<128xi32, #tpu.memory_space<vmem>>) semaphore(%arg11 : memref<!tpu.dma_semaphore, #tpu.memory_space<semaphore_mem>>)
        %add3A_599 = arith.constant 1 : i32
        %add3A_600 = arith.addi %scan3A_149, %add3A_599 : i32
        %mul3A_601 = arith.constant 8 : i32
        %mul3A_602 = arith.muli %add3A_600, %mul3A_601 : i32
        %add3A_603 = arith.constant 7 : i32
        %add3A_604 = arith.addi %mul3A_602, %add3A_603 : i32
        %sub3A_605 = arith.constant 1 : i32
        %sub3A_606 = arith.subi %sub3A_605, %rem3A_150 : i32
        %dma_start3A_607 = arith.constant 7 : i32
        %dma_start3A_608 = arith.constant 0 : i32
        %dma_start3A_609 = arith.constant 0 : i32
        %dma_start3A_610 = tpu.memref_slice %arg8[%sub3A_606, %dma_start3A_607, %dma_start3A_608, %dma_start3A_609] : memref<2x8x128x16xf32, #tpu.memory_space<vmem>> -> memref<1x1x128x16xf32, #tpu.memory_space<vmem>>
        %dma_start3A_611 = tpu.memref_squeeze %dma_start3A_610 : memref<1x1x128x16xf32, #tpu.memory_space<vmem>> -> memref<128x16xf32, #tpu.memory_space<vmem>>
        %dma_start3A_612 = arith.constant 0 : i32
        %dma_start3A_613 = tpu.memref_slice %arg6[%add3A_604, %dma_start3A_612] : memref<80x128xi32, #tpu.memory_space<vmem>> -> memref<1x128xi32, #tpu.memory_space<vmem>>
        %dma_start3A_614 = tpu.memref_squeeze %dma_start3A_613 : memref<1x128xi32, #tpu.memory_space<vmem>> -> memref<128xi32, #tpu.memory_space<vmem>>
        %dma_start3A_615 = arith.constant 0 : i32
        %dma_start3A_616 = arith.constant 0 : i32
        %dma_start3A_617 = tpu.memref_slice %arg10[%dma_start3A_615, %dma_start3A_616] : memref<10240x16xf32, #tpu.memory_space<vmem_shared>> -> memref<10240x16xf32, #tpu.memory_space<vmem_shared>>
        tpu.enqueue_indirect_dma source(%dma_start3A_617 : memref<10240x16xf32, #tpu.memory_space<vmem_shared>>) target(%dma_start3A_611 : memref<128x16xf32, #tpu.memory_space<vmem>>) offsets(%dma_start3A_614 : memref<128xi32, #tpu.memory_space<vmem>>) semaphore(%arg11 : memref<!tpu.dma_semaphore, #tpu.memory_space<semaphore_mem>>)
      } else {
      }
      %mul3A_250 = arith.constant 8 : i32
      %mul3A_251 = arith.muli %scan3A_149, %mul3A_250 : i32
      %add3A_252 = arith.constant 0 : i32
      %add3A_253 = arith.addi %mul3A_251, %add3A_252 : i32
      %dma_start3A_254 = arith.constant 0 : i32
      %dma_start3A_255 = arith.constant 0 : i32
      %dma_start3A_256 = arith.constant 0 : i32
      %dma_start3A_257 = tpu.memref_slice %arg8[%rem3A_150, %dma_start3A_254, %dma_start3A_255, %dma_start3A_256] : memref<2x8x128x16xf32, #tpu.memory_space<vmem>> -> memref<1x1x128x16xf32, #tpu.memory_space<vmem>>
      %dma_start3A_258 = tpu.memref_squeeze %dma_start3A_257 : memref<1x1x128x16xf32, #tpu.memory_space<vmem>> -> memref<128x16xf32, #tpu.memory_space<vmem>>
      %dma_start3A_259 = arith.constant 0 : i32
      %dma_start3A_260 = tpu.memref_slice %arg7[%add3A_253, %dma_start3A_259] : memref<80x128xi32, #tpu.memory_space<vmem>> -> memref<1x128xi32, #tpu.memory_space<vmem>>
      %dma_start3A_261 = tpu.memref_squeeze %dma_start3A_260 : memref<1x128xi32, #tpu.memory_space<vmem>> -> memref<128xi32, #tpu.memory_space<vmem>>
      %dma_start3A_262 = arith.constant 0 : i32
      %dma_start3A_263 = arith.constant 0 : i32
      %dma_start3A_264 = tpu.memref_slice %arg9[%dma_start3A_262, %dma_start3A_263] : memref<10240x16xf32, #tpu.memory_space<vmem_shared>> -> memref<10240x16xf32, #tpu.memory_space<vmem_shared>>
      tpu.enqueue_indirect_dma source(%dma_start3A_258 : memref<128x16xf32, #tpu.memory_space<vmem>>) target(%dma_start3A_264 : memref<10240x16xf32, #tpu.memory_space<vmem_shared>>) offsets(%dma_start3A_261 : memref<128xi32, #tpu.memory_space<vmem>>) semaphore(%arg12 : memref<!tpu.dma_semaphore, #tpu.memory_space<semaphore_mem>>) {add = true}
      %mul3A_265 = arith.constant 8 : i32
      %mul3A_266 = arith.muli %scan3A_149, %mul3A_265 : i32
      %add3A_267 = arith.constant 1 : i32
      %add3A_268 = arith.addi %mul3A_266, %add3A_267 : i32
      %dma_start3A_269 = arith.constant 1 : i32
      %dma_start3A_270 = arith.constant 0 : i32
      %dma_start3A_271 = arith.constant 0 : i32
      %dma_start3A_272 = tpu.memref_slice %arg8[%rem3A_150, %dma_start3A_269, %dma_start3A_270, %dma_start3A_271] : memref<2x8x128x16xf32, #tpu.memory_space<vmem>> -> memref<1x1x128x16xf32, #tpu.memory_space<vmem>>
      %dma_start3A_273 = tpu.memref_squeeze %dma_start3A_272 : memref<1x1x128x16xf32, #tpu.memory_space<vmem>> -> memref<128x16xf32, #tpu.memory_space<vmem>>
      %dma_start3A_274 = arith.constant 0 : i32
      %dma_start3A_275 = tpu.memref_slice %arg7[%add3A_268, %dma_start3A_274] : memref<80x128xi32, #tpu.memory_space<vmem>> -> memref<1x128xi32, #tpu.memory_space<vmem>>
      %dma_start3A_276 = tpu.memref_squeeze %dma_start3A_275 : memref<1x128xi32, #tpu.memory_space<vmem>> -> memref<128xi32, #tpu.memory_space<vmem>>
      %dma_start3A_277 = arith.constant 0 : i32
      %dma_start3A_278 = arith.constant 0 : i32
      %dma_start3A_279 = tpu.memref_slice %arg9[%dma_start3A_277, %dma_start3A_278] : memref<10240x16xf32, #tpu.memory_space<vmem_shared>> -> memref<10240x16xf32, #tpu.memory_space<vmem_shared>>
      tpu.enqueue_indirect_dma source(%dma_start3A_273 : memref<128x16xf32, #tpu.memory_space<vmem>>) target(%dma_start3A_279 : memref<10240x16xf32, #tpu.memory_space<vmem_shared>>) offsets(%dma_start3A_276 : memref<128xi32, #tpu.memory_space<vmem>>) semaphore(%arg12 : memref<!tpu.dma_semaphore, #tpu.memory_space<semaphore_mem>>) {add = true}
      %mul3A_280 = arith.constant 8 : i32
      %mul3A_281 = arith.muli %scan3A_149, %mul3A_280 : i32
      %add3A_282 = arith.constant 2 : i32
      %add3A_283 = arith.addi %mul3A_281, %add3A_282 : i32
      %dma_start3A_284 = arith.constant 2 : i32
      %dma_start3A_285 = arith.constant 0 : i32
      %dma_start3A_286 = arith.constant 0 : i32
      %dma_start3A_287 = tpu.memref_slice %arg8[%rem3A_150, %dma_start3A_284, %dma_start3A_285, %dma_start3A_286] : memref<2x8x128x16xf32, #tpu.memory_space<vmem>> -> memref<1x1x128x16xf32, #tpu.memory_space<vmem>>
      %dma_start3A_288 = tpu.memref_squeeze %dma_start3A_287 : memref<1x1x128x16xf32, #tpu.memory_space<vmem>> -> memref<128x16xf32, #tpu.memory_space<vmem>>
      %dma_start3A_289 = arith.constant 0 : i32
      %dma_start3A_290 = tpu.memref_slice %arg7[%add3A_283, %dma_start3A_289] : memref<80x128xi32, #tpu.memory_space<vmem>> -> memref<1x128xi32, #tpu.memory_space<vmem>>
      %dma_start3A_291 = tpu.memref_squeeze %dma_start3A_290 : memref<1x128xi32, #tpu.memory_space<vmem>> -> memref<128xi32, #tpu.memory_space<vmem>>
      %dma_start3A_292 = arith.constant 0 : i32
      %dma_start3A_293 = arith.constant 0 : i32
      %dma_start3A_294 = tpu.memref_slice %arg9[%dma_start3A_292, %dma_start3A_293] : memref<10240x16xf32, #tpu.memory_space<vmem_shared>> -> memref<10240x16xf32, #tpu.memory_space<vmem_shared>>
      tpu.enqueue_indirect_dma source(%dma_start3A_288 : memref<128x16xf32, #tpu.memory_space<vmem>>) target(%dma_start3A_294 : memref<10240x16xf32, #tpu.memory_space<vmem_shared>>) offsets(%dma_start3A_291 : memref<128xi32, #tpu.memory_space<vmem>>) semaphore(%arg12 : memref<!tpu.dma_semaphore, #tpu.memory_space<semaphore_mem>>) {add = true}
      %mul3A_295 = arith.constant 8 : i32
      %mul3A_296 = arith.muli %scan3A_149, %mul3A_295 : i32
      %add3A_297 = arith.constant 3 : i32
      %add3A_298 = arith.addi %mul3A_296, %add3A_297 : i32
      %dma_start3A_299 = arith.constant 3 : i32
      %dma_start3A_300 = arith.constant 0 : i32
      %dma_start3A_301 = arith.constant 0 : i32
      %dma_start3A_302 = tpu.memref_slice %arg8[%rem3A_150, %dma_start3A_299, %dma_start3A_300, %dma_start3A_301] : memref<2x8x128x16xf32, #tpu.memory_space<vmem>> -> memref<1x1x128x16xf32, #tpu.memory_space<vmem>>
      %dma_start3A_303 = tpu.memref_squeeze %dma_start3A_302 : memref<1x1x128x16xf32, #tpu.memory_space<vmem>> -> memref<128x16xf32, #tpu.memory_space<vmem>>
      %dma_start3A_304 = arith.constant 0 : i32
      %dma_start3A_305 = tpu.memref_slice %arg7[%add3A_298, %dma_start3A_304] : memref<80x128xi32, #tpu.memory_space<vmem>> -> memref<1x128xi32, #tpu.memory_space<vmem>>
      %dma_start3A_306 = tpu.memref_squeeze %dma_start3A_305 : memref<1x128xi32, #tpu.memory_space<vmem>> -> memref<128xi32, #tpu.memory_space<vmem>>
      %dma_start3A_307 = arith.constant 0 : i32
      %dma_start3A_308 = arith.constant 0 : i32
      %dma_start3A_309 = tpu.memref_slice %arg9[%dma_start3A_307, %dma_start3A_308] : memref<10240x16xf32, #tpu.memory_space<vmem_shared>> -> memref<10240x16xf32, #tpu.memory_space<vmem_shared>>
      tpu.enqueue_indirect_dma source(%dma_start3A_303 : memref<128x16xf32, #tpu.memory_space<vmem>>) target(%dma_start3A_309 : memref<10240x16xf32, #tpu.memory_space<vmem_shared>>) offsets(%dma_start3A_306 : memref<128xi32, #tpu.memory_space<vmem>>) semaphore(%arg12 : memref<!tpu.dma_semaphore, #tpu.memory_space<semaphore_mem>>) {add = true}
      %mul3A_310 = arith.constant 8 : i32
      %mul3A_311 = arith.muli %scan3A_149, %mul3A_310 : i32
      %add3A_312 = arith.constant 4 : i32
      %add3A_313 = arith.addi %mul3A_311, %add3A_312 : i32
      %dma_start3A_314 = arith.constant 4 : i32
      %dma_start3A_315 = arith.constant 0 : i32
      %dma_start3A_316 = arith.constant 0 : i32
      %dma_start3A_317 = tpu.memref_slice %arg8[%rem3A_150, %dma_start3A_314, %dma_start3A_315, %dma_start3A_316] : memref<2x8x128x16xf32, #tpu.memory_space<vmem>> -> memref<1x1x128x16xf32, #tpu.memory_space<vmem>>
      %dma_start3A_318 = tpu.memref_squeeze %dma_start3A_317 : memref<1x1x128x16xf32, #tpu.memory_space<vmem>> -> memref<128x16xf32, #tpu.memory_space<vmem>>
      %dma_start3A_319 = arith.constant 0 : i32
      %dma_start3A_320 = tpu.memref_slice %arg7[%add3A_313, %dma_start3A_319] : memref<80x128xi32, #tpu.memory_space<vmem>> -> memref<1x128xi32, #tpu.memory_space<vmem>>
      %dma_start3A_321 = tpu.memref_squeeze %dma_start3A_320 : memref<1x128xi32, #tpu.memory_space<vmem>> -> memref<128xi32, #tpu.memory_space<vmem>>
      %dma_start3A_322 = arith.constant 0 : i32
      %dma_start3A_323 = arith.constant 0 : i32
      %dma_start3A_324 = tpu.memref_slice %arg9[%dma_start3A_322, %dma_start3A_323] : memref<10240x16xf32, #tpu.memory_space<vmem_shared>> -> memref<10240x16xf32, #tpu.memory_space<vmem_shared>>
      tpu.enqueue_indirect_dma source(%dma_start3A_318 : memref<128x16xf32, #tpu.memory_space<vmem>>) target(%dma_start3A_324 : memref<10240x16xf32, #tpu.memory_space<vmem_shared>>) offsets(%dma_start3A_321 : memref<128xi32, #tpu.memory_space<vmem>>) semaphore(%arg12 : memref<!tpu.dma_semaphore, #tpu.memory_space<semaphore_mem>>) {add = true}
      %mul3A_325 = arith.constant 8 : i32
      %mul3A_326 = arith.muli %scan3A_149, %mul3A_325 : i32
      %add3A_327 = arith.constant 5 : i32
      %add3A_328 = arith.addi %mul3A_326, %add3A_327 : i32
      %dma_start3A_329 = arith.constant 5 : i32
      %dma_start3A_330 = arith.constant 0 : i32
      %dma_start3A_331 = arith.constant 0 : i32
      %dma_start3A_332 = tpu.memref_slice %arg8[%rem3A_150, %dma_start3A_329, %dma_start3A_330, %dma_start3A_331] : memref<2x8x128x16xf32, #tpu.memory_space<vmem>> -> memref<1x1x128x16xf32, #tpu.memory_space<vmem>>
      %dma_start3A_333 = tpu.memref_squeeze %dma_start3A_332 : memref<1x1x128x16xf32, #tpu.memory_space<vmem>> -> memref<128x16xf32, #tpu.memory_space<vmem>>
      %dma_start3A_334 = arith.constant 0 : i32
      %dma_start3A_335 = tpu.memref_slice %arg7[%add3A_328, %dma_start3A_334] : memref<80x128xi32, #tpu.memory_space<vmem>> -> memref<1x128xi32, #tpu.memory_space<vmem>>
      %dma_start3A_336 = tpu.memref_squeeze %dma_start3A_335 : memref<1x128xi32, #tpu.memory_space<vmem>> -> memref<128xi32, #tpu.memory_space<vmem>>
      %dma_start3A_337 = arith.constant 0 : i32
      %dma_start3A_338 = arith.constant 0 : i32
      %dma_start3A_339 = tpu.memref_slice %arg9[%dma_start3A_337, %dma_start3A_338] : memref<10240x16xf32, #tpu.memory_space<vmem_shared>> -> memref<10240x16xf32, #tpu.memory_space<vmem_shared>>
      tpu.enqueue_indirect_dma source(%dma_start3A_333 : memref<128x16xf32, #tpu.memory_space<vmem>>) target(%dma_start3A_339 : memref<10240x16xf32, #tpu.memory_space<vmem_shared>>) offsets(%dma_start3A_336 : memref<128xi32, #tpu.memory_space<vmem>>) semaphore(%arg12 : memref<!tpu.dma_semaphore, #tpu.memory_space<semaphore_mem>>) {add = true}
      %mul3A_340 = arith.constant 8 : i32
      %mul3A_341 = arith.muli %scan3A_149, %mul3A_340 : i32
      %add3A_342 = arith.constant 6 : i32
      %add3A_343 = arith.addi %mul3A_341, %add3A_342 : i32
      %dma_start3A_344 = arith.constant 6 : i32
      %dma_start3A_345 = arith.constant 0 : i32
      %dma_start3A_346 = arith.constant 0 : i32
      %dma_start3A_347 = tpu.memref_slice %arg8[%rem3A_150, %dma_start3A_344, %dma_start3A_345, %dma_start3A_346] : memref<2x8x128x16xf32, #tpu.memory_space<vmem>> -> memref<1x1x128x16xf32, #tpu.memory_space<vmem>>
      %dma_start3A_348 = tpu.memref_squeeze %dma_start3A_347 : memref<1x1x128x16xf32, #tpu.memory_space<vmem>> -> memref<128x16xf32, #tpu.memory_space<vmem>>
      %dma_start3A_349 = arith.constant 0 : i32
      %dma_start3A_350 = tpu.memref_slice %arg7[%add3A_343, %dma_start3A_349] : memref<80x128xi32, #tpu.memory_space<vmem>> -> memref<1x128xi32, #tpu.memory_space<vmem>>
      %dma_start3A_351 = tpu.memref_squeeze %dma_start3A_350 : memref<1x128xi32, #tpu.memory_space<vmem>> -> memref<128xi32, #tpu.memory_space<vmem>>
      %dma_start3A_352 = arith.constant 0 : i32
      %dma_start3A_353 = arith.constant 0 : i32
      %dma_start3A_354 = tpu.memref_slice %arg9[%dma_start3A_352, %dma_start3A_353] : memref<10240x16xf32, #tpu.memory_space<vmem_shared>> -> memref<10240x16xf32, #tpu.memory_space<vmem_shared>>
      tpu.enqueue_indirect_dma source(%dma_start3A_348 : memref<128x16xf32, #tpu.memory_space<vmem>>) target(%dma_start3A_354 : memref<10240x16xf32, #tpu.memory_space<vmem_shared>>) offsets(%dma_start3A_351 : memref<128xi32, #tpu.memory_space<vmem>>) semaphore(%arg12 : memref<!tpu.dma_semaphore, #tpu.memory_space<semaphore_mem>>) {add = true}
      %mul3A_355 = arith.constant 8 : i32
      %mul3A_356 = arith.muli %scan3A_149, %mul3A_355 : i32
      %add3A_357 = arith.constant 7 : i32
      %add3A_358 = arith.addi %mul3A_356, %add3A_357 : i32
      %dma_start3A_359 = arith.constant 7 : i32
      %dma_start3A_360 = arith.constant 0 : i32
      %dma_start3A_361 = arith.constant 0 : i32
      %dma_start3A_362 = tpu.memref_slice %arg8[%rem3A_150, %dma_start3A_359, %dma_start3A_360, %dma_start3A_361] : memref<2x8x128x16xf32, #tpu.memory_space<vmem>> -> memref<1x1x128x16xf32, #tpu.memory_space<vmem>>
      %dma_start3A_363 = tpu.memref_squeeze %dma_start3A_362 : memref<1x1x128x16xf32, #tpu.memory_space<vmem>> -> memref<128x16xf32, #tpu.memory_space<vmem>>
      %dma_start3A_364 = arith.constant 0 : i32
      %dma_start3A_365 = tpu.memref_slice %arg7[%add3A_358, %dma_start3A_364] : memref<80x128xi32, #tpu.memory_space<vmem>> -> memref<1x128xi32, #tpu.memory_space<vmem>>
      %dma_start3A_366 = tpu.memref_squeeze %dma_start3A_365 : memref<1x128xi32, #tpu.memory_space<vmem>> -> memref<128xi32, #tpu.memory_space<vmem>>
      %dma_start3A_367 = arith.constant 0 : i32
      %dma_start3A_368 = arith.constant 0 : i32
      %dma_start3A_369 = tpu.memref_slice %arg9[%dma_start3A_367, %dma_start3A_368] : memref<10240x16xf32, #tpu.memory_space<vmem_shared>> -> memref<10240x16xf32, #tpu.memory_space<vmem_shared>>
      tpu.enqueue_indirect_dma source(%dma_start3A_363 : memref<128x16xf32, #tpu.memory_space<vmem>>) target(%dma_start3A_369 : memref<10240x16xf32, #tpu.memory_space<vmem_shared>>) offsets(%dma_start3A_366 : memref<128xi32, #tpu.memory_space<vmem>>) semaphore(%arg12 : memref<!tpu.dma_semaphore, #tpu.memory_space<semaphore_mem>>) {add = true}
      %dma_wait3A_370 = arith.constant 0 : i32
      %dma_wait3A_371 = arith.constant 0 : i32
      %dma_wait3A_372 = arith.constant 0 : i32
      %dma_wait3A_373 = arith.constant 0 : i32
      %dma_wait3A_374 = tpu.memref_slice %arg8[%rem3A_150, %dma_wait3A_370, %dma_wait3A_372, %dma_wait3A_373] : memref<2x8x128x16xf32, #tpu.memory_space<vmem>> -> memref<1x1x128x16xf32, #tpu.memory_space<vmem>>
      %dma_wait3A_375 = tpu.memref_squeeze %dma_wait3A_374 : memref<1x1x128x16xf32, #tpu.memory_space<vmem>> -> memref<128x16xf32, #tpu.memory_space<vmem>>
      %dma_wait3A_376 = arith.constant 0 : i32
      %dma_wait3A_377 = tpu.memref_slice %arg7[%dma_wait3A_371, %dma_wait3A_376] : memref<80x128xi32, #tpu.memory_space<vmem>> -> memref<1x128xi32, #tpu.memory_space<vmem>>
      %dma_wait3A_378 = tpu.memref_squeeze %dma_wait3A_377 : memref<1x128xi32, #tpu.memory_space<vmem>> -> memref<128xi32, #tpu.memory_space<vmem>>
      %dma_wait3A_379 = arith.constant 0 : i32
      %dma_wait3A_380 = arith.constant 0 : i32
      %dma_wait3A_381 = tpu.memref_slice %arg9[%dma_wait3A_379, %dma_wait3A_380] : memref<10240x16xf32, #tpu.memory_space<vmem_shared>> -> memref<10240x16xf32, #tpu.memory_space<vmem_shared>>
      tpu.wait_indirect_dma semaphore(%arg12 : memref<!tpu.dma_semaphore, #tpu.memory_space<semaphore_mem>>) src(%dma_wait3A_375 : memref<128x16xf32, #tpu.memory_space<vmem>>) dst(%dma_wait3A_381 : memref<10240x16xf32, #tpu.memory_space<vmem_shared>>)
      %dma_wait3A_382 = arith.constant 1 : i32
      %dma_wait3A_383 = arith.constant 0 : i32
      %dma_wait3A_384 = arith.constant 0 : i32
      %dma_wait3A_385 = arith.constant 0 : i32
      %dma_wait3A_386 = tpu.memref_slice %arg8[%rem3A_150, %dma_wait3A_382, %dma_wait3A_384, %dma_wait3A_385] : memref<2x8x128x16xf32, #tpu.memory_space<vmem>> -> memref<1x1x128x16xf32, #tpu.memory_space<vmem>>
      %dma_wait3A_387 = tpu.memref_squeeze %dma_wait3A_386 : memref<1x1x128x16xf32, #tpu.memory_space<vmem>> -> memref<128x16xf32, #tpu.memory_space<vmem>>
      %dma_wait3A_388 = arith.constant 0 : i32
      %dma_wait3A_389 = tpu.memref_slice %arg7[%dma_wait3A_383, %dma_wait3A_388] : memref<80x128xi32, #tpu.memory_space<vmem>> -> memref<1x128xi32, #tpu.memory_space<vmem>>
      %dma_wait3A_390 = tpu.memref_squeeze %dma_wait3A_389 : memref<1x128xi32, #tpu.memory_space<vmem>> -> memref<128xi32, #tpu.memory_space<vmem>>
      %dma_wait3A_391 = arith.constant 0 : i32
      %dma_wait3A_392 = arith.constant 0 : i32
      %dma_wait3A_393 = tpu.memref_slice %arg9[%dma_wait3A_391, %dma_wait3A_392] : memref<10240x16xf32, #tpu.memory_space<vmem_shared>> -> memref<10240x16xf32, #tpu.memory_space<vmem_shared>>
      tpu.wait_indirect_dma semaphore(%arg12 : memref<!tpu.dma_semaphore, #tpu.memory_space<semaphore_mem>>) src(%dma_wait3A_387 : memref<128x16xf32, #tpu.memory_space<vmem>>) dst(%dma_wait3A_393 : memref<10240x16xf32, #tpu.memory_space<vmem_shared>>)
      %dma_wait3A_394 = arith.constant 2 : i32
      %dma_wait3A_395 = arith.constant 0 : i32
      %dma_wait3A_396 = arith.constant 0 : i32
      %dma_wait3A_397 = arith.constant 0 : i32
      %dma_wait3A_398 = tpu.memref_slice %arg8[%rem3A_150, %dma_wait3A_394, %dma_wait3A_396, %dma_wait3A_397] : memref<2x8x128x16xf32, #tpu.memory_space<vmem>> -> memref<1x1x128x16xf32, #tpu.memory_space<vmem>>
      %dma_wait3A_399 = tpu.memref_squeeze %dma_wait3A_398 : memref<1x1x128x16xf32, #tpu.memory_space<vmem>> -> memref<128x16xf32, #tpu.memory_space<vmem>>
      %dma_wait3A_400 = arith.constant 0 : i32
      %dma_wait3A_401 = tpu.memref_slice %arg7[%dma_wait3A_395, %dma_wait3A_400] : memref<80x128xi32, #tpu.memory_space<vmem>> -> memref<1x128xi32, #tpu.memory_space<vmem>>
      %dma_wait3A_402 = tpu.memref_squeeze %dma_wait3A_401 : memref<1x128xi32, #tpu.memory_space<vmem>> -> memref<128xi32, #tpu.memory_space<vmem>>
      %dma_wait3A_403 = arith.constant 0 : i32
      %dma_wait3A_404 = arith.constant 0 : i32
      %dma_wait3A_405 = tpu.memref_slice %arg9[%dma_wait3A_403, %dma_wait3A_404] : memref<10240x16xf32, #tpu.memory_space<vmem_shared>> -> memref<10240x16xf32, #tpu.memory_space<vmem_shared>>
      tpu.wait_indirect_dma semaphore(%arg12 : memref<!tpu.dma_semaphore, #tpu.memory_space<semaphore_mem>>) src(%dma_wait3A_399 : memref<128x16xf32, #tpu.memory_space<vmem>>) dst(%dma_wait3A_405 : memref<10240x16xf32, #tpu.memory_space<vmem_shared>>)
      %dma_wait3A_406 = arith.constant 3 : i32
      %dma_wait3A_407 = arith.constant 0 : i32
      %dma_wait3A_408 = arith.constant 0 : i32
      %dma_wait3A_409 = arith.constant 0 : i32
      %dma_wait3A_410 = tpu.memref_slice %arg8[%rem3A_150, %dma_wait3A_406, %dma_wait3A_408, %dma_wait3A_409] : memref<2x8x128x16xf32, #tpu.memory_space<vmem>> -> memref<1x1x128x16xf32, #tpu.memory_space<vmem>>
      %dma_wait3A_411 = tpu.memref_squeeze %dma_wait3A_410 : memref<1x1x128x16xf32, #tpu.memory_space<vmem>> -> memref<128x16xf32, #tpu.memory_space<vmem>>
      %dma_wait3A_412 = arith.constant 0 : i32
      %dma_wait3A_413 = tpu.memref_slice %arg7[%dma_wait3A_407, %dma_wait3A_412] : memref<80x128xi32, #tpu.memory_space<vmem>> -> memref<1x128xi32, #tpu.memory_space<vmem>>
      %dma_wait3A_414 = tpu.memref_squeeze %dma_wait3A_413 : memref<1x128xi32, #tpu.memory_space<vmem>> -> memref<128xi32, #tpu.memory_space<vmem>>
      %dma_wait3A_415 = arith.constant 0 : i32
      %dma_wait3A_416 = arith.constant 0 : i32
      %dma_wait3A_417 = tpu.memref_slice %arg9[%dma_wait3A_415, %dma_wait3A_416] : memref<10240x16xf32, #tpu.memory_space<vmem_shared>> -> memref<10240x16xf32, #tpu.memory_space<vmem_shared>>
      tpu.wait_indirect_dma semaphore(%arg12 : memref<!tpu.dma_semaphore, #tpu.memory_space<semaphore_mem>>) src(%dma_wait3A_411 : memref<128x16xf32, #tpu.memory_space<vmem>>) dst(%dma_wait3A_417 : memref<10240x16xf32, #tpu.memory_space<vmem_shared>>)
      %dma_wait3A_418 = arith.constant 4 : i32
      %dma_wait3A_419 = arith.constant 0 : i32
      %dma_wait3A_420 = arith.constant 0 : i32
      %dma_wait3A_421 = arith.constant 0 : i32
      %dma_wait3A_422 = tpu.memref_slice %arg8[%rem3A_150, %dma_wait3A_418, %dma_wait3A_420, %dma_wait3A_421] : memref<2x8x128x16xf32, #tpu.memory_space<vmem>> -> memref<1x1x128x16xf32, #tpu.memory_space<vmem>>
      %dma_wait3A_423 = tpu.memref_squeeze %dma_wait3A_422 : memref<1x1x128x16xf32, #tpu.memory_space<vmem>> -> memref<128x16xf32, #tpu.memory_space<vmem>>
      %dma_wait3A_424 = arith.constant 0 : i32
      %dma_wait3A_425 = tpu.memref_slice %arg7[%dma_wait3A_419, %dma_wait3A_424] : memref<80x128xi32, #tpu.memory_space<vmem>> -> memref<1x128xi32, #tpu.memory_space<vmem>>
      %dma_wait3A_426 = tpu.memref_squeeze %dma_wait3A_425 : memref<1x128xi32, #tpu.memory_space<vmem>> -> memref<128xi32, #tpu.memory_space<vmem>>
      %dma_wait3A_427 = arith.constant 0 : i32
      %dma_wait3A_428 = arith.constant 0 : i32
      %dma_wait3A_429 = tpu.memref_slice %arg9[%dma_wait3A_427, %dma_wait3A_428] : memref<10240x16xf32, #tpu.memory_space<vmem_shared>> -> memref<10240x16xf32, #tpu.memory_space<vmem_shared>>
      tpu.wait_indirect_dma semaphore(%arg12 : memref<!tpu.dma_semaphore, #tpu.memory_space<semaphore_mem>>) src(%dma_wait3A_423 : memref<128x16xf32, #tpu.memory_space<vmem>>) dst(%dma_wait3A_429 : memref<10240x16xf32, #tpu.memory_space<vmem_shared>>)
      %dma_wait3A_430 = arith.constant 5 : i32
      %dma_wait3A_431 = arith.constant 0 : i32
      %dma_wait3A_432 = arith.constant 0 : i32
      %dma_wait3A_433 = arith.constant 0 : i32
      %dma_wait3A_434 = tpu.memref_slice %arg8[%rem3A_150, %dma_wait3A_430, %dma_wait3A_432, %dma_wait3A_433] : memref<2x8x128x16xf32, #tpu.memory_space<vmem>> -> memref<1x1x128x16xf32, #tpu.memory_space<vmem>>
      %dma_wait3A_435 = tpu.memref_squeeze %dma_wait3A_434 : memref<1x1x128x16xf32, #tpu.memory_space<vmem>> -> memref<128x16xf32, #tpu.memory_space<vmem>>
      %dma_wait3A_436 = arith.constant 0 : i32
      %dma_wait3A_437 = tpu.memref_slice %arg7[%dma_wait3A_431, %dma_wait3A_436] : memref<80x128xi32, #tpu.memory_space<vmem>> -> memref<1x128xi32, #tpu.memory_space<vmem>>
      %dma_wait3A_438 = tpu.memref_squeeze %dma_wait3A_437 : memref<1x128xi32, #tpu.memory_space<vmem>> -> memref<128xi32, #tpu.memory_space<vmem>>
      %dma_wait3A_439 = arith.constant 0 : i32
      %dma_wait3A_440 = arith.constant 0 : i32
      %dma_wait3A_441 = tpu.memref_slice %arg9[%dma_wait3A_439, %dma_wait3A_440] : memref<10240x16xf32, #tpu.memory_space<vmem_shared>> -> memref<10240x16xf32, #tpu.memory_space<vmem_shared>>
      tpu.wait_indirect_dma semaphore(%arg12 : memref<!tpu.dma_semaphore, #tpu.memory_space<semaphore_mem>>) src(%dma_wait3A_435 : memref<128x16xf32, #tpu.memory_space<vmem>>) dst(%dma_wait3A_441 : memref<10240x16xf32, #tpu.memory_space<vmem_shared>>)
      %dma_wait3A_442 = arith.constant 6 : i32
      %dma_wait3A_443 = arith.constant 0 : i32
      %dma_wait3A_444 = arith.constant 0 : i32
      %dma_wait3A_445 = arith.constant 0 : i32
      %dma_wait3A_446 = tpu.memref_slice %arg8[%rem3A_150, %dma_wait3A_442, %dma_wait3A_444, %dma_wait3A_445] : memref<2x8x128x16xf32, #tpu.memory_space<vmem>> -> memref<1x1x128x16xf32, #tpu.memory_space<vmem>>
      %dma_wait3A_447 = tpu.memref_squeeze %dma_wait3A_446 : memref<1x1x128x16xf32, #tpu.memory_space<vmem>> -> memref<128x16xf32, #tpu.memory_space<vmem>>
      %dma_wait3A_448 = arith.constant 0 : i32
      %dma_wait3A_449 = tpu.memref_slice %arg7[%dma_wait3A_443, %dma_wait3A_448] : memref<80x128xi32, #tpu.memory_space<vmem>> -> memref<1x128xi32, #tpu.memory_space<vmem>>
      %dma_wait3A_450 = tpu.memref_squeeze %dma_wait3A_449 : memref<1x128xi32, #tpu.memory_space<vmem>> -> memref<128xi32, #tpu.memory_space<vmem>>
      %dma_wait3A_451 = arith.constant 0 : i32
      %dma_wait3A_452 = arith.constant 0 : i32
      %dma_wait3A_453 = tpu.memref_slice %arg9[%dma_wait3A_451, %dma_wait3A_452] : memref<10240x16xf32, #tpu.memory_space<vmem_shared>> -> memref<10240x16xf32, #tpu.memory_space<vmem_shared>>
      tpu.wait_indirect_dma semaphore(%arg12 : memref<!tpu.dma_semaphore, #tpu.memory_space<semaphore_mem>>) src(%dma_wait3A_447 : memref<128x16xf32, #tpu.memory_space<vmem>>) dst(%dma_wait3A_453 : memref<10240x16xf32, #tpu.memory_space<vmem_shared>>)
      %dma_wait3A_454 = arith.constant 7 : i32
      %dma_wait3A_455 = arith.constant 0 : i32
      %dma_wait3A_456 = arith.constant 0 : i32
      %dma_wait3A_457 = arith.constant 0 : i32
      %dma_wait3A_458 = tpu.memref_slice %arg8[%rem3A_150, %dma_wait3A_454, %dma_wait3A_456, %dma_wait3A_457] : memref<2x8x128x16xf32, #tpu.memory_space<vmem>> -> memref<1x1x128x16xf32, #tpu.memory_space<vmem>>
      %dma_wait3A_459 = tpu.memref_squeeze %dma_wait3A_458 : memref<1x1x128x16xf32, #tpu.memory_space<vmem>> -> memref<128x16xf32, #tpu.memory_space<vmem>>
      %dma_wait3A_460 = arith.constant 0 : i32
      %dma_wait3A_461 = tpu.memref_slice %arg7[%dma_wait3A_455, %dma_wait3A_460] : memref<80x128xi32, #tpu.memory_space<vmem>> -> memref<1x128xi32, #tpu.memory_space<vmem>>
      %dma_wait3A_462 = tpu.memref_squeeze %dma_wait3A_461 : memref<1x128xi32, #tpu.memory_space<vmem>> -> memref<128xi32, #tpu.memory_space<vmem>>
      %dma_wait3A_463 = arith.constant 0 : i32
      %dma_wait3A_464 = arith.constant 0 : i32
      %dma_wait3A_465 = tpu.memref_slice %arg9[%dma_wait3A_463, %dma_wait3A_464] : memref<10240x16xf32, #tpu.memory_space<vmem_shared>> -> memref<10240x16xf32, #tpu.memory_space<vmem_shared>>
      tpu.wait_indirect_dma semaphore(%arg12 : memref<!tpu.dma_semaphore, #tpu.memory_space<semaphore_mem>>) src(%dma_wait3A_459 : memref<128x16xf32, #tpu.memory_space<vmem>>) dst(%dma_wait3A_465 : memref<10240x16xf32, #tpu.memory_space<vmem_shared>>)
    }
    %scan3A_143 = arith.constant 10 : i32
    %barrier3A_144 = arith.constant 0 : index
    tpu.barrier barrier_id(%barrier3A_144)
    %mul3A_145 = arith.constant 640 : i32
    %mul3A_146 = arith.muli %arg1, %mul3A_145 : i32
    %mul3A_147 = arith.constant 640 : i32
    %mul3A_148 = arith.muli %arg1, %mul3A_147 : i32
    "tpu.region"() ({
      %run_scoped3A_149 = tpu.sem_alloc : memref<!tpu.dma_semaphore, #tpu.memory_space<semaphore_mem>>
      %dma_start3A_150 = arith.constant 0 : i32
      %dma_start3A_151 = tpu.memref_slice %arg5[%arg0, %mul3A_148, %dma_start3A_150] : memref<2x10240x16xf32, #tpu.memory_space<hbm>> -> memref<1x640x16xf32, #tpu.memory_space<hbm>>
      %dma_start3A_152 = tpu.memref_squeeze %dma_start3A_151 : memref<1x640x16xf32, #tpu.memory_space<hbm>> -> memref<640x16xf32, #tpu.memory_space<hbm>>
      %dma_start3A_153 = arith.constant 0 : i32
      %dma_start3A_154 = tpu.memref_slice %arg9[%mul3A_146, %dma_start3A_153] : memref<10240x16xf32, #tpu.memory_space<vmem_shared>> -> memref<640x16xf32, #tpu.memory_space<vmem_shared>>
      tpu.enqueue_dma source(%dma_start3A_154 : memref<640x16xf32, #tpu.memory_space<vmem_shared>>) target(%dma_start3A_152 : memref<640x16xf32, #tpu.memory_space<hbm>>) target_semaphore(%run_scoped3A_149 : memref<!tpu.dma_semaphore, #tpu.memory_space<semaphore_mem>>)
      %dma_wait3A = arith.constant 0 : i32
      %dma_wait3A_155 = tpu.memref_slice %arg5[%arg0, %mul3A_148, %dma_wait3A] : memref<2x10240x16xf32, #tpu.memory_space<hbm>> -> memref<1x640x16xf32, #tpu.memory_space<hbm>>
      %dma_wait3A_156 = tpu.memref_squeeze %dma_wait3A_155 : memref<1x640x16xf32, #tpu.memory_space<hbm>> -> memref<640x16xf32, #tpu.memory_space<hbm>>
      %dma_wait3A_157 = arith.constant 0 : i32
      %dma_wait3A_158 = tpu.memref_slice %arg9[%mul3A_146, %dma_wait3A_157] : memref<10240x16xf32, #tpu.memory_space<vmem_shared>> -> memref<640x16xf32, #tpu.memory_space<vmem_shared>>
      tpu.wait_dma2 semaphore(%run_scoped3A_149 : memref<!tpu.dma_semaphore, #tpu.memory_space<semaphore_mem>>) src(%dma_wait3A_158 : memref<640x16xf32, #tpu.memory_space<vmem_shared>>) dst(%dma_wait3A_156 : memref<640x16xf32, #tpu.memory_space<hbm>>)
      tpu.yield
    }) : () -> ()
    return
  }
}

#map = affine_map<(d0, d1) -> (0, 0)>
#map1 = affine_map<(d0, d1) -> (0, 0, 0)>
module attributes {stable_mosaic.version = 14 : i64} {
  func.func @gs_kernel(%arg0: i32, %arg1: i32, %arg2: memref<10240x32xf32, #tpu.memory_space<hbm>>, %arg3: memref<2x2500x128xi32, #tpu.memory_space<hbm>>, %arg4: memref<10240x32xf32, #tpu.memory_space<hbm>>, %arg5: memref<2x10240x32xf32, #tpu.memory_space<hbm>>, %arg6: memref<80x128xi32, #tpu.memory_space<vmem>>, %arg7: memref<80x128xi32, #tpu.memory_space<vmem>>, %arg8: memref<2x8x128x32xf32, #tpu.memory_space<vmem>>, %arg9: memref<10240x32xf32, #tpu.memory_space<vmem_shared>>, %arg10: memref<10240x32xf32, #tpu.memory_space<vmem_shared>>, %arg11: memref<!tpu.dma_semaphore, #tpu.memory_space<semaphore_mem>>, %arg12: memref<!tpu.dma_semaphore, #tpu.memory_space<semaphore_mem>>) attributes {dimension_semantics = [#tpu.dimension_semantics<core_parallel>, #tpu.dimension_semantics<subcore_parallel>], iteration_bounds = array<i64: 2, 16>, scalar_prefetch = 0 : i64, scratch_operands = 7 : i64, tpu.core_type = #tpu.core_type<sc_vector_subcore>, window_params = [{transform_indices = #map}, {transform_indices = #map1}, {transform_indices = #map}, {transform_indices = #map1}]} {
    %mul3A = arith.constant 2 : i32
    %mul3A_0 = arith.muli %arg1, %mul3A : i32
    %add3A = arith.addi %mul3A_0, %arg0 : i32
    %mul3A_1 = arith.constant 78 : i32
    %mul3A_2 = arith.muli %add3A, %mul3A_1 : i32
    %sub3A = arith.constant 28 : i32
    %sub3A_3 = arith.subi %add3A, %sub3A : i32
    %max3A = arith.constant 0 : i32
    %max3A_4 = arith.maxsi %max3A, %sub3A_3 : i32
    %add3A_5 = arith.addi %mul3A_2, %max3A_4 : i32
    %ge3A = arith.constant 28 : i32
    %ge3A_6 = arith.cmpi sge, %add3A, %ge3A : i32
    %jit3A = arith.constant 1 : i32
    %jit3A_7 = arith.constant 0 : i32
    %select_n3A = arith.select %ge3A_6, %jit3A, %jit3A_7 : i32
    %add3A_8 = arith.constant 78 : i32
    %add3A_9 = arith.addi %add3A_8, %select_n3A : i32
    %mul3A_10 = arith.constant 640 : i32
    %mul3A_11 = arith.muli %arg1, %mul3A_10 : i32
    %mul3A_12 = arith.constant 640 : i32
    %mul3A_13 = arith.muli %arg1, %mul3A_12 : i32
    "tpu.region"() ({
      %run_scoped3A_149 = tpu.sem_alloc : memref<!tpu.dma_semaphore, #tpu.memory_space<semaphore_mem>>
      %dma_start3A_150 = arith.constant 0 : i32
      %dma_start3A_151 = tpu.memref_slice %arg9[%mul3A_13, %dma_start3A_150] : memref<10240x32xf32, #tpu.memory_space<vmem_shared>> -> memref<640x32xf32, #tpu.memory_space<vmem_shared>>
      %dma_start3A_152 = arith.constant 0 : i32
      %dma_start3A_153 = tpu.memref_slice %arg4[%mul3A_11, %dma_start3A_152] : memref<10240x32xf32, #tpu.memory_space<hbm>> -> memref<640x32xf32, #tpu.memory_space<hbm>>
      tpu.enqueue_dma source(%dma_start3A_153 : memref<640x32xf32, #tpu.memory_space<hbm>>) target(%dma_start3A_151 : memref<640x32xf32, #tpu.memory_space<vmem_shared>>) target_semaphore(%run_scoped3A_149 : memref<!tpu.dma_semaphore, #tpu.memory_space<semaphore_mem>>)
      %dma_wait3A = arith.constant 0 : i32
      %dma_wait3A_154 = tpu.memref_slice %arg9[%mul3A_13, %dma_wait3A] : memref<10240x32xf32, #tpu.memory_space<vmem_shared>> -> memref<640x32xf32, #tpu.memory_space<vmem_shared>>
      %dma_wait3A_155 = arith.constant 0 : i32
      %dma_wait3A_156 = tpu.memref_slice %arg4[%mul3A_11, %dma_wait3A_155] : memref<10240x32xf32, #tpu.memory_space<hbm>> -> memref<640x32xf32, #tpu.memory_space<hbm>>
      tpu.wait_dma2 semaphore(%run_scoped3A_149 : memref<!tpu.dma_semaphore, #tpu.memory_space<semaphore_mem>>) src(%dma_wait3A_156 : memref<640x32xf32, #tpu.memory_space<hbm>>) dst(%dma_wait3A_154 : memref<640x32xf32, #tpu.memory_space<vmem_shared>>)
      tpu.yield
    }) : () -> ()
    %mul3A_14 = arith.constant 640 : i32
    %mul3A_15 = arith.muli %arg1, %mul3A_14 : i32
    %mul3A_16 = arith.constant 640 : i32
    %mul3A_17 = arith.muli %arg1, %mul3A_16 : i32
    "tpu.region"() ({
      %run_scoped3A_149 = tpu.sem_alloc : memref<!tpu.dma_semaphore, #tpu.memory_space<semaphore_mem>>
      %dma_start3A_150 = arith.constant 0 : i32
      %dma_start3A_151 = tpu.memref_slice %arg10[%mul3A_17, %dma_start3A_150] : memref<10240x32xf32, #tpu.memory_space<vmem_shared>> -> memref<640x32xf32, #tpu.memory_space<vmem_shared>>
      %dma_start3A_152 = arith.constant 0 : i32
      %dma_start3A_153 = tpu.memref_slice %arg2[%mul3A_15, %dma_start3A_152] : memref<10240x32xf32, #tpu.memory_space<hbm>> -> memref<640x32xf32, #tpu.memory_space<hbm>>
      tpu.enqueue_dma source(%dma_start3A_153 : memref<640x32xf32, #tpu.memory_space<hbm>>) target(%dma_start3A_151 : memref<640x32xf32, #tpu.memory_space<vmem_shared>>) target_semaphore(%run_scoped3A_149 : memref<!tpu.dma_semaphore, #tpu.memory_space<semaphore_mem>>)
      %dma_wait3A = arith.constant 0 : i32
      %dma_wait3A_154 = tpu.memref_slice %arg10[%mul3A_17, %dma_wait3A] : memref<10240x32xf32, #tpu.memory_space<vmem_shared>> -> memref<640x32xf32, #tpu.memory_space<vmem_shared>>
      %dma_wait3A_155 = arith.constant 0 : i32
      %dma_wait3A_156 = tpu.memref_slice %arg2[%mul3A_15, %dma_wait3A_155] : memref<10240x32xf32, #tpu.memory_space<hbm>> -> memref<640x32xf32, #tpu.memory_space<hbm>>
      tpu.wait_dma2 semaphore(%run_scoped3A_149 : memref<!tpu.dma_semaphore, #tpu.memory_space<semaphore_mem>>) src(%dma_wait3A_156 : memref<640x32xf32, #tpu.memory_space<hbm>>) dst(%dma_wait3A_154 : memref<640x32xf32, #tpu.memory_space<vmem_shared>>)
      tpu.yield
    }) : () -> ()
    %run_scoped3A = arith.constant 1 : i32
    "tpu.region"() ({
      %run_scoped3A_149 = tpu.sem_alloc : memref<!tpu.dma_semaphore, #tpu.memory_space<semaphore_mem>>
      %dma_start3A_150 = arith.constant 0 : i32
      %dma_start3A_151 = arith.constant 0 : i32
      %dma_start3A_152 = tpu.memref_slice %arg6[%dma_start3A_150, %dma_start3A_151] : memref<80x128xi32, #tpu.memory_space<vmem>> -> memref<79x128xi32, #tpu.memory_space<vmem>>
      %dma_start3A_153 = arith.constant 0 : i32
      %dma_start3A_154 = tpu.memref_slice %arg3[%run_scoped3A, %add3A_5, %dma_start3A_153] : memref<2x2500x128xi32, #tpu.memory_space<hbm>> -> memref<1x79x128xi32, #tpu.memory_space<hbm>>
      %dma_start3A_155 = tpu.memref_squeeze %dma_start3A_154 : memref<1x79x128xi32, #tpu.memory_space<hbm>> -> memref<79x128xi32, #tpu.memory_space<hbm>>
      %dma_start3A_156 = arith.constant 0 : i32
      %dma_start3A_157 = arith.constant 0 : i32
      %dma_start3A_158 = tpu.memref_slice %arg6[%dma_start3A_156, %dma_start3A_157] : memref<80x128xi32, #tpu.memory_space<vmem>> -> memref<79x128xi32, #tpu.memory_space<vmem>>
      %dma_start3A_159 = arith.constant 0 : i32
      %dma_start3A_160 = tpu.memref_slice %arg3[%run_scoped3A, %add3A_5, %dma_start3A_159] : memref<2x2500x128xi32, #tpu.memory_space<hbm>> -> memref<1x79x128xi32, #tpu.memory_space<hbm>>
      %dma_start3A_161 = tpu.memref_squeeze %dma_start3A_160 : memref<1x79x128xi32, #tpu.memory_space<hbm>> -> memref<79x128xi32, #tpu.memory_space<hbm>>
      tpu.enqueue_dma source(%dma_start3A_161 : memref<79x128xi32, #tpu.memory_space<hbm>>) target(%dma_start3A_158 : memref<79x128xi32, #tpu.memory_space<vmem>>) target_semaphore(%run_scoped3A_149 : memref<!tpu.dma_semaphore, #tpu.memory_space<semaphore_mem>>)
      %dma_wait3A = arith.constant 0 : i32
      %dma_wait3A_162 = arith.constant 0 : i32
      %dma_wait3A_163 = tpu.memref_slice %arg6[%dma_wait3A, %dma_wait3A_162] : memref<80x128xi32, #tpu.memory_space<vmem>> -> memref<79x128xi32, #tpu.memory_space<vmem>>
      %dma_wait3A_164 = arith.constant 0 : i32
      %dma_wait3A_165 = tpu.memref_slice %arg3[%run_scoped3A, %add3A_5, %dma_wait3A_164] : memref<2x2500x128xi32, #tpu.memory_space<hbm>> -> memref<1x79x128xi32, #tpu.memory_space<hbm>>
      %dma_wait3A_166 = tpu.memref_squeeze %dma_wait3A_165 : memref<1x79x128xi32, #tpu.memory_space<hbm>> -> memref<79x128xi32, #tpu.memory_space<hbm>>
      %dma_wait3A_167 = arith.constant 0 : i32
      %dma_wait3A_168 = arith.constant 0 : i32
      %dma_wait3A_169 = tpu.memref_slice %arg6[%dma_wait3A_167, %dma_wait3A_168] : memref<80x128xi32, #tpu.memory_space<vmem>> -> memref<79x128xi32, #tpu.memory_space<vmem>>
      %dma_wait3A_170 = arith.constant 0 : i32
      %dma_wait3A_171 = tpu.memref_slice %arg3[%run_scoped3A, %add3A_5, %dma_wait3A_170] : memref<2x2500x128xi32, #tpu.memory_space<hbm>> -> memref<1x79x128xi32, #tpu.memory_space<hbm>>
      %dma_wait3A_172 = tpu.memref_squeeze %dma_wait3A_171 : memref<1x79x128xi32, #tpu.memory_space<hbm>> -> memref<79x128xi32, #tpu.memory_space<hbm>>
      tpu.wait_dma2 semaphore(%run_scoped3A_149 : memref<!tpu.dma_semaphore, #tpu.memory_space<semaphore_mem>>) src(%dma_wait3A_172 : memref<79x128xi32, #tpu.memory_space<hbm>>) dst(%dma_wait3A_169 : memref<79x128xi32, #tpu.memory_space<vmem>>)
      tpu.yield
    }) : () -> ()
    %le3A = arith.constant 78 : i32
    %le3A_18 = arith.cmpi sle, %add3A_9, %le3A : i32
    %convert_element_type3A = arith.extui %le3A_18 : i1 to i32
    %cond3A = arith.constant 0 : i32
    %cond3A_19 = arith.cmpi ne, %convert_element_type3A, %cond3A : i32
    scf.if %cond3A_19 {
      %broadcast_in_dim3A = arith.constant 10000 : i32
      %broadcast_in_dim3A_149 = vector.broadcast %broadcast_in_dim3A : i32 to vector<16xi32>
      %swap3A = arith.constant 78 : i32
      %swap3A_150 = arith.index_cast %swap3A : i32 to index
      %swap3A_151 = arith.constant 0 : index
      %swap3A_152 = tpu.vector_load %arg6[%swap3A_150, %swap3A_151] {strides = array<i32>} : memref<80x128xi32, #tpu.memory_space<vmem>>, vector<1x16xi32>,
      %swap3A_153 = vector.shape_cast %swap3A_152 : vector<1x16xi32> to vector<16xi32>
      %swap3A_154 = vector.shape_cast %broadcast_in_dim3A_149 : vector<16xi32> to vector<1x16xi32>
      tpu.vector_store %arg6[%swap3A_150, %swap3A_151], %swap3A_154 {strides = array<i32>} : memref<80x128xi32, #tpu.memory_space<vmem>>, vector<1x16xi32>,
      %broadcast_in_dim3A_155 = arith.constant 10000 : i32
      %broadcast_in_dim3A_156 = vector.broadcast %broadcast_in_dim3A_155 : i32 to vector<16xi32>
      %swap3A_157 = arith.constant 78 : i32
      %swap3A_158 = arith.index_cast %swap3A_157 : i32 to index
      %swap3A_159 = arith.constant 16 : index
      %swap3A_160 = tpu.vector_load %arg6[%swap3A_158, %swap3A_159] {strides = array<i32>} : memref<80x128xi32, #tpu.memory_space<vmem>>, vector<1x16xi32>,
      %swap3A_161 = vector.shape_cast %swap3A_160 : vector<1x16xi32> to vector<16xi32>
      %swap3A_162 = vector.shape_cast %broadcast_in_dim3A_156 : vector<16xi32> to vector<1x16xi32>
      tpu.vector_store %arg6[%swap3A_158, %swap3A_159], %swap3A_162 {strides = array<i32>} : memref<80x128xi32, #tpu.memory_space<vmem>>, vector<1x16xi32>,
      %broadcast_in_dim3A_163 = arith.constant 10000 : i32
      %broadcast_in_dim3A_164 = vector.broadcast %broadcast_in_dim3A_163 : i32 to vector<16xi32>
      %swap3A_165 = arith.constant 78 : i32
      %swap3A_166 = arith.index_cast %swap3A_165 : i32 to index
      %swap3A_167 = arith.constant 32 : index
      %swap3A_168 = tpu.vector_load %arg6[%swap3A_166, %swap3A_167] {strides = array<i32>} : memref<80x128xi32, #tpu.memory_space<vmem>>, vector<1x16xi32>,
      %swap3A_169 = vector.shape_cast %swap3A_168 : vector<1x16xi32> to vector<16xi32>
      %swap3A_170 = vector.shape_cast %broadcast_in_dim3A_164 : vector<16xi32> to vector<1x16xi32>
      tpu.vector_store %arg6[%swap3A_166, %swap3A_167], %swap3A_170 {strides = array<i32>} : memref<80x128xi32, #tpu.memory_space<vmem>>, vector<1x16xi32>,
      %broadcast_in_dim3A_171 = arith.constant 10000 : i32
      %broadcast_in_dim3A_172 = vector.broadcast %broadcast_in_dim3A_171 : i32 to vector<16xi32>
      %swap3A_173 = arith.constant 78 : i32
      %swap3A_174 = arith.index_cast %swap3A_173 : i32 to index
      %swap3A_175 = arith.constant 48 : index
      %swap3A_176 = tpu.vector_load %arg6[%swap3A_174, %swap3A_175] {strides = array<i32>} : memref<80x128xi32, #tpu.memory_space<vmem>>, vector<1x16xi32>,
      %swap3A_177 = vector.shape_cast %swap3A_176 : vector<1x16xi32> to vector<16xi32>
      %swap3A_178 = vector.shape_cast %broadcast_in_dim3A_172 : vector<16xi32> to vector<1x16xi32>
      tpu.vector_store %arg6[%swap3A_174, %swap3A_175], %swap3A_178 {strides = array<i32>} : memref<80x128xi32, #tpu.memory_space<vmem>>, vector<1x16xi32>,
      %broadcast_in_dim3A_179 = arith.constant 10000 : i32
      %broadcast_in_dim3A_180 = vector.broadcast %broadcast_in_dim3A_179 : i32 to vector<16xi32>
      %swap3A_181 = arith.constant 78 : i32
      %swap3A_182 = arith.index_cast %swap3A_181 : i32 to index
      %swap3A_183 = arith.constant 64 : index
      %swap3A_184 = tpu.vector_load %arg6[%swap3A_182, %swap3A_183] {strides = array<i32>} : memref<80x128xi32, #tpu.memory_space<vmem>>, vector<1x16xi32>,
      %swap3A_185 = vector.shape_cast %swap3A_184 : vector<1x16xi32> to vector<16xi32>
      %swap3A_186 = vector.shape_cast %broadcast_in_dim3A_180 : vector<16xi32> to vector<1x16xi32>
      tpu.vector_store %arg6[%swap3A_182, %swap3A_183], %swap3A_186 {strides = array<i32>} : memref<80x128xi32, #tpu.memory_space<vmem>>, vector<1x16xi32>,
      %broadcast_in_dim3A_187 = arith.constant 10000 : i32
      %broadcast_in_dim3A_188 = vector.broadcast %broadcast_in_dim3A_187 : i32 to vector<16xi32>
      %swap3A_189 = arith.constant 78 : i32
      %swap3A_190 = arith.index_cast %swap3A_189 : i32 to index
      %swap3A_191 = arith.constant 80 : index
      %swap3A_192 = tpu.vector_load %arg6[%swap3A_190, %swap3A_191] {strides = array<i32>} : memref<80x128xi32, #tpu.memory_space<vmem>>, vector<1x16xi32>,
      %swap3A_193 = vector.shape_cast %swap3A_192 : vector<1x16xi32> to vector<16xi32>
      %swap3A_194 = vector.shape_cast %broadcast_in_dim3A_188 : vector<16xi32> to vector<1x16xi32>
      tpu.vector_store %arg6[%swap3A_190, %swap3A_191], %swap3A_194 {strides = array<i32>} : memref<80x128xi32, #tpu.memory_space<vmem>>, vector<1x16xi32>,
      %broadcast_in_dim3A_195 = arith.constant 10000 : i32
      %broadcast_in_dim3A_196 = vector.broadcast %broadcast_in_dim3A_195 : i32 to vector<16xi32>
      %swap3A_197 = arith.constant 78 : i32
      %swap3A_198 = arith.index_cast %swap3A_197 : i32 to index
      %swap3A_199 = arith.constant 96 : index
      %swap3A_200 = tpu.vector_load %arg6[%swap3A_198, %swap3A_199] {strides = array<i32>} : memref<80x128xi32, #tpu.memory_space<vmem>>, vector<1x16xi32>,
      %swap3A_201 = vector.shape_cast %swap3A_200 : vector<1x16xi32> to vector<16xi32>
      %swap3A_202 = vector.shape_cast %broadcast_in_dim3A_196 : vector<16xi32> to vector<1x16xi32>
      tpu.vector_store %arg6[%swap3A_198, %swap3A_199], %swap3A_202 {strides = array<i32>} : memref<80x128xi32, #tpu.memory_space<vmem>>, vector<1x16xi32>,
      %broadcast_in_dim3A_203 = arith.constant 10000 : i32
      %broadcast_in_dim3A_204 = vector.broadcast %broadcast_in_dim3A_203 : i32 to vector<16xi32>
      %swap3A_205 = arith.constant 78 : i32
      %swap3A_206 = arith.index_cast %swap3A_205 : i32 to index
      %swap3A_207 = arith.constant 112 : index
      %swap3A_208 = tpu.vector_load %arg6[%swap3A_206, %swap3A_207] {strides = array<i32>} : memref<80x128xi32, #tpu.memory_space<vmem>>, vector<1x16xi32>,
      %swap3A_209 = vector.shape_cast %swap3A_208 : vector<1x16xi32> to vector<16xi32>
      %swap3A_210 = vector.shape_cast %broadcast_in_dim3A_204 : vector<16xi32> to vector<1x16xi32>
      tpu.vector_store %arg6[%swap3A_206, %swap3A_207], %swap3A_210 {strides = array<i32>} : memref<80x128xi32, #tpu.memory_space<vmem>>, vector<1x16xi32>,
    } else {
    }
    %le3A_20 = arith.constant 79 : i32
    %le3A_21 = arith.cmpi sle, %add3A_9, %le3A_20 : i32
    %convert_element_type3A_22 = arith.extui %le3A_21 : i1 to i32
    %cond3A_23 = arith.constant 0 : i32
    %cond3A_24 = arith.cmpi ne, %convert_element_type3A_22, %cond3A_23 : i32
    scf.if %cond3A_24 {
      %broadcast_in_dim3A = arith.constant 10000 : i32
      %broadcast_in_dim3A_149 = vector.broadcast %broadcast_in_dim3A : i32 to vector<16xi32>
      %swap3A = arith.constant 79 : i32
      %swap3A_150 = arith.index_cast %swap3A : i32 to index
      %swap3A_151 = arith.constant 0 : index
      %swap3A_152 = tpu.vector_load %arg6[%swap3A_150, %swap3A_151] {strides = array<i32>} : memref<80x128xi32, #tpu.memory_space<vmem>>, vector<1x16xi32>,
      %swap3A_153 = vector.shape_cast %swap3A_152 : vector<1x16xi32> to vector<16xi32>
      %swap3A_154 = vector.shape_cast %broadcast_in_dim3A_149 : vector<16xi32> to vector<1x16xi32>
      tpu.vector_store %arg6[%swap3A_150, %swap3A_151], %swap3A_154 {strides = array<i32>} : memref<80x128xi32, #tpu.memory_space<vmem>>, vector<1x16xi32>,
      %broadcast_in_dim3A_155 = arith.constant 10000 : i32
      %broadcast_in_dim3A_156 = vector.broadcast %broadcast_in_dim3A_155 : i32 to vector<16xi32>
      %swap3A_157 = arith.constant 79 : i32
      %swap3A_158 = arith.index_cast %swap3A_157 : i32 to index
      %swap3A_159 = arith.constant 16 : index
      %swap3A_160 = tpu.vector_load %arg6[%swap3A_158, %swap3A_159] {strides = array<i32>} : memref<80x128xi32, #tpu.memory_space<vmem>>, vector<1x16xi32>,
      %swap3A_161 = vector.shape_cast %swap3A_160 : vector<1x16xi32> to vector<16xi32>
      %swap3A_162 = vector.shape_cast %broadcast_in_dim3A_156 : vector<16xi32> to vector<1x16xi32>
      tpu.vector_store %arg6[%swap3A_158, %swap3A_159], %swap3A_162 {strides = array<i32>} : memref<80x128xi32, #tpu.memory_space<vmem>>, vector<1x16xi32>,
      %broadcast_in_dim3A_163 = arith.constant 10000 : i32
      %broadcast_in_dim3A_164 = vector.broadcast %broadcast_in_dim3A_163 : i32 to vector<16xi32>
      %swap3A_165 = arith.constant 79 : i32
      %swap3A_166 = arith.index_cast %swap3A_165 : i32 to index
      %swap3A_167 = arith.constant 32 : index
      %swap3A_168 = tpu.vector_load %arg6[%swap3A_166, %swap3A_167] {strides = array<i32>} : memref<80x128xi32, #tpu.memory_space<vmem>>, vector<1x16xi32>,
      %swap3A_169 = vector.shape_cast %swap3A_168 : vector<1x16xi32> to vector<16xi32>
      %swap3A_170 = vector.shape_cast %broadcast_in_dim3A_164 : vector<16xi32> to vector<1x16xi32>
      tpu.vector_store %arg6[%swap3A_166, %swap3A_167], %swap3A_170 {strides = array<i32>} : memref<80x128xi32, #tpu.memory_space<vmem>>, vector<1x16xi32>,
      %broadcast_in_dim3A_171 = arith.constant 10000 : i32
      %broadcast_in_dim3A_172 = vector.broadcast %broadcast_in_dim3A_171 : i32 to vector<16xi32>
      %swap3A_173 = arith.constant 79 : i32
      %swap3A_174 = arith.index_cast %swap3A_173 : i32 to index
      %swap3A_175 = arith.constant 48 : index
      %swap3A_176 = tpu.vector_load %arg6[%swap3A_174, %swap3A_175] {strides = array<i32>} : memref<80x128xi32, #tpu.memory_space<vmem>>, vector<1x16xi32>,
      %swap3A_177 = vector.shape_cast %swap3A_176 : vector<1x16xi32> to vector<16xi32>
      %swap3A_178 = vector.shape_cast %broadcast_in_dim3A_172 : vector<16xi32> to vector<1x16xi32>
      tpu.vector_store %arg6[%swap3A_174, %swap3A_175], %swap3A_178 {strides = array<i32>} : memref<80x128xi32, #tpu.memory_space<vmem>>, vector<1x16xi32>,
      %broadcast_in_dim3A_179 = arith.constant 10000 : i32
      %broadcast_in_dim3A_180 = vector.broadcast %broadcast_in_dim3A_179 : i32 to vector<16xi32>
      %swap3A_181 = arith.constant 79 : i32
      %swap3A_182 = arith.index_cast %swap3A_181 : i32 to index
      %swap3A_183 = arith.constant 64 : index
      %swap3A_184 = tpu.vector_load %arg6[%swap3A_182, %swap3A_183] {strides = array<i32>} : memref<80x128xi32, #tpu.memory_space<vmem>>, vector<1x16xi32>,
      %swap3A_185 = vector.shape_cast %swap3A_184 : vector<1x16xi32> to vector<16xi32>
      %swap3A_186 = vector.shape_cast %broadcast_in_dim3A_180 : vector<16xi32> to vector<1x16xi32>
      tpu.vector_store %arg6[%swap3A_182, %swap3A_183], %swap3A_186 {strides = array<i32>} : memref<80x128xi32, #tpu.memory_space<vmem>>, vector<1x16xi32>,
      %broadcast_in_dim3A_187 = arith.constant 10000 : i32
      %broadcast_in_dim3A_188 = vector.broadcast %broadcast_in_dim3A_187 : i32 to vector<16xi32>
      %swap3A_189 = arith.constant 79 : i32
      %swap3A_190 = arith.index_cast %swap3A_189 : i32 to index
      %swap3A_191 = arith.constant 80 : index
      %swap3A_192 = tpu.vector_load %arg6[%swap3A_190, %swap3A_191] {strides = array<i32>} : memref<80x128xi32, #tpu.memory_space<vmem>>, vector<1x16xi32>,
      %swap3A_193 = vector.shape_cast %swap3A_192 : vector<1x16xi32> to vector<16xi32>
      %swap3A_194 = vector.shape_cast %broadcast_in_dim3A_188 : vector<16xi32> to vector<1x16xi32>
      tpu.vector_store %arg6[%swap3A_190, %swap3A_191], %swap3A_194 {strides = array<i32>} : memref<80x128xi32, #tpu.memory_space<vmem>>, vector<1x16xi32>,
      %broadcast_in_dim3A_195 = arith.constant 10000 : i32
      %broadcast_in_dim3A_196 = vector.broadcast %broadcast_in_dim3A_195 : i32 to vector<16xi32>
      %swap3A_197 = arith.constant 79 : i32
      %swap3A_198 = arith.index_cast %swap3A_197 : i32 to index
      %swap3A_199 = arith.constant 96 : index
      %swap3A_200 = tpu.vector_load %arg6[%swap3A_198, %swap3A_199] {strides = array<i32>} : memref<80x128xi32, #tpu.memory_space<vmem>>, vector<1x16xi32>,
      %swap3A_201 = vector.shape_cast %swap3A_200 : vector<1x16xi32> to vector<16xi32>
      %swap3A_202 = vector.shape_cast %broadcast_in_dim3A_196 : vector<16xi32> to vector<1x16xi32>
      tpu.vector_store %arg6[%swap3A_198, %swap3A_199], %swap3A_202 {strides = array<i32>} : memref<80x128xi32, #tpu.memory_space<vmem>>, vector<1x16xi32>,
      %broadcast_in_dim3A_203 = arith.constant 10000 : i32
      %broadcast_in_dim3A_204 = vector.broadcast %broadcast_in_dim3A_203 : i32 to vector<16xi32>
      %swap3A_205 = arith.constant 79 : i32
      %swap3A_206 = arith.index_cast %swap3A_205 : i32 to index
      %swap3A_207 = arith.constant 112 : index
      %swap3A_208 = tpu.vector_load %arg6[%swap3A_206, %swap3A_207] {strides = array<i32>} : memref<80x128xi32, #tpu.memory_space<vmem>>, vector<1x16xi32>,
      %swap3A_209 = vector.shape_cast %swap3A_208 : vector<1x16xi32> to vector<16xi32>
      %swap3A_210 = vector.shape_cast %broadcast_in_dim3A_204 : vector<16xi32> to vector<1x16xi32>
      tpu.vector_store %arg6[%swap3A_206, %swap3A_207], %swap3A_210 {strides = array<i32>} : memref<80x128xi32, #tpu.memory_space<vmem>>, vector<1x16xi32>,
    } else {
    }
    %run_scoped3A_25 = arith.constant 0 : i32
    "tpu.region"() ({
      %run_scoped3A_149 = tpu.sem_alloc : memref<!tpu.dma_semaphore, #tpu.memory_space<semaphore_mem>>
      %dma_start3A_150 = arith.constant 0 : i32
      %dma_start3A_151 = arith.constant 0 : i32
      %dma_start3A_152 = tpu.memref_slice %arg7[%dma_start3A_150, %dma_start3A_151] : memref<80x128xi32, #tpu.memory_space<vmem>> -> memref<79x128xi32, #tpu.memory_space<vmem>>
      %dma_start3A_153 = arith.constant 0 : i32
      %dma_start3A_154 = tpu.memref_slice %arg3[%run_scoped3A_25, %add3A_5, %dma_start3A_153] : memref<2x2500x128xi32, #tpu.memory_space<hbm>> -> memref<1x79x128xi32, #tpu.memory_space<hbm>>
      %dma_start3A_155 = tpu.memref_squeeze %dma_start3A_154 : memref<1x79x128xi32, #tpu.memory_space<hbm>> -> memref<79x128xi32, #tpu.memory_space<hbm>>
      %dma_start3A_156 = arith.constant 0 : i32
      %dma_start3A_157 = arith.constant 0 : i32
      %dma_start3A_158 = tpu.memref_slice %arg7[%dma_start3A_156, %dma_start3A_157] : memref<80x128xi32, #tpu.memory_space<vmem>> -> memref<79x128xi32, #tpu.memory_space<vmem>>
      %dma_start3A_159 = arith.constant 0 : i32
      %dma_start3A_160 = tpu.memref_slice %arg3[%run_scoped3A_25, %add3A_5, %dma_start3A_159] : memref<2x2500x128xi32, #tpu.memory_space<hbm>> -> memref<1x79x128xi32, #tpu.memory_space<hbm>>
      %dma_start3A_161 = tpu.memref_squeeze %dma_start3A_160 : memref<1x79x128xi32, #tpu.memory_space<hbm>> -> memref<79x128xi32, #tpu.memory_space<hbm>>
      tpu.enqueue_dma source(%dma_start3A_161 : memref<79x128xi32, #tpu.memory_space<hbm>>) target(%dma_start3A_158 : memref<79x128xi32, #tpu.memory_space<vmem>>) target_semaphore(%run_scoped3A_149 : memref<!tpu.dma_semaphore, #tpu.memory_space<semaphore_mem>>)
      %dma_wait3A = arith.constant 0 : i32
      %dma_wait3A_162 = arith.constant 0 : i32
      %dma_wait3A_163 = tpu.memref_slice %arg7[%dma_wait3A, %dma_wait3A_162] : memref<80x128xi32, #tpu.memory_space<vmem>> -> memref<79x128xi32, #tpu.memory_space<vmem>>
      %dma_wait3A_164 = arith.constant 0 : i32
      %dma_wait3A_165 = tpu.memref_slice %arg3[%run_scoped3A_25, %add3A_5, %dma_wait3A_164] : memref<2x2500x128xi32, #tpu.memory_space<hbm>> -> memref<1x79x128xi32, #tpu.memory_space<hbm>>
      %dma_wait3A_166 = tpu.memref_squeeze %dma_wait3A_165 : memref<1x79x128xi32, #tpu.memory_space<hbm>> -> memref<79x128xi32, #tpu.memory_space<hbm>>
      %dma_wait3A_167 = arith.constant 0 : i32
      %dma_wait3A_168 = arith.constant 0 : i32
      %dma_wait3A_169 = tpu.memref_slice %arg7[%dma_wait3A_167, %dma_wait3A_168] : memref<80x128xi32, #tpu.memory_space<vmem>> -> memref<79x128xi32, #tpu.memory_space<vmem>>
      %dma_wait3A_170 = arith.constant 0 : i32
      %dma_wait3A_171 = tpu.memref_slice %arg3[%run_scoped3A_25, %add3A_5, %dma_wait3A_170] : memref<2x2500x128xi32, #tpu.memory_space<hbm>> -> memref<1x79x128xi32, #tpu.memory_space<hbm>>
      %dma_wait3A_172 = tpu.memref_squeeze %dma_wait3A_171 : memref<1x79x128xi32, #tpu.memory_space<hbm>> -> memref<79x128xi32, #tpu.memory_space<hbm>>
      tpu.wait_dma2 semaphore(%run_scoped3A_149 : memref<!tpu.dma_semaphore, #tpu.memory_space<semaphore_mem>>) src(%dma_wait3A_172 : memref<79x128xi32, #tpu.memory_space<hbm>>) dst(%dma_wait3A_169 : memref<79x128xi32, #tpu.memory_space<vmem>>)
      tpu.yield
    }) : () -> ()
    %le3A_26 = arith.constant 78 : i32
    %le3A_27 = arith.cmpi sle, %add3A_9, %le3A_26 : i32
    %convert_element_type3A_28 = arith.extui %le3A_27 : i1 to i32
    %cond3A_29 = arith.constant 0 : i32
    %cond3A_30 = arith.cmpi ne, %convert_element_type3A_28, %cond3A_29 : i32
    scf.if %cond3A_30 {
      %broadcast_in_dim3A = arith.constant 10000 : i32
      %broadcast_in_dim3A_149 = vector.broadcast %broadcast_in_dim3A : i32 to vector<16xi32>
      %swap3A = arith.constant 78 : i32
      %swap3A_150 = arith.index_cast %swap3A : i32 to index
      %swap3A_151 = arith.constant 0 : index
      %swap3A_152 = tpu.vector_load %arg7[%swap3A_150, %swap3A_151] {strides = array<i32>} : memref<80x128xi32, #tpu.memory_space<vmem>>, vector<1x16xi32>,
      %swap3A_153 = vector.shape_cast %swap3A_152 : vector<1x16xi32> to vector<16xi32>
      %swap3A_154 = vector.shape_cast %broadcast_in_dim3A_149 : vector<16xi32> to vector<1x16xi32>
      tpu.vector_store %arg7[%swap3A_150, %swap3A_151], %swap3A_154 {strides = array<i32>} : memref<80x128xi32, #tpu.memory_space<vmem>>, vector<1x16xi32>,
      %broadcast_in_dim3A_155 = arith.constant 10000 : i32
      %broadcast_in_dim3A_156 = vector.broadcast %broadcast_in_dim3A_155 : i32 to vector<16xi32>
      %swap3A_157 = arith.constant 78 : i32
      %swap3A_158 = arith.index_cast %swap3A_157 : i32 to index
      %swap3A_159 = arith.constant 16 : index
      %swap3A_160 = tpu.vector_load %arg7[%swap3A_158, %swap3A_159] {strides = array<i32>} : memref<80x128xi32, #tpu.memory_space<vmem>>, vector<1x16xi32>,
      %swap3A_161 = vector.shape_cast %swap3A_160 : vector<1x16xi32> to vector<16xi32>
      %swap3A_162 = vector.shape_cast %broadcast_in_dim3A_156 : vector<16xi32> to vector<1x16xi32>
      tpu.vector_store %arg7[%swap3A_158, %swap3A_159], %swap3A_162 {strides = array<i32>} : memref<80x128xi32, #tpu.memory_space<vmem>>, vector<1x16xi32>,
      %broadcast_in_dim3A_163 = arith.constant 10000 : i32
      %broadcast_in_dim3A_164 = vector.broadcast %broadcast_in_dim3A_163 : i32 to vector<16xi32>
      %swap3A_165 = arith.constant 78 : i32
      %swap3A_166 = arith.index_cast %swap3A_165 : i32 to index
      %swap3A_167 = arith.constant 32 : index
      %swap3A_168 = tpu.vector_load %arg7[%swap3A_166, %swap3A_167] {strides = array<i32>} : memref<80x128xi32, #tpu.memory_space<vmem>>, vector<1x16xi32>,
      %swap3A_169 = vector.shape_cast %swap3A_168 : vector<1x16xi32> to vector<16xi32>
      %swap3A_170 = vector.shape_cast %broadcast_in_dim3A_164 : vector<16xi32> to vector<1x16xi32>
      tpu.vector_store %arg7[%swap3A_166, %swap3A_167], %swap3A_170 {strides = array<i32>} : memref<80x128xi32, #tpu.memory_space<vmem>>, vector<1x16xi32>,
      %broadcast_in_dim3A_171 = arith.constant 10000 : i32
      %broadcast_in_dim3A_172 = vector.broadcast %broadcast_in_dim3A_171 : i32 to vector<16xi32>
      %swap3A_173 = arith.constant 78 : i32
      %swap3A_174 = arith.index_cast %swap3A_173 : i32 to index
      %swap3A_175 = arith.constant 48 : index
      %swap3A_176 = tpu.vector_load %arg7[%swap3A_174, %swap3A_175] {strides = array<i32>} : memref<80x128xi32, #tpu.memory_space<vmem>>, vector<1x16xi32>,
      %swap3A_177 = vector.shape_cast %swap3A_176 : vector<1x16xi32> to vector<16xi32>
      %swap3A_178 = vector.shape_cast %broadcast_in_dim3A_172 : vector<16xi32> to vector<1x16xi32>
      tpu.vector_store %arg7[%swap3A_174, %swap3A_175], %swap3A_178 {strides = array<i32>} : memref<80x128xi32, #tpu.memory_space<vmem>>, vector<1x16xi32>,
      %broadcast_in_dim3A_179 = arith.constant 10000 : i32
      %broadcast_in_dim3A_180 = vector.broadcast %broadcast_in_dim3A_179 : i32 to vector<16xi32>
      %swap3A_181 = arith.constant 78 : i32
      %swap3A_182 = arith.index_cast %swap3A_181 : i32 to index
      %swap3A_183 = arith.constant 64 : index
      %swap3A_184 = tpu.vector_load %arg7[%swap3A_182, %swap3A_183] {strides = array<i32>} : memref<80x128xi32, #tpu.memory_space<vmem>>, vector<1x16xi32>,
      %swap3A_185 = vector.shape_cast %swap3A_184 : vector<1x16xi32> to vector<16xi32>
      %swap3A_186 = vector.shape_cast %broadcast_in_dim3A_180 : vector<16xi32> to vector<1x16xi32>
      tpu.vector_store %arg7[%swap3A_182, %swap3A_183], %swap3A_186 {strides = array<i32>} : memref<80x128xi32, #tpu.memory_space<vmem>>, vector<1x16xi32>,
      %broadcast_in_dim3A_187 = arith.constant 10000 : i32
      %broadcast_in_dim3A_188 = vector.broadcast %broadcast_in_dim3A_187 : i32 to vector<16xi32>
      %swap3A_189 = arith.constant 78 : i32
      %swap3A_190 = arith.index_cast %swap3A_189 : i32 to index
      %swap3A_191 = arith.constant 80 : index
      %swap3A_192 = tpu.vector_load %arg7[%swap3A_190, %swap3A_191] {strides = array<i32>} : memref<80x128xi32, #tpu.memory_space<vmem>>, vector<1x16xi32>,
      %swap3A_193 = vector.shape_cast %swap3A_192 : vector<1x16xi32> to vector<16xi32>
      %swap3A_194 = vector.shape_cast %broadcast_in_dim3A_188 : vector<16xi32> to vector<1x16xi32>
      tpu.vector_store %arg7[%swap3A_190, %swap3A_191], %swap3A_194 {strides = array<i32>} : memref<80x128xi32, #tpu.memory_space<vmem>>, vector<1x16xi32>,
      %broadcast_in_dim3A_195 = arith.constant 10000 : i32
      %broadcast_in_dim3A_196 = vector.broadcast %broadcast_in_dim3A_195 : i32 to vector<16xi32>
      %swap3A_197 = arith.constant 78 : i32
      %swap3A_198 = arith.index_cast %swap3A_197 : i32 to index
      %swap3A_199 = arith.constant 96 : index
      %swap3A_200 = tpu.vector_load %arg7[%swap3A_198, %swap3A_199] {strides = array<i32>} : memref<80x128xi32, #tpu.memory_space<vmem>>, vector<1x16xi32>,
      %swap3A_201 = vector.shape_cast %swap3A_200 : vector<1x16xi32> to vector<16xi32>
      %swap3A_202 = vector.shape_cast %broadcast_in_dim3A_196 : vector<16xi32> to vector<1x16xi32>
      tpu.vector_store %arg7[%swap3A_198, %swap3A_199], %swap3A_202 {strides = array<i32>} : memref<80x128xi32, #tpu.memory_space<vmem>>, vector<1x16xi32>,
      %broadcast_in_dim3A_203 = arith.constant 10000 : i32
      %broadcast_in_dim3A_204 = vector.broadcast %broadcast_in_dim3A_203 : i32 to vector<16xi32>
      %swap3A_205 = arith.constant 78 : i32
      %swap3A_206 = arith.index_cast %swap3A_205 : i32 to index
      %swap3A_207 = arith.constant 112 : index
      %swap3A_208 = tpu.vector_load %arg7[%swap3A_206, %swap3A_207] {strides = array<i32>} : memref<80x128xi32, #tpu.memory_space<vmem>>, vector<1x16xi32>,
      %swap3A_209 = vector.shape_cast %swap3A_208 : vector<1x16xi32> to vector<16xi32>
      %swap3A_210 = vector.shape_cast %broadcast_in_dim3A_204 : vector<16xi32> to vector<1x16xi32>
      tpu.vector_store %arg7[%swap3A_206, %swap3A_207], %swap3A_210 {strides = array<i32>} : memref<80x128xi32, #tpu.memory_space<vmem>>, vector<1x16xi32>,
    } else {
    }
    %le3A_31 = arith.constant 79 : i32
    %le3A_32 = arith.cmpi sle, %add3A_9, %le3A_31 : i32
    %convert_element_type3A_33 = arith.extui %le3A_32 : i1 to i32
    %cond3A_34 = arith.constant 0 : i32
    %cond3A_35 = arith.cmpi ne, %convert_element_type3A_33, %cond3A_34 : i32
    scf.if %cond3A_35 {
      %broadcast_in_dim3A = arith.constant 10000 : i32
      %broadcast_in_dim3A_149 = vector.broadcast %broadcast_in_dim3A : i32 to vector<16xi32>
      %swap3A = arith.constant 79 : i32
      %swap3A_150 = arith.index_cast %swap3A : i32 to index
      %swap3A_151 = arith.constant 0 : index
      %swap3A_152 = tpu.vector_load %arg7[%swap3A_150, %swap3A_151] {strides = array<i32>} : memref<80x128xi32, #tpu.memory_space<vmem>>, vector<1x16xi32>,
      %swap3A_153 = vector.shape_cast %swap3A_152 : vector<1x16xi32> to vector<16xi32>
      %swap3A_154 = vector.shape_cast %broadcast_in_dim3A_149 : vector<16xi32> to vector<1x16xi32>
      tpu.vector_store %arg7[%swap3A_150, %swap3A_151], %swap3A_154 {strides = array<i32>} : memref<80x128xi32, #tpu.memory_space<vmem>>, vector<1x16xi32>,
      %broadcast_in_dim3A_155 = arith.constant 10000 : i32
      %broadcast_in_dim3A_156 = vector.broadcast %broadcast_in_dim3A_155 : i32 to vector<16xi32>
      %swap3A_157 = arith.constant 79 : i32
      %swap3A_158 = arith.index_cast %swap3A_157 : i32 to index
      %swap3A_159 = arith.constant 16 : index
      %swap3A_160 = tpu.vector_load %arg7[%swap3A_158, %swap3A_159] {strides = array<i32>} : memref<80x128xi32, #tpu.memory_space<vmem>>, vector<1x16xi32>,
      %swap3A_161 = vector.shape_cast %swap3A_160 : vector<1x16xi32> to vector<16xi32>
      %swap3A_162 = vector.shape_cast %broadcast_in_dim3A_156 : vector<16xi32> to vector<1x16xi32>
      tpu.vector_store %arg7[%swap3A_158, %swap3A_159], %swap3A_162 {strides = array<i32>} : memref<80x128xi32, #tpu.memory_space<vmem>>, vector<1x16xi32>,
      %broadcast_in_dim3A_163 = arith.constant 10000 : i32
      %broadcast_in_dim3A_164 = vector.broadcast %broadcast_in_dim3A_163 : i32 to vector<16xi32>
      %swap3A_165 = arith.constant 79 : i32
      %swap3A_166 = arith.index_cast %swap3A_165 : i32 to index
      %swap3A_167 = arith.constant 32 : index
      %swap3A_168 = tpu.vector_load %arg7[%swap3A_166, %swap3A_167] {strides = array<i32>} : memref<80x128xi32, #tpu.memory_space<vmem>>, vector<1x16xi32>,
      %swap3A_169 = vector.shape_cast %swap3A_168 : vector<1x16xi32> to vector<16xi32>
      %swap3A_170 = vector.shape_cast %broadcast_in_dim3A_164 : vector<16xi32> to vector<1x16xi32>
      tpu.vector_store %arg7[%swap3A_166, %swap3A_167], %swap3A_170 {strides = array<i32>} : memref<80x128xi32, #tpu.memory_space<vmem>>, vector<1x16xi32>,
      %broadcast_in_dim3A_171 = arith.constant 10000 : i32
      %broadcast_in_dim3A_172 = vector.broadcast %broadcast_in_dim3A_171 : i32 to vector<16xi32>
      %swap3A_173 = arith.constant 79 : i32
      %swap3A_174 = arith.index_cast %swap3A_173 : i32 to index
      %swap3A_175 = arith.constant 48 : index
      %swap3A_176 = tpu.vector_load %arg7[%swap3A_174, %swap3A_175] {strides = array<i32>} : memref<80x128xi32, #tpu.memory_space<vmem>>, vector<1x16xi32>,
      %swap3A_177 = vector.shape_cast %swap3A_176 : vector<1x16xi32> to vector<16xi32>
      %swap3A_178 = vector.shape_cast %broadcast_in_dim3A_172 : vector<16xi32> to vector<1x16xi32>
      tpu.vector_store %arg7[%swap3A_174, %swap3A_175], %swap3A_178 {strides = array<i32>} : memref<80x128xi32, #tpu.memory_space<vmem>>, vector<1x16xi32>,
      %broadcast_in_dim3A_179 = arith.constant 10000 : i32
      %broadcast_in_dim3A_180 = vector.broadcast %broadcast_in_dim3A_179 : i32 to vector<16xi32>
      %swap3A_181 = arith.constant 79 : i32
      %swap3A_182 = arith.index_cast %swap3A_181 : i32 to index
      %swap3A_183 = arith.constant 64 : index
      %swap3A_184 = tpu.vector_load %arg7[%swap3A_182, %swap3A_183] {strides = array<i32>} : memref<80x128xi32, #tpu.memory_space<vmem>>, vector<1x16xi32>,
      %swap3A_185 = vector.shape_cast %swap3A_184 : vector<1x16xi32> to vector<16xi32>
      %swap3A_186 = vector.shape_cast %broadcast_in_dim3A_180 : vector<16xi32> to vector<1x16xi32>
      tpu.vector_store %arg7[%swap3A_182, %swap3A_183], %swap3A_186 {strides = array<i32>} : memref<80x128xi32, #tpu.memory_space<vmem>>, vector<1x16xi32>,
      %broadcast_in_dim3A_187 = arith.constant 10000 : i32
      %broadcast_in_dim3A_188 = vector.broadcast %broadcast_in_dim3A_187 : i32 to vector<16xi32>
      %swap3A_189 = arith.constant 79 : i32
      %swap3A_190 = arith.index_cast %swap3A_189 : i32 to index
      %swap3A_191 = arith.constant 80 : index
      %swap3A_192 = tpu.vector_load %arg7[%swap3A_190, %swap3A_191] {strides = array<i32>} : memref<80x128xi32, #tpu.memory_space<vmem>>, vector<1x16xi32>,
      %swap3A_193 = vector.shape_cast %swap3A_192 : vector<1x16xi32> to vector<16xi32>
      %swap3A_194 = vector.shape_cast %broadcast_in_dim3A_188 : vector<16xi32> to vector<1x16xi32>
      tpu.vector_store %arg7[%swap3A_190, %swap3A_191], %swap3A_194 {strides = array<i32>} : memref<80x128xi32, #tpu.memory_space<vmem>>, vector<1x16xi32>,
      %broadcast_in_dim3A_195 = arith.constant 10000 : i32
      %broadcast_in_dim3A_196 = vector.broadcast %broadcast_in_dim3A_195 : i32 to vector<16xi32>
      %swap3A_197 = arith.constant 79 : i32
      %swap3A_198 = arith.index_cast %swap3A_197 : i32 to index
      %swap3A_199 = arith.constant 96 : index
      %swap3A_200 = tpu.vector_load %arg7[%swap3A_198, %swap3A_199] {strides = array<i32>} : memref<80x128xi32, #tpu.memory_space<vmem>>, vector<1x16xi32>,
      %swap3A_201 = vector.shape_cast %swap3A_200 : vector<1x16xi32> to vector<16xi32>
      %swap3A_202 = vector.shape_cast %broadcast_in_dim3A_196 : vector<16xi32> to vector<1x16xi32>
      tpu.vector_store %arg7[%swap3A_198, %swap3A_199], %swap3A_202 {strides = array<i32>} : memref<80x128xi32, #tpu.memory_space<vmem>>, vector<1x16xi32>,
      %broadcast_in_dim3A_203 = arith.constant 10000 : i32
      %broadcast_in_dim3A_204 = vector.broadcast %broadcast_in_dim3A_203 : i32 to vector<16xi32>
      %swap3A_205 = arith.constant 79 : i32
      %swap3A_206 = arith.index_cast %swap3A_205 : i32 to index
      %swap3A_207 = arith.constant 112 : index
      %swap3A_208 = tpu.vector_load %arg7[%swap3A_206, %swap3A_207] {strides = array<i32>} : memref<80x128xi32, #tpu.memory_space<vmem>>, vector<1x16xi32>,
      %swap3A_209 = vector.shape_cast %swap3A_208 : vector<1x16xi32> to vector<16xi32>
      %swap3A_210 = vector.shape_cast %broadcast_in_dim3A_204 : vector<16xi32> to vector<1x16xi32>
      tpu.vector_store %arg7[%swap3A_206, %swap3A_207], %swap3A_210 {strides = array<i32>} : memref<80x128xi32, #tpu.memory_space<vmem>>, vector<1x16xi32>,
    } else {
    }
    %barrier3A = arith.constant 0 : index
    tpu.barrier barrier_id(%barrier3A)
    %dma_start3A = arith.constant 0 : i32
    %dma_start3A_36 = arith.constant 0 : i32
    %dma_start3A_37 = arith.constant 0 : i32
    %dma_start3A_38 = arith.constant 0 : i32
    %dma_start3A_39 = arith.constant 0 : i32
    %dma_start3A_40 = tpu.memref_slice %arg8[%dma_start3A_36, %dma_start3A_37, %dma_start3A_38, %dma_start3A_39] : memref<2x8x128x32xf32, #tpu.memory_space<vmem>> -> memref<1x1x128x32xf32, #tpu.memory_space<vmem>>
    %dma_start3A_41 = tpu.memref_squeeze %dma_start3A_40 : memref<1x1x128x32xf32, #tpu.memory_space<vmem>> -> memref<128x32xf32, #tpu.memory_space<vmem>>
    %dma_start3A_42 = arith.constant 0 : i32
    %dma_start3A_43 = tpu.memref_slice %arg6[%dma_start3A, %dma_start3A_42] : memref<80x128xi32, #tpu.memory_space<vmem>> -> memref<1x128xi32, #tpu.memory_space<vmem>>
    %dma_start3A_44 = tpu.memref_squeeze %dma_start3A_43 : memref<1x128xi32, #tpu.memory_space<vmem>> -> memref<128xi32, #tpu.memory_space<vmem>>
    %dma_start3A_45 = arith.constant 0 : i32
    %dma_start3A_46 = arith.constant 0 : i32
    %dma_start3A_47 = tpu.memref_slice %arg10[%dma_start3A_45, %dma_start3A_46] : memref<10240x32xf32, #tpu.memory_space<vmem_shared>> -> memref<10240x32xf32, #tpu.memory_space<vmem_shared>>
    tpu.enqueue_indirect_dma source(%dma_start3A_47 : memref<10240x32xf32, #tpu.memory_space<vmem_shared>>) target(%dma_start3A_41 : memref<128x32xf32, #tpu.memory_space<vmem>>) offsets(%dma_start3A_44 : memref<128xi32, #tpu.memory_space<vmem>>) semaphore(%arg11 : memref<!tpu.dma_semaphore, #tpu.memory_space<semaphore_mem>>)
    %dma_start3A_48 = arith.constant 1 : i32
    %dma_start3A_49 = arith.constant 0 : i32
    %dma_start3A_50 = arith.constant 1 : i32
    %dma_start3A_51 = arith.constant 0 : i32
    %dma_start3A_52 = arith.constant 0 : i32
    %dma_start3A_53 = tpu.memref_slice %arg8[%dma_start3A_49, %dma_start3A_50, %dma_start3A_51, %dma_start3A_52] : memref<2x8x128x32xf32, #tpu.memory_space<vmem>> -> memref<1x1x128x32xf32, #tpu.memory_space<vmem>>
    %dma_start3A_54 = tpu.memref_squeeze %dma_start3A_53 : memref<1x1x128x32xf32, #tpu.memory_space<vmem>> -> memref<128x32xf32, #tpu.memory_space<vmem>>
    %dma_start3A_55 = arith.constant 0 : i32
    %dma_start3A_56 = tpu.memref_slice %arg6[%dma_start3A_48, %dma_start3A_55] : memref<80x128xi32, #tpu.memory_space<vmem>> -> memref<1x128xi32, #tpu.memory_space<vmem>>
    %dma_start3A_57 = tpu.memref_squeeze %dma_start3A_56 : memref<1x128xi32, #tpu.memory_space<vmem>> -> memref<128xi32, #tpu.memory_space<vmem>>
    %dma_start3A_58 = arith.constant 0 : i32
    %dma_start3A_59 = arith.constant 0 : i32
    %dma_start3A_60 = tpu.memref_slice %arg10[%dma_start3A_58, %dma_start3A_59] : memref<10240x32xf32, #tpu.memory_space<vmem_shared>> -> memref<10240x32xf32, #tpu.memory_space<vmem_shared>>
    tpu.enqueue_indirect_dma source(%dma_start3A_60 : memref<10240x32xf32, #tpu.memory_space<vmem_shared>>) target(%dma_start3A_54 : memref<128x32xf32, #tpu.memory_space<vmem>>) offsets(%dma_start3A_57 : memref<128xi32, #tpu.memory_space<vmem>>) semaphore(%arg11 : memref<!tpu.dma_semaphore, #tpu.memory_space<semaphore_mem>>)
    %dma_start3A_61 = arith.constant 2 : i32
    %dma_start3A_62 = arith.constant 0 : i32
    %dma_start3A_63 = arith.constant 2 : i32
    %dma_start3A_64 = arith.constant 0 : i32
    %dma_start3A_65 = arith.constant 0 : i32
    %dma_start3A_66 = tpu.memref_slice %arg8[%dma_start3A_62, %dma_start3A_63, %dma_start3A_64, %dma_start3A_65] : memref<2x8x128x32xf32, #tpu.memory_space<vmem>> -> memref<1x1x128x32xf32, #tpu.memory_space<vmem>>
    %dma_start3A_67 = tpu.memref_squeeze %dma_start3A_66 : memref<1x1x128x32xf32, #tpu.memory_space<vmem>> -> memref<128x32xf32, #tpu.memory_space<vmem>>
    %dma_start3A_68 = arith.constant 0 : i32
    %dma_start3A_69 = tpu.memref_slice %arg6[%dma_start3A_61, %dma_start3A_68] : memref<80x128xi32, #tpu.memory_space<vmem>> -> memref<1x128xi32, #tpu.memory_space<vmem>>
    %dma_start3A_70 = tpu.memref_squeeze %dma_start3A_69 : memref<1x128xi32, #tpu.memory_space<vmem>> -> memref<128xi32, #tpu.memory_space<vmem>>
    %dma_start3A_71 = arith.constant 0 : i32
    %dma_start3A_72 = arith.constant 0 : i32
    %dma_start3A_73 = tpu.memref_slice %arg10[%dma_start3A_71, %dma_start3A_72] : memref<10240x32xf32, #tpu.memory_space<vmem_shared>> -> memref<10240x32xf32, #tpu.memory_space<vmem_shared>>
    tpu.enqueue_indirect_dma source(%dma_start3A_73 : memref<10240x32xf32, #tpu.memory_space<vmem_shared>>) target(%dma_start3A_67 : memref<128x32xf32, #tpu.memory_space<vmem>>) offsets(%dma_start3A_70 : memref<128xi32, #tpu.memory_space<vmem>>) semaphore(%arg11 : memref<!tpu.dma_semaphore, #tpu.memory_space<semaphore_mem>>)
    %dma_start3A_74 = arith.constant 3 : i32
    %dma_start3A_75 = arith.constant 0 : i32
    %dma_start3A_76 = arith.constant 3 : i32
    %dma_start3A_77 = arith.constant 0 : i32
    %dma_start3A_78 = arith.constant 0 : i32
    %dma_start3A_79 = tpu.memref_slice %arg8[%dma_start3A_75, %dma_start3A_76, %dma_start3A_77, %dma_start3A_78] : memref<2x8x128x32xf32, #tpu.memory_space<vmem>> -> memref<1x1x128x32xf32, #tpu.memory_space<vmem>>
    %dma_start3A_80 = tpu.memref_squeeze %dma_start3A_79 : memref<1x1x128x32xf32, #tpu.memory_space<vmem>> -> memref<128x32xf32, #tpu.memory_space<vmem>>
    %dma_start3A_81 = arith.constant 0 : i32
    %dma_start3A_82 = tpu.memref_slice %arg6[%dma_start3A_74, %dma_start3A_81] : memref<80x128xi32, #tpu.memory_space<vmem>> -> memref<1x128xi32, #tpu.memory_space<vmem>>
    %dma_start3A_83 = tpu.memref_squeeze %dma_start3A_82 : memref<1x128xi32, #tpu.memory_space<vmem>> -> memref<128xi32, #tpu.memory_space<vmem>>
    %dma_start3A_84 = arith.constant 0 : i32
    %dma_start3A_85 = arith.constant 0 : i32
    %dma_start3A_86 = tpu.memref_slice %arg10[%dma_start3A_84, %dma_start3A_85] : memref<10240x32xf32, #tpu.memory_space<vmem_shared>> -> memref<10240x32xf32, #tpu.memory_space<vmem_shared>>
    tpu.enqueue_indirect_dma source(%dma_start3A_86 : memref<10240x32xf32, #tpu.memory_space<vmem_shared>>) target(%dma_start3A_80 : memref<128x32xf32, #tpu.memory_space<vmem>>) offsets(%dma_start3A_83 : memref<128xi32, #tpu.memory_space<vmem>>) semaphore(%arg11 : memref<!tpu.dma_semaphore, #tpu.memory_space<semaphore_mem>>)
    %dma_start3A_87 = arith.constant 4 : i32
    %dma_start3A_88 = arith.constant 0 : i32
    %dma_start3A_89 = arith.constant 4 : i32
    %dma_start3A_90 = arith.constant 0 : i32
    %dma_start3A_91 = arith.constant 0 : i32
    %dma_start3A_92 = tpu.memref_slice %arg8[%dma_start3A_88, %dma_start3A_89, %dma_start3A_90, %dma_start3A_91] : memref<2x8x128x32xf32, #tpu.memory_space<vmem>> -> memref<1x1x128x32xf32, #tpu.memory_space<vmem>>
    %dma_start3A_93 = tpu.memref_squeeze %dma_start3A_92 : memref<1x1x128x32xf32, #tpu.memory_space<vmem>> -> memref<128x32xf32, #tpu.memory_space<vmem>>
    %dma_start3A_94 = arith.constant 0 : i32
    %dma_start3A_95 = tpu.memref_slice %arg6[%dma_start3A_87, %dma_start3A_94] : memref<80x128xi32, #tpu.memory_space<vmem>> -> memref<1x128xi32, #tpu.memory_space<vmem>>
    %dma_start3A_96 = tpu.memref_squeeze %dma_start3A_95 : memref<1x128xi32, #tpu.memory_space<vmem>> -> memref<128xi32, #tpu.memory_space<vmem>>
    %dma_start3A_97 = arith.constant 0 : i32
    %dma_start3A_98 = arith.constant 0 : i32
    %dma_start3A_99 = tpu.memref_slice %arg10[%dma_start3A_97, %dma_start3A_98] : memref<10240x32xf32, #tpu.memory_space<vmem_shared>> -> memref<10240x32xf32, #tpu.memory_space<vmem_shared>>
    tpu.enqueue_indirect_dma source(%dma_start3A_99 : memref<10240x32xf32, #tpu.memory_space<vmem_shared>>) target(%dma_start3A_93 : memref<128x32xf32, #tpu.memory_space<vmem>>) offsets(%dma_start3A_96 : memref<128xi32, #tpu.memory_space<vmem>>) semaphore(%arg11 : memref<!tpu.dma_semaphore, #tpu.memory_space<semaphore_mem>>)
    %dma_start3A_100 = arith.constant 5 : i32
    %dma_start3A_101 = arith.constant 0 : i32
    %dma_start3A_102 = arith.constant 5 : i32
    %dma_start3A_103 = arith.constant 0 : i32
    %dma_start3A_104 = arith.constant 0 : i32
    %dma_start3A_105 = tpu.memref_slice %arg8[%dma_start3A_101, %dma_start3A_102, %dma_start3A_103, %dma_start3A_104] : memref<2x8x128x32xf32, #tpu.memory_space<vmem>> -> memref<1x1x128x32xf32, #tpu.memory_space<vmem>>
    %dma_start3A_106 = tpu.memref_squeeze %dma_start3A_105 : memref<1x1x128x32xf32, #tpu.memory_space<vmem>> -> memref<128x32xf32, #tpu.memory_space<vmem>>
    %dma_start3A_107 = arith.constant 0 : i32
    %dma_start3A_108 = tpu.memref_slice %arg6[%dma_start3A_100, %dma_start3A_107] : memref<80x128xi32, #tpu.memory_space<vmem>> -> memref<1x128xi32, #tpu.memory_space<vmem>>
    %dma_start3A_109 = tpu.memref_squeeze %dma_start3A_108 : memref<1x128xi32, #tpu.memory_space<vmem>> -> memref<128xi32, #tpu.memory_space<vmem>>
    %dma_start3A_110 = arith.constant 0 : i32
    %dma_start3A_111 = arith.constant 0 : i32
    %dma_start3A_112 = tpu.memref_slice %arg10[%dma_start3A_110, %dma_start3A_111] : memref<10240x32xf32, #tpu.memory_space<vmem_shared>> -> memref<10240x32xf32, #tpu.memory_space<vmem_shared>>
    tpu.enqueue_indirect_dma source(%dma_start3A_112 : memref<10240x32xf32, #tpu.memory_space<vmem_shared>>) target(%dma_start3A_106 : memref<128x32xf32, #tpu.memory_space<vmem>>) offsets(%dma_start3A_109 : memref<128xi32, #tpu.memory_space<vmem>>) semaphore(%arg11 : memref<!tpu.dma_semaphore, #tpu.memory_space<semaphore_mem>>)
    %dma_start3A_113 = arith.constant 6 : i32
    %dma_start3A_114 = arith.constant 0 : i32
    %dma_start3A_115 = arith.constant 6 : i32
    %dma_start3A_116 = arith.constant 0 : i32
    %dma_start3A_117 = arith.constant 0 : i32
    %dma_start3A_118 = tpu.memref_slice %arg8[%dma_start3A_114, %dma_start3A_115, %dma_start3A_116, %dma_start3A_117] : memref<2x8x128x32xf32, #tpu.memory_space<vmem>> -> memref<1x1x128x32xf32, #tpu.memory_space<vmem>>
    %dma_start3A_119 = tpu.memref_squeeze %dma_start3A_118 : memref<1x1x128x32xf32, #tpu.memory_space<vmem>> -> memref<128x32xf32, #tpu.memory_space<vmem>>
    %dma_start3A_120 = arith.constant 0 : i32
    %dma_start3A_121 = tpu.memref_slice %arg6[%dma_start3A_113, %dma_start3A_120] : memref<80x128xi32, #tpu.memory_space<vmem>> -> memref<1x128xi32, #tpu.memory_space<vmem>>
    %dma_start3A_122 = tpu.memref_squeeze %dma_start3A_121 : memref<1x128xi32, #tpu.memory_space<vmem>> -> memref<128xi32, #tpu.memory_space<vmem>>
    %dma_start3A_123 = arith.constant 0 : i32
    %dma_start3A_124 = arith.constant 0 : i32
    %dma_start3A_125 = tpu.memref_slice %arg10[%dma_start3A_123, %dma_start3A_124] : memref<10240x32xf32, #tpu.memory_space<vmem_shared>> -> memref<10240x32xf32, #tpu.memory_space<vmem_shared>>
    tpu.enqueue_indirect_dma source(%dma_start3A_125 : memref<10240x32xf32, #tpu.memory_space<vmem_shared>>) target(%dma_start3A_119 : memref<128x32xf32, #tpu.memory_space<vmem>>) offsets(%dma_start3A_122 : memref<128xi32, #tpu.memory_space<vmem>>) semaphore(%arg11 : memref<!tpu.dma_semaphore, #tpu.memory_space<semaphore_mem>>)
    %dma_start3A_126 = arith.constant 7 : i32
    %dma_start3A_127 = arith.constant 0 : i32
    %dma_start3A_128 = arith.constant 7 : i32
    %dma_start3A_129 = arith.constant 0 : i32
    %dma_start3A_130 = arith.constant 0 : i32
    %dma_start3A_131 = tpu.memref_slice %arg8[%dma_start3A_127, %dma_start3A_128, %dma_start3A_129, %dma_start3A_130] : memref<2x8x128x32xf32, #tpu.memory_space<vmem>> -> memref<1x1x128x32xf32, #tpu.memory_space<vmem>>
    %dma_start3A_132 = tpu.memref_squeeze %dma_start3A_131 : memref<1x1x128x32xf32, #tpu.memory_space<vmem>> -> memref<128x32xf32, #tpu.memory_space<vmem>>
    %dma_start3A_133 = arith.constant 0 : i32
    %dma_start3A_134 = tpu.memref_slice %arg6[%dma_start3A_126, %dma_start3A_133] : memref<80x128xi32, #tpu.memory_space<vmem>> -> memref<1x128xi32, #tpu.memory_space<vmem>>
    %dma_start3A_135 = tpu.memref_squeeze %dma_start3A_134 : memref<1x128xi32, #tpu.memory_space<vmem>> -> memref<128xi32, #tpu.memory_space<vmem>>
    %dma_start3A_136 = arith.constant 0 : i32
    %dma_start3A_137 = arith.constant 0 : i32
    %dma_start3A_138 = tpu.memref_slice %arg10[%dma_start3A_136, %dma_start3A_137] : memref<10240x32xf32, #tpu.memory_space<vmem_shared>> -> memref<10240x32xf32, #tpu.memory_space<vmem_shared>>
    tpu.enqueue_indirect_dma source(%dma_start3A_138 : memref<10240x32xf32, #tpu.memory_space<vmem_shared>>) target(%dma_start3A_132 : memref<128x32xf32, #tpu.memory_space<vmem>>) offsets(%dma_start3A_135 : memref<128xi32, #tpu.memory_space<vmem>>) semaphore(%arg11 : memref<!tpu.dma_semaphore, #tpu.memory_space<semaphore_mem>>)
    %scan3A = arith.constant 0 : i32
    %scan3A_139 = arith.constant 0 : i32
    %scan3A_140 = arith.constant 10 : i32
    %scan3A_141 = arith.addi %scan3A_139, %scan3A_140 : i32
    %scan3A_142 = arith.constant 1 : i32
    scf.for %scan3A_149 = %scan3A_139 to %scan3A_141 step %scan3A_142  : i32 {
      %rem3A = arith.constant 2 : i32
      %rem3A_150 = arith.remsi %scan3A_149, %rem3A : i32
      %dma_wait3A = arith.constant 0 : i32
      %dma_wait3A_151 = arith.constant 0 : i32
      %dma_wait3A_152 = arith.constant 0 : i32
      %dma_wait3A_153 = arith.constant 0 : i32
      %dma_wait3A_154 = tpu.memref_slice %arg8[%rem3A_150, %dma_wait3A_151, %dma_wait3A_152, %dma_wait3A_153] : memref<2x8x128x32xf32, #tpu.memory_space<vmem>> -> memref<1x1x128x32xf32, #tpu.memory_space<vmem>>
      %dma_wait3A_155 = tpu.memref_squeeze %dma_wait3A_154 : memref<1x1x128x32xf32, #tpu.memory_space<vmem>> -> memref<128x32xf32, #tpu.memory_space<vmem>>
      %dma_wait3A_156 = arith.constant 0 : i32
      %dma_wait3A_157 = tpu.memref_slice %arg6[%dma_wait3A, %dma_wait3A_156] : memref<80x128xi32, #tpu.memory_space<vmem>> -> memref<1x128xi32, #tpu.memory_space<vmem>>
      %dma_wait3A_158 = tpu.memref_squeeze %dma_wait3A_157 : memref<1x128xi32, #tpu.memory_space<vmem>> -> memref<128xi32, #tpu.memory_space<vmem>>
      %dma_wait3A_159 = arith.constant 0 : i32
      %dma_wait3A_160 = arith.constant 0 : i32
      %dma_wait3A_161 = tpu.memref_slice %arg10[%dma_wait3A_159, %dma_wait3A_160] : memref<10240x32xf32, #tpu.memory_space<vmem_shared>> -> memref<10240x32xf32, #tpu.memory_space<vmem_shared>>
      tpu.wait_indirect_dma semaphore(%arg11 : memref<!tpu.dma_semaphore, #tpu.memory_space<semaphore_mem>>) src(%dma_wait3A_161 : memref<10240x32xf32, #tpu.memory_space<vmem_shared>>) dst(%dma_wait3A_155 : memref<128x32xf32, #tpu.memory_space<vmem>>)
      %dma_wait3A_162 = arith.constant 0 : i32
      %dma_wait3A_163 = arith.constant 1 : i32
      %dma_wait3A_164 = arith.constant 0 : i32
      %dma_wait3A_165 = arith.constant 0 : i32
      %dma_wait3A_166 = tpu.memref_slice %arg8[%rem3A_150, %dma_wait3A_163, %dma_wait3A_164, %dma_wait3A_165] : memref<2x8x128x32xf32, #tpu.memory_space<vmem>> -> memref<1x1x128x32xf32, #tpu.memory_space<vmem>>
      %dma_wait3A_167 = tpu.memref_squeeze %dma_wait3A_166 : memref<1x1x128x32xf32, #tpu.memory_space<vmem>> -> memref<128x32xf32, #tpu.memory_space<vmem>>
      %dma_wait3A_168 = arith.constant 0 : i32
      %dma_wait3A_169 = tpu.memref_slice %arg6[%dma_wait3A_162, %dma_wait3A_168] : memref<80x128xi32, #tpu.memory_space<vmem>> -> memref<1x128xi32, #tpu.memory_space<vmem>>
      %dma_wait3A_170 = tpu.memref_squeeze %dma_wait3A_169 : memref<1x128xi32, #tpu.memory_space<vmem>> -> memref<128xi32, #tpu.memory_space<vmem>>
      %dma_wait3A_171 = arith.constant 0 : i32
      %dma_wait3A_172 = arith.constant 0 : i32
      %dma_wait3A_173 = tpu.memref_slice %arg10[%dma_wait3A_171, %dma_wait3A_172] : memref<10240x32xf32, #tpu.memory_space<vmem_shared>> -> memref<10240x32xf32, #tpu.memory_space<vmem_shared>>
      tpu.wait_indirect_dma semaphore(%arg11 : memref<!tpu.dma_semaphore, #tpu.memory_space<semaphore_mem>>) src(%dma_wait3A_173 : memref<10240x32xf32, #tpu.memory_space<vmem_shared>>) dst(%dma_wait3A_167 : memref<128x32xf32, #tpu.memory_space<vmem>>)
      %dma_wait3A_174 = arith.constant 0 : i32
      %dma_wait3A_175 = arith.constant 2 : i32
      %dma_wait3A_176 = arith.constant 0 : i32
      %dma_wait3A_177 = arith.constant 0 : i32
      %dma_wait3A_178 = tpu.memref_slice %arg8[%rem3A_150, %dma_wait3A_175, %dma_wait3A_176, %dma_wait3A_177] : memref<2x8x128x32xf32, #tpu.memory_space<vmem>> -> memref<1x1x128x32xf32, #tpu.memory_space<vmem>>
      %dma_wait3A_179 = tpu.memref_squeeze %dma_wait3A_178 : memref<1x1x128x32xf32, #tpu.memory_space<vmem>> -> memref<128x32xf32, #tpu.memory_space<vmem>>
      %dma_wait3A_180 = arith.constant 0 : i32
      %dma_wait3A_181 = tpu.memref_slice %arg6[%dma_wait3A_174, %dma_wait3A_180] : memref<80x128xi32, #tpu.memory_space<vmem>> -> memref<1x128xi32, #tpu.memory_space<vmem>>
      %dma_wait3A_182 = tpu.memref_squeeze %dma_wait3A_181 : memref<1x128xi32, #tpu.memory_space<vmem>> -> memref<128xi32, #tpu.memory_space<vmem>>
      %dma_wait3A_183 = arith.constant 0 : i32
      %dma_wait3A_184 = arith.constant 0 : i32
      %dma_wait3A_185 = tpu.memref_slice %arg10[%dma_wait3A_183, %dma_wait3A_184] : memref<10240x32xf32, #tpu.memory_space<vmem_shared>> -> memref<10240x32xf32, #tpu.memory_space<vmem_shared>>
      tpu.wait_indirect_dma semaphore(%arg11 : memref<!tpu.dma_semaphore, #tpu.memory_space<semaphore_mem>>) src(%dma_wait3A_185 : memref<10240x32xf32, #tpu.memory_space<vmem_shared>>) dst(%dma_wait3A_179 : memref<128x32xf32, #tpu.memory_space<vmem>>)
      %dma_wait3A_186 = arith.constant 0 : i32
      %dma_wait3A_187 = arith.constant 3 : i32
      %dma_wait3A_188 = arith.constant 0 : i32
      %dma_wait3A_189 = arith.constant 0 : i32
      %dma_wait3A_190 = tpu.memref_slice %arg8[%rem3A_150, %dma_wait3A_187, %dma_wait3A_188, %dma_wait3A_189] : memref<2x8x128x32xf32, #tpu.memory_space<vmem>> -> memref<1x1x128x32xf32, #tpu.memory_space<vmem>>
      %dma_wait3A_191 = tpu.memref_squeeze %dma_wait3A_190 : memref<1x1x128x32xf32, #tpu.memory_space<vmem>> -> memref<128x32xf32, #tpu.memory_space<vmem>>
      %dma_wait3A_192 = arith.constant 0 : i32
      %dma_wait3A_193 = tpu.memref_slice %arg6[%dma_wait3A_186, %dma_wait3A_192] : memref<80x128xi32, #tpu.memory_space<vmem>> -> memref<1x128xi32, #tpu.memory_space<vmem>>
      %dma_wait3A_194 = tpu.memref_squeeze %dma_wait3A_193 : memref<1x128xi32, #tpu.memory_space<vmem>> -> memref<128xi32, #tpu.memory_space<vmem>>
      %dma_wait3A_195 = arith.constant 0 : i32
      %dma_wait3A_196 = arith.constant 0 : i32
      %dma_wait3A_197 = tpu.memref_slice %arg10[%dma_wait3A_195, %dma_wait3A_196] : memref<10240x32xf32, #tpu.memory_space<vmem_shared>> -> memref<10240x32xf32, #tpu.memory_space<vmem_shared>>
      tpu.wait_indirect_dma semaphore(%arg11 : memref<!tpu.dma_semaphore, #tpu.memory_space<semaphore_mem>>) src(%dma_wait3A_197 : memref<10240x32xf32, #tpu.memory_space<vmem_shared>>) dst(%dma_wait3A_191 : memref<128x32xf32, #tpu.memory_space<vmem>>)
      %dma_wait3A_198 = arith.constant 0 : i32
      %dma_wait3A_199 = arith.constant 4 : i32
      %dma_wait3A_200 = arith.constant 0 : i32
      %dma_wait3A_201 = arith.constant 0 : i32
      %dma_wait3A_202 = tpu.memref_slice %arg8[%rem3A_150, %dma_wait3A_199, %dma_wait3A_200, %dma_wait3A_201] : memref<2x8x128x32xf32, #tpu.memory_space<vmem>> -> memref<1x1x128x32xf32, #tpu.memory_space<vmem>>
      %dma_wait3A_203 = tpu.memref_squeeze %dma_wait3A_202 : memref<1x1x128x32xf32, #tpu.memory_space<vmem>> -> memref<128x32xf32, #tpu.memory_space<vmem>>
      %dma_wait3A_204 = arith.constant 0 : i32
      %dma_wait3A_205 = tpu.memref_slice %arg6[%dma_wait3A_198, %dma_wait3A_204] : memref<80x128xi32, #tpu.memory_space<vmem>> -> memref<1x128xi32, #tpu.memory_space<vmem>>
      %dma_wait3A_206 = tpu.memref_squeeze %dma_wait3A_205 : memref<1x128xi32, #tpu.memory_space<vmem>> -> memref<128xi32, #tpu.memory_space<vmem>>
      %dma_wait3A_207 = arith.constant 0 : i32
      %dma_wait3A_208 = arith.constant 0 : i32
      %dma_wait3A_209 = tpu.memref_slice %arg10[%dma_wait3A_207, %dma_wait3A_208] : memref<10240x32xf32, #tpu.memory_space<vmem_shared>> -> memref<10240x32xf32, #tpu.memory_space<vmem_shared>>
      tpu.wait_indirect_dma semaphore(%arg11 : memref<!tpu.dma_semaphore, #tpu.memory_space<semaphore_mem>>) src(%dma_wait3A_209 : memref<10240x32xf32, #tpu.memory_space<vmem_shared>>) dst(%dma_wait3A_203 : memref<128x32xf32, #tpu.memory_space<vmem>>)
      %dma_wait3A_210 = arith.constant 0 : i32
      %dma_wait3A_211 = arith.constant 5 : i32
      %dma_wait3A_212 = arith.constant 0 : i32
      %dma_wait3A_213 = arith.constant 0 : i32
      %dma_wait3A_214 = tpu.memref_slice %arg8[%rem3A_150, %dma_wait3A_211, %dma_wait3A_212, %dma_wait3A_213] : memref<2x8x128x32xf32, #tpu.memory_space<vmem>> -> memref<1x1x128x32xf32, #tpu.memory_space<vmem>>
      %dma_wait3A_215 = tpu.memref_squeeze %dma_wait3A_214 : memref<1x1x128x32xf32, #tpu.memory_space<vmem>> -> memref<128x32xf32, #tpu.memory_space<vmem>>
      %dma_wait3A_216 = arith.constant 0 : i32
      %dma_wait3A_217 = tpu.memref_slice %arg6[%dma_wait3A_210, %dma_wait3A_216] : memref<80x128xi32, #tpu.memory_space<vmem>> -> memref<1x128xi32, #tpu.memory_space<vmem>>
      %dma_wait3A_218 = tpu.memref_squeeze %dma_wait3A_217 : memref<1x128xi32, #tpu.memory_space<vmem>> -> memref<128xi32, #tpu.memory_space<vmem>>
      %dma_wait3A_219 = arith.constant 0 : i32
      %dma_wait3A_220 = arith.constant 0 : i32
      %dma_wait3A_221 = tpu.memref_slice %arg10[%dma_wait3A_219, %dma_wait3A_220] : memref<10240x32xf32, #tpu.memory_space<vmem_shared>> -> memref<10240x32xf32, #tpu.memory_space<vmem_shared>>
      tpu.wait_indirect_dma semaphore(%arg11 : memref<!tpu.dma_semaphore, #tpu.memory_space<semaphore_mem>>) src(%dma_wait3A_221 : memref<10240x32xf32, #tpu.memory_space<vmem_shared>>) dst(%dma_wait3A_215 : memref<128x32xf32, #tpu.memory_space<vmem>>)
      %dma_wait3A_222 = arith.constant 0 : i32
      %dma_wait3A_223 = arith.constant 6 : i32
      %dma_wait3A_224 = arith.constant 0 : i32
      %dma_wait3A_225 = arith.constant 0 : i32
      %dma_wait3A_226 = tpu.memref_slice %arg8[%rem3A_150, %dma_wait3A_223, %dma_wait3A_224, %dma_wait3A_225] : memref<2x8x128x32xf32, #tpu.memory_space<vmem>> -> memref<1x1x128x32xf32, #tpu.memory_space<vmem>>
      %dma_wait3A_227 = tpu.memref_squeeze %dma_wait3A_226 : memref<1x1x128x32xf32, #tpu.memory_space<vmem>> -> memref<128x32xf32, #tpu.memory_space<vmem>>
      %dma_wait3A_228 = arith.constant 0 : i32
      %dma_wait3A_229 = tpu.memref_slice %arg6[%dma_wait3A_222, %dma_wait3A_228] : memref<80x128xi32, #tpu.memory_space<vmem>> -> memref<1x128xi32, #tpu.memory_space<vmem>>
      %dma_wait3A_230 = tpu.memref_squeeze %dma_wait3A_229 : memref<1x128xi32, #tpu.memory_space<vmem>> -> memref<128xi32, #tpu.memory_space<vmem>>
      %dma_wait3A_231 = arith.constant 0 : i32
      %dma_wait3A_232 = arith.constant 0 : i32
      %dma_wait3A_233 = tpu.memref_slice %arg10[%dma_wait3A_231, %dma_wait3A_232] : memref<10240x32xf32, #tpu.memory_space<vmem_shared>> -> memref<10240x32xf32, #tpu.memory_space<vmem_shared>>
      tpu.wait_indirect_dma semaphore(%arg11 : memref<!tpu.dma_semaphore, #tpu.memory_space<semaphore_mem>>) src(%dma_wait3A_233 : memref<10240x32xf32, #tpu.memory_space<vmem_shared>>) dst(%dma_wait3A_227 : memref<128x32xf32, #tpu.memory_space<vmem>>)
      %dma_wait3A_234 = arith.constant 0 : i32
      %dma_wait3A_235 = arith.constant 7 : i32
      %dma_wait3A_236 = arith.constant 0 : i32
      %dma_wait3A_237 = arith.constant 0 : i32
      %dma_wait3A_238 = tpu.memref_slice %arg8[%rem3A_150, %dma_wait3A_235, %dma_wait3A_236, %dma_wait3A_237] : memref<2x8x128x32xf32, #tpu.memory_space<vmem>> -> memref<1x1x128x32xf32, #tpu.memory_space<vmem>>
      %dma_wait3A_239 = tpu.memref_squeeze %dma_wait3A_238 : memref<1x1x128x32xf32, #tpu.memory_space<vmem>> -> memref<128x32xf32, #tpu.memory_space<vmem>>
      %dma_wait3A_240 = arith.constant 0 : i32
      %dma_wait3A_241 = tpu.memref_slice %arg6[%dma_wait3A_234, %dma_wait3A_240] : memref<80x128xi32, #tpu.memory_space<vmem>> -> memref<1x128xi32, #tpu.memory_space<vmem>>
      %dma_wait3A_242 = tpu.memref_squeeze %dma_wait3A_241 : memref<1x128xi32, #tpu.memory_space<vmem>> -> memref<128xi32, #tpu.memory_space<vmem>>
      %dma_wait3A_243 = arith.constant 0 : i32
      %dma_wait3A_244 = arith.constant 0 : i32
      %dma_wait3A_245 = tpu.memref_slice %arg10[%dma_wait3A_243, %dma_wait3A_244] : memref<10240x32xf32, #tpu.memory_space<vmem_shared>> -> memref<10240x32xf32, #tpu.memory_space<vmem_shared>>
      tpu.wait_indirect_dma semaphore(%arg11 : memref<!tpu.dma_semaphore, #tpu.memory_space<semaphore_mem>>) src(%dma_wait3A_245 : memref<10240x32xf32, #tpu.memory_space<vmem_shared>>) dst(%dma_wait3A_239 : memref<128x32xf32, #tpu.memory_space<vmem>>)
      %lt3A = arith.constant 9 : i32
      %lt3A_246 = arith.cmpi slt, %scan3A_149, %lt3A : i32
      %convert_element_type3A_247 = arith.extui %lt3A_246 : i1 to i32
      %cond3A_248 = arith.constant 0 : i32
      %cond3A_249 = arith.cmpi ne, %convert_element_type3A_247, %cond3A_248 : i32
      scf.if %cond3A_249 {
        %add3A_466 = arith.constant 1 : i32
        %add3A_467 = arith.addi %scan3A_149, %add3A_466 : i32
        %mul3A_468 = arith.constant 8 : i32
        %mul3A_469 = arith.muli %add3A_467, %mul3A_468 : i32
        %add3A_470 = arith.constant 0 : i32
        %add3A_471 = arith.addi %mul3A_469, %add3A_470 : i32
        %sub3A_472 = arith.constant 1 : i32
        %sub3A_473 = arith.subi %sub3A_472, %rem3A_150 : i32
        %dma_start3A_474 = arith.constant 0 : i32
        %dma_start3A_475 = arith.constant 0 : i32
        %dma_start3A_476 = arith.constant 0 : i32
        %dma_start3A_477 = tpu.memref_slice %arg8[%sub3A_473, %dma_start3A_474, %dma_start3A_475, %dma_start3A_476] : memref<2x8x128x32xf32, #tpu.memory_space<vmem>> -> memref<1x1x128x32xf32, #tpu.memory_space<vmem>>
        %dma_start3A_478 = tpu.memref_squeeze %dma_start3A_477 : memref<1x1x128x32xf32, #tpu.memory_space<vmem>> -> memref<128x32xf32, #tpu.memory_space<vmem>>
        %dma_start3A_479 = arith.constant 0 : i32
        %dma_start3A_480 = tpu.memref_slice %arg6[%add3A_471, %dma_start3A_479] : memref<80x128xi32, #tpu.memory_space<vmem>> -> memref<1x128xi32, #tpu.memory_space<vmem>>
        %dma_start3A_481 = tpu.memref_squeeze %dma_start3A_480 : memref<1x128xi32, #tpu.memory_space<vmem>> -> memref<128xi32, #tpu.memory_space<vmem>>
        %dma_start3A_482 = arith.constant 0 : i32
        %dma_start3A_483 = arith.constant 0 : i32
        %dma_start3A_484 = tpu.memref_slice %arg10[%dma_start3A_482, %dma_start3A_483] : memref<10240x32xf32, #tpu.memory_space<vmem_shared>> -> memref<10240x32xf32, #tpu.memory_space<vmem_shared>>
        tpu.enqueue_indirect_dma source(%dma_start3A_484 : memref<10240x32xf32, #tpu.memory_space<vmem_shared>>) target(%dma_start3A_478 : memref<128x32xf32, #tpu.memory_space<vmem>>) offsets(%dma_start3A_481 : memref<128xi32, #tpu.memory_space<vmem>>) semaphore(%arg11 : memref<!tpu.dma_semaphore, #tpu.memory_space<semaphore_mem>>)
        %add3A_485 = arith.constant 1 : i32
        %add3A_486 = arith.addi %scan3A_149, %add3A_485 : i32
        %mul3A_487 = arith.constant 8 : i32
        %mul3A_488 = arith.muli %add3A_486, %mul3A_487 : i32
        %add3A_489 = arith.constant 1 : i32
        %add3A_490 = arith.addi %mul3A_488, %add3A_489 : i32
        %sub3A_491 = arith.constant 1 : i32
        %sub3A_492 = arith.subi %sub3A_491, %rem3A_150 : i32
        %dma_start3A_493 = arith.constant 1 : i32
        %dma_start3A_494 = arith.constant 0 : i32
        %dma_start3A_495 = arith.constant 0 : i32
        %dma_start3A_496 = tpu.memref_slice %arg8[%sub3A_492, %dma_start3A_493, %dma_start3A_494, %dma_start3A_495] : memref<2x8x128x32xf32, #tpu.memory_space<vmem>> -> memref<1x1x128x32xf32, #tpu.memory_space<vmem>>
        %dma_start3A_497 = tpu.memref_squeeze %dma_start3A_496 : memref<1x1x128x32xf32, #tpu.memory_space<vmem>> -> memref<128x32xf32, #tpu.memory_space<vmem>>
        %dma_start3A_498 = arith.constant 0 : i32
        %dma_start3A_499 = tpu.memref_slice %arg6[%add3A_490, %dma_start3A_498] : memref<80x128xi32, #tpu.memory_space<vmem>> -> memref<1x128xi32, #tpu.memory_space<vmem>>
        %dma_start3A_500 = tpu.memref_squeeze %dma_start3A_499 : memref<1x128xi32, #tpu.memory_space<vmem>> -> memref<128xi32, #tpu.memory_space<vmem>>
        %dma_start3A_501 = arith.constant 0 : i32
        %dma_start3A_502 = arith.constant 0 : i32
        %dma_start3A_503 = tpu.memref_slice %arg10[%dma_start3A_501, %dma_start3A_502] : memref<10240x32xf32, #tpu.memory_space<vmem_shared>> -> memref<10240x32xf32, #tpu.memory_space<vmem_shared>>
        tpu.enqueue_indirect_dma source(%dma_start3A_503 : memref<10240x32xf32, #tpu.memory_space<vmem_shared>>) target(%dma_start3A_497 : memref<128x32xf32, #tpu.memory_space<vmem>>) offsets(%dma_start3A_500 : memref<128xi32, #tpu.memory_space<vmem>>) semaphore(%arg11 : memref<!tpu.dma_semaphore, #tpu.memory_space<semaphore_mem>>)
        %add3A_504 = arith.constant 1 : i32
        %add3A_505 = arith.addi %scan3A_149, %add3A_504 : i32
        %mul3A_506 = arith.constant 8 : i32
        %mul3A_507 = arith.muli %add3A_505, %mul3A_506 : i32
        %add3A_508 = arith.constant 2 : i32
        %add3A_509 = arith.addi %mul3A_507, %add3A_508 : i32
        %sub3A_510 = arith.constant 1 : i32
        %sub3A_511 = arith.subi %sub3A_510, %rem3A_150 : i32
        %dma_start3A_512 = arith.constant 2 : i32
        %dma_start3A_513 = arith.constant 0 : i32
        %dma_start3A_514 = arith.constant 0 : i32
        %dma_start3A_515 = tpu.memref_slice %arg8[%sub3A_511, %dma_start3A_512, %dma_start3A_513, %dma_start3A_514] : memref<2x8x128x32xf32, #tpu.memory_space<vmem>> -> memref<1x1x128x32xf32, #tpu.memory_space<vmem>>
        %dma_start3A_516 = tpu.memref_squeeze %dma_start3A_515 : memref<1x1x128x32xf32, #tpu.memory_space<vmem>> -> memref<128x32xf32, #tpu.memory_space<vmem>>
        %dma_start3A_517 = arith.constant 0 : i32
        %dma_start3A_518 = tpu.memref_slice %arg6[%add3A_509, %dma_start3A_517] : memref<80x128xi32, #tpu.memory_space<vmem>> -> memref<1x128xi32, #tpu.memory_space<vmem>>
        %dma_start3A_519 = tpu.memref_squeeze %dma_start3A_518 : memref<1x128xi32, #tpu.memory_space<vmem>> -> memref<128xi32, #tpu.memory_space<vmem>>
        %dma_start3A_520 = arith.constant 0 : i32
        %dma_start3A_521 = arith.constant 0 : i32
        %dma_start3A_522 = tpu.memref_slice %arg10[%dma_start3A_520, %dma_start3A_521] : memref<10240x32xf32, #tpu.memory_space<vmem_shared>> -> memref<10240x32xf32, #tpu.memory_space<vmem_shared>>
        tpu.enqueue_indirect_dma source(%dma_start3A_522 : memref<10240x32xf32, #tpu.memory_space<vmem_shared>>) target(%dma_start3A_516 : memref<128x32xf32, #tpu.memory_space<vmem>>) offsets(%dma_start3A_519 : memref<128xi32, #tpu.memory_space<vmem>>) semaphore(%arg11 : memref<!tpu.dma_semaphore, #tpu.memory_space<semaphore_mem>>)
        %add3A_523 = arith.constant 1 : i32
        %add3A_524 = arith.addi %scan3A_149, %add3A_523 : i32
        %mul3A_525 = arith.constant 8 : i32
        %mul3A_526 = arith.muli %add3A_524, %mul3A_525 : i32
        %add3A_527 = arith.constant 3 : i32
        %add3A_528 = arith.addi %mul3A_526, %add3A_527 : i32
        %sub3A_529 = arith.constant 1 : i32
        %sub3A_530 = arith.subi %sub3A_529, %rem3A_150 : i32
        %dma_start3A_531 = arith.constant 3 : i32
        %dma_start3A_532 = arith.constant 0 : i32
        %dma_start3A_533 = arith.constant 0 : i32
        %dma_start3A_534 = tpu.memref_slice %arg8[%sub3A_530, %dma_start3A_531, %dma_start3A_532, %dma_start3A_533] : memref<2x8x128x32xf32, #tpu.memory_space<vmem>> -> memref<1x1x128x32xf32, #tpu.memory_space<vmem>>
        %dma_start3A_535 = tpu.memref_squeeze %dma_start3A_534 : memref<1x1x128x32xf32, #tpu.memory_space<vmem>> -> memref<128x32xf32, #tpu.memory_space<vmem>>
        %dma_start3A_536 = arith.constant 0 : i32
        %dma_start3A_537 = tpu.memref_slice %arg6[%add3A_528, %dma_start3A_536] : memref<80x128xi32, #tpu.memory_space<vmem>> -> memref<1x128xi32, #tpu.memory_space<vmem>>
        %dma_start3A_538 = tpu.memref_squeeze %dma_start3A_537 : memref<1x128xi32, #tpu.memory_space<vmem>> -> memref<128xi32, #tpu.memory_space<vmem>>
        %dma_start3A_539 = arith.constant 0 : i32
        %dma_start3A_540 = arith.constant 0 : i32
        %dma_start3A_541 = tpu.memref_slice %arg10[%dma_start3A_539, %dma_start3A_540] : memref<10240x32xf32, #tpu.memory_space<vmem_shared>> -> memref<10240x32xf32, #tpu.memory_space<vmem_shared>>
        tpu.enqueue_indirect_dma source(%dma_start3A_541 : memref<10240x32xf32, #tpu.memory_space<vmem_shared>>) target(%dma_start3A_535 : memref<128x32xf32, #tpu.memory_space<vmem>>) offsets(%dma_start3A_538 : memref<128xi32, #tpu.memory_space<vmem>>) semaphore(%arg11 : memref<!tpu.dma_semaphore, #tpu.memory_space<semaphore_mem>>)
        %add3A_542 = arith.constant 1 : i32
        %add3A_543 = arith.addi %scan3A_149, %add3A_542 : i32
        %mul3A_544 = arith.constant 8 : i32
        %mul3A_545 = arith.muli %add3A_543, %mul3A_544 : i32
        %add3A_546 = arith.constant 4 : i32
        %add3A_547 = arith.addi %mul3A_545, %add3A_546 : i32
        %sub3A_548 = arith.constant 1 : i32
        %sub3A_549 = arith.subi %sub3A_548, %rem3A_150 : i32
        %dma_start3A_550 = arith.constant 4 : i32
        %dma_start3A_551 = arith.constant 0 : i32
        %dma_start3A_552 = arith.constant 0 : i32
        %dma_start3A_553 = tpu.memref_slice %arg8[%sub3A_549, %dma_start3A_550, %dma_start3A_551, %dma_start3A_552] : memref<2x8x128x32xf32, #tpu.memory_space<vmem>> -> memref<1x1x128x32xf32, #tpu.memory_space<vmem>>
        %dma_start3A_554 = tpu.memref_squeeze %dma_start3A_553 : memref<1x1x128x32xf32, #tpu.memory_space<vmem>> -> memref<128x32xf32, #tpu.memory_space<vmem>>
        %dma_start3A_555 = arith.constant 0 : i32
        %dma_start3A_556 = tpu.memref_slice %arg6[%add3A_547, %dma_start3A_555] : memref<80x128xi32, #tpu.memory_space<vmem>> -> memref<1x128xi32, #tpu.memory_space<vmem>>
        %dma_start3A_557 = tpu.memref_squeeze %dma_start3A_556 : memref<1x128xi32, #tpu.memory_space<vmem>> -> memref<128xi32, #tpu.memory_space<vmem>>
        %dma_start3A_558 = arith.constant 0 : i32
        %dma_start3A_559 = arith.constant 0 : i32
        %dma_start3A_560 = tpu.memref_slice %arg10[%dma_start3A_558, %dma_start3A_559] : memref<10240x32xf32, #tpu.memory_space<vmem_shared>> -> memref<10240x32xf32, #tpu.memory_space<vmem_shared>>
        tpu.enqueue_indirect_dma source(%dma_start3A_560 : memref<10240x32xf32, #tpu.memory_space<vmem_shared>>) target(%dma_start3A_554 : memref<128x32xf32, #tpu.memory_space<vmem>>) offsets(%dma_start3A_557 : memref<128xi32, #tpu.memory_space<vmem>>) semaphore(%arg11 : memref<!tpu.dma_semaphore, #tpu.memory_space<semaphore_mem>>)
        %add3A_561 = arith.constant 1 : i32
        %add3A_562 = arith.addi %scan3A_149, %add3A_561 : i32
        %mul3A_563 = arith.constant 8 : i32
        %mul3A_564 = arith.muli %add3A_562, %mul3A_563 : i32
        %add3A_565 = arith.constant 5 : i32
        %add3A_566 = arith.addi %mul3A_564, %add3A_565 : i32
        %sub3A_567 = arith.constant 1 : i32
        %sub3A_568 = arith.subi %sub3A_567, %rem3A_150 : i32
        %dma_start3A_569 = arith.constant 5 : i32
        %dma_start3A_570 = arith.constant 0 : i32
        %dma_start3A_571 = arith.constant 0 : i32
        %dma_start3A_572 = tpu.memref_slice %arg8[%sub3A_568, %dma_start3A_569, %dma_start3A_570, %dma_start3A_571] : memref<2x8x128x32xf32, #tpu.memory_space<vmem>> -> memref<1x1x128x32xf32, #tpu.memory_space<vmem>>
        %dma_start3A_573 = tpu.memref_squeeze %dma_start3A_572 : memref<1x1x128x32xf32, #tpu.memory_space<vmem>> -> memref<128x32xf32, #tpu.memory_space<vmem>>
        %dma_start3A_574 = arith.constant 0 : i32
        %dma_start3A_575 = tpu.memref_slice %arg6[%add3A_566, %dma_start3A_574] : memref<80x128xi32, #tpu.memory_space<vmem>> -> memref<1x128xi32, #tpu.memory_space<vmem>>
        %dma_start3A_576 = tpu.memref_squeeze %dma_start3A_575 : memref<1x128xi32, #tpu.memory_space<vmem>> -> memref<128xi32, #tpu.memory_space<vmem>>
        %dma_start3A_577 = arith.constant 0 : i32
        %dma_start3A_578 = arith.constant 0 : i32
        %dma_start3A_579 = tpu.memref_slice %arg10[%dma_start3A_577, %dma_start3A_578] : memref<10240x32xf32, #tpu.memory_space<vmem_shared>> -> memref<10240x32xf32, #tpu.memory_space<vmem_shared>>
        tpu.enqueue_indirect_dma source(%dma_start3A_579 : memref<10240x32xf32, #tpu.memory_space<vmem_shared>>) target(%dma_start3A_573 : memref<128x32xf32, #tpu.memory_space<vmem>>) offsets(%dma_start3A_576 : memref<128xi32, #tpu.memory_space<vmem>>) semaphore(%arg11 : memref<!tpu.dma_semaphore, #tpu.memory_space<semaphore_mem>>)
        %add3A_580 = arith.constant 1 : i32
        %add3A_581 = arith.addi %scan3A_149, %add3A_580 : i32
        %mul3A_582 = arith.constant 8 : i32
        %mul3A_583 = arith.muli %add3A_581, %mul3A_582 : i32
        %add3A_584 = arith.constant 6 : i32
        %add3A_585 = arith.addi %mul3A_583, %add3A_584 : i32
        %sub3A_586 = arith.constant 1 : i32
        %sub3A_587 = arith.subi %sub3A_586, %rem3A_150 : i32
        %dma_start3A_588 = arith.constant 6 : i32
        %dma_start3A_589 = arith.constant 0 : i32
        %dma_start3A_590 = arith.constant 0 : i32
        %dma_start3A_591 = tpu.memref_slice %arg8[%sub3A_587, %dma_start3A_588, %dma_start3A_589, %dma_start3A_590] : memref<2x8x128x32xf32, #tpu.memory_space<vmem>> -> memref<1x1x128x32xf32, #tpu.memory_space<vmem>>
        %dma_start3A_592 = tpu.memref_squeeze %dma_start3A_591 : memref<1x1x128x32xf32, #tpu.memory_space<vmem>> -> memref<128x32xf32, #tpu.memory_space<vmem>>
        %dma_start3A_593 = arith.constant 0 : i32
        %dma_start3A_594 = tpu.memref_slice %arg6[%add3A_585, %dma_start3A_593] : memref<80x128xi32, #tpu.memory_space<vmem>> -> memref<1x128xi32, #tpu.memory_space<vmem>>
        %dma_start3A_595 = tpu.memref_squeeze %dma_start3A_594 : memref<1x128xi32, #tpu.memory_space<vmem>> -> memref<128xi32, #tpu.memory_space<vmem>>
        %dma_start3A_596 = arith.constant 0 : i32
        %dma_start3A_597 = arith.constant 0 : i32
        %dma_start3A_598 = tpu.memref_slice %arg10[%dma_start3A_596, %dma_start3A_597] : memref<10240x32xf32, #tpu.memory_space<vmem_shared>> -> memref<10240x32xf32, #tpu.memory_space<vmem_shared>>
        tpu.enqueue_indirect_dma source(%dma_start3A_598 : memref<10240x32xf32, #tpu.memory_space<vmem_shared>>) target(%dma_start3A_592 : memref<128x32xf32, #tpu.memory_space<vmem>>) offsets(%dma_start3A_595 : memref<128xi32, #tpu.memory_space<vmem>>) semaphore(%arg11 : memref<!tpu.dma_semaphore, #tpu.memory_space<semaphore_mem>>)
        %add3A_599 = arith.constant 1 : i32
        %add3A_600 = arith.addi %scan3A_149, %add3A_599 : i32
        %mul3A_601 = arith.constant 8 : i32
        %mul3A_602 = arith.muli %add3A_600, %mul3A_601 : i32
        %add3A_603 = arith.constant 7 : i32
        %add3A_604 = arith.addi %mul3A_602, %add3A_603 : i32
        %sub3A_605 = arith.constant 1 : i32
        %sub3A_606 = arith.subi %sub3A_605, %rem3A_150 : i32
        %dma_start3A_607 = arith.constant 7 : i32
        %dma_start3A_608 = arith.constant 0 : i32
        %dma_start3A_609 = arith.constant 0 : i32
        %dma_start3A_610 = tpu.memref_slice %arg8[%sub3A_606, %dma_start3A_607, %dma_start3A_608, %dma_start3A_609] : memref<2x8x128x32xf32, #tpu.memory_space<vmem>> -> memref<1x1x128x32xf32, #tpu.memory_space<vmem>>
        %dma_start3A_611 = tpu.memref_squeeze %dma_start3A_610 : memref<1x1x128x32xf32, #tpu.memory_space<vmem>> -> memref<128x32xf32, #tpu.memory_space<vmem>>
        %dma_start3A_612 = arith.constant 0 : i32
        %dma_start3A_613 = tpu.memref_slice %arg6[%add3A_604, %dma_start3A_612] : memref<80x128xi32, #tpu.memory_space<vmem>> -> memref<1x128xi32, #tpu.memory_space<vmem>>
        %dma_start3A_614 = tpu.memref_squeeze %dma_start3A_613 : memref<1x128xi32, #tpu.memory_space<vmem>> -> memref<128xi32, #tpu.memory_space<vmem>>
        %dma_start3A_615 = arith.constant 0 : i32
        %dma_start3A_616 = arith.constant 0 : i32
        %dma_start3A_617 = tpu.memref_slice %arg10[%dma_start3A_615, %dma_start3A_616] : memref<10240x32xf32, #tpu.memory_space<vmem_shared>> -> memref<10240x32xf32, #tpu.memory_space<vmem_shared>>
        tpu.enqueue_indirect_dma source(%dma_start3A_617 : memref<10240x32xf32, #tpu.memory_space<vmem_shared>>) target(%dma_start3A_611 : memref<128x32xf32, #tpu.memory_space<vmem>>) offsets(%dma_start3A_614 : memref<128xi32, #tpu.memory_space<vmem>>) semaphore(%arg11 : memref<!tpu.dma_semaphore, #tpu.memory_space<semaphore_mem>>)
      } else {
      }
      %mul3A_250 = arith.constant 8 : i32
      %mul3A_251 = arith.muli %scan3A_149, %mul3A_250 : i32
      %add3A_252 = arith.constant 0 : i32
      %add3A_253 = arith.addi %mul3A_251, %add3A_252 : i32
      %dma_start3A_254 = arith.constant 0 : i32
      %dma_start3A_255 = arith.constant 0 : i32
      %dma_start3A_256 = arith.constant 0 : i32
      %dma_start3A_257 = tpu.memref_slice %arg8[%rem3A_150, %dma_start3A_254, %dma_start3A_255, %dma_start3A_256] : memref<2x8x128x32xf32, #tpu.memory_space<vmem>> -> memref<1x1x128x32xf32, #tpu.memory_space<vmem>>
      %dma_start3A_258 = tpu.memref_squeeze %dma_start3A_257 : memref<1x1x128x32xf32, #tpu.memory_space<vmem>> -> memref<128x32xf32, #tpu.memory_space<vmem>>
      %dma_start3A_259 = arith.constant 0 : i32
      %dma_start3A_260 = tpu.memref_slice %arg7[%add3A_253, %dma_start3A_259] : memref<80x128xi32, #tpu.memory_space<vmem>> -> memref<1x128xi32, #tpu.memory_space<vmem>>
      %dma_start3A_261 = tpu.memref_squeeze %dma_start3A_260 : memref<1x128xi32, #tpu.memory_space<vmem>> -> memref<128xi32, #tpu.memory_space<vmem>>
      %dma_start3A_262 = arith.constant 0 : i32
      %dma_start3A_263 = arith.constant 0 : i32
      %dma_start3A_264 = tpu.memref_slice %arg9[%dma_start3A_262, %dma_start3A_263] : memref<10240x32xf32, #tpu.memory_space<vmem_shared>> -> memref<10240x32xf32, #tpu.memory_space<vmem_shared>>
      tpu.enqueue_indirect_dma source(%dma_start3A_258 : memref<128x32xf32, #tpu.memory_space<vmem>>) target(%dma_start3A_264 : memref<10240x32xf32, #tpu.memory_space<vmem_shared>>) offsets(%dma_start3A_261 : memref<128xi32, #tpu.memory_space<vmem>>) semaphore(%arg12 : memref<!tpu.dma_semaphore, #tpu.memory_space<semaphore_mem>>) {add = true}
      %mul3A_265 = arith.constant 8 : i32
      %mul3A_266 = arith.muli %scan3A_149, %mul3A_265 : i32
      %add3A_267 = arith.constant 1 : i32
      %add3A_268 = arith.addi %mul3A_266, %add3A_267 : i32
      %dma_start3A_269 = arith.constant 1 : i32
      %dma_start3A_270 = arith.constant 0 : i32
      %dma_start3A_271 = arith.constant 0 : i32
      %dma_start3A_272 = tpu.memref_slice %arg8[%rem3A_150, %dma_start3A_269, %dma_start3A_270, %dma_start3A_271] : memref<2x8x128x32xf32, #tpu.memory_space<vmem>> -> memref<1x1x128x32xf32, #tpu.memory_space<vmem>>
      %dma_start3A_273 = tpu.memref_squeeze %dma_start3A_272 : memref<1x1x128x32xf32, #tpu.memory_space<vmem>> -> memref<128x32xf32, #tpu.memory_space<vmem>>
      %dma_start3A_274 = arith.constant 0 : i32
      %dma_start3A_275 = tpu.memref_slice %arg7[%add3A_268, %dma_start3A_274] : memref<80x128xi32, #tpu.memory_space<vmem>> -> memref<1x128xi32, #tpu.memory_space<vmem>>
      %dma_start3A_276 = tpu.memref_squeeze %dma_start3A_275 : memref<1x128xi32, #tpu.memory_space<vmem>> -> memref<128xi32, #tpu.memory_space<vmem>>
      %dma_start3A_277 = arith.constant 0 : i32
      %dma_start3A_278 = arith.constant 0 : i32
      %dma_start3A_279 = tpu.memref_slice %arg9[%dma_start3A_277, %dma_start3A_278] : memref<10240x32xf32, #tpu.memory_space<vmem_shared>> -> memref<10240x32xf32, #tpu.memory_space<vmem_shared>>
      tpu.enqueue_indirect_dma source(%dma_start3A_273 : memref<128x32xf32, #tpu.memory_space<vmem>>) target(%dma_start3A_279 : memref<10240x32xf32, #tpu.memory_space<vmem_shared>>) offsets(%dma_start3A_276 : memref<128xi32, #tpu.memory_space<vmem>>) semaphore(%arg12 : memref<!tpu.dma_semaphore, #tpu.memory_space<semaphore_mem>>) {add = true}
      %mul3A_280 = arith.constant 8 : i32
      %mul3A_281 = arith.muli %scan3A_149, %mul3A_280 : i32
      %add3A_282 = arith.constant 2 : i32
      %add3A_283 = arith.addi %mul3A_281, %add3A_282 : i32
      %dma_start3A_284 = arith.constant 2 : i32
      %dma_start3A_285 = arith.constant 0 : i32
      %dma_start3A_286 = arith.constant 0 : i32
      %dma_start3A_287 = tpu.memref_slice %arg8[%rem3A_150, %dma_start3A_284, %dma_start3A_285, %dma_start3A_286] : memref<2x8x128x32xf32, #tpu.memory_space<vmem>> -> memref<1x1x128x32xf32, #tpu.memory_space<vmem>>
      %dma_start3A_288 = tpu.memref_squeeze %dma_start3A_287 : memref<1x1x128x32xf32, #tpu.memory_space<vmem>> -> memref<128x32xf32, #tpu.memory_space<vmem>>
      %dma_start3A_289 = arith.constant 0 : i32
      %dma_start3A_290 = tpu.memref_slice %arg7[%add3A_283, %dma_start3A_289] : memref<80x128xi32, #tpu.memory_space<vmem>> -> memref<1x128xi32, #tpu.memory_space<vmem>>
      %dma_start3A_291 = tpu.memref_squeeze %dma_start3A_290 : memref<1x128xi32, #tpu.memory_space<vmem>> -> memref<128xi32, #tpu.memory_space<vmem>>
      %dma_start3A_292 = arith.constant 0 : i32
      %dma_start3A_293 = arith.constant 0 : i32
      %dma_start3A_294 = tpu.memref_slice %arg9[%dma_start3A_292, %dma_start3A_293] : memref<10240x32xf32, #tpu.memory_space<vmem_shared>> -> memref<10240x32xf32, #tpu.memory_space<vmem_shared>>
      tpu.enqueue_indirect_dma source(%dma_start3A_288 : memref<128x32xf32, #tpu.memory_space<vmem>>) target(%dma_start3A_294 : memref<10240x32xf32, #tpu.memory_space<vmem_shared>>) offsets(%dma_start3A_291 : memref<128xi32, #tpu.memory_space<vmem>>) semaphore(%arg12 : memref<!tpu.dma_semaphore, #tpu.memory_space<semaphore_mem>>) {add = true}
      %mul3A_295 = arith.constant 8 : i32
      %mul3A_296 = arith.muli %scan3A_149, %mul3A_295 : i32
      %add3A_297 = arith.constant 3 : i32
      %add3A_298 = arith.addi %mul3A_296, %add3A_297 : i32
      %dma_start3A_299 = arith.constant 3 : i32
      %dma_start3A_300 = arith.constant 0 : i32
      %dma_start3A_301 = arith.constant 0 : i32
      %dma_start3A_302 = tpu.memref_slice %arg8[%rem3A_150, %dma_start3A_299, %dma_start3A_300, %dma_start3A_301] : memref<2x8x128x32xf32, #tpu.memory_space<vmem>> -> memref<1x1x128x32xf32, #tpu.memory_space<vmem>>
      %dma_start3A_303 = tpu.memref_squeeze %dma_start3A_302 : memref<1x1x128x32xf32, #tpu.memory_space<vmem>> -> memref<128x32xf32, #tpu.memory_space<vmem>>
      %dma_start3A_304 = arith.constant 0 : i32
      %dma_start3A_305 = tpu.memref_slice %arg7[%add3A_298, %dma_start3A_304] : memref<80x128xi32, #tpu.memory_space<vmem>> -> memref<1x128xi32, #tpu.memory_space<vmem>>
      %dma_start3A_306 = tpu.memref_squeeze %dma_start3A_305 : memref<1x128xi32, #tpu.memory_space<vmem>> -> memref<128xi32, #tpu.memory_space<vmem>>
      %dma_start3A_307 = arith.constant 0 : i32
      %dma_start3A_308 = arith.constant 0 : i32
      %dma_start3A_309 = tpu.memref_slice %arg9[%dma_start3A_307, %dma_start3A_308] : memref<10240x32xf32, #tpu.memory_space<vmem_shared>> -> memref<10240x32xf32, #tpu.memory_space<vmem_shared>>
      tpu.enqueue_indirect_dma source(%dma_start3A_303 : memref<128x32xf32, #tpu.memory_space<vmem>>) target(%dma_start3A_309 : memref<10240x32xf32, #tpu.memory_space<vmem_shared>>) offsets(%dma_start3A_306 : memref<128xi32, #tpu.memory_space<vmem>>) semaphore(%arg12 : memref<!tpu.dma_semaphore, #tpu.memory_space<semaphore_mem>>) {add = true}
      %mul3A_310 = arith.constant 8 : i32
      %mul3A_311 = arith.muli %scan3A_149, %mul3A_310 : i32
      %add3A_312 = arith.constant 4 : i32
      %add3A_313 = arith.addi %mul3A_311, %add3A_312 : i32
      %dma_start3A_314 = arith.constant 4 : i32
      %dma_start3A_315 = arith.constant 0 : i32
      %dma_start3A_316 = arith.constant 0 : i32
      %dma_start3A_317 = tpu.memref_slice %arg8[%rem3A_150, %dma_start3A_314, %dma_start3A_315, %dma_start3A_316] : memref<2x8x128x32xf32, #tpu.memory_space<vmem>> -> memref<1x1x128x32xf32, #tpu.memory_space<vmem>>
      %dma_start3A_318 = tpu.memref_squeeze %dma_start3A_317 : memref<1x1x128x32xf32, #tpu.memory_space<vmem>> -> memref<128x32xf32, #tpu.memory_space<vmem>>
      %dma_start3A_319 = arith.constant 0 : i32
      %dma_start3A_320 = tpu.memref_slice %arg7[%add3A_313, %dma_start3A_319] : memref<80x128xi32, #tpu.memory_space<vmem>> -> memref<1x128xi32, #tpu.memory_space<vmem>>
      %dma_start3A_321 = tpu.memref_squeeze %dma_start3A_320 : memref<1x128xi32, #tpu.memory_space<vmem>> -> memref<128xi32, #tpu.memory_space<vmem>>
      %dma_start3A_322 = arith.constant 0 : i32
      %dma_start3A_323 = arith.constant 0 : i32
      %dma_start3A_324 = tpu.memref_slice %arg9[%dma_start3A_322, %dma_start3A_323] : memref<10240x32xf32, #tpu.memory_space<vmem_shared>> -> memref<10240x32xf32, #tpu.memory_space<vmem_shared>>
      tpu.enqueue_indirect_dma source(%dma_start3A_318 : memref<128x32xf32, #tpu.memory_space<vmem>>) target(%dma_start3A_324 : memref<10240x32xf32, #tpu.memory_space<vmem_shared>>) offsets(%dma_start3A_321 : memref<128xi32, #tpu.memory_space<vmem>>) semaphore(%arg12 : memref<!tpu.dma_semaphore, #tpu.memory_space<semaphore_mem>>) {add = true}
      %mul3A_325 = arith.constant 8 : i32
      %mul3A_326 = arith.muli %scan3A_149, %mul3A_325 : i32
      %add3A_327 = arith.constant 5 : i32
      %add3A_328 = arith.addi %mul3A_326, %add3A_327 : i32
      %dma_start3A_329 = arith.constant 5 : i32
      %dma_start3A_330 = arith.constant 0 : i32
      %dma_start3A_331 = arith.constant 0 : i32
      %dma_start3A_332 = tpu.memref_slice %arg8[%rem3A_150, %dma_start3A_329, %dma_start3A_330, %dma_start3A_331] : memref<2x8x128x32xf32, #tpu.memory_space<vmem>> -> memref<1x1x128x32xf32, #tpu.memory_space<vmem>>
      %dma_start3A_333 = tpu.memref_squeeze %dma_start3A_332 : memref<1x1x128x32xf32, #tpu.memory_space<vmem>> -> memref<128x32xf32, #tpu.memory_space<vmem>>
      %dma_start3A_334 = arith.constant 0 : i32
      %dma_start3A_335 = tpu.memref_slice %arg7[%add3A_328, %dma_start3A_334] : memref<80x128xi32, #tpu.memory_space<vmem>> -> memref<1x128xi32, #tpu.memory_space<vmem>>
      %dma_start3A_336 = tpu.memref_squeeze %dma_start3A_335 : memref<1x128xi32, #tpu.memory_space<vmem>> -> memref<128xi32, #tpu.memory_space<vmem>>
      %dma_start3A_337 = arith.constant 0 : i32
      %dma_start3A_338 = arith.constant 0 : i32
      %dma_start3A_339 = tpu.memref_slice %arg9[%dma_start3A_337, %dma_start3A_338] : memref<10240x32xf32, #tpu.memory_space<vmem_shared>> -> memref<10240x32xf32, #tpu.memory_space<vmem_shared>>
      tpu.enqueue_indirect_dma source(%dma_start3A_333 : memref<128x32xf32, #tpu.memory_space<vmem>>) target(%dma_start3A_339 : memref<10240x32xf32, #tpu.memory_space<vmem_shared>>) offsets(%dma_start3A_336 : memref<128xi32, #tpu.memory_space<vmem>>) semaphore(%arg12 : memref<!tpu.dma_semaphore, #tpu.memory_space<semaphore_mem>>) {add = true}
      %mul3A_340 = arith.constant 8 : i32
      %mul3A_341 = arith.muli %scan3A_149, %mul3A_340 : i32
      %add3A_342 = arith.constant 6 : i32
      %add3A_343 = arith.addi %mul3A_341, %add3A_342 : i32
      %dma_start3A_344 = arith.constant 6 : i32
      %dma_start3A_345 = arith.constant 0 : i32
      %dma_start3A_346 = arith.constant 0 : i32
      %dma_start3A_347 = tpu.memref_slice %arg8[%rem3A_150, %dma_start3A_344, %dma_start3A_345, %dma_start3A_346] : memref<2x8x128x32xf32, #tpu.memory_space<vmem>> -> memref<1x1x128x32xf32, #tpu.memory_space<vmem>>
      %dma_start3A_348 = tpu.memref_squeeze %dma_start3A_347 : memref<1x1x128x32xf32, #tpu.memory_space<vmem>> -> memref<128x32xf32, #tpu.memory_space<vmem>>
      %dma_start3A_349 = arith.constant 0 : i32
      %dma_start3A_350 = tpu.memref_slice %arg7[%add3A_343, %dma_start3A_349] : memref<80x128xi32, #tpu.memory_space<vmem>> -> memref<1x128xi32, #tpu.memory_space<vmem>>
      %dma_start3A_351 = tpu.memref_squeeze %dma_start3A_350 : memref<1x128xi32, #tpu.memory_space<vmem>> -> memref<128xi32, #tpu.memory_space<vmem>>
      %dma_start3A_352 = arith.constant 0 : i32
      %dma_start3A_353 = arith.constant 0 : i32
      %dma_start3A_354 = tpu.memref_slice %arg9[%dma_start3A_352, %dma_start3A_353] : memref<10240x32xf32, #tpu.memory_space<vmem_shared>> -> memref<10240x32xf32, #tpu.memory_space<vmem_shared>>
      tpu.enqueue_indirect_dma source(%dma_start3A_348 : memref<128x32xf32, #tpu.memory_space<vmem>>) target(%dma_start3A_354 : memref<10240x32xf32, #tpu.memory_space<vmem_shared>>) offsets(%dma_start3A_351 : memref<128xi32, #tpu.memory_space<vmem>>) semaphore(%arg12 : memref<!tpu.dma_semaphore, #tpu.memory_space<semaphore_mem>>) {add = true}
      %mul3A_355 = arith.constant 8 : i32
      %mul3A_356 = arith.muli %scan3A_149, %mul3A_355 : i32
      %add3A_357 = arith.constant 7 : i32
      %add3A_358 = arith.addi %mul3A_356, %add3A_357 : i32
      %dma_start3A_359 = arith.constant 7 : i32
      %dma_start3A_360 = arith.constant 0 : i32
      %dma_start3A_361 = arith.constant 0 : i32
      %dma_start3A_362 = tpu.memref_slice %arg8[%rem3A_150, %dma_start3A_359, %dma_start3A_360, %dma_start3A_361] : memref<2x8x128x32xf32, #tpu.memory_space<vmem>> -> memref<1x1x128x32xf32, #tpu.memory_space<vmem>>
      %dma_start3A_363 = tpu.memref_squeeze %dma_start3A_362 : memref<1x1x128x32xf32, #tpu.memory_space<vmem>> -> memref<128x32xf32, #tpu.memory_space<vmem>>
      %dma_start3A_364 = arith.constant 0 : i32
      %dma_start3A_365 = tpu.memref_slice %arg7[%add3A_358, %dma_start3A_364] : memref<80x128xi32, #tpu.memory_space<vmem>> -> memref<1x128xi32, #tpu.memory_space<vmem>>
      %dma_start3A_366 = tpu.memref_squeeze %dma_start3A_365 : memref<1x128xi32, #tpu.memory_space<vmem>> -> memref<128xi32, #tpu.memory_space<vmem>>
      %dma_start3A_367 = arith.constant 0 : i32
      %dma_start3A_368 = arith.constant 0 : i32
      %dma_start3A_369 = tpu.memref_slice %arg9[%dma_start3A_367, %dma_start3A_368] : memref<10240x32xf32, #tpu.memory_space<vmem_shared>> -> memref<10240x32xf32, #tpu.memory_space<vmem_shared>>
      tpu.enqueue_indirect_dma source(%dma_start3A_363 : memref<128x32xf32, #tpu.memory_space<vmem>>) target(%dma_start3A_369 : memref<10240x32xf32, #tpu.memory_space<vmem_shared>>) offsets(%dma_start3A_366 : memref<128xi32, #tpu.memory_space<vmem>>) semaphore(%arg12 : memref<!tpu.dma_semaphore, #tpu.memory_space<semaphore_mem>>) {add = true}
      %dma_wait3A_370 = arith.constant 0 : i32
      %dma_wait3A_371 = arith.constant 0 : i32
      %dma_wait3A_372 = arith.constant 0 : i32
      %dma_wait3A_373 = arith.constant 0 : i32
      %dma_wait3A_374 = tpu.memref_slice %arg8[%rem3A_150, %dma_wait3A_370, %dma_wait3A_372, %dma_wait3A_373] : memref<2x8x128x32xf32, #tpu.memory_space<vmem>> -> memref<1x1x128x32xf32, #tpu.memory_space<vmem>>
      %dma_wait3A_375 = tpu.memref_squeeze %dma_wait3A_374 : memref<1x1x128x32xf32, #tpu.memory_space<vmem>> -> memref<128x32xf32, #tpu.memory_space<vmem>>
      %dma_wait3A_376 = arith.constant 0 : i32
      %dma_wait3A_377 = tpu.memref_slice %arg7[%dma_wait3A_371, %dma_wait3A_376] : memref<80x128xi32, #tpu.memory_space<vmem>> -> memref<1x128xi32, #tpu.memory_space<vmem>>
      %dma_wait3A_378 = tpu.memref_squeeze %dma_wait3A_377 : memref<1x128xi32, #tpu.memory_space<vmem>> -> memref<128xi32, #tpu.memory_space<vmem>>
      %dma_wait3A_379 = arith.constant 0 : i32
      %dma_wait3A_380 = arith.constant 0 : i32
      %dma_wait3A_381 = tpu.memref_slice %arg9[%dma_wait3A_379, %dma_wait3A_380] : memref<10240x32xf32, #tpu.memory_space<vmem_shared>> -> memref<10240x32xf32, #tpu.memory_space<vmem_shared>>
      tpu.wait_indirect_dma semaphore(%arg12 : memref<!tpu.dma_semaphore, #tpu.memory_space<semaphore_mem>>) src(%dma_wait3A_375 : memref<128x32xf32, #tpu.memory_space<vmem>>) dst(%dma_wait3A_381 : memref<10240x32xf32, #tpu.memory_space<vmem_shared>>)
      %dma_wait3A_382 = arith.constant 1 : i32
      %dma_wait3A_383 = arith.constant 0 : i32
      %dma_wait3A_384 = arith.constant 0 : i32
      %dma_wait3A_385 = arith.constant 0 : i32
      %dma_wait3A_386 = tpu.memref_slice %arg8[%rem3A_150, %dma_wait3A_382, %dma_wait3A_384, %dma_wait3A_385] : memref<2x8x128x32xf32, #tpu.memory_space<vmem>> -> memref<1x1x128x32xf32, #tpu.memory_space<vmem>>
      %dma_wait3A_387 = tpu.memref_squeeze %dma_wait3A_386 : memref<1x1x128x32xf32, #tpu.memory_space<vmem>> -> memref<128x32xf32, #tpu.memory_space<vmem>>
      %dma_wait3A_388 = arith.constant 0 : i32
      %dma_wait3A_389 = tpu.memref_slice %arg7[%dma_wait3A_383, %dma_wait3A_388] : memref<80x128xi32, #tpu.memory_space<vmem>> -> memref<1x128xi32, #tpu.memory_space<vmem>>
      %dma_wait3A_390 = tpu.memref_squeeze %dma_wait3A_389 : memref<1x128xi32, #tpu.memory_space<vmem>> -> memref<128xi32, #tpu.memory_space<vmem>>
      %dma_wait3A_391 = arith.constant 0 : i32
      %dma_wait3A_392 = arith.constant 0 : i32
      %dma_wait3A_393 = tpu.memref_slice %arg9[%dma_wait3A_391, %dma_wait3A_392] : memref<10240x32xf32, #tpu.memory_space<vmem_shared>> -> memref<10240x32xf32, #tpu.memory_space<vmem_shared>>
      tpu.wait_indirect_dma semaphore(%arg12 : memref<!tpu.dma_semaphore, #tpu.memory_space<semaphore_mem>>) src(%dma_wait3A_387 : memref<128x32xf32, #tpu.memory_space<vmem>>) dst(%dma_wait3A_393 : memref<10240x32xf32, #tpu.memory_space<vmem_shared>>)
      %dma_wait3A_394 = arith.constant 2 : i32
      %dma_wait3A_395 = arith.constant 0 : i32
      %dma_wait3A_396 = arith.constant 0 : i32
      %dma_wait3A_397 = arith.constant 0 : i32
      %dma_wait3A_398 = tpu.memref_slice %arg8[%rem3A_150, %dma_wait3A_394, %dma_wait3A_396, %dma_wait3A_397] : memref<2x8x128x32xf32, #tpu.memory_space<vmem>> -> memref<1x1x128x32xf32, #tpu.memory_space<vmem>>
      %dma_wait3A_399 = tpu.memref_squeeze %dma_wait3A_398 : memref<1x1x128x32xf32, #tpu.memory_space<vmem>> -> memref<128x32xf32, #tpu.memory_space<vmem>>
      %dma_wait3A_400 = arith.constant 0 : i32
      %dma_wait3A_401 = tpu.memref_slice %arg7[%dma_wait3A_395, %dma_wait3A_400] : memref<80x128xi32, #tpu.memory_space<vmem>> -> memref<1x128xi32, #tpu.memory_space<vmem>>
      %dma_wait3A_402 = tpu.memref_squeeze %dma_wait3A_401 : memref<1x128xi32, #tpu.memory_space<vmem>> -> memref<128xi32, #tpu.memory_space<vmem>>
      %dma_wait3A_403 = arith.constant 0 : i32
      %dma_wait3A_404 = arith.constant 0 : i32
      %dma_wait3A_405 = tpu.memref_slice %arg9[%dma_wait3A_403, %dma_wait3A_404] : memref<10240x32xf32, #tpu.memory_space<vmem_shared>> -> memref<10240x32xf32, #tpu.memory_space<vmem_shared>>
      tpu.wait_indirect_dma semaphore(%arg12 : memref<!tpu.dma_semaphore, #tpu.memory_space<semaphore_mem>>) src(%dma_wait3A_399 : memref<128x32xf32, #tpu.memory_space<vmem>>) dst(%dma_wait3A_405 : memref<10240x32xf32, #tpu.memory_space<vmem_shared>>)
      %dma_wait3A_406 = arith.constant 3 : i32
      %dma_wait3A_407 = arith.constant 0 : i32
      %dma_wait3A_408 = arith.constant 0 : i32
      %dma_wait3A_409 = arith.constant 0 : i32
      %dma_wait3A_410 = tpu.memref_slice %arg8[%rem3A_150, %dma_wait3A_406, %dma_wait3A_408, %dma_wait3A_409] : memref<2x8x128x32xf32, #tpu.memory_space<vmem>> -> memref<1x1x128x32xf32, #tpu.memory_space<vmem>>
      %dma_wait3A_411 = tpu.memref_squeeze %dma_wait3A_410 : memref<1x1x128x32xf32, #tpu.memory_space<vmem>> -> memref<128x32xf32, #tpu.memory_space<vmem>>
      %dma_wait3A_412 = arith.constant 0 : i32
      %dma_wait3A_413 = tpu.memref_slice %arg7[%dma_wait3A_407, %dma_wait3A_412] : memref<80x128xi32, #tpu.memory_space<vmem>> -> memref<1x128xi32, #tpu.memory_space<vmem>>
      %dma_wait3A_414 = tpu.memref_squeeze %dma_wait3A_413 : memref<1x128xi32, #tpu.memory_space<vmem>> -> memref<128xi32, #tpu.memory_space<vmem>>
      %dma_wait3A_415 = arith.constant 0 : i32
      %dma_wait3A_416 = arith.constant 0 : i32
      %dma_wait3A_417 = tpu.memref_slice %arg9[%dma_wait3A_415, %dma_wait3A_416] : memref<10240x32xf32, #tpu.memory_space<vmem_shared>> -> memref<10240x32xf32, #tpu.memory_space<vmem_shared>>
      tpu.wait_indirect_dma semaphore(%arg12 : memref<!tpu.dma_semaphore, #tpu.memory_space<semaphore_mem>>) src(%dma_wait3A_411 : memref<128x32xf32, #tpu.memory_space<vmem>>) dst(%dma_wait3A_417 : memref<10240x32xf32, #tpu.memory_space<vmem_shared>>)
      %dma_wait3A_418 = arith.constant 4 : i32
      %dma_wait3A_419 = arith.constant 0 : i32
      %dma_wait3A_420 = arith.constant 0 : i32
      %dma_wait3A_421 = arith.constant 0 : i32
      %dma_wait3A_422 = tpu.memref_slice %arg8[%rem3A_150, %dma_wait3A_418, %dma_wait3A_420, %dma_wait3A_421] : memref<2x8x128x32xf32, #tpu.memory_space<vmem>> -> memref<1x1x128x32xf32, #tpu.memory_space<vmem>>
      %dma_wait3A_423 = tpu.memref_squeeze %dma_wait3A_422 : memref<1x1x128x32xf32, #tpu.memory_space<vmem>> -> memref<128x32xf32, #tpu.memory_space<vmem>>
      %dma_wait3A_424 = arith.constant 0 : i32
      %dma_wait3A_425 = tpu.memref_slice %arg7[%dma_wait3A_419, %dma_wait3A_424] : memref<80x128xi32, #tpu.memory_space<vmem>> -> memref<1x128xi32, #tpu.memory_space<vmem>>
      %dma_wait3A_426 = tpu.memref_squeeze %dma_wait3A_425 : memref<1x128xi32, #tpu.memory_space<vmem>> -> memref<128xi32, #tpu.memory_space<vmem>>
      %dma_wait3A_427 = arith.constant 0 : i32
      %dma_wait3A_428 = arith.constant 0 : i32
      %dma_wait3A_429 = tpu.memref_slice %arg9[%dma_wait3A_427, %dma_wait3A_428] : memref<10240x32xf32, #tpu.memory_space<vmem_shared>> -> memref<10240x32xf32, #tpu.memory_space<vmem_shared>>
      tpu.wait_indirect_dma semaphore(%arg12 : memref<!tpu.dma_semaphore, #tpu.memory_space<semaphore_mem>>) src(%dma_wait3A_423 : memref<128x32xf32, #tpu.memory_space<vmem>>) dst(%dma_wait3A_429 : memref<10240x32xf32, #tpu.memory_space<vmem_shared>>)
      %dma_wait3A_430 = arith.constant 5 : i32
      %dma_wait3A_431 = arith.constant 0 : i32
      %dma_wait3A_432 = arith.constant 0 : i32
      %dma_wait3A_433 = arith.constant 0 : i32
      %dma_wait3A_434 = tpu.memref_slice %arg8[%rem3A_150, %dma_wait3A_430, %dma_wait3A_432, %dma_wait3A_433] : memref<2x8x128x32xf32, #tpu.memory_space<vmem>> -> memref<1x1x128x32xf32, #tpu.memory_space<vmem>>
      %dma_wait3A_435 = tpu.memref_squeeze %dma_wait3A_434 : memref<1x1x128x32xf32, #tpu.memory_space<vmem>> -> memref<128x32xf32, #tpu.memory_space<vmem>>
      %dma_wait3A_436 = arith.constant 0 : i32
      %dma_wait3A_437 = tpu.memref_slice %arg7[%dma_wait3A_431, %dma_wait3A_436] : memref<80x128xi32, #tpu.memory_space<vmem>> -> memref<1x128xi32, #tpu.memory_space<vmem>>
      %dma_wait3A_438 = tpu.memref_squeeze %dma_wait3A_437 : memref<1x128xi32, #tpu.memory_space<vmem>> -> memref<128xi32, #tpu.memory_space<vmem>>
      %dma_wait3A_439 = arith.constant 0 : i32
      %dma_wait3A_440 = arith.constant 0 : i32
      %dma_wait3A_441 = tpu.memref_slice %arg9[%dma_wait3A_439, %dma_wait3A_440] : memref<10240x32xf32, #tpu.memory_space<vmem_shared>> -> memref<10240x32xf32, #tpu.memory_space<vmem_shared>>
      tpu.wait_indirect_dma semaphore(%arg12 : memref<!tpu.dma_semaphore, #tpu.memory_space<semaphore_mem>>) src(%dma_wait3A_435 : memref<128x32xf32, #tpu.memory_space<vmem>>) dst(%dma_wait3A_441 : memref<10240x32xf32, #tpu.memory_space<vmem_shared>>)
      %dma_wait3A_442 = arith.constant 6 : i32
      %dma_wait3A_443 = arith.constant 0 : i32
      %dma_wait3A_444 = arith.constant 0 : i32
      %dma_wait3A_445 = arith.constant 0 : i32
      %dma_wait3A_446 = tpu.memref_slice %arg8[%rem3A_150, %dma_wait3A_442, %dma_wait3A_444, %dma_wait3A_445] : memref<2x8x128x32xf32, #tpu.memory_space<vmem>> -> memref<1x1x128x32xf32, #tpu.memory_space<vmem>>
      %dma_wait3A_447 = tpu.memref_squeeze %dma_wait3A_446 : memref<1x1x128x32xf32, #tpu.memory_space<vmem>> -> memref<128x32xf32, #tpu.memory_space<vmem>>
      %dma_wait3A_448 = arith.constant 0 : i32
      %dma_wait3A_449 = tpu.memref_slice %arg7[%dma_wait3A_443, %dma_wait3A_448] : memref<80x128xi32, #tpu.memory_space<vmem>> -> memref<1x128xi32, #tpu.memory_space<vmem>>
      %dma_wait3A_450 = tpu.memref_squeeze %dma_wait3A_449 : memref<1x128xi32, #tpu.memory_space<vmem>> -> memref<128xi32, #tpu.memory_space<vmem>>
      %dma_wait3A_451 = arith.constant 0 : i32
      %dma_wait3A_452 = arith.constant 0 : i32
      %dma_wait3A_453 = tpu.memref_slice %arg9[%dma_wait3A_451, %dma_wait3A_452] : memref<10240x32xf32, #tpu.memory_space<vmem_shared>> -> memref<10240x32xf32, #tpu.memory_space<vmem_shared>>
      tpu.wait_indirect_dma semaphore(%arg12 : memref<!tpu.dma_semaphore, #tpu.memory_space<semaphore_mem>>) src(%dma_wait3A_447 : memref<128x32xf32, #tpu.memory_space<vmem>>) dst(%dma_wait3A_453 : memref<10240x32xf32, #tpu.memory_space<vmem_shared>>)
      %dma_wait3A_454 = arith.constant 7 : i32
      %dma_wait3A_455 = arith.constant 0 : i32
      %dma_wait3A_456 = arith.constant 0 : i32
      %dma_wait3A_457 = arith.constant 0 : i32
      %dma_wait3A_458 = tpu.memref_slice %arg8[%rem3A_150, %dma_wait3A_454, %dma_wait3A_456, %dma_wait3A_457] : memref<2x8x128x32xf32, #tpu.memory_space<vmem>> -> memref<1x1x128x32xf32, #tpu.memory_space<vmem>>
      %dma_wait3A_459 = tpu.memref_squeeze %dma_wait3A_458 : memref<1x1x128x32xf32, #tpu.memory_space<vmem>> -> memref<128x32xf32, #tpu.memory_space<vmem>>
      %dma_wait3A_460 = arith.constant 0 : i32
      %dma_wait3A_461 = tpu.memref_slice %arg7[%dma_wait3A_455, %dma_wait3A_460] : memref<80x128xi32, #tpu.memory_space<vmem>> -> memref<1x128xi32, #tpu.memory_space<vmem>>
      %dma_wait3A_462 = tpu.memref_squeeze %dma_wait3A_461 : memref<1x128xi32, #tpu.memory_space<vmem>> -> memref<128xi32, #tpu.memory_space<vmem>>
      %dma_wait3A_463 = arith.constant 0 : i32
      %dma_wait3A_464 = arith.constant 0 : i32
      %dma_wait3A_465 = tpu.memref_slice %arg9[%dma_wait3A_463, %dma_wait3A_464] : memref<10240x32xf32, #tpu.memory_space<vmem_shared>> -> memref<10240x32xf32, #tpu.memory_space<vmem_shared>>
      tpu.wait_indirect_dma semaphore(%arg12 : memref<!tpu.dma_semaphore, #tpu.memory_space<semaphore_mem>>) src(%dma_wait3A_459 : memref<128x32xf32, #tpu.memory_space<vmem>>) dst(%dma_wait3A_465 : memref<10240x32xf32, #tpu.memory_space<vmem_shared>>)
    }
    %scan3A_143 = arith.constant 10 : i32
    %barrier3A_144 = arith.constant 0 : index
    tpu.barrier barrier_id(%barrier3A_144)
    %mul3A_145 = arith.constant 640 : i32
    %mul3A_146 = arith.muli %arg1, %mul3A_145 : i32
    %mul3A_147 = arith.constant 640 : i32
    %mul3A_148 = arith.muli %arg1, %mul3A_147 : i32
    "tpu.region"() ({
      %run_scoped3A_149 = tpu.sem_alloc : memref<!tpu.dma_semaphore, #tpu.memory_space<semaphore_mem>>
      %dma_start3A_150 = arith.constant 0 : i32
      %dma_start3A_151 = tpu.memref_slice %arg5[%arg0, %mul3A_148, %dma_start3A_150] : memref<2x10240x32xf32, #tpu.memory_space<hbm>> -> memref<1x640x32xf32, #tpu.memory_space<hbm>>
      %dma_start3A_152 = tpu.memref_squeeze %dma_start3A_151 : memref<1x640x32xf32, #tpu.memory_space<hbm>> -> memref<640x32xf32, #tpu.memory_space<hbm>>
      %dma_start3A_153 = arith.constant 0 : i32
      %dma_start3A_154 = tpu.memref_slice %arg9[%mul3A_146, %dma_start3A_153] : memref<10240x32xf32, #tpu.memory_space<vmem_shared>> -> memref<640x32xf32, #tpu.memory_space<vmem_shared>>
      tpu.enqueue_dma source(%dma_start3A_154 : memref<640x32xf32, #tpu.memory_space<vmem_shared>>) target(%dma_start3A_152 : memref<640x32xf32, #tpu.memory_space<hbm>>) target_semaphore(%run_scoped3A_149 : memref<!tpu.dma_semaphore, #tpu.memory_space<semaphore_mem>>)
      %dma_wait3A = arith.constant 0 : i32
      %dma_wait3A_155 = tpu.memref_slice %arg5[%arg0, %mul3A_148, %dma_wait3A] : memref<2x10240x32xf32, #tpu.memory_space<hbm>> -> memref<1x640x32xf32, #tpu.memory_space<hbm>>
      %dma_wait3A_156 = tpu.memref_squeeze %dma_wait3A_155 : memref<1x640x32xf32, #tpu.memory_space<hbm>> -> memref<640x32xf32, #tpu.memory_space<hbm>>
      %dma_wait3A_157 = arith.constant 0 : i32
      %dma_wait3A_158 = tpu.memref_slice %arg9[%mul3A_146, %dma_wait3A_157] : memref<10240x32xf32, #tpu.memory_space<vmem_shared>> -> memref<640x32xf32, #tpu.memory_space<vmem_shared>>
      tpu.wait_dma2 semaphore(%run_scoped3A_149 : memref<!tpu.dma_semaphore, #tpu.memory_space<semaphore_mem>>) src(%dma_wait3A_158 : memref<640x32xf32, #tpu.memory_space<vmem_shared>>) dst(%dma_wait3A_156 : memref<640x32xf32, #tpu.memory_space<hbm>>)
      tpu.yield
    }) : () -> ()
    return
  }
}

#map = affine_map<(d0, d1) -> (0, 0, 0)>
#map1 = affine_map<(d0, d1) -> (0)>
#map2 = affine_map<(d0, d1) -> (0, 0)>
module attributes {stable_mosaic.version = 14 : i64} {
  func.func @deg_kernel(%arg0: i32, %arg1: i32, %arg2: memref<2x2500x128xi32, #tpu.memory_space<hbm>>, %arg3: memref<10240xf32, #tpu.memory_space<hbm>>, %arg4: memref<2x10240xf32, #tpu.memory_space<hbm>>, %arg5: memref<80x128xi32, #tpu.memory_space<vmem>>, %arg6: memref<128xf32, #tpu.memory_space<vmem>>, %arg7: memref<10240xf32, #tpu.memory_space<vmem_shared>>, %arg8: memref<!tpu.dma_semaphore, #tpu.memory_space<semaphore_mem>>) attributes {dimension_semantics = [#tpu.dimension_semantics<core_parallel>, #tpu.dimension_semantics<subcore_parallel>], iteration_bounds = array<i64: 2, 16>, scalar_prefetch = 0 : i64, scratch_operands = 4 : i64, tpu.core_type = #tpu.core_type<sc_vector_subcore>, window_params = [{transform_indices = #map}, {transform_indices = #map1}, {transform_indices = #map2}]} {
    %mul3A = arith.constant 2 : i32
    %mul3A_0 = arith.muli %arg1, %mul3A : i32
    %add3A = arith.addi %mul3A_0, %arg0 : i32
    %mul3A_1 = arith.constant 78 : i32
    %mul3A_2 = arith.muli %add3A, %mul3A_1 : i32
    %sub3A = arith.constant 28 : i32
    %sub3A_3 = arith.subi %add3A, %sub3A : i32
    %max3A = arith.constant 0 : i32
    %max3A_4 = arith.maxsi %max3A, %sub3A_3 : i32
    %add3A_5 = arith.addi %mul3A_2, %max3A_4 : i32
    %ge3A = arith.constant 28 : i32
    %ge3A_6 = arith.cmpi sge, %add3A, %ge3A : i32
    %jit3A = arith.constant 1 : i32
    %jit3A_7 = arith.constant 0 : i32
    %select_n3A = arith.select %ge3A_6, %jit3A, %jit3A_7 : i32
    %add3A_8 = arith.constant 78 : i32
    %add3A_9 = arith.addi %add3A_8, %select_n3A : i32
    %broadcast_in_dim3A = arith.constant 1.000000e+00 : f32
    %broadcast_in_dim3A_10 = vector.broadcast %broadcast_in_dim3A : f32 to vector<16xf32>
    %swap3A = arith.constant 0 : index
    %swap3A_11 = tpu.vector_load %arg6[%swap3A] {strides = array<i32>} : memref<128xf32, #tpu.memory_space<vmem>>, vector<16xf32>,
    %swap3A_12 = vector.shape_cast %swap3A_11 : vector<16xf32> to vector<16xf32>
    %swap3A_13 = vector.shape_cast %broadcast_in_dim3A_10 : vector<16xf32> to vector<16xf32>
    tpu.vector_store %arg6[%swap3A], %swap3A_13 {strides = array<i32>} : memref<128xf32, #tpu.memory_space<vmem>>, vector<16xf32>,
    %broadcast_in_dim3A_14 = arith.constant 1.000000e+00 : f32
    %broadcast_in_dim3A_15 = vector.broadcast %broadcast_in_dim3A_14 : f32 to vector<16xf32>
    %swap3A_16 = arith.constant 16 : index
    %swap3A_17 = tpu.vector_load %arg6[%swap3A_16] {strides = array<i32>} : memref<128xf32, #tpu.memory_space<vmem>>, vector<16xf32>,
    %swap3A_18 = vector.shape_cast %swap3A_17 : vector<16xf32> to vector<16xf32>
    %swap3A_19 = vector.shape_cast %broadcast_in_dim3A_15 : vector<16xf32> to vector<16xf32>
    tpu.vector_store %arg6[%swap3A_16], %swap3A_19 {strides = array<i32>} : memref<128xf32, #tpu.memory_space<vmem>>, vector<16xf32>,
    %broadcast_in_dim3A_20 = arith.constant 1.000000e+00 : f32
    %broadcast_in_dim3A_21 = vector.broadcast %broadcast_in_dim3A_20 : f32 to vector<16xf32>
    %swap3A_22 = arith.constant 32 : index
    %swap3A_23 = tpu.vector_load %arg6[%swap3A_22] {strides = array<i32>} : memref<128xf32, #tpu.memory_space<vmem>>, vector<16xf32>,
    %swap3A_24 = vector.shape_cast %swap3A_23 : vector<16xf32> to vector<16xf32>
    %swap3A_25 = vector.shape_cast %broadcast_in_dim3A_21 : vector<16xf32> to vector<16xf32>
    tpu.vector_store %arg6[%swap3A_22], %swap3A_25 {strides = array<i32>} : memref<128xf32, #tpu.memory_space<vmem>>, vector<16xf32>,
    %broadcast_in_dim3A_26 = arith.constant 1.000000e+00 : f32
    %broadcast_in_dim3A_27 = vector.broadcast %broadcast_in_dim3A_26 : f32 to vector<16xf32>
    %swap3A_28 = arith.constant 48 : index
    %swap3A_29 = tpu.vector_load %arg6[%swap3A_28] {strides = array<i32>} : memref<128xf32, #tpu.memory_space<vmem>>, vector<16xf32>,
    %swap3A_30 = vector.shape_cast %swap3A_29 : vector<16xf32> to vector<16xf32>
    %swap3A_31 = vector.shape_cast %broadcast_in_dim3A_27 : vector<16xf32> to vector<16xf32>
    tpu.vector_store %arg6[%swap3A_28], %swap3A_31 {strides = array<i32>} : memref<128xf32, #tpu.memory_space<vmem>>, vector<16xf32>,
    %broadcast_in_dim3A_32 = arith.constant 1.000000e+00 : f32
    %broadcast_in_dim3A_33 = vector.broadcast %broadcast_in_dim3A_32 : f32 to vector<16xf32>
    %swap3A_34 = arith.constant 64 : index
    %swap3A_35 = tpu.vector_load %arg6[%swap3A_34] {strides = array<i32>} : memref<128xf32, #tpu.memory_space<vmem>>, vector<16xf32>,
    %swap3A_36 = vector.shape_cast %swap3A_35 : vector<16xf32> to vector<16xf32>
    %swap3A_37 = vector.shape_cast %broadcast_in_dim3A_33 : vector<16xf32> to vector<16xf32>
    tpu.vector_store %arg6[%swap3A_34], %swap3A_37 {strides = array<i32>} : memref<128xf32, #tpu.memory_space<vmem>>, vector<16xf32>,
    %broadcast_in_dim3A_38 = arith.constant 1.000000e+00 : f32
    %broadcast_in_dim3A_39 = vector.broadcast %broadcast_in_dim3A_38 : f32 to vector<16xf32>
    %swap3A_40 = arith.constant 80 : index
    %swap3A_41 = tpu.vector_load %arg6[%swap3A_40] {strides = array<i32>} : memref<128xf32, #tpu.memory_space<vmem>>, vector<16xf32>,
    %swap3A_42 = vector.shape_cast %swap3A_41 : vector<16xf32> to vector<16xf32>
    %swap3A_43 = vector.shape_cast %broadcast_in_dim3A_39 : vector<16xf32> to vector<16xf32>
    tpu.vector_store %arg6[%swap3A_40], %swap3A_43 {strides = array<i32>} : memref<128xf32, #tpu.memory_space<vmem>>, vector<16xf32>,
    %broadcast_in_dim3A_44 = arith.constant 1.000000e+00 : f32
    %broadcast_in_dim3A_45 = vector.broadcast %broadcast_in_dim3A_44 : f32 to vector<16xf32>
    %swap3A_46 = arith.constant 96 : index
    %swap3A_47 = tpu.vector_load %arg6[%swap3A_46] {strides = array<i32>} : memref<128xf32, #tpu.memory_space<vmem>>, vector<16xf32>,
    %swap3A_48 = vector.shape_cast %swap3A_47 : vector<16xf32> to vector<16xf32>
    %swap3A_49 = vector.shape_cast %broadcast_in_dim3A_45 : vector<16xf32> to vector<16xf32>
    tpu.vector_store %arg6[%swap3A_46], %swap3A_49 {strides = array<i32>} : memref<128xf32, #tpu.memory_space<vmem>>, vector<16xf32>,
    %broadcast_in_dim3A_50 = arith.constant 1.000000e+00 : f32
    %broadcast_in_dim3A_51 = vector.broadcast %broadcast_in_dim3A_50 : f32 to vector<16xf32>
    %swap3A_52 = arith.constant 112 : index
    %swap3A_53 = tpu.vector_load %arg6[%swap3A_52] {strides = array<i32>} : memref<128xf32, #tpu.memory_space<vmem>>, vector<16xf32>,
    %swap3A_54 = vector.shape_cast %swap3A_53 : vector<16xf32> to vector<16xf32>
    %swap3A_55 = vector.shape_cast %broadcast_in_dim3A_51 : vector<16xf32> to vector<16xf32>
    tpu.vector_store %arg6[%swap3A_52], %swap3A_55 {strides = array<i32>} : memref<128xf32, #tpu.memory_space<vmem>>, vector<16xf32>,
    %mul3A_56 = arith.constant 640 : i32
    %mul3A_57 = arith.muli %arg1, %mul3A_56 : i32
    %mul3A_58 = arith.constant 640 : i32
    %mul3A_59 = arith.muli %arg1, %mul3A_58 : i32
    "tpu.region"() ({
      %run_scoped3A_77 = tpu.sem_alloc : memref<!tpu.dma_semaphore, #tpu.memory_space<semaphore_mem>>
      %dma_start3A = tpu.memref_slice %arg7[%mul3A_59] : memref<10240xf32, #tpu.memory_space<vmem_shared>> -> memref<640xf32, #tpu.memory_space<vmem_shared>>
      %dma_start3A_78 = tpu.memref_slice %arg3[%mul3A_57] : memref<10240xf32, #tpu.memory_space<hbm>> -> memref<640xf32, #tpu.memory_space<hbm>>
      tpu.enqueue_dma source(%dma_start3A_78 : memref<640xf32, #tpu.memory_space<hbm>>) target(%dma_start3A : memref<640xf32, #tpu.memory_space<vmem_shared>>) target_semaphore(%run_scoped3A_77 : memref<!tpu.dma_semaphore, #tpu.memory_space<semaphore_mem>>)
      %dma_wait3A = tpu.memref_slice %arg7[%mul3A_59] : memref<10240xf32, #tpu.memory_space<vmem_shared>> -> memref<640xf32, #tpu.memory_space<vmem_shared>>
      %dma_wait3A_79 = tpu.memref_slice %arg3[%mul3A_57] : memref<10240xf32, #tpu.memory_space<hbm>> -> memref<640xf32, #tpu.memory_space<hbm>>
      tpu.wait_dma2 semaphore(%run_scoped3A_77 : memref<!tpu.dma_semaphore, #tpu.memory_space<semaphore_mem>>) src(%dma_wait3A_79 : memref<640xf32, #tpu.memory_space<hbm>>) dst(%dma_wait3A : memref<640xf32, #tpu.memory_space<vmem_shared>>)
      tpu.yield
    }) : () -> ()
    %barrier3A = arith.constant 0 : index
    tpu.barrier barrier_id(%barrier3A)
    %run_scoped3A = arith.constant 0 : i32
    "tpu.region"() ({
      %run_scoped3A_77 = tpu.sem_alloc : memref<!tpu.dma_semaphore, #tpu.memory_space<semaphore_mem>>
      %dma_start3A = arith.constant 0 : i32
      %dma_start3A_78 = arith.constant 0 : i32
      %dma_start3A_79 = tpu.memref_slice %arg5[%dma_start3A, %dma_start3A_78] : memref<80x128xi32, #tpu.memory_space<vmem>> -> memref<79x128xi32, #tpu.memory_space<vmem>>
      %dma_start3A_80 = arith.constant 0 : i32
      %dma_start3A_81 = tpu.memref_slice %arg2[%run_scoped3A, %add3A_5, %dma_start3A_80] : memref<2x2500x128xi32, #tpu.memory_space<hbm>> -> memref<1x79x128xi32, #tpu.memory_space<hbm>>
      %dma_start3A_82 = tpu.memref_squeeze %dma_start3A_81 : memref<1x79x128xi32, #tpu.memory_space<hbm>> -> memref<79x128xi32, #tpu.memory_space<hbm>>
      %dma_start3A_83 = arith.constant 0 : i32
      %dma_start3A_84 = arith.constant 0 : i32
      %dma_start3A_85 = tpu.memref_slice %arg5[%dma_start3A_83, %dma_start3A_84] : memref<80x128xi32, #tpu.memory_space<vmem>> -> memref<79x128xi32, #tpu.memory_space<vmem>>
      %dma_start3A_86 = arith.constant 0 : i32
      %dma_start3A_87 = tpu.memref_slice %arg2[%run_scoped3A, %add3A_5, %dma_start3A_86] : memref<2x2500x128xi32, #tpu.memory_space<hbm>> -> memref<1x79x128xi32, #tpu.memory_space<hbm>>
      %dma_start3A_88 = tpu.memref_squeeze %dma_start3A_87 : memref<1x79x128xi32, #tpu.memory_space<hbm>> -> memref<79x128xi32, #tpu.memory_space<hbm>>
      tpu.enqueue_dma source(%dma_start3A_88 : memref<79x128xi32, #tpu.memory_space<hbm>>) target(%dma_start3A_85 : memref<79x128xi32, #tpu.memory_space<vmem>>) target_semaphore(%run_scoped3A_77 : memref<!tpu.dma_semaphore, #tpu.memory_space<semaphore_mem>>)
      %dma_wait3A = arith.constant 0 : i32
      %dma_wait3A_89 = arith.constant 0 : i32
      %dma_wait3A_90 = tpu.memref_slice %arg5[%dma_wait3A, %dma_wait3A_89] : memref<80x128xi32, #tpu.memory_space<vmem>> -> memref<79x128xi32, #tpu.memory_space<vmem>>
      %dma_wait3A_91 = arith.constant 0 : i32
      %dma_wait3A_92 = tpu.memref_slice %arg2[%run_scoped3A, %add3A_5, %dma_wait3A_91] : memref<2x2500x128xi32, #tpu.memory_space<hbm>> -> memref<1x79x128xi32, #tpu.memory_space<hbm>>
      %dma_wait3A_93 = tpu.memref_squeeze %dma_wait3A_92 : memref<1x79x128xi32, #tpu.memory_space<hbm>> -> memref<79x128xi32, #tpu.memory_space<hbm>>
      %dma_wait3A_94 = arith.constant 0 : i32
      %dma_wait3A_95 = arith.constant 0 : i32
      %dma_wait3A_96 = tpu.memref_slice %arg5[%dma_wait3A_94, %dma_wait3A_95] : memref<80x128xi32, #tpu.memory_space<vmem>> -> memref<79x128xi32, #tpu.memory_space<vmem>>
      %dma_wait3A_97 = arith.constant 0 : i32
      %dma_wait3A_98 = tpu.memref_slice %arg2[%run_scoped3A, %add3A_5, %dma_wait3A_97] : memref<2x2500x128xi32, #tpu.memory_space<hbm>> -> memref<1x79x128xi32, #tpu.memory_space<hbm>>
      %dma_wait3A_99 = tpu.memref_squeeze %dma_wait3A_98 : memref<1x79x128xi32, #tpu.memory_space<hbm>> -> memref<79x128xi32, #tpu.memory_space<hbm>>
      tpu.wait_dma2 semaphore(%run_scoped3A_77 : memref<!tpu.dma_semaphore, #tpu.memory_space<semaphore_mem>>) src(%dma_wait3A_99 : memref<79x128xi32, #tpu.memory_space<hbm>>) dst(%dma_wait3A_96 : memref<79x128xi32, #tpu.memory_space<vmem>>)
      tpu.yield
    }) : () -> ()
    %le3A = arith.constant 78 : i32
    %le3A_60 = arith.cmpi sle, %add3A_9, %le3A : i32
    %convert_element_type3A = arith.extui %le3A_60 : i1 to i32
    %cond3A = arith.constant 0 : i32
    %cond3A_61 = arith.cmpi ne, %convert_element_type3A, %cond3A : i32
    scf.if %cond3A_61 {
      %broadcast_in_dim3A_77 = arith.constant 10000 : i32
      %broadcast_in_dim3A_78 = vector.broadcast %broadcast_in_dim3A_77 : i32 to vector<16xi32>
      %swap3A_79 = arith.constant 78 : i32
      %swap3A_80 = arith.index_cast %swap3A_79 : i32 to index
      %swap3A_81 = arith.constant 0 : index
      %swap3A_82 = tpu.vector_load %arg5[%swap3A_80, %swap3A_81] {strides = array<i32>} : memref<80x128xi32, #tpu.memory_space<vmem>>, vector<1x16xi32>,
      %swap3A_83 = vector.shape_cast %swap3A_82 : vector<1x16xi32> to vector<16xi32>
      %swap3A_84 = vector.shape_cast %broadcast_in_dim3A_78 : vector<16xi32> to vector<1x16xi32>
      tpu.vector_store %arg5[%swap3A_80, %swap3A_81], %swap3A_84 {strides = array<i32>} : memref<80x128xi32, #tpu.memory_space<vmem>>, vector<1x16xi32>,
      %broadcast_in_dim3A_85 = arith.constant 10000 : i32
      %broadcast_in_dim3A_86 = vector.broadcast %broadcast_in_dim3A_85 : i32 to vector<16xi32>
      %swap3A_87 = arith.constant 78 : i32
      %swap3A_88 = arith.index_cast %swap3A_87 : i32 to index
      %swap3A_89 = arith.constant 16 : index
      %swap3A_90 = tpu.vector_load %arg5[%swap3A_88, %swap3A_89] {strides = array<i32>} : memref<80x128xi32, #tpu.memory_space<vmem>>, vector<1x16xi32>,
      %swap3A_91 = vector.shape_cast %swap3A_90 : vector<1x16xi32> to vector<16xi32>
      %swap3A_92 = vector.shape_cast %broadcast_in_dim3A_86 : vector<16xi32> to vector<1x16xi32>
      tpu.vector_store %arg5[%swap3A_88, %swap3A_89], %swap3A_92 {strides = array<i32>} : memref<80x128xi32, #tpu.memory_space<vmem>>, vector<1x16xi32>,
      %broadcast_in_dim3A_93 = arith.constant 10000 : i32
      %broadcast_in_dim3A_94 = vector.broadcast %broadcast_in_dim3A_93 : i32 to vector<16xi32>
      %swap3A_95 = arith.constant 78 : i32
      %swap3A_96 = arith.index_cast %swap3A_95 : i32 to index
      %swap3A_97 = arith.constant 32 : index
      %swap3A_98 = tpu.vector_load %arg5[%swap3A_96, %swap3A_97] {strides = array<i32>} : memref<80x128xi32, #tpu.memory_space<vmem>>, vector<1x16xi32>,
      %swap3A_99 = vector.shape_cast %swap3A_98 : vector<1x16xi32> to vector<16xi32>
      %swap3A_100 = vector.shape_cast %broadcast_in_dim3A_94 : vector<16xi32> to vector<1x16xi32>
      tpu.vector_store %arg5[%swap3A_96, %swap3A_97], %swap3A_100 {strides = array<i32>} : memref<80x128xi32, #tpu.memory_space<vmem>>, vector<1x16xi32>,
      %broadcast_in_dim3A_101 = arith.constant 10000 : i32
      %broadcast_in_dim3A_102 = vector.broadcast %broadcast_in_dim3A_101 : i32 to vector<16xi32>
      %swap3A_103 = arith.constant 78 : i32
      %swap3A_104 = arith.index_cast %swap3A_103 : i32 to index
      %swap3A_105 = arith.constant 48 : index
      %swap3A_106 = tpu.vector_load %arg5[%swap3A_104, %swap3A_105] {strides = array<i32>} : memref<80x128xi32, #tpu.memory_space<vmem>>, vector<1x16xi32>,
      %swap3A_107 = vector.shape_cast %swap3A_106 : vector<1x16xi32> to vector<16xi32>
      %swap3A_108 = vector.shape_cast %broadcast_in_dim3A_102 : vector<16xi32> to vector<1x16xi32>
      tpu.vector_store %arg5[%swap3A_104, %swap3A_105], %swap3A_108 {strides = array<i32>} : memref<80x128xi32, #tpu.memory_space<vmem>>, vector<1x16xi32>,
      %broadcast_in_dim3A_109 = arith.constant 10000 : i32
      %broadcast_in_dim3A_110 = vector.broadcast %broadcast_in_dim3A_109 : i32 to vector<16xi32>
      %swap3A_111 = arith.constant 78 : i32
      %swap3A_112 = arith.index_cast %swap3A_111 : i32 to index
      %swap3A_113 = arith.constant 64 : index
      %swap3A_114 = tpu.vector_load %arg5[%swap3A_112, %swap3A_113] {strides = array<i32>} : memref<80x128xi32, #tpu.memory_space<vmem>>, vector<1x16xi32>,
      %swap3A_115 = vector.shape_cast %swap3A_114 : vector<1x16xi32> to vector<16xi32>
      %swap3A_116 = vector.shape_cast %broadcast_in_dim3A_110 : vector<16xi32> to vector<1x16xi32>
      tpu.vector_store %arg5[%swap3A_112, %swap3A_113], %swap3A_116 {strides = array<i32>} : memref<80x128xi32, #tpu.memory_space<vmem>>, vector<1x16xi32>,
      %broadcast_in_dim3A_117 = arith.constant 10000 : i32
      %broadcast_in_dim3A_118 = vector.broadcast %broadcast_in_dim3A_117 : i32 to vector<16xi32>
      %swap3A_119 = arith.constant 78 : i32
      %swap3A_120 = arith.index_cast %swap3A_119 : i32 to index
      %swap3A_121 = arith.constant 80 : index
      %swap3A_122 = tpu.vector_load %arg5[%swap3A_120, %swap3A_121] {strides = array<i32>} : memref<80x128xi32, #tpu.memory_space<vmem>>, vector<1x16xi32>,
      %swap3A_123 = vector.shape_cast %swap3A_122 : vector<1x16xi32> to vector<16xi32>
      %swap3A_124 = vector.shape_cast %broadcast_in_dim3A_118 : vector<16xi32> to vector<1x16xi32>
      tpu.vector_store %arg5[%swap3A_120, %swap3A_121], %swap3A_124 {strides = array<i32>} : memref<80x128xi32, #tpu.memory_space<vmem>>, vector<1x16xi32>,
      %broadcast_in_dim3A_125 = arith.constant 10000 : i32
      %broadcast_in_dim3A_126 = vector.broadcast %broadcast_in_dim3A_125 : i32 to vector<16xi32>
      %swap3A_127 = arith.constant 78 : i32
      %swap3A_128 = arith.index_cast %swap3A_127 : i32 to index
      %swap3A_129 = arith.constant 96 : index
      %swap3A_130 = tpu.vector_load %arg5[%swap3A_128, %swap3A_129] {strides = array<i32>} : memref<80x128xi32, #tpu.memory_space<vmem>>, vector<1x16xi32>,
      %swap3A_131 = vector.shape_cast %swap3A_130 : vector<1x16xi32> to vector<16xi32>
      %swap3A_132 = vector.shape_cast %broadcast_in_dim3A_126 : vector<16xi32> to vector<1x16xi32>
      tpu.vector_store %arg5[%swap3A_128, %swap3A_129], %swap3A_132 {strides = array<i32>} : memref<80x128xi32, #tpu.memory_space<vmem>>, vector<1x16xi32>,
      %broadcast_in_dim3A_133 = arith.constant 10000 : i32
      %broadcast_in_dim3A_134 = vector.broadcast %broadcast_in_dim3A_133 : i32 to vector<16xi32>
      %swap3A_135 = arith.constant 78 : i32
      %swap3A_136 = arith.index_cast %swap3A_135 : i32 to index
      %swap3A_137 = arith.constant 112 : index
      %swap3A_138 = tpu.vector_load %arg5[%swap3A_136, %swap3A_137] {strides = array<i32>} : memref<80x128xi32, #tpu.memory_space<vmem>>, vector<1x16xi32>,
      %swap3A_139 = vector.shape_cast %swap3A_138 : vector<1x16xi32> to vector<16xi32>
      %swap3A_140 = vector.shape_cast %broadcast_in_dim3A_134 : vector<16xi32> to vector<1x16xi32>
      tpu.vector_store %arg5[%swap3A_136, %swap3A_137], %swap3A_140 {strides = array<i32>} : memref<80x128xi32, #tpu.memory_space<vmem>>, vector<1x16xi32>,
    } else {
    }
    %le3A_62 = arith.constant 79 : i32
    %le3A_63 = arith.cmpi sle, %add3A_9, %le3A_62 : i32
    %convert_element_type3A_64 = arith.extui %le3A_63 : i1 to i32
    %cond3A_65 = arith.constant 0 : i32
    %cond3A_66 = arith.cmpi ne, %convert_element_type3A_64, %cond3A_65 : i32
    scf.if %cond3A_66 {
      %broadcast_in_dim3A_77 = arith.constant 10000 : i32
      %broadcast_in_dim3A_78 = vector.broadcast %broadcast_in_dim3A_77 : i32 to vector<16xi32>
      %swap3A_79 = arith.constant 79 : i32
      %swap3A_80 = arith.index_cast %swap3A_79 : i32 to index
      %swap3A_81 = arith.constant 0 : index
      %swap3A_82 = tpu.vector_load %arg5[%swap3A_80, %swap3A_81] {strides = array<i32>} : memref<80x128xi32, #tpu.memory_space<vmem>>, vector<1x16xi32>,
      %swap3A_83 = vector.shape_cast %swap3A_82 : vector<1x16xi32> to vector<16xi32>
      %swap3A_84 = vector.shape_cast %broadcast_in_dim3A_78 : vector<16xi32> to vector<1x16xi32>
      tpu.vector_store %arg5[%swap3A_80, %swap3A_81], %swap3A_84 {strides = array<i32>} : memref<80x128xi32, #tpu.memory_space<vmem>>, vector<1x16xi32>,
      %broadcast_in_dim3A_85 = arith.constant 10000 : i32
      %broadcast_in_dim3A_86 = vector.broadcast %broadcast_in_dim3A_85 : i32 to vector<16xi32>
      %swap3A_87 = arith.constant 79 : i32
      %swap3A_88 = arith.index_cast %swap3A_87 : i32 to index
      %swap3A_89 = arith.constant 16 : index
      %swap3A_90 = tpu.vector_load %arg5[%swap3A_88, %swap3A_89] {strides = array<i32>} : memref<80x128xi32, #tpu.memory_space<vmem>>, vector<1x16xi32>,
      %swap3A_91 = vector.shape_cast %swap3A_90 : vector<1x16xi32> to vector<16xi32>
      %swap3A_92 = vector.shape_cast %broadcast_in_dim3A_86 : vector<16xi32> to vector<1x16xi32>
      tpu.vector_store %arg5[%swap3A_88, %swap3A_89], %swap3A_92 {strides = array<i32>} : memref<80x128xi32, #tpu.memory_space<vmem>>, vector<1x16xi32>,
      %broadcast_in_dim3A_93 = arith.constant 10000 : i32
      %broadcast_in_dim3A_94 = vector.broadcast %broadcast_in_dim3A_93 : i32 to vector<16xi32>
      %swap3A_95 = arith.constant 79 : i32
      %swap3A_96 = arith.index_cast %swap3A_95 : i32 to index
      %swap3A_97 = arith.constant 32 : index
      %swap3A_98 = tpu.vector_load %arg5[%swap3A_96, %swap3A_97] {strides = array<i32>} : memref<80x128xi32, #tpu.memory_space<vmem>>, vector<1x16xi32>,
      %swap3A_99 = vector.shape_cast %swap3A_98 : vector<1x16xi32> to vector<16xi32>
      %swap3A_100 = vector.shape_cast %broadcast_in_dim3A_94 : vector<16xi32> to vector<1x16xi32>
      tpu.vector_store %arg5[%swap3A_96, %swap3A_97], %swap3A_100 {strides = array<i32>} : memref<80x128xi32, #tpu.memory_space<vmem>>, vector<1x16xi32>,
      %broadcast_in_dim3A_101 = arith.constant 10000 : i32
      %broadcast_in_dim3A_102 = vector.broadcast %broadcast_in_dim3A_101 : i32 to vector<16xi32>
      %swap3A_103 = arith.constant 79 : i32
      %swap3A_104 = arith.index_cast %swap3A_103 : i32 to index
      %swap3A_105 = arith.constant 48 : index
      %swap3A_106 = tpu.vector_load %arg5[%swap3A_104, %swap3A_105] {strides = array<i32>} : memref<80x128xi32, #tpu.memory_space<vmem>>, vector<1x16xi32>,
      %swap3A_107 = vector.shape_cast %swap3A_106 : vector<1x16xi32> to vector<16xi32>
      %swap3A_108 = vector.shape_cast %broadcast_in_dim3A_102 : vector<16xi32> to vector<1x16xi32>
      tpu.vector_store %arg5[%swap3A_104, %swap3A_105], %swap3A_108 {strides = array<i32>} : memref<80x128xi32, #tpu.memory_space<vmem>>, vector<1x16xi32>,
      %broadcast_in_dim3A_109 = arith.constant 10000 : i32
      %broadcast_in_dim3A_110 = vector.broadcast %broadcast_in_dim3A_109 : i32 to vector<16xi32>
      %swap3A_111 = arith.constant 79 : i32
      %swap3A_112 = arith.index_cast %swap3A_111 : i32 to index
      %swap3A_113 = arith.constant 64 : index
      %swap3A_114 = tpu.vector_load %arg5[%swap3A_112, %swap3A_113] {strides = array<i32>} : memref<80x128xi32, #tpu.memory_space<vmem>>, vector<1x16xi32>,
      %swap3A_115 = vector.shape_cast %swap3A_114 : vector<1x16xi32> to vector<16xi32>
      %swap3A_116 = vector.shape_cast %broadcast_in_dim3A_110 : vector<16xi32> to vector<1x16xi32>
      tpu.vector_store %arg5[%swap3A_112, %swap3A_113], %swap3A_116 {strides = array<i32>} : memref<80x128xi32, #tpu.memory_space<vmem>>, vector<1x16xi32>,
      %broadcast_in_dim3A_117 = arith.constant 10000 : i32
      %broadcast_in_dim3A_118 = vector.broadcast %broadcast_in_dim3A_117 : i32 to vector<16xi32>
      %swap3A_119 = arith.constant 79 : i32
      %swap3A_120 = arith.index_cast %swap3A_119 : i32 to index
      %swap3A_121 = arith.constant 80 : index
      %swap3A_122 = tpu.vector_load %arg5[%swap3A_120, %swap3A_121] {strides = array<i32>} : memref<80x128xi32, #tpu.memory_space<vmem>>, vector<1x16xi32>,
      %swap3A_123 = vector.shape_cast %swap3A_122 : vector<1x16xi32> to vector<16xi32>
      %swap3A_124 = vector.shape_cast %broadcast_in_dim3A_118 : vector<16xi32> to vector<1x16xi32>
      tpu.vector_store %arg5[%swap3A_120, %swap3A_121], %swap3A_124 {strides = array<i32>} : memref<80x128xi32, #tpu.memory_space<vmem>>, vector<1x16xi32>,
      %broadcast_in_dim3A_125 = arith.constant 10000 : i32
      %broadcast_in_dim3A_126 = vector.broadcast %broadcast_in_dim3A_125 : i32 to vector<16xi32>
      %swap3A_127 = arith.constant 79 : i32
      %swap3A_128 = arith.index_cast %swap3A_127 : i32 to index
      %swap3A_129 = arith.constant 96 : index
      %swap3A_130 = tpu.vector_load %arg5[%swap3A_128, %swap3A_129] {strides = array<i32>} : memref<80x128xi32, #tpu.memory_space<vmem>>, vector<1x16xi32>,
      %swap3A_131 = vector.shape_cast %swap3A_130 : vector<1x16xi32> to vector<16xi32>
      %swap3A_132 = vector.shape_cast %broadcast_in_dim3A_126 : vector<16xi32> to vector<1x16xi32>
      tpu.vector_store %arg5[%swap3A_128, %swap3A_129], %swap3A_132 {strides = array<i32>} : memref<80x128xi32, #tpu.memory_space<vmem>>, vector<1x16xi32>,
      %broadcast_in_dim3A_133 = arith.constant 10000 : i32
      %broadcast_in_dim3A_134 = vector.broadcast %broadcast_in_dim3A_133 : i32 to vector<16xi32>
      %swap3A_135 = arith.constant 79 : i32
      %swap3A_136 = arith.index_cast %swap3A_135 : i32 to index
      %swap3A_137 = arith.constant 112 : index
      %swap3A_138 = tpu.vector_load %arg5[%swap3A_136, %swap3A_137] {strides = array<i32>} : memref<80x128xi32, #tpu.memory_space<vmem>>, vector<1x16xi32>,
      %swap3A_139 = vector.shape_cast %swap3A_138 : vector<1x16xi32> to vector<16xi32>
      %swap3A_140 = vector.shape_cast %broadcast_in_dim3A_134 : vector<16xi32> to vector<1x16xi32>
      tpu.vector_store %arg5[%swap3A_136, %swap3A_137], %swap3A_140 {strides = array<i32>} : memref<80x128xi32, #tpu.memory_space<vmem>>, vector<1x16xi32>,
    } else {
    }
    %scan3A = arith.constant 0 : i32
    %scan3A_67 = arith.constant 0 : i32
    %scan3A_68 = arith.constant 10 : i32
    %scan3A_69 = arith.addi %scan3A_67, %scan3A_68 : i32
    %scan3A_70 = arith.constant 1 : i32
    scf.for %scan3A_77 = %scan3A_67 to %scan3A_69 step %scan3A_70  : i32 {
      %mul3A_78 = arith.constant 8 : i32
      %mul3A_79 = arith.muli %scan3A_77, %mul3A_78 : i32
      %add3A_80 = arith.constant 0 : i32
      %add3A_81 = arith.addi %mul3A_79, %add3A_80 : i32
      %dma_start3A = arith.constant 0 : i32
      %dma_start3A_82 = tpu.memref_slice %arg5[%add3A_81, %dma_start3A] : memref<80x128xi32, #tpu.memory_space<vmem>> -> memref<1x128xi32, #tpu.memory_space<vmem>>
      %dma_start3A_83 = tpu.memref_squeeze %dma_start3A_82 : memref<1x128xi32, #tpu.memory_space<vmem>> -> memref<128xi32, #tpu.memory_space<vmem>>
      %dma_start3A_84 = arith.constant 0 : i32
      %dma_start3A_85 = tpu.memref_slice %arg7[%dma_start3A_84] : memref<10240xf32, #tpu.memory_space<vmem_shared>> -> memref<10240xf32, #tpu.memory_space<vmem_shared>>
      tpu.enqueue_indirect_dma source(%arg6 : memref<128xf32, #tpu.memory_space<vmem>>) target(%dma_start3A_85 : memref<10240xf32, #tpu.memory_space<vmem_shared>>) offsets(%dma_start3A_83 : memref<128xi32, #tpu.memory_space<vmem>>) semaphore(%arg8 : memref<!tpu.dma_semaphore, #tpu.memory_space<semaphore_mem>>) {add = true}
      %mul3A_86 = arith.constant 8 : i32
      %mul3A_87 = arith.muli %scan3A_77, %mul3A_86 : i32
      %add3A_88 = arith.constant 1 : i32
      %add3A_89 = arith.addi %mul3A_87, %add3A_88 : i32
      %dma_start3A_90 = arith.constant 0 : i32
      %dma_start3A_91 = tpu.memref_slice %arg5[%add3A_89, %dma_start3A_90] : memref<80x128xi32, #tpu.memory_space<vmem>> -> memref<1x128xi32, #tpu.memory_space<vmem>>
      %dma_start3A_92 = tpu.memref_squeeze %dma_start3A_91 : memref<1x128xi32, #tpu.memory_space<vmem>> -> memref<128xi32, #tpu.memory_space<vmem>>
      %dma_start3A_93 = arith.constant 0 : i32
      %dma_start3A_94 = tpu.memref_slice %arg7[%dma_start3A_93] : memref<10240xf32, #tpu.memory_space<vmem_shared>> -> memref<10240xf32, #tpu.memory_space<vmem_shared>>
      tpu.enqueue_indirect_dma source(%arg6 : memref<128xf32, #tpu.memory_space<vmem>>) target(%dma_start3A_94 : memref<10240xf32, #tpu.memory_space<vmem_shared>>) offsets(%dma_start3A_92 : memref<128xi32, #tpu.memory_space<vmem>>) semaphore(%arg8 : memref<!tpu.dma_semaphore, #tpu.memory_space<semaphore_mem>>) {add = true}
      %mul3A_95 = arith.constant 8 : i32
      %mul3A_96 = arith.muli %scan3A_77, %mul3A_95 : i32
      %add3A_97 = arith.constant 2 : i32
      %add3A_98 = arith.addi %mul3A_96, %add3A_97 : i32
      %dma_start3A_99 = arith.constant 0 : i32
      %dma_start3A_100 = tpu.memref_slice %arg5[%add3A_98, %dma_start3A_99] : memref<80x128xi32, #tpu.memory_space<vmem>> -> memref<1x128xi32, #tpu.memory_space<vmem>>
      %dma_start3A_101 = tpu.memref_squeeze %dma_start3A_100 : memref<1x128xi32, #tpu.memory_space<vmem>> -> memref<128xi32, #tpu.memory_space<vmem>>
      %dma_start3A_102 = arith.constant 0 : i32
      %dma_start3A_103 = tpu.memref_slice %arg7[%dma_start3A_102] : memref<10240xf32, #tpu.memory_space<vmem_shared>> -> memref<10240xf32, #tpu.memory_space<vmem_shared>>
      tpu.enqueue_indirect_dma source(%arg6 : memref<128xf32, #tpu.memory_space<vmem>>) target(%dma_start3A_103 : memref<10240xf32, #tpu.memory_space<vmem_shared>>) offsets(%dma_start3A_101 : memref<128xi32, #tpu.memory_space<vmem>>) semaphore(%arg8 : memref<!tpu.dma_semaphore, #tpu.memory_space<semaphore_mem>>) {add = true}
      %mul3A_104 = arith.constant 8 : i32
      %mul3A_105 = arith.muli %scan3A_77, %mul3A_104 : i32
      %add3A_106 = arith.constant 3 : i32
      %add3A_107 = arith.addi %mul3A_105, %add3A_106 : i32
      %dma_start3A_108 = arith.constant 0 : i32
      %dma_start3A_109 = tpu.memref_slice %arg5[%add3A_107, %dma_start3A_108] : memref<80x128xi32, #tpu.memory_space<vmem>> -> memref<1x128xi32, #tpu.memory_space<vmem>>
      %dma_start3A_110 = tpu.memref_squeeze %dma_start3A_109 : memref<1x128xi32, #tpu.memory_space<vmem>> -> memref<128xi32, #tpu.memory_space<vmem>>
      %dma_start3A_111 = arith.constant 0 : i32
      %dma_start3A_112 = tpu.memref_slice %arg7[%dma_start3A_111] : memref<10240xf32, #tpu.memory_space<vmem_shared>> -> memref<10240xf32, #tpu.memory_space<vmem_shared>>
      tpu.enqueue_indirect_dma source(%arg6 : memref<128xf32, #tpu.memory_space<vmem>>) target(%dma_start3A_112 : memref<10240xf32, #tpu.memory_space<vmem_shared>>) offsets(%dma_start3A_110 : memref<128xi32, #tpu.memory_space<vmem>>) semaphore(%arg8 : memref<!tpu.dma_semaphore, #tpu.memory_space<semaphore_mem>>) {add = true}
      %mul3A_113 = arith.constant 8 : i32
      %mul3A_114 = arith.muli %scan3A_77, %mul3A_113 : i32
      %add3A_115 = arith.constant 4 : i32
      %add3A_116 = arith.addi %mul3A_114, %add3A_115 : i32
      %dma_start3A_117 = arith.constant 0 : i32
      %dma_start3A_118 = tpu.memref_slice %arg5[%add3A_116, %dma_start3A_117] : memref<80x128xi32, #tpu.memory_space<vmem>> -> memref<1x128xi32, #tpu.memory_space<vmem>>
      %dma_start3A_119 = tpu.memref_squeeze %dma_start3A_118 : memref<1x128xi32, #tpu.memory_space<vmem>> -> memref<128xi32, #tpu.memory_space<vmem>>
      %dma_start3A_120 = arith.constant 0 : i32
      %dma_start3A_121 = tpu.memref_slice %arg7[%dma_start3A_120] : memref<10240xf32, #tpu.memory_space<vmem_shared>> -> memref<10240xf32, #tpu.memory_space<vmem_shared>>
      tpu.enqueue_indirect_dma source(%arg6 : memref<128xf32, #tpu.memory_space<vmem>>) target(%dma_start3A_121 : memref<10240xf32, #tpu.memory_space<vmem_shared>>) offsets(%dma_start3A_119 : memref<128xi32, #tpu.memory_space<vmem>>) semaphore(%arg8 : memref<!tpu.dma_semaphore, #tpu.memory_space<semaphore_mem>>) {add = true}
      %mul3A_122 = arith.constant 8 : i32
      %mul3A_123 = arith.muli %scan3A_77, %mul3A_122 : i32
      %add3A_124 = arith.constant 5 : i32
      %add3A_125 = arith.addi %mul3A_123, %add3A_124 : i32
      %dma_start3A_126 = arith.constant 0 : i32
      %dma_start3A_127 = tpu.memref_slice %arg5[%add3A_125, %dma_start3A_126] : memref<80x128xi32, #tpu.memory_space<vmem>> -> memref<1x128xi32, #tpu.memory_space<vmem>>
      %dma_start3A_128 = tpu.memref_squeeze %dma_start3A_127 : memref<1x128xi32, #tpu.memory_space<vmem>> -> memref<128xi32, #tpu.memory_space<vmem>>
      %dma_start3A_129 = arith.constant 0 : i32
      %dma_start3A_130 = tpu.memref_slice %arg7[%dma_start3A_129] : memref<10240xf32, #tpu.memory_space<vmem_shared>> -> memref<10240xf32, #tpu.memory_space<vmem_shared>>
      tpu.enqueue_indirect_dma source(%arg6 : memref<128xf32, #tpu.memory_space<vmem>>) target(%dma_start3A_130 : memref<10240xf32, #tpu.memory_space<vmem_shared>>) offsets(%dma_start3A_128 : memref<128xi32, #tpu.memory_space<vmem>>) semaphore(%arg8 : memref<!tpu.dma_semaphore, #tpu.memory_space<semaphore_mem>>) {add = true}
      %mul3A_131 = arith.constant 8 : i32
      %mul3A_132 = arith.muli %scan3A_77, %mul3A_131 : i32
      %add3A_133 = arith.constant 6 : i32
      %add3A_134 = arith.addi %mul3A_132, %add3A_133 : i32
      %dma_start3A_135 = arith.constant 0 : i32
      %dma_start3A_136 = tpu.memref_slice %arg5[%add3A_134, %dma_start3A_135] : memref<80x128xi32, #tpu.memory_space<vmem>> -> memref<1x128xi32, #tpu.memory_space<vmem>>
      %dma_start3A_137 = tpu.memref_squeeze %dma_start3A_136 : memref<1x128xi32, #tpu.memory_space<vmem>> -> memref<128xi32, #tpu.memory_space<vmem>>
      %dma_start3A_138 = arith.constant 0 : i32
      %dma_start3A_139 = tpu.memref_slice %arg7[%dma_start3A_138] : memref<10240xf32, #tpu.memory_space<vmem_shared>> -> memref<10240xf32, #tpu.memory_space<vmem_shared>>
      tpu.enqueue_indirect_dma source(%arg6 : memref<128xf32, #tpu.memory_space<vmem>>) target(%dma_start3A_139 : memref<10240xf32, #tpu.memory_space<vmem_shared>>) offsets(%dma_start3A_137 : memref<128xi32, #tpu.memory_space<vmem>>) semaphore(%arg8 : memref<!tpu.dma_semaphore, #tpu.memory_space<semaphore_mem>>) {add = true}
      %mul3A_140 = arith.constant 8 : i32
      %mul3A_141 = arith.muli %scan3A_77, %mul3A_140 : i32
      %add3A_142 = arith.constant 7 : i32
      %add3A_143 = arith.addi %mul3A_141, %add3A_142 : i32
      %dma_start3A_144 = arith.constant 0 : i32
      %dma_start3A_145 = tpu.memref_slice %arg5[%add3A_143, %dma_start3A_144] : memref<80x128xi32, #tpu.memory_space<vmem>> -> memref<1x128xi32, #tpu.memory_space<vmem>>
      %dma_start3A_146 = tpu.memref_squeeze %dma_start3A_145 : memref<1x128xi32, #tpu.memory_space<vmem>> -> memref<128xi32, #tpu.memory_space<vmem>>
      %dma_start3A_147 = arith.constant 0 : i32
      %dma_start3A_148 = tpu.memref_slice %arg7[%dma_start3A_147] : memref<10240xf32, #tpu.memory_space<vmem_shared>> -> memref<10240xf32, #tpu.memory_space<vmem_shared>>
      tpu.enqueue_indirect_dma source(%arg6 : memref<128xf32, #tpu.memory_space<vmem>>) target(%dma_start3A_148 : memref<10240xf32, #tpu.memory_space<vmem_shared>>) offsets(%dma_start3A_146 : memref<128xi32, #tpu.memory_space<vmem>>) semaphore(%arg8 : memref<!tpu.dma_semaphore, #tpu.memory_space<semaphore_mem>>) {add = true}
      %dma_wait3A = arith.constant 0 : i32
      %dma_wait3A_149 = arith.constant 0 : i32
      %dma_wait3A_150 = tpu.memref_slice %arg5[%dma_wait3A, %dma_wait3A_149] : memref<80x128xi32, #tpu.memory_space<vmem>> -> memref<1x128xi32, #tpu.memory_space<vmem>>
      %dma_wait3A_151 = tpu.memref_squeeze %dma_wait3A_150 : memref<1x128xi32, #tpu.memory_space<vmem>> -> memref<128xi32, #tpu.memory_space<vmem>>
      %dma_wait3A_152 = arith.constant 0 : i32
      %dma_wait3A_153 = tpu.memref_slice %arg7[%dma_wait3A_152] : memref<10240xf32, #tpu.memory_space<vmem_shared>> -> memref<10240xf32, #tpu.memory_space<vmem_shared>>
      tpu.wait_indirect_dma semaphore(%arg8 : memref<!tpu.dma_semaphore, #tpu.memory_space<semaphore_mem>>) src(%arg6 : memref<128xf32, #tpu.memory_space<vmem>>) dst(%dma_wait3A_153 : memref<10240xf32, #tpu.memory_space<vmem_shared>>)
      %dma_wait3A_154 = arith.constant 0 : i32
      %dma_wait3A_155 = arith.constant 0 : i32
      %dma_wait3A_156 = tpu.memref_slice %arg5[%dma_wait3A_154, %dma_wait3A_155] : memref<80x128xi32, #tpu.memory_space<vmem>> -> memref<1x128xi32, #tpu.memory_space<vmem>>
      %dma_wait3A_157 = tpu.memref_squeeze %dma_wait3A_156 : memref<1x128xi32, #tpu.memory_space<vmem>> -> memref<128xi32, #tpu.memory_space<vmem>>
      %dma_wait3A_158 = arith.constant 0 : i32
      %dma_wait3A_159 = tpu.memref_slice %arg7[%dma_wait3A_158] : memref<10240xf32, #tpu.memory_space<vmem_shared>> -> memref<10240xf32, #tpu.memory_space<vmem_shared>>
      tpu.wait_indirect_dma semaphore(%arg8 : memref<!tpu.dma_semaphore, #tpu.memory_space<semaphore_mem>>) src(%arg6 : memref<128xf32, #tpu.memory_space<vmem>>) dst(%dma_wait3A_159 : memref<10240xf32, #tpu.memory_space<vmem_shared>>)
      %dma_wait3A_160 = arith.constant 0 : i32
      %dma_wait3A_161 = arith.constant 0 : i32
      %dma_wait3A_162 = tpu.memref_slice %arg5[%dma_wait3A_160, %dma_wait3A_161] : memref<80x128xi32, #tpu.memory_space<vmem>> -> memref<1x128xi32, #tpu.memory_space<vmem>>
      %dma_wait3A_163 = tpu.memref_squeeze %dma_wait3A_162 : memref<1x128xi32, #tpu.memory_space<vmem>> -> memref<128xi32, #tpu.memory_space<vmem>>
      %dma_wait3A_164 = arith.constant 0 : i32
      %dma_wait3A_165 = tpu.memref_slice %arg7[%dma_wait3A_164] : memref<10240xf32, #tpu.memory_space<vmem_shared>> -> memref<10240xf32, #tpu.memory_space<vmem_shared>>
      tpu.wait_indirect_dma semaphore(%arg8 : memref<!tpu.dma_semaphore, #tpu.memory_space<semaphore_mem>>) src(%arg6 : memref<128xf32, #tpu.memory_space<vmem>>) dst(%dma_wait3A_165 : memref<10240xf32, #tpu.memory_space<vmem_shared>>)
      %dma_wait3A_166 = arith.constant 0 : i32
      %dma_wait3A_167 = arith.constant 0 : i32
      %dma_wait3A_168 = tpu.memref_slice %arg5[%dma_wait3A_166, %dma_wait3A_167] : memref<80x128xi32, #tpu.memory_space<vmem>> -> memref<1x128xi32, #tpu.memory_space<vmem>>
      %dma_wait3A_169 = tpu.memref_squeeze %dma_wait3A_168 : memref<1x128xi32, #tpu.memory_space<vmem>> -> memref<128xi32, #tpu.memory_space<vmem>>
      %dma_wait3A_170 = arith.constant 0 : i32
      %dma_wait3A_171 = tpu.memref_slice %arg7[%dma_wait3A_170] : memref<10240xf32, #tpu.memory_space<vmem_shared>> -> memref<10240xf32, #tpu.memory_space<vmem_shared>>
      tpu.wait_indirect_dma semaphore(%arg8 : memref<!tpu.dma_semaphore, #tpu.memory_space<semaphore_mem>>) src(%arg6 : memref<128xf32, #tpu.memory_space<vmem>>) dst(%dma_wait3A_171 : memref<10240xf32, #tpu.memory_space<vmem_shared>>)
      %dma_wait3A_172 = arith.constant 0 : i32
      %dma_wait3A_173 = arith.constant 0 : i32
      %dma_wait3A_174 = tpu.memref_slice %arg5[%dma_wait3A_172, %dma_wait3A_173] : memref<80x128xi32, #tpu.memory_space<vmem>> -> memref<1x128xi32, #tpu.memory_space<vmem>>
      %dma_wait3A_175 = tpu.memref_squeeze %dma_wait3A_174 : memref<1x128xi32, #tpu.memory_space<vmem>> -> memref<128xi32, #tpu.memory_space<vmem>>
      %dma_wait3A_176 = arith.constant 0 : i32
      %dma_wait3A_177 = tpu.memref_slice %arg7[%dma_wait3A_176] : memref<10240xf32, #tpu.memory_space<vmem_shared>> -> memref<10240xf32, #tpu.memory_space<vmem_shared>>
      tpu.wait_indirect_dma semaphore(%arg8 : memref<!tpu.dma_semaphore, #tpu.memory_space<semaphore_mem>>) src(%arg6 : memref<128xf32, #tpu.memory_space<vmem>>) dst(%dma_wait3A_177 : memref<10240xf32, #tpu.memory_space<vmem_shared>>)
      %dma_wait3A_178 = arith.constant 0 : i32
      %dma_wait3A_179 = arith.constant 0 : i32
      %dma_wait3A_180 = tpu.memref_slice %arg5[%dma_wait3A_178, %dma_wait3A_179] : memref<80x128xi32, #tpu.memory_space<vmem>> -> memref<1x128xi32, #tpu.memory_space<vmem>>
      %dma_wait3A_181 = tpu.memref_squeeze %dma_wait3A_180 : memref<1x128xi32, #tpu.memory_space<vmem>> -> memref<128xi32, #tpu.memory_space<vmem>>
      %dma_wait3A_182 = arith.constant 0 : i32
      %dma_wait3A_183 = tpu.memref_slice %arg7[%dma_wait3A_182] : memref<10240xf32, #tpu.memory_space<vmem_shared>> -> memref<10240xf32, #tpu.memory_space<vmem_shared>>
      tpu.wait_indirect_dma semaphore(%arg8 : memref<!tpu.dma_semaphore, #tpu.memory_space<semaphore_mem>>) src(%arg6 : memref<128xf32, #tpu.memory_space<vmem>>) dst(%dma_wait3A_183 : memref<10240xf32, #tpu.memory_space<vmem_shared>>)
      %dma_wait3A_184 = arith.constant 0 : i32
      %dma_wait3A_185 = arith.constant 0 : i32
      %dma_wait3A_186 = tpu.memref_slice %arg5[%dma_wait3A_184, %dma_wait3A_185] : memref<80x128xi32, #tpu.memory_space<vmem>> -> memref<1x128xi32, #tpu.memory_space<vmem>>
      %dma_wait3A_187 = tpu.memref_squeeze %dma_wait3A_186 : memref<1x128xi32, #tpu.memory_space<vmem>> -> memref<128xi32, #tpu.memory_space<vmem>>
      %dma_wait3A_188 = arith.constant 0 : i32
      %dma_wait3A_189 = tpu.memref_slice %arg7[%dma_wait3A_188] : memref<10240xf32, #tpu.memory_space<vmem_shared>> -> memref<10240xf32, #tpu.memory_space<vmem_shared>>
      tpu.wait_indirect_dma semaphore(%arg8 : memref<!tpu.dma_semaphore, #tpu.memory_space<semaphore_mem>>) src(%arg6 : memref<128xf32, #tpu.memory_space<vmem>>) dst(%dma_wait3A_189 : memref<10240xf32, #tpu.memory_space<vmem_shared>>)
      %dma_wait3A_190 = arith.constant 0 : i32
      %dma_wait3A_191 = arith.constant 0 : i32
      %dma_wait3A_192 = tpu.memref_slice %arg5[%dma_wait3A_190, %dma_wait3A_191] : memref<80x128xi32, #tpu.memory_space<vmem>> -> memref<1x128xi32, #tpu.memory_space<vmem>>
      %dma_wait3A_193 = tpu.memref_squeeze %dma_wait3A_192 : memref<1x128xi32, #tpu.memory_space<vmem>> -> memref<128xi32, #tpu.memory_space<vmem>>
      %dma_wait3A_194 = arith.constant 0 : i32
      %dma_wait3A_195 = tpu.memref_slice %arg7[%dma_wait3A_194] : memref<10240xf32, #tpu.memory_space<vmem_shared>> -> memref<10240xf32, #tpu.memory_space<vmem_shared>>
      tpu.wait_indirect_dma semaphore(%arg8 : memref<!tpu.dma_semaphore, #tpu.memory_space<semaphore_mem>>) src(%arg6 : memref<128xf32, #tpu.memory_space<vmem>>) dst(%dma_wait3A_195 : memref<10240xf32, #tpu.memory_space<vmem_shared>>)
    }
    %scan3A_71 = arith.constant 10 : i32
    %barrier3A_72 = arith.constant 0 : index
    tpu.barrier barrier_id(%barrier3A_72)
    %mul3A_73 = arith.constant 640 : i32
    %mul3A_74 = arith.muli %arg1, %mul3A_73 : i32
    %mul3A_75 = arith.constant 640 : i32
    %mul3A_76 = arith.muli %arg1, %mul3A_75 : i32
    "tpu.region"() ({
      %run_scoped3A_77 = tpu.sem_alloc : memref<!tpu.dma_semaphore, #tpu.memory_space<semaphore_mem>>
      %dma_start3A = tpu.memref_slice %arg4[%arg0, %mul3A_76] : memref<2x10240xf32, #tpu.memory_space<hbm>> -> memref<1x640xf32, #tpu.memory_space<hbm>>
      %dma_start3A_78 = tpu.memref_squeeze %dma_start3A : memref<1x640xf32, #tpu.memory_space<hbm>> -> memref<640xf32, #tpu.memory_space<hbm>>
      %dma_start3A_79 = tpu.memref_slice %arg7[%mul3A_74] : memref<10240xf32, #tpu.memory_space<vmem_shared>> -> memref<640xf32, #tpu.memory_space<vmem_shared>>
      tpu.enqueue_dma source(%dma_start3A_79 : memref<640xf32, #tpu.memory_space<vmem_shared>>) target(%dma_start3A_78 : memref<640xf32, #tpu.memory_space<hbm>>) target_semaphore(%run_scoped3A_77 : memref<!tpu.dma_semaphore, #tpu.memory_space<semaphore_mem>>)
      %dma_wait3A = tpu.memref_slice %arg4[%arg0, %mul3A_76] : memref<2x10240xf32, #tpu.memory_space<hbm>> -> memref<1x640xf32, #tpu.memory_space<hbm>>
      %dma_wait3A_80 = tpu.memref_squeeze %dma_wait3A : memref<1x640xf32, #tpu.memory_space<hbm>> -> memref<640xf32, #tpu.memory_space<hbm>>
      %dma_wait3A_81 = tpu.memref_slice %arg7[%mul3A_74] : memref<10240xf32, #tpu.memory_space<vmem_shared>> -> memref<640xf32, #tpu.memory_space<vmem_shared>>
      tpu.wait_dma2 semaphore(%run_scoped3A_77 : memref<!tpu.dma_semaphore, #tpu.memory_space<semaphore_mem>>) src(%dma_wait3A_81 : memref<640xf32, #tpu.memory_space<vmem_shared>>) dst(%dma_wait3A_80 : memref<640xf32, #tpu.memory_space<hbm>>)
      tpu.yield
    }) : () -> ()
    return
  }
}

module attributes {stable_mosaic.version = 14 : i64} {
  func.func @_tc_a0_body(%arg0: memref<10000x128xf32, #tpu.memory_space<vmem>>, %arg1: memref<2x128x32xf32, #tpu.memory_space<vmem>>, %arg2: memref<1x32xf32, #tpu.memory_space<vmem>>, %arg3: memref<10000x32xf32, #tpu.memory_space<vmem>>, %arg4: memref<10000x32xf32, #tpu.memory_space<vmem>>) attributes {dimension_semantics = [], scalar_prefetch = 0 : i64, scratch_operands = 0 : i64, tpu.core_type = #tpu.core_type<tc>} {
    %get3A = arith.constant 0 : index
    %get3A_0 = arith.constant 0 : index
    %get3A_1 = vector.load %arg0[%get3A, %get3A_0] : memref<10000x128xf32, #tpu.memory_space<vmem>>, vector<10000x128xf32>
    %get3A_2 = arith.constant 0 : index
    %get3A_3 = arith.constant 0 : index
    %get3A_4 = arith.constant 0 : index
    %get3A_5 = vector.load %arg1[%get3A_2, %get3A_3, %get3A_4] : memref<2x128x32xf32, #tpu.memory_space<vmem>>, vector<1x128x32xf32>
    %get3A_6 = vector.shape_cast %get3A_5 : vector<1x128x32xf32> to vector<128x32xf32>
    %dot_general3A = arith.constant dense<0.000000e+00> : vector<10000x32xf32>
    %dot_general3A_7 = tpu.matmul %get3A_1, %get3A_6, %dot_general3A {dimension_numbers = #tpu.dot_dimension_numbers<[1], [0], [0], [1], [0, 0, 1, 1], [], []>, transpose_lhs_hint = false} : vector<10000x128xf32>, vector<128x32xf32>, vector<10000x32xf32> -> vector<10000x32xf32>
    %get3A_8 = arith.constant 0 : index
    %get3A_9 = arith.constant 0 : index
    %get3A_10 = vector.load %arg2[%get3A_8, %get3A_9] : memref<1x32xf32, #tpu.memory_space<vmem>>, vector<1x32xf32>
    %add3A = vector.broadcast %get3A_10 : vector<1x32xf32> to vector<10000x32xf32>
    %add3A_11 = arith.addf %dot_general3A_7, %add3A : vector<10000x32xf32>
    %swap3A = arith.constant 0 : index
    %swap3A_12 = arith.constant 0 : index
    %swap3A_13 = vector.load %arg3[%swap3A, %swap3A_12] : memref<10000x32xf32, #tpu.memory_space<vmem>>, vector<10000x32xf32>
    tpu.vector_store %arg3[%swap3A, %swap3A_12], %add3A_11 {strides = array<i32>} : memref<10000x32xf32, #tpu.memory_space<vmem>>, vector<10000x32xf32>,
    %get3A_14 = arith.constant 1 : index
    %get3A_15 = arith.constant 0 : index
    %get3A_16 = arith.constant 0 : index
    %get3A_17 = vector.load %arg1[%get3A_14, %get3A_15, %get3A_16] : memref<2x128x32xf32, #tpu.memory_space<vmem>>, vector<1x128x32xf32>
    %get3A_18 = vector.shape_cast %get3A_17 : vector<1x128x32xf32> to vector<128x32xf32>
    %dot_general3A_19 = arith.constant dense<0.000000e+00> : vector<10000x32xf32>
    %dot_general3A_20 = tpu.matmul %get3A_1, %get3A_18, %dot_general3A_19 {dimension_numbers = #tpu.dot_dimension_numbers<[1], [0], [0], [1], [0, 0, 1, 1], [], []>, transpose_lhs_hint = false} : vector<10000x128xf32>, vector<128x32xf32>, vector<10000x32xf32> -> vector<10000x32xf32>
    %swap3A_21 = arith.constant 0 : index
    %swap3A_22 = arith.constant 0 : index
    %swap3A_23 = vector.load %arg4[%swap3A_21, %swap3A_22] : memref<10000x32xf32, #tpu.memory_space<vmem>>, vector<10000x32xf32>
    tpu.vector_store %arg4[%swap3A_21, %swap3A_22], %dot_general3A_20 {strides = array<i32>} : memref<10000x32xf32, #tpu.memory_space<vmem>>, vector<10000x32xf32>,
    return
  }
}

module attributes {stable_mosaic.version = 14 : i64} {
  func.func @_tc_a1_body(%arg0: memref<10240x2xf32, #tpu.memory_space<vmem>>, %arg1: memref<10000x32xf32, #tpu.memory_space<vmem>>, %arg2: memref<10240x1xf32, #tpu.memory_space<vmem>>, %arg3: memref<10240x32xf32, #tpu.memory_space<vmem>>) attributes {dimension_semantics = [], scalar_prefetch = 0 : i64, scratch_operands = 0 : i64, tpu.core_type = #tpu.core_type<tc>} {
    %get3A = arith.constant 0 : index
    %get3A_0 = arith.constant 0 : index
    %get3A_1 = vector.load %arg0[%get3A, %get3A_0] : memref<10240x2xf32, #tpu.memory_space<vmem>>, vector<10240x1xf32>
    %get3A_2 = arith.constant 0 : index
    %get3A_3 = arith.constant 1 : index
    %get3A_4 = vector.load %arg0[%get3A_2, %get3A_3] : memref<10240x2xf32, #tpu.memory_space<vmem>>, vector<10240x1xf32>
    %add3A = arith.addf %get3A_1, %get3A_4 : vector<10240x1xf32>
    %gt3A = arith.constant 0.000000e+00 : f32
    %gt3A_5 = vector.broadcast %gt3A : f32 to vector<10240x1xf32>
    %gt3A_6 = arith.cmpf ogt, %add3A, %gt3A_5 : vector<10240x1xf32>
    %max3A = arith.constant 1.000000e+00 : f32
    %max3A_7 = vector.broadcast %max3A : f32 to vector<10240x1xf32>
    %max3A_8 = arith.maximumf %add3A, %max3A_7 : vector<10240x1xf32>
    %rsqrt3A = math.rsqrt %max3A_8 : vector<10240x1xf32>
    %jit3A = arith.constant 0.000000e+00 : f32
    %broadcast_in_dim3A = vector.broadcast %jit3A : f32 to vector<10240x1xf32>
    %select_n3A = arith.select %gt3A_6, %rsqrt3A, %broadcast_in_dim3A : vector<10240x1xi1>, vector<10240x1xf32>
    %swap3A = arith.constant 0 : index
    %swap3A_9 = arith.constant 0 : index
    %swap3A_10 = vector.load %arg2[%swap3A, %swap3A_9] : memref<10240x1xf32, #tpu.memory_space<vmem>>, vector<10240x1xf32>
    tpu.vector_store %arg2[%swap3A, %swap3A_9], %select_n3A {strides = array<i32>} : memref<10240x1xf32, #tpu.memory_space<vmem>>, vector<10240x1xf32>,
    %broadcast_in_dim3A_11 = arith.constant 0.000000e+00 : f32
    %broadcast_in_dim3A_12 = vector.broadcast %broadcast_in_dim3A_11 : f32 to vector<10240x32xf32>
    %swap3A_13 = arith.constant 0 : index
    %swap3A_14 = arith.constant 0 : index
    %swap3A_15 = vector.load %arg3[%swap3A_13, %swap3A_14] : memref<10240x32xf32, #tpu.memory_space<vmem>>, vector<10240x32xf32>
    tpu.vector_store %arg3[%swap3A_13, %swap3A_14], %broadcast_in_dim3A_12 {strides = array<i32>} : memref<10240x32xf32, #tpu.memory_space<vmem>>, vector<10240x32xf32>,
    %slice3A = vector.extract_strided_slice %select_n3A {offsets = [0, 0], sizes = [10000, 1], strides = [1, 1]} : vector<10240x1xf32> to vector<10000x1xf32>
    %get3A_16 = arith.constant 0 : index
    %get3A_17 = arith.constant 0 : index
    %get3A_18 = vector.load %arg1[%get3A_16, %get3A_17] : memref<10000x32xf32, #tpu.memory_space<vmem>>, vector<10000x32xf32>
    %mul3A = vector.broadcast %slice3A : vector<10000x1xf32> to vector<10000x32xf32>
    %mul3A_19 = arith.mulf %mul3A, %get3A_18 : vector<10000x32xf32>
    %swap3A_20 = arith.constant 0 : index
    %swap3A_21 = arith.constant 0 : index
    %swap3A_22 = vector.load %arg3[%swap3A_20, %swap3A_21] : memref<10240x32xf32, #tpu.memory_space<vmem>>, vector<10000x32xf32>
    tpu.vector_store %arg3[%swap3A_20, %swap3A_21], %mul3A_19 {strides = array<i32>} : memref<10240x32xf32, #tpu.memory_space<vmem>>, vector<10000x32xf32>,
    return
  }
}

module attributes {stable_mosaic.version = 14 : i64} {
  func.func @_tc_b_body(%arg0: memref<10000x32xf32, #tpu.memory_space<vmem>>, %arg1: memref<2x10240x32xf32, #tpu.memory_space<vmem>>, %arg2: memref<10240x1xf32, #tpu.memory_space<vmem>>, %arg3: memref<2x32x16xf32, #tpu.memory_space<vmem>>, %arg4: memref<1x16xf32, #tpu.memory_space<vmem>>, %arg5: memref<10000x16xf32, #tpu.memory_space<vmem>>, %arg6: memref<10240x16xf32, #tpu.memory_space<vmem>>) attributes {dimension_semantics = [], scalar_prefetch = 0 : i64, scratch_operands = 0 : i64, tpu.core_type = #tpu.core_type<tc>} {
    %get3A = arith.constant 0 : index
    %get3A_0 = arith.constant 0 : index
    %get3A_1 = vector.load %arg2[%get3A, %get3A_0] : memref<10240x1xf32, #tpu.memory_space<vmem>>, vector<10000x1xf32>
    %get3A_2 = arith.constant 0 : index
    %get3A_3 = arith.constant 0 : index
    %get3A_4 = arith.constant 0 : index
    %get3A_5 = vector.load %arg1[%get3A_2, %get3A_3, %get3A_4] : memref<2x10240x32xf32, #tpu.memory_space<vmem>>, vector<1x10000x32xf32>
    %get3A_6 = vector.shape_cast %get3A_5 : vector<1x10000x32xf32> to vector<10000x32xf32>
    %get3A_7 = arith.constant 1 : index
    %get3A_8 = arith.constant 0 : index
    %get3A_9 = arith.constant 0 : index
    %get3A_10 = vector.load %arg1[%get3A_7, %get3A_8, %get3A_9] : memref<2x10240x32xf32, #tpu.memory_space<vmem>>, vector<1x10000x32xf32>
    %get3A_11 = vector.shape_cast %get3A_10 : vector<1x10000x32xf32> to vector<10000x32xf32>
    %add3A = arith.addf %get3A_6, %get3A_11 : vector<10000x32xf32>
    %get3A_12 = arith.constant 0 : index
    %get3A_13 = arith.constant 0 : index
    %get3A_14 = vector.load %arg0[%get3A_12, %get3A_13] : memref<10000x32xf32, #tpu.memory_space<vmem>>, vector<10000x32xf32>
    %mul3A = vector.broadcast %get3A_1 : vector<10000x1xf32> to vector<10000x32xf32>
    %mul3A_15 = arith.mulf %mul3A, %add3A : vector<10000x32xf32>
    %sub3A = arith.subf %get3A_14, %mul3A_15 : vector<10000x32xf32>
    %max3A = arith.constant 0.000000e+00 : f32
    %max3A_16 = vector.broadcast %max3A : f32 to vector<10000x32xf32>
    %max3A_17 = arith.maximumf %sub3A, %max3A_16 : vector<10000x32xf32>
    %get3A_18 = arith.constant 0 : index
    %get3A_19 = arith.constant 0 : index
    %get3A_20 = arith.constant 0 : index
    %get3A_21 = vector.load %arg3[%get3A_18, %get3A_19, %get3A_20] : memref<2x32x16xf32, #tpu.memory_space<vmem>>, vector<1x32x16xf32>
    %get3A_22 = vector.shape_cast %get3A_21 : vector<1x32x16xf32> to vector<32x16xf32>
    %dot_general3A = arith.constant dense<0.000000e+00> : vector<10000x16xf32>
    %dot_general3A_23 = tpu.matmul %max3A_17, %get3A_22, %dot_general3A {dimension_numbers = #tpu.dot_dimension_numbers<[1], [0], [0], [1], [0, 0, 1, 1], [], []>, transpose_lhs_hint = false} : vector<10000x32xf32>, vector<32x16xf32>, vector<10000x16xf32> -> vector<10000x16xf32>
    %get3A_24 = arith.constant 0 : index
    %get3A_25 = arith.constant 0 : index
    %get3A_26 = vector.load %arg4[%get3A_24, %get3A_25] : memref<1x16xf32, #tpu.memory_space<vmem>>, vector<1x16xf32>
    %add3A_27 = vector.broadcast %get3A_26 : vector<1x16xf32> to vector<10000x16xf32>
    %add3A_28 = arith.addf %dot_general3A_23, %add3A_27 : vector<10000x16xf32>
    %swap3A = arith.constant 0 : index
    %swap3A_29 = arith.constant 0 : index
    %swap3A_30 = vector.load %arg5[%swap3A, %swap3A_29] : memref<10000x16xf32, #tpu.memory_space<vmem>>, vector<10000x16xf32>
    tpu.vector_store %arg5[%swap3A, %swap3A_29], %add3A_28 {strides = array<i32>} : memref<10000x16xf32, #tpu.memory_space<vmem>>, vector<10000x16xf32>,
    %get3A_31 = arith.constant 1 : index
    %get3A_32 = arith.constant 0 : index
    %get3A_33 = arith.constant 0 : index
    %get3A_34 = vector.load %arg3[%get3A_31, %get3A_32, %get3A_33] : memref<2x32x16xf32, #tpu.memory_space<vmem>>, vector<1x32x16xf32>
    %get3A_35 = vector.shape_cast %get3A_34 : vector<1x32x16xf32> to vector<32x16xf32>
    %dot_general3A_36 = arith.constant dense<0.000000e+00> : vector<10000x16xf32>
    %dot_general3A_37 = tpu.matmul %max3A_17, %get3A_35, %dot_general3A_36 {dimension_numbers = #tpu.dot_dimension_numbers<[1], [0], [0], [1], [0, 0, 1, 1], [], []>, transpose_lhs_hint = false} : vector<10000x32xf32>, vector<32x16xf32>, vector<10000x16xf32> -> vector<10000x16xf32>
    %broadcast_in_dim3A = arith.constant 0.000000e+00 : f32
    %broadcast_in_dim3A_38 = vector.broadcast %broadcast_in_dim3A : f32 to vector<10240x16xf32>
    %swap3A_39 = arith.constant 0 : index
    %swap3A_40 = arith.constant 0 : index
    %swap3A_41 = vector.load %arg6[%swap3A_39, %swap3A_40] : memref<10240x16xf32, #tpu.memory_space<vmem>>, vector<10240x16xf32>
    tpu.vector_store %arg6[%swap3A_39, %swap3A_40], %broadcast_in_dim3A_38 {strides = array<i32>} : memref<10240x16xf32, #tpu.memory_space<vmem>>, vector<10240x16xf32>,
    %mul3A_42 = vector.broadcast %get3A_1 : vector<10000x1xf32> to vector<10000x16xf32>
    %mul3A_43 = arith.mulf %mul3A_42, %dot_general3A_37 : vector<10000x16xf32>
    %swap3A_44 = arith.constant 0 : index
    %swap3A_45 = arith.constant 0 : index
    %swap3A_46 = vector.load %arg6[%swap3A_44, %swap3A_45] : memref<10240x16xf32, #tpu.memory_space<vmem>>, vector<10000x16xf32>
    tpu.vector_store %arg6[%swap3A_44, %swap3A_45], %mul3A_43 {strides = array<i32>} : memref<10240x16xf32, #tpu.memory_space<vmem>>, vector<10000x16xf32>,
    return
  }
}

module attributes {stable_mosaic.version = 14 : i64} {
  func.func @_tc_c_body(%arg0: memref<10000x16xf32, #tpu.memory_space<vmem>>, %arg1: memref<2x10240x16xf32, #tpu.memory_space<vmem>>, %arg2: memref<10240x1xf32, #tpu.memory_space<vmem>>, %arg3: memref<10000x16xf32, #tpu.memory_space<vmem>>) attributes {dimension_semantics = [], scalar_prefetch = 0 : i64, scratch_operands = 0 : i64, tpu.core_type = #tpu.core_type<tc>} {
    %get3A = arith.constant 0 : index
    %get3A_0 = arith.constant 0 : index
    %get3A_1 = vector.load %arg2[%get3A, %get3A_0] : memref<10240x1xf32, #tpu.memory_space<vmem>>, vector<10000x1xf32>
    %get3A_2 = arith.constant 0 : index
    %get3A_3 = arith.constant 0 : index
    %get3A_4 = arith.constant 0 : index
    %get3A_5 = vector.load %arg1[%get3A_2, %get3A_3, %get3A_4] : memref<2x10240x16xf32, #tpu.memory_space<vmem>>, vector<1x10000x16xf32>
    %get3A_6 = vector.shape_cast %get3A_5 : vector<1x10000x16xf32> to vector<10000x16xf32>
    %get3A_7 = arith.constant 1 : index
    %get3A_8 = arith.constant 0 : index
    %get3A_9 = arith.constant 0 : index
    %get3A_10 = vector.load %arg1[%get3A_7, %get3A_8, %get3A_9] : memref<2x10240x16xf32, #tpu.memory_space<vmem>>, vector<1x10000x16xf32>
    %get3A_11 = vector.shape_cast %get3A_10 : vector<1x10000x16xf32> to vector<10000x16xf32>
    %add3A = arith.addf %get3A_6, %get3A_11 : vector<10000x16xf32>
    %get3A_12 = arith.constant 0 : index
    %get3A_13 = arith.constant 0 : index
    %get3A_14 = vector.load %arg0[%get3A_12, %get3A_13] : memref<10000x16xf32, #tpu.memory_space<vmem>>, vector<10000x16xf32>
    %mul3A = vector.broadcast %get3A_1 : vector<10000x1xf32> to vector<10000x16xf32>
    %mul3A_15 = arith.mulf %mul3A, %add3A : vector<10000x16xf32>
    %sub3A = arith.subf %get3A_14, %mul3A_15 : vector<10000x16xf32>
    %reduce_max3A = arith.constant dense<0xFF800000> : vector<10000xf32>
    %reduce_max3A_16 = vector.multi_reduction <maximumf>, %sub3A, %reduce_max3A [1] : vector<10000x16xf32> to vector<10000xf32>
    %broadcast_in_dim3A = vector.shape_cast %reduce_max3A_16 : vector<10000xf32> to vector<10000x1xf32>
    %sub3A_17 = vector.broadcast %broadcast_in_dim3A : vector<10000x1xf32> to vector<10000x16xf32>
    %sub3A_18 = arith.subf %sub3A, %sub3A_17 : vector<10000x16xf32>
    %exp3A = math.exp %sub3A_18 : vector<10000x16xf32>
    %reduce_sum3A = arith.constant dense<0.000000e+00> : vector<10000xf32>
    %reduce_sum3A_19 = vector.multi_reduction <add>, %exp3A, %reduce_sum3A [1] : vector<10000x16xf32> to vector<10000xf32>
    %broadcast_in_dim3A_20 = vector.shape_cast %reduce_sum3A_19 : vector<10000xf32> to vector<10000x1xf32>
    %log3A = math.log %broadcast_in_dim3A_20 : vector<10000x1xf32>
    %add3A_21 = arith.addf %log3A, %broadcast_in_dim3A : vector<10000x1xf32>
    %sub3A_22 = vector.broadcast %add3A_21 : vector<10000x1xf32> to vector<10000x16xf32>
    %sub3A_23 = arith.subf %sub3A, %sub3A_22 : vector<10000x16xf32>
    %swap3A = arith.constant 0 : index
    %swap3A_24 = arith.constant 0 : index
    %swap3A_25 = vector.load %arg3[%swap3A, %swap3A_24] : memref<10000x16xf32, #tpu.memory_space<vmem>>, vector<10000x16xf32>
    tpu.vector_store %arg3[%swap3A, %swap3A_24], %sub3A_23 {strides = array<i32>} : memref<10000x16xf32, #tpu.memory_space<vmem>>, vector<10000x16xf32>,
    return
  }
}

</mosaic_0001>

<sc_bundles>
// kernel: kernel.12.cloned.1.call-start
scs
__scs_entry_jumppad:
0x0: {  	(pc) =	sbr.rel $0x88, $3  }
0x1: {  	(tag) =	ssettag $0x0;
	lr =	simm.s32 $0x1  }
0x2: {  	[smem:$0x3F9B] =	sst lr;
	_ =	strace $0xD0000000  }
0x3: {  	_ = 	snop  }
0x4: {  	_ = 	snop  }
0x5: {  	_ = 	snop  }
0x6: {  	_ = 	snop  }
0x7: {  	_ = 	snop  }
__scs_overlays_trampoline_lowered:
0x8: {  	[smem:$0x3FAA] =	sst s0  }
0x9: {  	[smem:$0x3FAB] =	sst s1  }
0xa: {  	[smem:$0x3FAC] =	sst s2  }
0xb: {  	[smem:$0x3FAD] =	sst s3  }
0xc: {  	[smem:$0x3FAE] =	sst s4  }
0xd: {  	[smem:$0x3FAF] =	sst s5  }
0xe: {  	[smem:$0x3FB0] =	sst s6  }
0xf: {  	[smem:$0x3FB1] =	sst s7  }
0x10: {  	[smem:$0x3FB2] =	sst s8  }
0x11: {  	[smem:$0x3FB3] =	sst s9;
	s0 =	simm.s32 @!p0 $0x0  }
0x12: {  	s1 =	sld [smem:$0x3F99];
	s0 =	simm.s32 @p0 $0x1  }
0x13: {  	[smem:$0x3FB4] =	sst s0;
	s0 =	simm.s32 @!p1 $0x0  }
0x14: {  	s2 =	sld [smem:$0x3F98];
	s0 =	simm.s32 @p1 $0x1  }
0x15: {  	[smem:$0x3FB5] =	sst s0;
	s0 =	simm.s32 @!p2 $0x0  }
0x16: {  	s3 =	sld [smem:$0x3FDB];
	s0 =	simm.s32 @p2 $0x1  }
0x17: {  	s4 =	simm.s32 $0x1BF5;
	[smem:$0x3FB7] =	sst s0  }
0x18: {  	s0 =	sld [smem:$0x3F9A];
	_ =	swait.ge [sflag:s4], $0x0  }
0x19: {  	s7 =	sld [smem:$0x3F9B]  }
0x1a: {  	s8 =	sadd.s32 $0xFFFFE003, lr  }
0x1b: {  	s9 =	sadd.s32 $0xFFFFFEF7, lr;
	s5 =	simm.s32 $0xFFFFFFFF;
	p2 =	slt.u32 s8, $0xFFFFF086  }
0x1c: {  	p1 =	slt.u32 s9, $0xF7A;
	s5 =	simm.s32 @!p2 $0x0  }
0x1d: {  	s5 =	simm.s32 @p1 $0x1;
	p0 =	seq.s32 s7, s2  }
0x1e: {  	s7 =	smul.u32 @!p0 $0xF7A, s2;
	p2 =	seq.s32 @!p0 s5, $0x0  }
0x1f: {  	s9 =	smul.u32 $0xF7A, s1;
	s8 =	simm.s32 @!p0 $0x1BF5;
	p2 =	por !p2, p0  }
0x20: {  	[sflag:s8] =	ssyncset.s32 @!p0 $0xFFFFF086;
	s6 =	sadd.s32 @!p0 s3, s7;
	s7 =	simm.s32 @!p0 $0x108  }
0x21: {  	s3 =	sadd.s32 s3, s9;
	s6 =	sadd.s32 @!p0 $0x88, s6;
	s7 =	simm.s32 @p2 $0x1082  }
0x22: {  	[simem:s7], [sflag:s8] =	dma.local @!p0 [hbm:s6], $0xF7A  }
0x23: {  	s9 =	sor.u32 $0xD0000000, s2;
	s6 =	simm.s32 $0x108;
	_ =	swait.ge @!p0 [sflag:s8], $0x0  }
0x24: {  	s3 =	sadd.s32 $0x88, s3;
	s6 =	simm.s32 @!p1 $0x1082;
	[sflag:s4] =	ssyncset.s32 $0xFFFFF086  }
0x25: {  	[simem:s6], [sflag:s4] =	dma.local [hbm:s3], $0xF7A  }
0x26: {  	[smem:$0x3F9B] =	sst s1;
	(tag) =	ssettag s2;
	_ =	strace s9  }
0x27: {  	s1 =	sld [smem:$0x3FAB]  }
0x28: {  	s2 =	sld [smem:$0x3FAC]  }
0x29: {  	s4 =	sld [smem:$0x3FAE]  }
0x2a: {  	p0 =	seq.s32 s5, $0x0;
	s5 =	sld [smem:$0x3FAF]  }
0x2b: {  	s6 =	sld [smem:$0x3FB0]  }
0x2c: {  	s7 =	sld [smem:$0x3FB1]  }
0x2d: {  	s3 =	simm.s32 $0x108;
	s8 =	sld [smem:$0x3FB2]  }
0x2e: {  	s3 =	simm.s32 @!p0 $0x1082;
	s9 =	sld [smem:$0x3FB3]  }
0x2f: {  	lr =	sadd.s32 s0, s3;
	s0 =	sld [smem:$0x3FAA]  }
0x30: {  	s3 =	sld [smem:$0x3FAD]  }
0x31: {  	[smem:$0x3FB6] =	sst s10  }
0x32: {  	s10 =	sld [smem:$0x3FB4];
	_ =	sdelay $0x3  }
0x33: {  	p0 =	seq.s32 s10, $0x1;
	s10 =	sld [smem:$0x3FB6];
	_ =	sdelay $0x3  }
0x34: {  	[smem:$0x3FB6] =	sst s10  }
0x35: {  	s10 =	sld [smem:$0x3FB5];
	_ =	sdelay $0x3  }
0x36: {  	p1 =	seq.s32 s10, $0x1;
	s10 =	sld [smem:$0x3FB6];
	_ =	sdelay $0x3  }
0x37: {  	[smem:$0x3FB6] =	sst s10  }
0x38: {  	s10 =	sld [smem:$0x3FB7]  }
0x39: {  	_ = 	snop;
	(pc) =	sbr.ind lr, $3  }
0x3a: {  	_ = 	snop  }
0x3b: {  	_ = 	snop  }
0x3c: {  	p2 =	seq.s32 s10, $0x1;
	s10 =	sld [smem:$0x3FB6]  }
0x3d: {  	_ =	shalt  }
0x3e: {  	_ =	shalt  }
0x3f: {  	_ =	shalt  }
0x40: {  	_ =	shalt  }
0x41: {  	_ =	shalt  }
0x42: {  	_ =	shalt  }
0x43: {  	_ =	shalt  }
0x44: {  	_ =	shalt  }
0x45: {  	_ =	shalt  }
0x46: {  	_ =	shalt  }
0x47: {  	_ =	shalt  }
0x48: {  	_ =	shalt  }
0x49: {  	_ =	shalt  }
0x4a: {  	_ =	shalt  }
0x4b: {  	_ =	shalt  }
0x4c: {  	_ =	shalt  }
0x4d: {  	_ =	shalt  }
0x4e: {  	_ =	shalt  }
0x4f: {  	_ =	shalt  }
0x50: {  	_ =	shalt  }
0x51: {  	_ =	shalt  }
0x52: {  	_ =	shalt  }
0x53: {  	_ =	shalt  }
0x54: {  	_ =	shalt  }
0x55: {  	_ =	shalt  }
0x56: {  	_ =	shalt  }
0x57: {  	_ =	shalt  }
0x58: {  	_ =	shalt  }
0x59: {  	_ =	shalt  }
0x5a: {  	_ =	shalt  }
0x5b: {  	_ =	shalt  }
0x5c: {  	_ =	shalt  }
0x5d: {  	_ =	shalt  }
0x5e: {  	_ =	shalt  }
0x5f: {  	_ =	shalt  }
0x60: {  	_ =	shalt  }
0x61: {  	_ =	shalt  }
0x62: {  	_ =	shalt  }
0x63: {  	_ =	shalt  }
0x64: {  	_ =	shalt  }
0x65: {  	_ =	shalt  }
0x66: {  	_ =	shalt  }
0x67: {  	_ =	shalt  }
0x68: {  	_ =	shalt  }
0x69: {  	_ =	shalt  }
0x6a: {  	_ =	shalt  }
0x6b: {  	_ =	shalt  }
0x6c: {  	_ =	shalt  }
0x6d: {  	_ =	shalt  }
0x6e: {  	_ =	shalt  }
0x6f: {  	_ =	shalt  }
0x70: {  	_ =	shalt  }
0x71: {  	_ =	shalt  }
0x72: {  	_ =	shalt  }
0x73: {  	_ =	shalt  }
0x74: {  	_ =	shalt  }
0x75: {  	_ =	shalt  }
0x76: {  	_ =	shalt  }
0x77: {  	_ =	shalt  }
0x78: {  	_ =	shalt  }
0x79: {  	_ =	shalt  }
0x7a: {  	_ =	shalt  }
0x7b: {  	_ =	shalt  }
0x7c: {  	_ =	shalt  }
0x7d: {  	_ =	shalt  }
0x7e: {  	_ =	shalt  }
0x7f: {  	_ =	shalt  }
0x80: {  	_ =	shalt  }
0x81: {  	_ =	shalt  }
0x82: {  	_ =	shalt  }
0x83: {  	_ =	shalt  }
0x84: {  	_ =	shalt  }
0x85: {  	_ =	shalt  }
0x86: {  	_ =	shalt  }
0x87: {  	_ =	shalt  }
.Lfunc_end0:
.L_simem_size_0:
called_computation.1_lowered:
.L_overlay_start_0:
0x88: {  	s2 =	sld [smem:$0x3FD9]  }
0x89: {  	s3 =	sld [smem:$0x3FFE];
	_ =	sdelay $0x1  }
0x8a: {  	s1 =	srdreg.scid  }
0x8b: {  	s0 =	sand.u32 $0x1, s1  }
0x8c: {  	s16 =	sshll.u32 s0, $0xA;
	s2 =	sadd.s32 s3, s2  }
0x8d: {  	s2 =	sadd.s32 s2, s16  }
0x8e: {  	[smem:$0x3FC2] =	sst s2  }
0x8f: {  	_ = 	snop  }
0x90: {  	(tm) =	ssettm $0x1  }
0x91: {  	s17 =	sld [smem:$0x3FFB];
	_ =	sdelay $0x3  }
0x92: {  	_ =	strace s17  }
0x93: {  	s2 =	sld [smem:$0x3FFC];
	_ =	sdelay $0x3  }
0x94: {  	_ =	strace s2  }
0x95: {  	s2 =	sld [smem:$0x3FFD];
	_ =	sdelay $0x3  }
0x96: {  	_ =	strace s2  }
0x97: {  	_ =	strace $0x8FFFFFFF  }
0x98: {  	s18 =	sld [smem:$0x3FDB];
	_ =	sdelay $0x1  }
0x99: {  	s19 =	simm.s32 $_scs_section_size  }
0x9a: {  	s4 =	simm.s32 $_size__tile_overlayer_lowered;
	s5 =	simm.s32 $_tile_overlayer_lowered  }
0x9b: {  	s22 =	simm.s32 $0x1BFF;
	s21 =	sshll.u32 s5, $0x1;
	s2 =	sadd.s32 s19, s18  }
0x9c: {  	s6 =	simm.s32 $0x0;
	s20 =	sshll.u32 s4, $0x1;
	s4 =	sadd.s32 s21, s2  }
0x9d: {  	[timem:s6], [sflag:s22] =	dma.local [hbm:s4], s20  }
0x9e: {  	_ =	swait.ge [sflag:s22], s20  }
0x9f: {  	s3 =	ssub.s32 $0x0, s20;
	[sflag:s22] =	ssyncset.done $0x0  }
0xa0: {  	[sflag:s22] =	ssyncadd.s32 s3;
	_ =	sdelay $0x1  }
0xa1: {  	s23 =	simm.s32 $0x1B8B  }
0xa2: {  	_ =	swait.ge [sflag:s23], $0x1  }
0xa3: {  	[sflag:s23] =	ssyncset.done $0x0  }
0xa4: {  	s25 =	simm.s32 $0x1B8E;
	s24 =	sld [smem:$0x3FFE];
	[sflag:s23] =	ssyncadd.s32 $0xFFFFFFFF  }
0xa5: {  	s26 =	simm.s32 $execute0_lowered;
	[smem:$0x3FD2] =	sst s25  }
0xa6: {  	s4 =	sshll.u32 s26, $0x1;
	_ =	strace $0x80000049;
	[dreg:$0x1] =	wrdreg $0xFFFFFFFF  }
0xa7: {  	s28 =	simm.s32 $_size_execute0_lowered;
	s2 =	sadd.s32 s2, s4;
	[dreg:$0x0] =	wrdreg $0x0  }
0xa8: {  	s4 =	sshll.u32 s28, $0x1;
	[dreg:$0x2] =	wrdreg s2  }
0xa9: {  	[dreg:$0x3] =	wrdreg s4  }
0xaa: {  	[dreg:$0x4] =	wrdreg $0xC0  }
0xab: {  	_ =	task [dreg:s6], $0x5FFFF  }
0xac: {  	[dreg:$0x1] =	wrdreg $0xFFFFFFFF  }
0xad: {  	[dreg:$0x0] =	wrdreg $0x60  }
0xae: {  	[dreg:$0x2] =	wrdreg s24  }
0xaf: {  	[dreg:$0x3] =	wrdreg $0x150000  }
0xb0: {  	[dreg:$0x4] =	wrdreg $0x1A0000  }
0xb1: {  	[dreg:$0x5] =	wrdreg $0x9  }
0xb2: {  	_ =	task.clear_ibuf [dreg:s6], $0x6FFFF;
	_ =	strace $0x90000049  }
0xb3: {  	s29 =	simm.s32 $0x9;
	_ =	strace $0x8000004B  }
0xb4: {  	_ =	swait.ge [sflag:s29], $0x1  }
0xb5: {  	[sflag:s29] =	ssyncadd.s32 $0xFFFFFFFF  }
0xb6: {  	_ =	strace $0x9000004B  }
0xb7: {  	_ =	sfence  }
0xb8: {  	s30 =	sld [smem:$0x0];
	_ =	sdelay $0x2  }
0xb9: {  	s31 =	sshll.u32 s1, $0xD;
	s1 =	sshrl.u32 s1, $0x2  }
0xba: {  	s3 =	sand.u32 $0x4000, s31;
	s1 =	sadd.s32 s1, s30  }
0xbb: {  	s0 =	sor.u32 s3, s0;
	s1 =	sshll.u32 s1, $0x11  }
0xbc: {  	s0 =	sor.u32 s1, s0  }
0xbd: {  	s0 =	sadd.s32 $0x8F2B, s0  }
0xbe: {  	[sflag:s0] =	ssyncadd.remote.s32 $0x1  }
0xbf: {  	_ =	sfence.sel $0xFFFF  }
0xc0: {  	[dreg:$0x0] =	wrdreg $0xFFFFFFFF;
	(pc) =	sbr.abs _section_cstart, $3  }
0xc1: {  	[dreg:$0x1] =	wrdreg $0xFFFFFFFF  }
0xc2: {  	_ =	task.clear_ibuf [dreg:s6], $0x2FFFF;
	_ =	strace $0x9FFFFFFF  }
0xc3: {  	(tm) =	ssettm $0x7FFFFFFF  }
tec
execute0_lowered:
.L_overlay_start_1:
0x0: {  	(tag) =	ssettag $0x1  }
0x1: {  	s0 =	rddreg [dreg:$0x0]  }
0x2: {  	s2 =	rddreg [dreg:$0x1]  }
0x3: {  	s3 =	rddreg [dreg:$0x2];
	s13 =	stileid.u32  }
0x4: {  	s1 =	srdreg.scid;
	s4 =	simm.s32 $0x0;
	s16 =	simm.s32 $0x80  }
0x5: {  	s30 =	simm.s32 $0x380;
	s31 =	simm.s32 $0xC000;
	s15 =	simm.s32 $0x0  }
0x6: {  	s7 =	smul.u32 $0x5000, s13;
	s1 =	sand.u32 $0x1, s1;
	[smem:$0x7FF] =	sst s4  }
0x7: {  	s6 =	sshll.u32 s13, $0x1;
	s29 =	sshll.u32 s13, $0x6;
	p0 =	sgt.u32 s13, $0xD  }
0x8: {  	s13 =	simm.s32 $0x3;
	s5 =	smul.u32 $0x50000, s1;
	_ =	strace $0x8000004A  }
0x9: {  	s6 =	sor.u32 s1, s6;
	s1 =	ssub.s32 $0x2, s1;
	s8 =	sshrl.u32 s7, $0x3  }
0xa: {  	s9 =	smul.u32 $0x4E, s6;
	s6 =	smax.u32 s6, $0x1C;
	s28 =	sshrl.u32 s1, $0x1  }
0xb: {  	s12 =	sadd.s32 s7, s2;
	s14 =	sadd.s32 s7, s3;
	s8 =	sadd.s32 s8, s0  }
0xc: {  	s5 =	sadd.s32 s7, s5;
	s1 =	ssub.s32 s1, s28;
	s12 =	sshrl.u32 s12, $0x3  }
0xd: {  	s14 =	sshrl.u32 s14, $0x3;
	s5 =	sshrl.u32 s5, $0x3;
	s6 =	sadd.s32 s9, s6  }
0xe: {  	s7 =	sadd.s32 $0x15C00, s8;
	s11 =	smax.u32 s1, $0x1;
	s1 =	simm.s32 $0x2  }
0xf: {  	s10 =	sadd.s32 s5, s0;
	s9 =	sshll.u32 s6, $0x4;
	s5 =	sadd.s32 $0x1FC00, s8  }
0x10: {  	s6 =	sor.u32 $0x1C03, s29;
	s0 =	sadd.s32 s0, s9;
	s10 =	sadd.s32 $0x29C00, s10  }
0x11: {  	v0 =	vimm.s32 $0x2710;
	s8 =	sadd.s32 $0xBC80, s0;
	s9 =	sadd.s32 $0x2040, s0;
	s0 =	simm.s32 $0x1  }
.LBB2_1:
0x12: {  	[spmem:s12], [sflag:s6] =	dma.local [hbm:s5], $0xA00  }
0x13: {  	_ =	swait.ge [sflag:s13], $0xA00  }
0x14: {  	[sflag:s13] =	ssyncset.done $0x0  }
0x15: {  	[sflag:s13] =	ssyncadd.s32 $0xFFFFF600  }
0x16: {  	[spmem:s14], [sflag:s6] =	dma.local [hbm:s7], $0xA00  }
0x17: {  	_ =	swait.ge [sflag:s13], $0xA00  }
0x18: {  	[sflag:s13] =	ssyncset.done $0x0  }
0x19: {  	[sflag:s13] =	ssyncadd.s32 $0xFFFFF600  }
0x1a: {  	[tilespmem:s4], [sflag:$0x3] =	stream.linear.gather [hbm4b:s8+s4], $0x2780, $0x38;
	[tilespmem:$0x1F000] =	vst v63  }
0x1b: {  	_ =	swait.ge [sflag:s13], $0x2780  }
0x1c: {  	[sflag:s13] =	ssyncset.done $0x0  }
0x1d: {  	v1 =	vimm.s32 @!p0 $0x2710;
	[sflag:s13] =	ssyncadd.s32 $0xFFFFD880  }
0x1e: {  	[tilespmem:$0x2700] =	vst @!p0 v1  }
0x1f: {  	[tilespmem:$0x2710] =	vst @!p0 v1  }
0x20: {  	[tilespmem:$0x2720] =	vst @!p0 v1  }
0x21: {  	[tilespmem:$0x2730] =	vst @!p0 v1  }
0x22: {  	[tilespmem:$0x2740] =	vst @!p0 v1  }
0x23: {  	[tilespmem:$0x2750] =	vst @!p0 v1  }
0x24: {  	[tilespmem:$0x2760] =	vst @!p0 v1  }
0x25: {  	[tilespmem:$0x2770] =	vst @!p0 v1  }
0x26: {  	[tilespmem:$0x2780] =	vst v0  }
0x27: {  	[tilespmem:$0x2790] =	vst v0  }
0x28: {  	[tilespmem:$0x27A0] =	vst v0  }
0x29: {  	[tilespmem:$0x27B0] =	vst v0  }
0x2a: {  	[tilespmem:$0x27C0] =	vst v0  }
0x2b: {  	[tilespmem:$0x27D0] =	vst v0  }
0x2c: {  	[tilespmem:$0x27E0] =	vst v0  }
0x2d: {  	s17 =	simm.s32 $0x2800;
	[tilespmem:$0x27F0] =	vst v0  }
0x2e: {  	[tilespmem:s17], [sflag:$0x3] =	stream.linear.gather [hbm4b:s9+s4], $0x2780, $0x38;
	[tilespmem:$0x1F000] =	vst v63  }
0x2f: {  	_ =	swait.ge [sflag:s13], $0x2780  }
0x30: {  	[sflag:s13] =	ssyncset.done $0x0  }
0x31: {  	[sflag:s13] =	ssyncadd.s32 $0xFFFFD880  }
0x32: {  	[tilespmem:$0x4F00] =	vst @!p0 v1  }
0x33: {  	[tilespmem:$0x4F10] =	vst @!p0 v1  }
0x34: {  	[tilespmem:$0x4F20] =	vst @!p0 v1  }
0x35: {  	[tilespmem:$0x4F30] =	vst @!p0 v1  }
0x36: {  	[tilespmem:$0x4F40] =	vst @!p0 v1  }
0x37: {  	[tilespmem:$0x4F50] =	vst @!p0 v1  }
0x38: {  	[tilespmem:$0x4F60] =	vst @!p0 v1  }
0x39: {  	[tilespmem:$0x4F70] =	vst @!p0 v1  }
0x3a: {  	[tilespmem:$0x4F80] =	vst v0  }
0x3b: {  	[tilespmem:$0x4F90] =	vst v0  }
0x3c: {  	[tilespmem:$0x4FA0] =	vst v0  }
0x3d: {  	[tilespmem:$0x4FB0] =	vst v0  }
0x3e: {  	[tilespmem:$0x4FC0] =	vst v0  }
0x3f: {  	[tilespmem:$0x4FD0] =	vst v0  }
0x40: {  	[tilespmem:$0x4FE0] =	vst v0  }
0x41: {  	[tilespmem:$0x4FF0] =	vst v0  }
0x42: {  	s22 =	simm.s32 $0x5000;
	[bflag:$0x0] =	sbarrier.arrive $0xFFFF  }
0x43: {  	[tilespmem:s22], [sflag:$0x1] =	stream.indirect.gather [spmem:s3], $0x20, s4, s16, $0xb8;
	[tilespmem:$0x1F000] =	vst v63  }
0x44: {  	s23 =	simm.s32 $0x6000  }
0x45: {  	[tilespmem:s23], [sflag:$0x1] =	stream.indirect.gather [spmem:s3], $0x20, s16, s16, $0xb8;
	[tilespmem:$0x1F000] =	vst v63  }
0x46: {  	s24 =	simm.s32 $0x100;
	s18 =	simm.s32 $0x7000  }
0x47: {  	[tilespmem:s18], [sflag:$0x1] =	stream.indirect.gather [spmem:s3], $0x20, s24, s16, $0xb8;
	[tilespmem:$0x1F000] =	vst v63  }
0x48: {  	s25 =	simm.s32 $0x180;
	s26 =	simm.s32 $0x8000  }
0x49: {  	[tilespmem:s26], [sflag:$0x1] =	stream.indirect.gather [spmem:s3], $0x20, s25, s16, $0xb8;
	[tilespmem:$0x1F000] =	vst v63  }
0x4a: {  	s28 =	simm.s32 $0x200;
	s29 =	simm.s32 $0x9000  }
0x4b: {  	[tilespmem:s29], [sflag:$0x1] =	stream.indirect.gather [spmem:s3], $0x20, s28, s16, $0xb8;
	[tilespmem:$0x1F000] =	vst v63  }
0x4c: {  	s19 =	simm.s32 $0x280;
	s20 =	simm.s32 $0xA000  }
0x4d: {  	[tilespmem:s20], [sflag:$0x1] =	stream.indirect.gather [spmem:s3], $0x20, s19, s16, $0xb8;
	[tilespmem:$0x1F000] =	vst v63  }
0x4e: {  	s21 =	simm.s32 $0x300;
	s22 =	simm.s32 $0xB000  }
0x4f: {  	[tilespmem:s22], [sflag:$0x1] =	stream.indirect.gather [spmem:s3], $0x20, s21, s16, $0xb8;
	[tilespmem:$0x1F000] =	vst v63  }
0x50: {  	_ = 	snop  }
0x51: {  	[tilespmem:s31], [sflag:$0x1] =	stream.indirect.gather [spmem:s3], $0x20, s30, s16, $0xb8;
	[tilespmem:$0x1F000] =	vst v63  }
0x52: {  	_ =	swait.ge [sflag:s0], $0x1000  }
0x53: {  	[sflag:s0] =	ssyncset.done $0x0  }
0x54: {  	[sflag:s0] =	ssyncadd.s32 $0xFFFFF000  }
0x55: {  	_ =	swait.ge [sflag:s0], $0x1000  }
0x56: {  	[sflag:s0] =	ssyncset.done $0x0  }
0x57: {  	[sflag:s0] =	ssyncadd.s32 $0xFFFFF000  }
0x58: {  	_ =	swait.ge [sflag:s0], $0x1000  }
0x59: {  	[sflag:s0] =	ssyncset.done $0x0  }
0x5a: {  	[sflag:s0] =	ssyncadd.s32 $0xFFFFF000  }
0x5b: {  	_ =	swait.ge [sflag:s0], $0x1000  }
0x5c: {  	[sflag:s0] =	ssyncset.done $0x0  }
0x5d: {  	[sflag:s0] =	ssyncadd.s32 $0xFFFFF000  }
0x5e: {  	_ =	swait.ge [sflag:s0], $0x1000  }
0x5f: {  	[sflag:s0] =	ssyncset.done $0x0  }
0x60: {  	[sflag:s0] =	ssyncadd.s32 $0xFFFFF000  }
0x61: {  	_ =	swait.ge [sflag:s0], $0x1000  }
0x62: {  	[sflag:s0] =	ssyncset.done $0x0  }
0x63: {  	[sflag:s0] =	ssyncadd.s32 $0xFFFFF000  }
0x64: {  	_ =	swait.ge [sflag:s0], $0x1000  }
0x65: {  	[sflag:s0] =	ssyncset.done $0x0  }
0x66: {  	[sflag:s0] =	ssyncadd.s32 $0xFFFFF000  }
0x67: {  	p1 =	por $0x0, $0x0;
	_ =	swait.ge [sflag:s0], $0x1000  }
0x68: {  	s17 =	sand.u32 $0x8000, s4;
	s18 =	simm.s32 @!p1 $0x400;
	[sflag:s0] =	ssyncset.done $0x0  }
0x69: {  	s19 =	simm.s32 @!p1 $0x80;
	s20 =	ssub.s32 @!p1 $0xD000, s17;
	[sflag:s0] =	ssyncadd.s32 $0xFFFFF000  }
0x6a: {  	[tilespmem:s20], [sflag:$0x1] =	stream.indirect.gather @!p1 [spmem:s3], $0x20, s18, s19, $0xb8;
	[tilespmem:$0x1F000] =	vst v63  }
0x6b: {  	s18 =	simm.s32 @!p1 $0x480;
	s20 =	ssub.s32 @!p1 $0xE000, s17  }
0x6c: {  	[tilespmem:s20], [sflag:$0x1] =	stream.indirect.gather @!p1 [spmem:s3], $0x20, s18, s19, $0xb8;
	[tilespmem:$0x1F000] =	vst v63  }
0x6d: {  	s18 =	ssub.s32 @!p1 $0xF000, s17;
	s20 =	simm.s32 @!p1 $0x500  }
0x6e: {  	[tilespmem:s18], [sflag:$0x1] =	stream.indirect.gather @!p1 [spmem:s3], $0x20, s20, s19, $0xb8;
	[tilespmem:$0x1F000] =	vst v63  }
0x6f: {  	s18 =	ssub.s32 @!p1 $0x10000, s17;
	s20 =	simm.s32 @!p1 $0x580  }
0x70: {  	[tilespmem:s18], [sflag:$0x1] =	stream.indirect.gather @!p1 [spmem:s3], $0x20, s20, s19, $0xb8;
	[tilespmem:$0x1F000] =	vst v63  }
0x71: {  	s18 =	ssub.s32 @!p1 $0x11000, s17;
	s20 =	simm.s32 @!p1 $0x600  }
0x72: {  	[tilespmem:s18], [sflag:$0x1] =	stream.indirect.gather @!p1 [spmem:s3], $0x20, s20, s19, $0xb8;
	[tilespmem:$0x1F000] =	vst v63  }
0x73: {  	s18 =	ssub.s32 @!p1 $0x12000, s17;
	s20 =	simm.s32 @!p1 $0x680  }
0x74: {  	[tilespmem:s18], [sflag:$0x1] =	stream.indirect.gather @!p1 [spmem:s3], $0x20, s20, s19, $0xb8;
	[tilespmem:$0x1F000] =	vst v63  }
0x75: {  	s18 =	ssub.s32 @!p1 $0x13000, s17;
	s20 =	simm.s32 @!p1 $0x700  }
0x76: {  	[tilespmem:s18], [sflag:$0x1] =	stream.indirect.gather @!p1 [spmem:s3], $0x20, s20, s19, $0xb8;
	[tilespmem:$0x1F000] =	vst v63  }
0x77: {  	s18 =	simm.s32 @!p1 $0x780;
	s20 =	ssub.s32 @!p1 $0x14000, s17  }
0x78: {  	[tilespmem:s20], [sflag:$0x1] =	stream.indirect.gather @!p1 [spmem:s3], $0x20, s18, s19, $0xb8;
	[tilespmem:$0x1F000] =	vst v63  }
0x79: {  	s18 =	simm.s32 $0x0  }
0x7a: {  	s18 =	simm.s32 @p1 $0x9000  }
0x7b: {  	s18 =	sshra.s32 s18, $0x2  }
0x7c: {  	s23 =	sor.u32 $0x5000, s17;
	s24 =	sadd.s32 $0x2800, s18  }
0x7d: {  	[spmem:s2] =	stream.indirect.scatter.add.f32 [tilespmem:s23], [sflag:$0x2], $0x20, s24, s16, $0xb8;
	[tilespmem:$0x1F000] =	vst v63  }
0x7e: {  	s25 =	sor.u32 $0x6000, s17;
	s26 =	sadd.s32 $0x2880, s18  }
0x7f: {  	[spmem:s2] =	stream.indirect.scatter.add.f32 [tilespmem:s25], [sflag:$0x2], $0x20, s26, s16, $0xb8;
	[tilespmem:$0x1F000] =	vst v63  }
0x80: {  	s28 =	sor.u32 $0x7000, s17;
	s29 =	sadd.s32 $0x2900, s18  }
0x81: {  	[spmem:s2] =	stream.indirect.scatter.add.f32 [tilespmem:s28], [sflag:$0x2], $0x20, s29, s16, $0xb8;
	[tilespmem:$0x1F000] =	vst v63  }
0x82: {  	s21 =	sadd.s32 $0x8000, s17;
	s22 =	sadd.s32 $0x2980, s18  }
0x83: {  	[spmem:s2] =	stream.indirect.scatter.add.f32 [tilespmem:s21], [sflag:$0x2], $0x20, s22, s16, $0xb8;
	[tilespmem:$0x1F000] =	vst v63  }
0x84: {  	s23 =	sadd.s32 $0x9000, s17;
	s24 =	sadd.s32 $0x2A00, s18  }
0x85: {  	[spmem:s2] =	stream.indirect.scatter.add.f32 [tilespmem:s23], [sflag:$0x2], $0x20, s24, s16, $0xb8;
	[tilespmem:$0x1F000] =	vst v63  }
0x86: {  	s25 =	sadd.s32 $0xA000, s17;
	s26 =	sadd.s32 $0x2A80, s18  }
0x87: {  	[spmem:s2] =	stream.indirect.scatter.add.f32 [tilespmem:s25], [sflag:$0x2], $0x20, s26, s16, $0xb8;
	[tilespmem:$0x1F000] =	vst v63  }
0x88: {  	s28 =	sadd.s32 $0xB000, s17;
	s29 =	sadd.s32 $0x2B00, s18  }
0x89: {  	[spmem:s2] =	stream.indirect.scatter.add.f32 [tilespmem:s28], [sflag:$0x2], $0x20, s29, s16, $0xb8;
	[tilespmem:$0x1F000] =	vst v63  }
0x8a: {  	s17 =	sadd.s32 $0xC000, s17;
	s18 =	sadd.s32 $0x2B80, s18  }
0x8b: {  	[spmem:s2] =	stream.indirect.scatter.add.f32 [tilespmem:s17], [sflag:$0x2], $0x20, s18, s16, $0xb8;
	[tilespmem:$0x1F000] =	vst v63  }
0x8c: {  	_ =	swait.ge [sflag:s1], $0x1000  }
0x8d: {  	[sflag:s1] =	ssyncset.done $0x0  }
0x8e: {  	[sflag:s1] =	ssyncadd.s32 $0xFFFFF000  }
0x8f: {  	_ =	swait.ge [sflag:s1], $0x1000  }
0x90: {  	[sflag:s1] =	ssyncset.done $0x0  }
0x91: {  	[sflag:s1] =	ssyncadd.s32 $0xFFFFF000  }
0x92: {  	_ =	swait.ge [sflag:s1], $0x1000  }
0x93: {  	[sflag:s1] =	ssyncset.done $0x0  }
0x94: {  	[sflag:s1] =	ssyncadd.s32 $0xFFFFF000  }
0x95: {  	_ =	swait.ge [sflag:s1], $0x1000  }
0x96: {  	[sflag:s1] =	ssyncset.done $0x0  }
0x97: {  	[sflag:s1] =	ssyncadd.s32 $0xFFFFF000  }
0x98: {  	_ =	swait.ge [sflag:s1], $0x1000  }
0x99: {  	[sflag:s1] =	ssyncset.done $0x0  }
0x9a: {  	[sflag:s1] =	ssyncadd.s32 $0xFFFFF000  }
0x9b: {  	_ =	swait.ge [sflag:s1], $0x1000  }
0x9c: {  	[sflag:s1] =	ssyncset.done $0x0  }
0x9d: {  	[sflag:s1] =	ssyncadd.s32 $0xFFFFF000  }
0x9e: {  	_ =	swait.ge [sflag:s1], $0x1000  }
0x9f: {  	[sflag:s1] =	ssyncset.done $0x0  }
0xa0: {  	[sflag:s1] =	ssyncadd.s32 $0xFFFFF000  }
0xa1: {  	s17 =	simm.s32 $0x1000;
	s18 =	simm.s32 $0x0;
	_ =	swait.ge [sflag:s1], $0x1000  }
.LBB2_2:
0xa2: {  	[sflag:s1] =	ssyncset.done $0x0  }
0xa3: {  	s18 =	sadd.s32 $0x8000, s18;
	s19 =	smov.u32 s17;
	s17 =	sadd.s32 $0x1000, s17  }
0xa4: {  	p1 =	sne.s32 s17, $0xA000;
	[sflag:s1] =	ssyncadd.s32 $0xFFFFF000  }
0xa5: {  	_ =	swait.ge [sflag:s0], $0x1000  }
0xa6: {  	[sflag:s0] =	ssyncset.done $0x0  }
0xa7: {  	[sflag:s0] =	ssyncadd.s32 $0xFFFFF000  }
0xa8: {  	_ =	swait.ge [sflag:s0], $0x1000  }
0xa9: {  	[sflag:s0] =	ssyncset.done $0x0  }
0xaa: {  	[sflag:s0] =	ssyncadd.s32 $0xFFFFF000  }
0xab: {  	_ =	swait.ge [sflag:s0], $0x1000  }
0xac: {  	[sflag:s0] =	ssyncset.done $0x0  }
0xad: {  	[sflag:s0] =	ssyncadd.s32 $0xFFFFF000  }
0xae: {  	_ =	swait.ge [sflag:s0], $0x1000  }
0xaf: {  	[sflag:s0] =	ssyncset.done $0x0  }
0xb0: {  	[sflag:s0] =	ssyncadd.s32 $0xFFFFF000  }
0xb1: {  	_ =	swait.ge [sflag:s0], $0x1000  }
0xb2: {  	[sflag:s0] =	ssyncset.done $0x0  }
0xb3: {  	[sflag:s0] =	ssyncadd.s32 $0xFFFFF000  }
0xb4: {  	_ =	swait.ge [sflag:s0], $0x1000  }
0xb5: {  	[sflag:s0] =	ssyncset.done $0x0  }
0xb6: {  	[sflag:s0] =	ssyncadd.s32 $0xFFFFF000  }
0xb7: {  	_ =	swait.ge [sflag:s0], $0x1000  }
0xb8: {  	[sflag:s0] =	ssyncset.done $0x0  }
0xb9: {  	s20 =	sand.u32 $0x8000, s18;
	p2 =	seq.s32 s19, $0x9000;
	[sflag:s0] =	ssyncadd.s32 $0xFFFFF000  }
0xba: {  	s21 =	sshra.s32 @!p2 s19, $0x2;
	s19 =	simm.s32 @p2 $0x9000;
	_ =	swait.ge [sflag:s0], $0x1000  }
0xbb: {  	s23 =	simm.s32 @!p2 $0x80;
	s22 =	sadd.s32 @!p2 $0x400, s21;
	[sflag:s0] =	ssyncset.done $0x0  }
0xbc: {  	s24 =	ssub.s32 @!p2 $0xD000, s20;
	s25 =	sadd.s32 @!p2 $0x480, s21;
	[sflag:s0] =	ssyncadd.s32 $0xFFFFF000  }
0xbd: {  	[tilespmem:s24], [sflag:$0x1] =	stream.indirect.gather @!p2 [spmem:s3], $0x20, s22, s23, $0xb8;
	[tilespmem:$0x1F000] =	vst v63  }
0xbe: {  	s26 =	sadd.s32 @!p2 $0x500, s21;
	s22 =	ssub.s32 @!p2 $0xE000, s20;
	s24 =	ssub.s32 @!p2 $0xF000, s20  }
0xbf: {  	[tilespmem:s22], [sflag:$0x1] =	stream.indirect.gather @!p2 [spmem:s3], $0x20, s25, s23, $0xb8;
	[tilespmem:$0x1F000] =	vst v63  }
0xc0: {  	s28 =	ssub.s32 @!p2 $0x11000, s20;
	s22 =	ssub.s32 @!p2 $0x10000, s20;
	s25 =	sadd.s32 @!p2 $0x580, s21  }
0xc1: {  	[tilespmem:s24], [sflag:$0x1] =	stream.indirect.gather @!p2 [spmem:s3], $0x20, s26, s23, $0xb8;
	[tilespmem:$0x1F000] =	vst v63  }
0xc2: {  	s29 =	sadd.s32 @!p2 $0x680, s21;
	s24 =	sadd.s32 @!p2 $0x600, s21;
	s26 =	ssub.s32 @!p2 $0x12000, s20  }
0xc3: {  	[tilespmem:s22], [sflag:$0x1] =	stream.indirect.gather @!p2 [spmem:s3], $0x20, s25, s23, $0xb8;
	[tilespmem:$0x1F000] =	vst v63  }
0xc4: {  	s22 =	ssub.s32 @!p2 $0x13000, s20;
	s25 =	sadd.s32 @!p2 $0x700, s21;
	s21 =	sadd.s32 @!p2 $0x780, s21  }
0xc5: {  	[tilespmem:s28], [sflag:$0x1] =	stream.indirect.gather @!p2 [spmem:s3], $0x20, s24, s23, $0xb8;
	[tilespmem:$0x1F000] =	vst v63  }
0xc6: {  	s19 =	sshra.s32 s19, $0x2;
	s24 =	ssub.s32 @!p2 $0x14000, s20  }
0xc7: {  	[tilespmem:s26], [sflag:$0x1] =	stream.indirect.gather @!p2 [spmem:s3], $0x20, s29, s23, $0xb8;
	[tilespmem:$0x1F000] =	vst v63  }
0xc8: {  	_ = 	snop  }
0xc9: {  	[tilespmem:s22], [sflag:$0x1] =	stream.indirect.gather @!p2 [spmem:s3], $0x20, s25, s23, $0xb8;
	[tilespmem:$0x1F000] =	vst v63  }
0xca: {  	s22 =	sor.u32 $0x5000, s20  }
0xcb: {  	[tilespmem:s24], [sflag:$0x1] =	stream.indirect.gather @!p2 [spmem:s3], $0x20, s21, s23, $0xb8;
	[tilespmem:$0x1F000] =	vst v63  }
0xcc: {  	s21 =	sor.u32 $0x6000, s20;
	s23 =	sadd.s32 $0x2800, s19  }
0xcd: {  	[spmem:s2] =	stream.indirect.scatter.add.f32 [tilespmem:s22], [sflag:$0x2], $0x20, s23, s16, $0xb8;
	[tilespmem:$0x1F000] =	vst v63  }
0xce: {  	s22 =	sor.u32 $0x7000, s20;
	s23 =	sadd.s32 $0x2880, s19  }
0xcf: {  	[spmem:s2] =	stream.indirect.scatter.add.f32 [tilespmem:s21], [sflag:$0x2], $0x20, s23, s16, $0xb8;
	[tilespmem:$0x1F000] =	vst v63  }
0xd0: {  	s21 =	sadd.s32 $0x8000, s20;
	s23 =	sadd.s32 $0x2900, s19  }
0xd1: {  	[spmem:s2] =	stream.indirect.scatter.add.f32 [tilespmem:s22], [sflag:$0x2], $0x20, s23, s16, $0xb8;
	[tilespmem:$0x1F000] =	vst v63  }
0xd2: {  	s22 =	sadd.s32 $0x9000, s20;
	s23 =	sadd.s32 $0x2980, s19  }
0xd3: {  	[spmem:s2] =	stream.indirect.scatter.add.f32 [tilespmem:s21], [sflag:$0x2], $0x20, s23, s16, $0xb8;
	[tilespmem:$0x1F000] =	vst v63  }
0xd4: {  	s21 =	sadd.s32 $0xA000, s20;
	s23 =	sadd.s32 $0x2A00, s19  }
0xd5: {  	[spmem:s2] =	stream.indirect.scatter.add.f32 [tilespmem:s22], [sflag:$0x2], $0x20, s23, s16, $0xb8;
	[tilespmem:$0x1F000] =	vst v63  }
0xd6: {  	s24 =	sadd.s32 $0x2B00, s19;
	s22 =	sadd.s32 $0xB000, s20;
	s23 =	sadd.s32 $0x2A80, s19  }
0xd7: {  	[spmem:s2] =	stream.indirect.scatter.add.f32 [tilespmem:s21], [sflag:$0x2], $0x20, s23, s16, $0xb8;
	[tilespmem:$0x1F000] =	vst v63  }
0xd8: {  	s20 =	sadd.s32 $0xC000, s20;
	s19 =	sadd.s32 $0x2B80, s19  }
0xd9: {  	[spmem:s2] =	stream.indirect.scatter.add.f32 [tilespmem:s22], [sflag:$0x2], $0x20, s24, s16, $0xb8;
	[tilespmem:$0x1F000] =	vst v63  }
0xda: {  	_ = 	snop  }
0xdb: {  	[spmem:s2] =	stream.indirect.scatter.add.f32 [tilespmem:s20], [sflag:$0x2], $0x20, s19, s16, $0xb8;
	[tilespmem:$0x1F000] =	vst v63  }
0xdc: {  	_ =	swait.ge [sflag:s1], $0x1000  }
0xdd: {  	[sflag:s1] =	ssyncset.done $0x0  }
0xde: {  	[sflag:s1] =	ssyncadd.s32 $0xFFFFF000  }
0xdf: {  	_ =	swait.ge [sflag:s1], $0x1000  }
0xe0: {  	[sflag:s1] =	ssyncset.done $0x0  }
0xe1: {  	[sflag:s1] =	ssyncadd.s32 $0xFFFFF000  }
0xe2: {  	_ =	swait.ge [sflag:s1], $0x1000  }
0xe3: {  	[sflag:s1] =	ssyncset.done $0x0  }
0xe4: {  	[sflag:s1] =	ssyncadd.s32 $0xFFFFF000  }
0xe5: {  	_ =	swait.ge [sflag:s1], $0x1000  }
0xe6: {  	[sflag:s1] =	ssyncset.done $0x0  }
0xe7: {  	[sflag:s1] =	ssyncadd.s32 $0xFFFFF000  }
0xe8: {  	_ =	swait.ge [sflag:s1], $0x1000  }
0xe9: {  	[sflag:s1] =	ssyncset.done $0x0  }
0xea: {  	[sflag:s1] =	ssyncadd.s32 $0xFFFFF000  }
0xeb: {  	_ =	swait.ge [sflag:s1], $0x1000  }
0xec: {  	[sflag:s1] =	ssyncset.done $0x0  }
.Ltmp0:
0xed: {  	[sflag:s1] =	ssyncadd.s32 $0xFFFFF000;
	(pc) =	sbr.rel @p1 .LBB2_2-.Ltmp0, $4  }
0xee: {  	_ =	swait.ge [sflag:s1], $0x1000  }
0xef: {  	[sflag:s1] =	ssyncset.done $0x0  }
0xf0: {  	[sflag:s1] =	ssyncadd.s32 $0xFFFFF000  }
0xf1: {  	_ =	swait.ge [sflag:s1], $0x1000  }
0xf2: {  	[sflag:s1] =	ssyncset.done $0x0;
	s15 =	sadd.s32 $0x1, s15  }
0xf3: {  	[sflag:s1] =	ssyncadd.s32 $0xFFFFF000;
	p1 =	sne.s32 s15, s11  }
.Ltmp1:
0xf4: {  	[bflag:$0x0] =	sbarrier.arrive $0xFFFF;
	(pc) =	sbr.rel @p1 .LBB2_1-.Ltmp1, $4  }
0xf5: {  	[hbm:s10], [sflag:s6] =	dma.local [spmem:s12], $0xA00  }
0xf6: {  	_ =	swait.ge [sflag:s13], $0xA00  }
0xf7: {  	[sflag:s13] =	ssyncset.done $0x0  }
0xf8: {  	[sflag:s13] =	ssyncadd.s32 $0xFFFFF600  }
0xf9: {  	_ =	sfence.sel $0x180000  }
0xfa: {  	[bflag:$0x0] =	sbarrier.arrive $0xFFFF  }
0xfb: {  	_ =	strace $0x9000004A  }
0xfc: {  	s0 =	stileid.u32;
	[bflag:$0x2] =	sbarrier.arrive $0xFFFF  }
0xfd: {  	p0 =	sne.s32 s0, $0x0;
	s0 =	rddreg [dreg:$0x3]  }
0xfe: {  	s0 =	sadd.s32 @!p0 $0x100000, s0  }
0xff: {  	[sflag:s0] =	ssyncadd.tile.s32 @!p0 $0x1;
	_ =	shalt  }
.Lfunc_end2:
_tile_overlayer_lowered:
.L_overlay_start_2:
0x100: {  	(tag) =	ssettag $0x2  }
0x101: {  	s0 =	rddreg [dreg:$0x0];
	s2 =	stileid.u32  }
0x102: {  	s1 =	rddreg [dreg:$0x1];
	p0 =	sne.s32 s2, $0x0  }
0x103: {  	s3 =	rddreg [dreg:$0x2];
	[bflag:$0x3] =	sbarrier.arrive $0xFFFF;
	s2 =	simm.s32 @!p0 $0x1C03  }
0x104: {  	[timem:s3], [sflag:s2] =	dma.local @!p0 [hbm:s0], s1  }
0x105: {  	s0 =	simm.s32 @!p0 $0x3  }
0x106: {  	_ =	swait.ge @!p0 [sflag:s0], s1  }
0x107: {  	s1 =	ssub.s32 @!p0 $0x0, s1;
	[sflag:s0] =	ssyncset.done @!p0 $0x0  }
0x108: {  	[sflag:s0] =	ssyncadd.s32 @!p0 s1  }
0x109: {  	[bflag:$0x3] =	sbarrier.arrive $0xFFFF  }
0x10a: {  	_ =	shalt  }

// kernel: kernel.15.cloned.1.call-start
scs
__scs_entry_jumppad:
0x0: {  	(pc) =	sbr.rel $0x88, $3  }
0x1: {  	(tag) =	ssettag $0x0;
	lr =	simm.s32 $0x1  }
0x2: {  	[smem:$0x3F9B] =	sst lr;
	_ =	strace $0xD0000000  }
0x3: {  	_ = 	snop  }
0x4: {  	_ = 	snop  }
0x5: {  	_ = 	snop  }
0x6: {  	_ = 	snop  }
0x7: {  	_ = 	snop  }
__scs_overlays_trampoline_lowered:
0x8: {  	[smem:$0x3FAA] =	sst s0  }
0x9: {  	[smem:$0x3FAB] =	sst s1  }
0xa: {  	[smem:$0x3FAC] =	sst s2  }
0xb: {  	[smem:$0x3FAD] =	sst s3  }
0xc: {  	[smem:$0x3FAE] =	sst s4  }
0xd: {  	[smem:$0x3FAF] =	sst s5  }
0xe: {  	[smem:$0x3FB0] =	sst s6  }
0xf: {  	[smem:$0x3FB1] =	sst s7  }
0x10: {  	[smem:$0x3FB2] =	sst s8  }
0x11: {  	[smem:$0x3FB3] =	sst s9;
	s0 =	simm.s32 @!p0 $0x0  }
0x12: {  	s1 =	sld [smem:$0x3F99];
	s0 =	simm.s32 @p0 $0x1  }
0x13: {  	[smem:$0x3FB4] =	sst s0;
	s0 =	simm.s32 @!p1 $0x0  }
0x14: {  	s2 =	sld [smem:$0x3F98];
	s0 =	simm.s32 @p1 $0x1  }
0x15: {  	[smem:$0x3FB5] =	sst s0;
	s0 =	simm.s32 @!p2 $0x0  }
0x16: {  	s3 =	sld [smem:$0x3FDB];
	s0 =	simm.s32 @p2 $0x1  }
0x17: {  	s4 =	simm.s32 $0x1BF5;
	[smem:$0x3FB7] =	sst s0  }
0x18: {  	s0 =	sld [smem:$0x3F9A];
	_ =	swait.ge [sflag:s4], $0x0  }
0x19: {  	s7 =	sld [smem:$0x3F9B]  }
0x1a: {  	s8 =	sadd.s32 $0xFFFFE003, lr  }
0x1b: {  	s9 =	sadd.s32 $0xFFFFFEF7, lr;
	s5 =	simm.s32 $0xFFFFFFFF;
	p2 =	slt.u32 s8, $0xFFFFF086  }
0x1c: {  	p1 =	slt.u32 s9, $0xF7A;
	s5 =	simm.s32 @!p2 $0x0  }
0x1d: {  	s5 =	simm.s32 @p1 $0x1;
	p0 =	seq.s32 s7, s2  }
0x1e: {  	s7 =	smul.u32 @!p0 $0xF7A, s2;
	p2 =	seq.s32 @!p0 s5, $0x0  }
0x1f: {  	s9 =	smul.u32 $0xF7A, s1;
	s8 =	simm.s32 @!p0 $0x1BF5;
	p2 =	por !p2, p0  }
0x20: {  	[sflag:s8] =	ssyncset.s32 @!p0 $0xFFFFF086;
	s6 =	sadd.s32 @!p0 s3, s7;
	s7 =	simm.s32 @!p0 $0x108  }
0x21: {  	s3 =	sadd.s32 s3, s9;
	s6 =	sadd.s32 @!p0 $0x88, s6;
	s7 =	simm.s32 @p2 $0x1082  }
0x22: {  	[simem:s7], [sflag:s8] =	dma.local @!p0 [hbm:s6], $0xF7A  }
0x23: {  	s9 =	sor.u32 $0xD0000000, s2;
	s6 =	simm.s32 $0x108;
	_ =	swait.ge @!p0 [sflag:s8], $0x0  }
0x24: {  	s3 =	sadd.s32 $0x88, s3;
	s6 =	simm.s32 @!p1 $0x1082;
	[sflag:s4] =	ssyncset.s32 $0xFFFFF086  }
0x25: {  	[simem:s6], [sflag:s4] =	dma.local [hbm:s3], $0xF7A  }
0x26: {  	[smem:$0x3F9B] =	sst s1;
	(tag) =	ssettag s2;
	_ =	strace s9  }
0x27: {  	s1 =	sld [smem:$0x3FAB]  }
0x28: {  	s2 =	sld [smem:$0x3FAC]  }
0x29: {  	s4 =	sld [smem:$0x3FAE]  }
0x2a: {  	p0 =	seq.s32 s5, $0x0;
	s5 =	sld [smem:$0x3FAF]  }
0x2b: {  	s6 =	sld [smem:$0x3FB0]  }
0x2c: {  	s7 =	sld [smem:$0x3FB1]  }
0x2d: {  	s3 =	simm.s32 $0x108;
	s8 =	sld [smem:$0x3FB2]  }
0x2e: {  	s3 =	simm.s32 @!p0 $0x1082;
	s9 =	sld [smem:$0x3FB3]  }
0x2f: {  	lr =	sadd.s32 s0, s3;
	s0 =	sld [smem:$0x3FAA]  }
0x30: {  	s3 =	sld [smem:$0x3FAD]  }
0x31: {  	[smem:$0x3FB6] =	sst s10  }
0x32: {  	s10 =	sld [smem:$0x3FB4];
	_ =	sdelay $0x3  }
0x33: {  	p0 =	seq.s32 s10, $0x1;
	s10 =	sld [smem:$0x3FB6];
	_ =	sdelay $0x3  }
0x34: {  	[smem:$0x3FB6] =	sst s10  }
0x35: {  	s10 =	sld [smem:$0x3FB5];
	_ =	sdelay $0x3  }
0x36: {  	p1 =	seq.s32 s10, $0x1;
	s10 =	sld [smem:$0x3FB6];
	_ =	sdelay $0x3  }
0x37: {  	[smem:$0x3FB6] =	sst s10  }
0x38: {  	s10 =	sld [smem:$0x3FB7]  }
0x39: {  	_ = 	snop;
	(pc) =	sbr.ind lr, $3  }
0x3a: {  	_ = 	snop  }
0x3b: {  	_ = 	snop  }
0x3c: {  	p2 =	seq.s32 s10, $0x1;
	s10 =	sld [smem:$0x3FB6]  }
0x3d: {  	_ =	shalt  }
0x3e: {  	_ =	shalt  }
0x3f: {  	_ =	shalt  }
0x40: {  	_ =	shalt  }
0x41: {  	_ =	shalt  }
0x42: {  	_ =	shalt  }
0x43: {  	_ =	shalt  }
0x44: {  	_ =	shalt  }
0x45: {  	_ =	shalt  }
0x46: {  	_ =	shalt  }
0x47: {  	_ =	shalt  }
0x48: {  	_ =	shalt  }
0x49: {  	_ =	shalt  }
0x4a: {  	_ =	shalt  }
0x4b: {  	_ =	shalt  }
0x4c: {  	_ =	shalt  }
0x4d: {  	_ =	shalt  }
0x4e: {  	_ =	shalt  }
0x4f: {  	_ =	shalt  }
0x50: {  	_ =	shalt  }
0x51: {  	_ =	shalt  }
0x52: {  	_ =	shalt  }
0x53: {  	_ =	shalt  }
0x54: {  	_ =	shalt  }
0x55: {  	_ =	shalt  }
0x56: {  	_ =	shalt  }
0x57: {  	_ =	shalt  }
0x58: {  	_ =	shalt  }
0x59: {  	_ =	shalt  }
0x5a: {  	_ =	shalt  }
0x5b: {  	_ =	shalt  }
0x5c: {  	_ =	shalt  }
0x5d: {  	_ =	shalt  }
0x5e: {  	_ =	shalt  }
0x5f: {  	_ =	shalt  }
0x60: {  	_ =	shalt  }
0x61: {  	_ =	shalt  }
0x62: {  	_ =	shalt  }
0x63: {  	_ =	shalt  }
0x64: {  	_ =	shalt  }
0x65: {  	_ =	shalt  }
0x66: {  	_ =	shalt  }
0x67: {  	_ =	shalt  }
0x68: {  	_ =	shalt  }
0x69: {  	_ =	shalt  }
0x6a: {  	_ =	shalt  }
0x6b: {  	_ =	shalt  }
0x6c: {  	_ =	shalt  }
0x6d: {  	_ =	shalt  }
0x6e: {  	_ =	shalt  }
0x6f: {  	_ =	shalt  }
0x70: {  	_ =	shalt  }
0x71: {  	_ =	shalt  }
0x72: {  	_ =	shalt  }
0x73: {  	_ =	shalt  }
0x74: {  	_ =	shalt  }
0x75: {  	_ =	shalt  }
0x76: {  	_ =	shalt  }
0x77: {  	_ =	shalt  }
0x78: {  	_ =	shalt  }
0x79: {  	_ =	shalt  }
0x7a: {  	_ =	shalt  }
0x7b: {  	_ =	shalt  }
0x7c: {  	_ =	shalt  }
0x7d: {  	_ =	shalt  }
0x7e: {  	_ =	shalt  }
0x7f: {  	_ =	shalt  }
0x80: {  	_ =	shalt  }
0x81: {  	_ =	shalt  }
0x82: {  	_ =	shalt  }
0x83: {  	_ =	shalt  }
0x84: {  	_ =	shalt  }
0x85: {  	_ =	shalt  }
0x86: {  	_ =	shalt  }
0x87: {  	_ =	shalt  }
.Lfunc_end0:
.L_simem_size_0:
called_computation.2_lowered:
.L_overlay_start_0:
0x88: {  	s2 =	sld [smem:$0x3FD9]  }
0x89: {  	s3 =	sld [smem:$0x3FFE];
	_ =	sdelay $0x1  }
0x8a: {  	s1 =	srdreg.scid  }
0x8b: {  	s0 =	sand.u32 $0x1, s1  }
0x8c: {  	s16 =	sshll.u32 s0, $0xA;
	s2 =	sadd.s32 s3, s2  }
0x8d: {  	s2 =	sadd.s32 s2, s16  }
0x8e: {  	[smem:$0x3FC2] =	sst s2  }
0x8f: {  	_ = 	snop  }
0x90: {  	(tm) =	ssettm $0x1  }
0x91: {  	s17 =	sld [smem:$0x3FFB];
	_ =	sdelay $0x3  }
0x92: {  	_ =	strace s17  }
0x93: {  	s2 =	sld [smem:$0x3FFC];
	_ =	sdelay $0x3  }
0x94: {  	_ =	strace s2  }
0x95: {  	s2 =	sld [smem:$0x3FFD];
	_ =	sdelay $0x3  }
0x96: {  	_ =	strace s2  }
0x97: {  	_ =	strace $0x8FFFFFFF  }
0x98: {  	s18 =	sld [smem:$0x3FDB];
	_ =	sdelay $0x1  }
0x99: {  	s19 =	simm.s32 $_scs_section_size  }
0x9a: {  	s4 =	simm.s32 $_size__tile_overlayer_lowered;
	s5 =	simm.s32 $_tile_overlayer_lowered  }
0x9b: {  	s22 =	simm.s32 $0x1BFF;
	s21 =	sshll.u32 s5, $0x1;
	s2 =	sadd.s32 s19, s18  }
0x9c: {  	s6 =	simm.s32 $0x0;
	s20 =	sshll.u32 s4, $0x1;
	s4 =	sadd.s32 s21, s2  }
0x9d: {  	[timem:s6], [sflag:s22] =	dma.local [hbm:s4], s20  }
0x9e: {  	_ =	swait.ge [sflag:s22], s20  }
0x9f: {  	s3 =	ssub.s32 $0x0, s20;
	[sflag:s22] =	ssyncset.done $0x0  }
0xa0: {  	[sflag:s22] =	ssyncadd.s32 s3;
	_ =	sdelay $0x1  }
0xa1: {  	s23 =	simm.s32 $0x1B8B  }
0xa2: {  	_ =	swait.ge [sflag:s23], $0x1  }
0xa3: {  	[sflag:s23] =	ssyncset.done $0x0  }
0xa4: {  	s25 =	simm.s32 $0x1B8E;
	s24 =	sld [smem:$0x3FFE];
	[sflag:s23] =	ssyncadd.s32 $0xFFFFFFFF  }
0xa5: {  	s26 =	simm.s32 $execute0_lowered;
	[smem:$0x3FD2] =	sst s25  }
0xa6: {  	s4 =	sshll.u32 s26, $0x1;
	_ =	strace $0x8000004C;
	[dreg:$0x1] =	wrdreg $0xFFFFFFFF  }
0xa7: {  	s28 =	simm.s32 $_size_execute0_lowered;
	s2 =	sadd.s32 s2, s4;
	[dreg:$0x0] =	wrdreg $0x0  }
0xa8: {  	s4 =	sshll.u32 s28, $0x1;
	[dreg:$0x2] =	wrdreg s2  }
0xa9: {  	[dreg:$0x3] =	wrdreg s4  }
0xaa: {  	[dreg:$0x4] =	wrdreg $0xC0  }
0xab: {  	_ =	task [dreg:s6], $0x5FFFF  }
0xac: {  	[dreg:$0x1] =	wrdreg $0xFFFFFFFF  }
0xad: {  	[dreg:$0x0] =	wrdreg $0x60  }
0xae: {  	[dreg:$0x2] =	wrdreg s24  }
0xaf: {  	[dreg:$0x3] =	wrdreg $0xD0000  }
0xb0: {  	[dreg:$0x4] =	wrdreg $0xF8000  }
0xb1: {  	[dreg:$0x5] =	wrdreg $0x9  }
0xb2: {  	_ =	task.clear_ibuf [dreg:s6], $0x6FFFF;
	_ =	strace $0x9000004C  }
0xb3: {  	s29 =	simm.s32 $0x9;
	_ =	strace $0x8000004E  }
0xb4: {  	_ =	swait.ge [sflag:s29], $0x1  }
0xb5: {  	[sflag:s29] =	ssyncadd.s32 $0xFFFFFFFF  }
0xb6: {  	_ =	strace $0x9000004E  }
0xb7: {  	_ =	sfence  }
0xb8: {  	s30 =	sld [smem:$0x0];
	_ =	sdelay $0x2  }
0xb9: {  	s31 =	sshll.u32 s1, $0xD;
	s1 =	sshrl.u32 s1, $0x2  }
0xba: {  	s3 =	sand.u32 $0x4000, s31;
	s1 =	sadd.s32 s1, s30  }
0xbb: {  	s0 =	sor.u32 s3, s0;
	s1 =	sshll.u32 s1, $0x11  }
0xbc: {  	s0 =	sor.u32 s1, s0  }
0xbd: {  	s0 =	sadd.s32 $0x8F2B, s0  }
0xbe: {  	[sflag:s0] =	ssyncadd.remote.s32 $0x1  }
0xbf: {  	_ =	sfence.sel $0xFFFF  }
0xc0: {  	[dreg:$0x0] =	wrdreg $0xFFFFFFFF;
	(pc) =	sbr.abs _section_cstart, $3  }
0xc1: {  	[dreg:$0x1] =	wrdreg $0xFFFFFFFF  }
0xc2: {  	_ =	task.clear_ibuf [dreg:s6], $0x2FFFF;
	_ =	strace $0x9FFFFFFF  }
0xc3: {  	(tm) =	ssettm $0x7FFFFFFF  }
tec
execute0_lowered:
.L_overlay_start_1:
0x0: {  	(tag) =	ssettag $0x1  }
0x1: {  	s0 =	rddreg [dreg:$0x0]  }
0x2: {  	s2 =	rddreg [dreg:$0x1]  }
0x3: {  	s3 =	rddreg [dreg:$0x2];
	s13 =	stileid.u32  }
0x4: {  	s1 =	srdreg.scid;
	s4 =	simm.s32 $0x0;
	s16 =	simm.s32 $0x80  }
0x5: {  	s30 =	simm.s32 $0x380;
	s31 =	simm.s32 $0x8800;
	s15 =	simm.s32 $0x0  }
0x6: {  	s7 =	smul.u32 $0x2800, s13;
	s1 =	sand.u32 $0x1, s1;
	[smem:$0x7FF] =	sst s4  }
0x7: {  	s6 =	sshll.u32 s13, $0x1;
	s29 =	sshll.u32 s13, $0x6;
	p0 =	sgt.u32 s13, $0xD  }
0x8: {  	s13 =	simm.s32 $0x3;
	s5 =	smul.u32 $0x28000, s1;
	_ =	strace $0x8000004D  }
0x9: {  	s6 =	sor.u32 s1, s6;
	s1 =	ssub.s32 $0x2, s1;
	s8 =	sshrl.u32 s7, $0x3  }
0xa: {  	s9 =	smul.u32 $0x4E, s6;
	s6 =	smax.u32 s6, $0x1C;
	s28 =	sshrl.u32 s1, $0x1  }
0xb: {  	s12 =	sadd.s32 s7, s2;
	s14 =	sadd.s32 s7, s3;
	s8 =	sadd.s32 s8, s0  }
0xc: {  	s5 =	sadd.s32 s7, s5;
	s1 =	ssub.s32 s1, s28;
	s12 =	sshrl.u32 s12, $0x3  }
0xd: {  	s14 =	sshrl.u32 s14, $0x3;
	s5 =	sshrl.u32 s5, $0x3;
	s6 =	sadd.s32 s9, s6  }
0xe: {  	s7 =	sadd.s32 $0x15C00, s8;
	s11 =	smax.u32 s1, $0x1;
	s1 =	simm.s32 $0x2  }
0xf: {  	s10 =	sadd.s32 s5, s0;
	s9 =	sshll.u32 s6, $0x4;
	s5 =	sadd.s32 $0x1AC00, s8  }
0x10: {  	s6 =	sor.u32 $0x1C03, s29;
	s0 =	sadd.s32 s0, s9;
	s10 =	sadd.s32 $0x1FC00, s10  }
0x11: {  	v0 =	vimm.s32 $0x2710;
	s8 =	sadd.s32 $0xBC80, s0;
	s9 =	sadd.s32 $0x2040, s0;
	s0 =	simm.s32 $0x1  }
.LBB2_1:
0x12: {  	[spmem:s12], [sflag:s6] =	dma.local [hbm:s5], $0x500  }
0x13: {  	_ =	swait.ge [sflag:s13], $0x500  }
0x14: {  	[sflag:s13] =	ssyncset.done $0x0  }
0x15: {  	[sflag:s13] =	ssyncadd.s32 $0xFFFFFB00  }
0x16: {  	[spmem:s14], [sflag:s6] =	dma.local [hbm:s7], $0x500  }
0x17: {  	_ =	swait.ge [sflag:s13], $0x500  }
0x18: {  	[sflag:s13] =	ssyncset.done $0x0  }
0x19: {  	[sflag:s13] =	ssyncadd.s32 $0xFFFFFB00  }
0x1a: {  	[tilespmem:s4], [sflag:$0x3] =	stream.linear.gather [hbm4b:s8+s4], $0x2780, $0x38;
	[tilespmem:$0x12000] =	vst v63  }
0x1b: {  	_ =	swait.ge [sflag:s13], $0x2780  }
0x1c: {  	[sflag:s13] =	ssyncset.done $0x0  }
0x1d: {  	v1 =	vimm.s32 @!p0 $0x2710;
	[sflag:s13] =	ssyncadd.s32 $0xFFFFD880  }
0x1e: {  	[tilespmem:$0x2700] =	vst @!p0 v1  }
0x1f: {  	[tilespmem:$0x2710] =	vst @!p0 v1  }
0x20: {  	[tilespmem:$0x2720] =	vst @!p0 v1  }
0x21: {  	[tilespmem:$0x2730] =	vst @!p0 v1  }
0x22: {  	[tilespmem:$0x2740] =	vst @!p0 v1  }
0x23: {  	[tilespmem:$0x2750] =	vst @!p0 v1  }
0x24: {  	[tilespmem:$0x2760] =	vst @!p0 v1  }
0x25: {  	[tilespmem:$0x2770] =	vst @!p0 v1  }
0x26: {  	[tilespmem:$0x2780] =	vst v0  }
0x27: {  	[tilespmem:$0x2790] =	vst v0  }
0x28: {  	[tilespmem:$0x27A0] =	vst v0  }
0x29: {  	[tilespmem:$0x27B0] =	vst v0  }
0x2a: {  	[tilespmem:$0x27C0] =	vst v0  }
0x2b: {  	[tilespmem:$0x27D0] =	vst v0  }
0x2c: {  	[tilespmem:$0x27E0] =	vst v0  }
0x2d: {  	s17 =	simm.s32 $0x2800;
	[tilespmem:$0x27F0] =	vst v0  }
0x2e: {  	[tilespmem:s17], [sflag:$0x3] =	stream.linear.gather [hbm4b:s9+s4], $0x2780, $0x38;
	[tilespmem:$0x12000] =	vst v63  }
0x2f: {  	_ =	swait.ge [sflag:s13], $0x2780  }
0x30: {  	[sflag:s13] =	ssyncset.done $0x0  }
0x31: {  	[sflag:s13] =	ssyncadd.s32 $0xFFFFD880  }
0x32: {  	[tilespmem:$0x4F00] =	vst @!p0 v1  }
0x33: {  	[tilespmem:$0x4F10] =	vst @!p0 v1  }
0x34: {  	[tilespmem:$0x4F20] =	vst @!p0 v1  }
0x35: {  	[tilespmem:$0x4F30] =	vst @!p0 v1  }
0x36: {  	[tilespmem:$0x4F40] =	vst @!p0 v1  }
0x37: {  	[tilespmem:$0x4F50] =	vst @!p0 v1  }
0x38: {  	[tilespmem:$0x4F60] =	vst @!p0 v1  }
0x39: {  	[tilespmem:$0x4F70] =	vst @!p0 v1  }
0x3a: {  	[tilespmem:$0x4F80] =	vst v0  }
0x3b: {  	[tilespmem:$0x4F90] =	vst v0  }
0x3c: {  	[tilespmem:$0x4FA0] =	vst v0  }
0x3d: {  	[tilespmem:$0x4FB0] =	vst v0  }
0x3e: {  	[tilespmem:$0x4FC0] =	vst v0  }
0x3f: {  	[tilespmem:$0x4FD0] =	vst v0  }
0x40: {  	[tilespmem:$0x4FE0] =	vst v0  }
0x41: {  	[tilespmem:$0x4FF0] =	vst v0  }
0x42: {  	s22 =	simm.s32 $0x5000;
	[bflag:$0x0] =	sbarrier.arrive $0xFFFF  }
0x43: {  	[tilespmem:s22], [sflag:$0x1] =	stream.indirect.gather [spmem:s3], $0x10, s4, s16, $0xb8;
	[tilespmem:$0x12000] =	vst v63  }
0x44: {  	s23 =	simm.s32 $0x5800  }
0x45: {  	[tilespmem:s23], [sflag:$0x1] =	stream.indirect.gather [spmem:s3], $0x10, s16, s16, $0xb8;
	[tilespmem:$0x12000] =	vst v63  }
0x46: {  	s24 =	simm.s32 $0x100;
	s18 =	simm.s32 $0x6000  }
0x47: {  	[tilespmem:s18], [sflag:$0x1] =	stream.indirect.gather [spmem:s3], $0x10, s24, s16, $0xb8;
	[tilespmem:$0x12000] =	vst v63  }
0x48: {  	s25 =	simm.s32 $0x180;
	s26 =	simm.s32 $0x6800  }
0x49: {  	[tilespmem:s26], [sflag:$0x1] =	stream.indirect.gather [spmem:s3], $0x10, s25, s16, $0xb8;
	[tilespmem:$0x12000] =	vst v63  }
0x4a: {  	s28 =	simm.s32 $0x200;
	s29 =	simm.s32 $0x7000  }
0x4b: {  	[tilespmem:s29], [sflag:$0x1] =	stream.indirect.gather [spmem:s3], $0x10, s28, s16, $0xb8;
	[tilespmem:$0x12000] =	vst v63  }
0x4c: {  	s19 =	simm.s32 $0x280;
	s20 =	simm.s32 $0x7800  }
0x4d: {  	[tilespmem:s20], [sflag:$0x1] =	stream.indirect.gather [spmem:s3], $0x10, s19, s16, $0xb8;
	[tilespmem:$0x12000] =	vst v63  }
0x4e: {  	s21 =	simm.s32 $0x300;
	s22 =	simm.s32 $0x8000  }
0x4f: {  	[tilespmem:s22], [sflag:$0x1] =	stream.indirect.gather [spmem:s3], $0x10, s21, s16, $0xb8;
	[tilespmem:$0x12000] =	vst v63  }
0x50: {  	_ = 	snop  }
0x51: {  	[tilespmem:s31], [sflag:$0x1] =	stream.indirect.gather [spmem:s3], $0x10, s30, s16, $0xb8;
	[tilespmem:$0x12000] =	vst v63  }
0x52: {  	_ =	swait.ge [sflag:s0], $0x800  }
0x53: {  	[sflag:s0] =	ssyncset.done $0x0  }
0x54: {  	[sflag:s0] =	ssyncadd.s32 $0xFFFFF800  }
0x55: {  	_ =	swait.ge [sflag:s0], $0x800  }
0x56: {  	[sflag:s0] =	ssyncset.done $0x0  }
0x57: {  	[sflag:s0] =	ssyncadd.s32 $0xFFFFF800  }
0x58: {  	_ =	swait.ge [sflag:s0], $0x800  }
0x59: {  	[sflag:s0] =	ssyncset.done $0x0  }
0x5a: {  	[sflag:s0] =	ssyncadd.s32 $0xFFFFF800  }
0x5b: {  	_ =	swait.ge [sflag:s0], $0x800  }
0x5c: {  	[sflag:s0] =	ssyncset.done $0x0  }
0x5d: {  	[sflag:s0] =	ssyncadd.s32 $0xFFFFF800  }
0x5e: {  	_ =	swait.ge [sflag:s0], $0x800  }
0x5f: {  	[sflag:s0] =	ssyncset.done $0x0  }
0x60: {  	[sflag:s0] =	ssyncadd.s32 $0xFFFFF800  }
0x61: {  	_ =	swait.ge [sflag:s0], $0x800  }
0x62: {  	[sflag:s0] =	ssyncset.done $0x0  }
0x63: {  	[sflag:s0] =	ssyncadd.s32 $0xFFFFF800  }
0x64: {  	_ =	swait.ge [sflag:s0], $0x800  }
0x65: {  	[sflag:s0] =	ssyncset.done $0x0  }
0x66: {  	[sflag:s0] =	ssyncadd.s32 $0xFFFFF800  }
0x67: {  	p1 =	por $0x0, $0x0;
	_ =	swait.ge [sflag:s0], $0x800  }
0x68: {  	s17 =	sand.u32 $0x4000, s4;
	s18 =	simm.s32 @!p1 $0x400;
	[sflag:s0] =	ssyncset.done $0x0  }
0x69: {  	s19 =	simm.s32 @!p1 $0x80;
	s20 =	ssub.s32 @!p1 $0x9000, s17;
	[sflag:s0] =	ssyncadd.s32 $0xFFFFF800  }
0x6a: {  	[tilespmem:s20], [sflag:$0x1] =	stream.indirect.gather @!p1 [spmem:s3], $0x10, s18, s19, $0xb8;
	[tilespmem:$0x12000] =	vst v63  }
0x6b: {  	s18 =	simm.s32 @!p1 $0x480;
	s20 =	ssub.s32 @!p1 $0x9800, s17  }
0x6c: {  	[tilespmem:s20], [sflag:$0x1] =	stream.indirect.gather @!p1 [spmem:s3], $0x10, s18, s19, $0xb8;
	[tilespmem:$0x12000] =	vst v63  }
0x6d: {  	s18 =	ssub.s32 @!p1 $0xA000, s17;
	s20 =	simm.s32 @!p1 $0x500  }
0x6e: {  	[tilespmem:s18], [sflag:$0x1] =	stream.indirect.gather @!p1 [spmem:s3], $0x10, s20, s19, $0xb8;
	[tilespmem:$0x12000] =	vst v63  }
0x6f: {  	s18 =	ssub.s32 @!p1 $0xA800, s17;
	s20 =	simm.s32 @!p1 $0x580  }
0x70: {  	[tilespmem:s18], [sflag:$0x1] =	stream.indirect.gather @!p1 [spmem:s3], $0x10, s20, s19, $0xb8;
	[tilespmem:$0x12000] =	vst v63  }
0x71: {  	s18 =	ssub.s32 @!p1 $0xB000, s17;
	s20 =	simm.s32 @!p1 $0x600  }
0x72: {  	[tilespmem:s18], [sflag:$0x1] =	stream.indirect.gather @!p1 [spmem:s3], $0x10, s20, s19, $0xb8;
	[tilespmem:$0x12000] =	vst v63  }
0x73: {  	s18 =	ssub.s32 @!p1 $0xB800, s17;
	s20 =	simm.s32 @!p1 $0x680  }
0x74: {  	[tilespmem:s18], [sflag:$0x1] =	stream.indirect.gather @!p1 [spmem:s3], $0x10, s20, s19, $0xb8;
	[tilespmem:$0x12000] =	vst v63  }
0x75: {  	s18 =	ssub.s32 @!p1 $0xC000, s17;
	s20 =	simm.s32 @!p1 $0x700  }
0x76: {  	[tilespmem:s18], [sflag:$0x1] =	stream.indirect.gather @!p1 [spmem:s3], $0x10, s20, s19, $0xb8;
	[tilespmem:$0x12000] =	vst v63  }
0x77: {  	s18 =	simm.s32 @!p1 $0x780;
	s20 =	ssub.s32 @!p1 $0xC800, s17  }
0x78: {  	[tilespmem:s20], [sflag:$0x1] =	stream.indirect.gather @!p1 [spmem:s3], $0x10, s18, s19, $0xb8;
	[tilespmem:$0x12000] =	vst v63  }
0x79: {  	s18 =	simm.s32 $0x0  }
0x7a: {  	s18 =	simm.s32 @p1 $0x9000  }
0x7b: {  	s18 =	sshra.s32 s18, $0x2  }
0x7c: {  	s23 =	sadd.s32 $0x5000, s17;
	s24 =	sadd.s32 $0x2800, s18  }
0x7d: {  	[spmem:s2] =	stream.indirect.scatter.add.f32 [tilespmem:s23], [sflag:$0x2], $0x10, s24, s16, $0xb8;
	[tilespmem:$0x12000] =	vst v63  }
0x7e: {  	s25 =	sadd.s32 $0x5800, s17;
	s26 =	sadd.s32 $0x2880, s18  }
0x7f: {  	[spmem:s2] =	stream.indirect.scatter.add.f32 [tilespmem:s25], [sflag:$0x2], $0x10, s26, s16, $0xb8;
	[tilespmem:$0x12000] =	vst v63  }
0x80: {  	s28 =	sadd.s32 $0x6000, s17;
	s29 =	sadd.s32 $0x2900, s18  }
0x81: {  	[spmem:s2] =	stream.indirect.scatter.add.f32 [tilespmem:s28], [sflag:$0x2], $0x10, s29, s16, $0xb8;
	[tilespmem:$0x12000] =	vst v63  }
0x82: {  	s21 =	sadd.s32 $0x6800, s17;
	s22 =	sadd.s32 $0x2980, s18  }
0x83: {  	[spmem:s2] =	stream.indirect.scatter.add.f32 [tilespmem:s21], [sflag:$0x2], $0x10, s22, s16, $0xb8;
	[tilespmem:$0x12000] =	vst v63  }
0x84: {  	s23 =	sadd.s32 $0x7000, s17;
	s24 =	sadd.s32 $0x2A00, s18  }
0x85: {  	[spmem:s2] =	stream.indirect.scatter.add.f32 [tilespmem:s23], [sflag:$0x2], $0x10, s24, s16, $0xb8;
	[tilespmem:$0x12000] =	vst v63  }
0x86: {  	s25 =	sadd.s32 $0x7800, s17;
	s26 =	sadd.s32 $0x2A80, s18  }
0x87: {  	[spmem:s2] =	stream.indirect.scatter.add.f32 [tilespmem:s25], [sflag:$0x2], $0x10, s26, s16, $0xb8;
	[tilespmem:$0x12000] =	vst v63  }
0x88: {  	s28 =	sor.u32 $0x8000, s17;
	s29 =	sadd.s32 $0x2B00, s18  }
0x89: {  	[spmem:s2] =	stream.indirect.scatter.add.f32 [tilespmem:s28], [sflag:$0x2], $0x10, s29, s16, $0xb8;
	[tilespmem:$0x12000] =	vst v63  }
0x8a: {  	s17 =	sor.u32 $0x8800, s17;
	s18 =	sadd.s32 $0x2B80, s18  }
0x8b: {  	[spmem:s2] =	stream.indirect.scatter.add.f32 [tilespmem:s17], [sflag:$0x2], $0x10, s18, s16, $0xb8;
	[tilespmem:$0x12000] =	vst v63  }
0x8c: {  	_ =	swait.ge [sflag:s1], $0x800  }
0x8d: {  	[sflag:s1] =	ssyncset.done $0x0  }
0x8e: {  	[sflag:s1] =	ssyncadd.s32 $0xFFFFF800  }
0x8f: {  	_ =	swait.ge [sflag:s1], $0x800  }
0x90: {  	[sflag:s1] =	ssyncset.done $0x0  }
0x91: {  	[sflag:s1] =	ssyncadd.s32 $0xFFFFF800  }
0x92: {  	_ =	swait.ge [sflag:s1], $0x800  }
0x93: {  	[sflag:s1] =	ssyncset.done $0x0  }
0x94: {  	[sflag:s1] =	ssyncadd.s32 $0xFFFFF800  }
0x95: {  	_ =	swait.ge [sflag:s1], $0x800  }
0x96: {  	[sflag:s1] =	ssyncset.done $0x0  }
0x97: {  	[sflag:s1] =	ssyncadd.s32 $0xFFFFF800  }
0x98: {  	_ =	swait.ge [sflag:s1], $0x800  }
0x99: {  	[sflag:s1] =	ssyncset.done $0x0  }
0x9a: {  	[sflag:s1] =	ssyncadd.s32 $0xFFFFF800  }
0x9b: {  	_ =	swait.ge [sflag:s1], $0x800  }
0x9c: {  	[sflag:s1] =	ssyncset.done $0x0  }
0x9d: {  	[sflag:s1] =	ssyncadd.s32 $0xFFFFF800  }
0x9e: {  	_ =	swait.ge [sflag:s1], $0x800  }
0x9f: {  	[sflag:s1] =	ssyncset.done $0x0  }
0xa0: {  	[sflag:s1] =	ssyncadd.s32 $0xFFFFF800  }
0xa1: {  	s17 =	simm.s32 $0x1000;
	s18 =	simm.s32 $0x0;
	_ =	swait.ge [sflag:s1], $0x800  }
.LBB2_2:
0xa2: {  	[sflag:s1] =	ssyncset.done $0x0  }
0xa3: {  	s18 =	sadd.s32 $0x4000, s18;
	s19 =	smov.u32 s17;
	s17 =	sadd.s32 $0x1000, s17  }
0xa4: {  	p1 =	sne.s32 s17, $0xA000;
	[sflag:s1] =	ssyncadd.s32 $0xFFFFF800  }
0xa5: {  	_ =	swait.ge [sflag:s0], $0x800  }
0xa6: {  	[sflag:s0] =	ssyncset.done $0x0  }
0xa7: {  	[sflag:s0] =	ssyncadd.s32 $0xFFFFF800  }
0xa8: {  	_ =	swait.ge [sflag:s0], $0x800  }
0xa9: {  	[sflag:s0] =	ssyncset.done $0x0  }
0xaa: {  	[sflag:s0] =	ssyncadd.s32 $0xFFFFF800  }
0xab: {  	_ =	swait.ge [sflag:s0], $0x800  }
0xac: {  	[sflag:s0] =	ssyncset.done $0x0  }
0xad: {  	[sflag:s0] =	ssyncadd.s32 $0xFFFFF800  }
0xae: {  	_ =	swait.ge [sflag:s0], $0x800  }
0xaf: {  	[sflag:s0] =	ssyncset.done $0x0  }
0xb0: {  	[sflag:s0] =	ssyncadd.s32 $0xFFFFF800  }
0xb1: {  	_ =	swait.ge [sflag:s0], $0x800  }
0xb2: {  	[sflag:s0] =	ssyncset.done $0x0  }
0xb3: {  	[sflag:s0] =	ssyncadd.s32 $0xFFFFF800  }
0xb4: {  	_ =	swait.ge [sflag:s0], $0x800  }
0xb5: {  	[sflag:s0] =	ssyncset.done $0x0  }
0xb6: {  	[sflag:s0] =	ssyncadd.s32 $0xFFFFF800  }
0xb7: {  	_ =	swait.ge [sflag:s0], $0x800  }
0xb8: {  	[sflag:s0] =	ssyncset.done $0x0  }
0xb9: {  	s20 =	sand.u32 $0x4000, s18;
	p2 =	seq.s32 s19, $0x9000;
	[sflag:s0] =	ssyncadd.s32 $0xFFFFF800  }
0xba: {  	s21 =	sshra.s32 @!p2 s19, $0x2;
	s19 =	simm.s32 @p2 $0x9000;
	_ =	swait.ge [sflag:s0], $0x800  }
0xbb: {  	s23 =	simm.s32 @!p2 $0x80;
	s22 =	sadd.s32 @!p2 $0x400, s21;
	[sflag:s0] =	ssyncset.done $0x0  }
0xbc: {  	s24 =	ssub.s32 @!p2 $0x9000, s20;
	s25 =	sadd.s32 @!p2 $0x480, s21;
	[sflag:s0] =	ssyncadd.s32 $0xFFFFF800  }
0xbd: {  	[tilespmem:s24], [sflag:$0x1] =	stream.indirect.gather @!p2 [spmem:s3], $0x10, s22, s23, $0xb8;
	[tilespmem:$0x12000] =	vst v63  }
0xbe: {  	s26 =	sadd.s32 @!p2 $0x500, s21;
	s22 =	ssub.s32 @!p2 $0x9800, s20;
	s24 =	ssub.s32 @!p2 $0xA000, s20  }
0xbf: {  	[tilespmem:s22], [sflag:$0x1] =	stream.indirect.gather @!p2 [spmem:s3], $0x10, s25, s23, $0xb8;
	[tilespmem:$0x12000] =	vst v63  }
0xc0: {  	s28 =	ssub.s32 @!p2 $0xB000, s20;
	s22 =	ssub.s32 @!p2 $0xA800, s20;
	s25 =	sadd.s32 @!p2 $0x580, s21  }
0xc1: {  	[tilespmem:s24], [sflag:$0x1] =	stream.indirect.gather @!p2 [spmem:s3], $0x10, s26, s23, $0xb8;
	[tilespmem:$0x12000] =	vst v63  }
0xc2: {  	s29 =	sadd.s32 @!p2 $0x680, s21;
	s24 =	sadd.s32 @!p2 $0x600, s21;
	s26 =	ssub.s32 @!p2 $0xB800, s20  }
0xc3: {  	[tilespmem:s22], [sflag:$0x1] =	stream.indirect.gather @!p2 [spmem:s3], $0x10, s25, s23, $0xb8;
	[tilespmem:$0x12000] =	vst v63  }
0xc4: {  	s22 =	ssub.s32 @!p2 $0xC000, s20;
	s25 =	sadd.s32 @!p2 $0x700, s21;
	s21 =	sadd.s32 @!p2 $0x780, s21  }
0xc5: {  	[tilespmem:s28], [sflag:$0x1] =	stream.indirect.gather @!p2 [spmem:s3], $0x10, s24, s23, $0xb8;
	[tilespmem:$0x12000] =	vst v63  }
0xc6: {  	s19 =	sshra.s32 s19, $0x2;
	s24 =	ssub.s32 @!p2 $0xC800, s20  }
0xc7: {  	[tilespmem:s26], [sflag:$0x1] =	stream.indirect.gather @!p2 [spmem:s3], $0x10, s29, s23, $0xb8;
	[tilespmem:$0x12000] =	vst v63  }
0xc8: {  	_ = 	snop  }
0xc9: {  	[tilespmem:s22], [sflag:$0x1] =	stream.indirect.gather @!p2 [spmem:s3], $0x10, s25, s23, $0xb8;
	[tilespmem:$0x12000] =	vst v63  }
0xca: {  	s22 =	sadd.s32 $0x5000, s20  }
0xcb: {  	[tilespmem:s24], [sflag:$0x1] =	stream.indirect.gather @!p2 [spmem:s3], $0x10, s21, s23, $0xb8;
	[tilespmem:$0x12000] =	vst v63  }
0xcc: {  	s21 =	sadd.s32 $0x5800, s20;
	s23 =	sadd.s32 $0x2800, s19  }
0xcd: {  	[spmem:s2] =	stream.indirect.scatter.add.f32 [tilespmem:s22], [sflag:$0x2], $0x10, s23, s16, $0xb8;
	[tilespmem:$0x12000] =	vst v63  }
0xce: {  	s22 =	sadd.s32 $0x6000, s20;
	s23 =	sadd.s32 $0x2880, s19  }
0xcf: {  	[spmem:s2] =	stream.indirect.scatter.add.f32 [tilespmem:s21], [sflag:$0x2], $0x10, s23, s16, $0xb8;
	[tilespmem:$0x12000] =	vst v63  }
0xd0: {  	s21 =	sadd.s32 $0x6800, s20;
	s23 =	sadd.s32 $0x2900, s19  }
0xd1: {  	[spmem:s2] =	stream.indirect.scatter.add.f32 [tilespmem:s22], [sflag:$0x2], $0x10, s23, s16, $0xb8;
	[tilespmem:$0x12000] =	vst v63  }
0xd2: {  	s22 =	sadd.s32 $0x7000, s20;
	s23 =	sadd.s32 $0x2980, s19  }
0xd3: {  	[spmem:s2] =	stream.indirect.scatter.add.f32 [tilespmem:s21], [sflag:$0x2], $0x10, s23, s16, $0xb8;
	[tilespmem:$0x12000] =	vst v63  }
0xd4: {  	s21 =	sadd.s32 $0x7800, s20;
	s23 =	sadd.s32 $0x2A00, s19  }
0xd5: {  	[spmem:s2] =	stream.indirect.scatter.add.f32 [tilespmem:s22], [sflag:$0x2], $0x10, s23, s16, $0xb8;
	[tilespmem:$0x12000] =	vst v63  }
0xd6: {  	s24 =	sadd.s32 $0x2B00, s19;
	s22 =	sor.u32 $0x8000, s20;
	s23 =	sadd.s32 $0x2A80, s19  }
0xd7: {  	[spmem:s2] =	stream.indirect.scatter.add.f32 [tilespmem:s21], [sflag:$0x2], $0x10, s23, s16, $0xb8;
	[tilespmem:$0x12000] =	vst v63  }
0xd8: {  	s20 =	sor.u32 $0x8800, s20;
	s19 =	sadd.s32 $0x2B80, s19  }
0xd9: {  	[spmem:s2] =	stream.indirect.scatter.add.f32 [tilespmem:s22], [sflag:$0x2], $0x10, s24, s16, $0xb8;
	[tilespmem:$0x12000] =	vst v63  }
0xda: {  	_ = 	snop  }
0xdb: {  	[spmem:s2] =	stream.indirect.scatter.add.f32 [tilespmem:s20], [sflag:$0x2], $0x10, s19, s16, $0xb8;
	[tilespmem:$0x12000] =	vst v63  }
0xdc: {  	_ =	swait.ge [sflag:s1], $0x800  }
0xdd: {  	[sflag:s1] =	ssyncset.done $0x0  }
0xde: {  	[sflag:s1] =	ssyncadd.s32 $0xFFFFF800  }
0xdf: {  	_ =	swait.ge [sflag:s1], $0x800  }
0xe0: {  	[sflag:s1] =	ssyncset.done $0x0  }
0xe1: {  	[sflag:s1] =	ssyncadd.s32 $0xFFFFF800  }
0xe2: {  	_ =	swait.ge [sflag:s1], $0x800  }
0xe3: {  	[sflag:s1] =	ssyncset.done $0x0  }
0xe4: {  	[sflag:s1] =	ssyncadd.s32 $0xFFFFF800  }
0xe5: {  	_ =	swait.ge [sflag:s1], $0x800  }
0xe6: {  	[sflag:s1] =	ssyncset.done $0x0  }
0xe7: {  	[sflag:s1] =	ssyncadd.s32 $0xFFFFF800  }
0xe8: {  	_ =	swait.ge [sflag:s1], $0x800  }
0xe9: {  	[sflag:s1] =	ssyncset.done $0x0  }
0xea: {  	[sflag:s1] =	ssyncadd.s32 $0xFFFFF800  }
0xeb: {  	_ =	swait.ge [sflag:s1], $0x800  }
0xec: {  	[sflag:s1] =	ssyncset.done $0x0  }
.Ltmp0:
0xed: {  	[sflag:s1] =	ssyncadd.s32 $0xFFFFF800;
	(pc) =	sbr.rel @p1 .LBB2_2-.Ltmp0, $4  }
0xee: {  	_ =	swait.ge [sflag:s1], $0x800  }
0xef: {  	[sflag:s1] =	ssyncset.done $0x0  }
0xf0: {  	[sflag:s1] =	ssyncadd.s32 $0xFFFFF800  }
0xf1: {  	_ =	swait.ge [sflag:s1], $0x800  }
0xf2: {  	[sflag:s1] =	ssyncset.done $0x0;
	s15 =	sadd.s32 $0x1, s15  }
0xf3: {  	[sflag:s1] =	ssyncadd.s32 $0xFFFFF800;
	p1 =	sne.s32 s15, s11  }
.Ltmp1:
0xf4: {  	[bflag:$0x0] =	sbarrier.arrive $0xFFFF;
	(pc) =	sbr.rel @p1 .LBB2_1-.Ltmp1, $4  }
0xf5: {  	[hbm:s10], [sflag:s6] =	dma.local [spmem:s12], $0x500  }
0xf6: {  	_ =	swait.ge [sflag:s13], $0x500  }
0xf7: {  	[sflag:s13] =	ssyncset.done $0x0  }
0xf8: {  	[sflag:s13] =	ssyncadd.s32 $0xFFFFFB00  }
0xf9: {  	_ =	sfence.sel $0x180000  }
0xfa: {  	[bflag:$0x0] =	sbarrier.arrive $0xFFFF  }
0xfb: {  	_ =	strace $0x9000004D  }
0xfc: {  	s0 =	stileid.u32;
	[bflag:$0x2] =	sbarrier.arrive $0xFFFF  }
0xfd: {  	p0 =	sne.s32 s0, $0x0;
	s0 =	rddreg [dreg:$0x3]  }
0xfe: {  	s0 =	sadd.s32 @!p0 $0x100000, s0  }
0xff: {  	[sflag:s0] =	ssyncadd.tile.s32 @!p0 $0x1;
	_ =	shalt  }
.Lfunc_end2:
_tile_overlayer_lowered:
.L_overlay_start_2:
0x100: {  	(tag) =	ssettag $0x2  }
0x101: {  	s0 =	rddreg [dreg:$0x0];
	s2 =	stileid.u32  }
0x102: {  	s1 =	rddreg [dreg:$0x1];
	p0 =	sne.s32 s2, $0x0  }
0x103: {  	s3 =	rddreg [dreg:$0x2];
	[bflag:$0x3] =	sbarrier.arrive $0xFFFF;
	s2 =	simm.s32 @!p0 $0x1C03  }
0x104: {  	[timem:s3], [sflag:s2] =	dma.local @!p0 [hbm:s0], s1  }
0x105: {  	s0 =	simm.s32 @!p0 $0x3  }
0x106: {  	_ =	swait.ge @!p0 [sflag:s0], s1  }
0x107: {  	s1 =	ssub.s32 @!p0 $0x0, s1;
	[sflag:s0] =	ssyncset.done @!p0 $0x0  }
0x108: {  	[sflag:s0] =	ssyncadd.s32 @!p0 s1  }
0x109: {  	[bflag:$0x3] =	sbarrier.arrive $0xFFFF  }
0x10a: {  	_ =	shalt  }

// kernel: kernel.9.cloned.1.call-start
scs
__scs_entry_jumppad:
0x0: {  	(pc) =	sbr.rel $0x88, $3  }
0x1: {  	(tag) =	ssettag $0x0;
	lr =	simm.s32 $0x1  }
0x2: {  	[smem:$0x3F9B] =	sst lr;
	_ =	strace $0xD0000000  }
0x3: {  	_ = 	snop  }
0x4: {  	_ = 	snop  }
0x5: {  	_ = 	snop  }
0x6: {  	_ = 	snop  }
0x7: {  	_ = 	snop  }
__scs_overlays_trampoline_lowered:
0x8: {  	[smem:$0x3FAA] =	sst s0  }
0x9: {  	[smem:$0x3FAB] =	sst s1  }
0xa: {  	[smem:$0x3FAC] =	sst s2  }
0xb: {  	[smem:$0x3FAD] =	sst s3  }
0xc: {  	[smem:$0x3FAE] =	sst s4  }
0xd: {  	[smem:$0x3FAF] =	sst s5  }
0xe: {  	[smem:$0x3FB0] =	sst s6  }
0xf: {  	[smem:$0x3FB1] =	sst s7  }
0x10: {  	[smem:$0x3FB2] =	sst s8  }
0x11: {  	[smem:$0x3FB3] =	sst s9;
	s0 =	simm.s32 @!p0 $0x0  }
0x12: {  	s1 =	sld [smem:$0x3F99];
	s0 =	simm.s32 @p0 $0x1  }
0x13: {  	[smem:$0x3FB4] =	sst s0;
	s0 =	simm.s32 @!p1 $0x0  }
0x14: {  	s2 =	sld [smem:$0x3F98];
	s0 =	simm.s32 @p1 $0x1  }
0x15: {  	[smem:$0x3FB5] =	sst s0;
	s0 =	simm.s32 @!p2 $0x0  }
0x16: {  	s3 =	sld [smem:$0x3FDB];
	s0 =	simm.s32 @p2 $0x1  }
0x17: {  	s4 =	simm.s32 $0x1BF5;
	[smem:$0x3FB7] =	sst s0  }
0x18: {  	s0 =	sld [smem:$0x3F9A];
	_ =	swait.ge [sflag:s4], $0x0  }
0x19: {  	s7 =	sld [smem:$0x3F9B]  }
0x1a: {  	s8 =	sadd.s32 $0xFFFFE003, lr  }
0x1b: {  	s9 =	sadd.s32 $0xFFFFFEF7, lr;
	s5 =	simm.s32 $0xFFFFFFFF;
	p2 =	slt.u32 s8, $0xFFFFF086  }
0x1c: {  	p1 =	slt.u32 s9, $0xF7A;
	s5 =	simm.s32 @!p2 $0x0  }
0x1d: {  	s5 =	simm.s32 @p1 $0x1;
	p0 =	seq.s32 s7, s2  }
0x1e: {  	s7 =	smul.u32 @!p0 $0xF7A, s2;
	p2 =	seq.s32 @!p0 s5, $0x0  }
0x1f: {  	s9 =	smul.u32 $0xF7A, s1;
	s8 =	simm.s32 @!p0 $0x1BF5;
	p2 =	por !p2, p0  }
0x20: {  	[sflag:s8] =	ssyncset.s32 @!p0 $0xFFFFF086;
	s6 =	sadd.s32 @!p0 s3, s7;
	s7 =	simm.s32 @!p0 $0x108  }
0x21: {  	s3 =	sadd.s32 s3, s9;
	s6 =	sadd.s32 @!p0 $0x88, s6;
	s7 =	simm.s32 @p2 $0x1082  }
0x22: {  	[simem:s7], [sflag:s8] =	dma.local @!p0 [hbm:s6], $0xF7A  }
0x23: {  	s9 =	sor.u32 $0xD0000000, s2;
	s6 =	simm.s32 $0x108;
	_ =	swait.ge @!p0 [sflag:s8], $0x0  }
0x24: {  	s3 =	sadd.s32 $0x88, s3;
	s6 =	simm.s32 @!p1 $0x1082;
	[sflag:s4] =	ssyncset.s32 $0xFFFFF086  }
0x25: {  	[simem:s6], [sflag:s4] =	dma.local [hbm:s3], $0xF7A  }
0x26: {  	[smem:$0x3F9B] =	sst s1;
	(tag) =	ssettag s2;
	_ =	strace s9  }
0x27: {  	s1 =	sld [smem:$0x3FAB]  }
0x28: {  	s2 =	sld [smem:$0x3FAC]  }
0x29: {  	s4 =	sld [smem:$0x3FAE]  }
0x2a: {  	p0 =	seq.s32 s5, $0x0;
	s5 =	sld [smem:$0x3FAF]  }
0x2b: {  	s6 =	sld [smem:$0x3FB0]  }
0x2c: {  	s7 =	sld [smem:$0x3FB1]  }
0x2d: {  	s3 =	simm.s32 $0x108;
	s8 =	sld [smem:$0x3FB2]  }
0x2e: {  	s3 =	simm.s32 @!p0 $0x1082;
	s9 =	sld [smem:$0x3FB3]  }
0x2f: {  	lr =	sadd.s32 s0, s3;
	s0 =	sld [smem:$0x3FAA]  }
0x30: {  	s3 =	sld [smem:$0x3FAD]  }
0x31: {  	[smem:$0x3FB6] =	sst s10  }
0x32: {  	s10 =	sld [smem:$0x3FB4];
	_ =	sdelay $0x3  }
0x33: {  	p0 =	seq.s32 s10, $0x1;
	s10 =	sld [smem:$0x3FB6];
	_ =	sdelay $0x3  }
0x34: {  	[smem:$0x3FB6] =	sst s10  }
0x35: {  	s10 =	sld [smem:$0x3FB5];
	_ =	sdelay $0x3  }
0x36: {  	p1 =	seq.s32 s10, $0x1;
	s10 =	sld [smem:$0x3FB6];
	_ =	sdelay $0x3  }
0x37: {  	[smem:$0x3FB6] =	sst s10  }
0x38: {  	s10 =	sld [smem:$0x3FB7]  }
0x39: {  	_ = 	snop;
	(pc) =	sbr.ind lr, $3  }
0x3a: {  	_ = 	snop  }
0x3b: {  	_ = 	snop  }
0x3c: {  	p2 =	seq.s32 s10, $0x1;
	s10 =	sld [smem:$0x3FB6]  }
0x3d: {  	_ =	shalt  }
0x3e: {  	_ =	shalt  }
0x3f: {  	_ =	shalt  }
0x40: {  	_ =	shalt  }
0x41: {  	_ =	shalt  }
0x42: {  	_ =	shalt  }
0x43: {  	_ =	shalt  }
0x44: {  	_ =	shalt  }
0x45: {  	_ =	shalt  }
0x46: {  	_ =	shalt  }
0x47: {  	_ =	shalt  }
0x48: {  	_ =	shalt  }
0x49: {  	_ =	shalt  }
0x4a: {  	_ =	shalt  }
0x4b: {  	_ =	shalt  }
0x4c: {  	_ =	shalt  }
0x4d: {  	_ =	shalt  }
0x4e: {  	_ =	shalt  }
0x4f: {  	_ =	shalt  }
0x50: {  	_ =	shalt  }
0x51: {  	_ =	shalt  }
0x52: {  	_ =	shalt  }
0x53: {  	_ =	shalt  }
0x54: {  	_ =	shalt  }
0x55: {  	_ =	shalt  }
0x56: {  	_ =	shalt  }
0x57: {  	_ =	shalt  }
0x58: {  	_ =	shalt  }
0x59: {  	_ =	shalt  }
0x5a: {  	_ =	shalt  }
0x5b: {  	_ =	shalt  }
0x5c: {  	_ =	shalt  }
0x5d: {  	_ =	shalt  }
0x5e: {  	_ =	shalt  }
0x5f: {  	_ =	shalt  }
0x60: {  	_ =	shalt  }
0x61: {  	_ =	shalt  }
0x62: {  	_ =	shalt  }
0x63: {  	_ =	shalt  }
0x64: {  	_ =	shalt  }
0x65: {  	_ =	shalt  }
0x66: {  	_ =	shalt  }
0x67: {  	_ =	shalt  }
0x68: {  	_ =	shalt  }
0x69: {  	_ =	shalt  }
0x6a: {  	_ =	shalt  }
0x6b: {  	_ =	shalt  }
0x6c: {  	_ =	shalt  }
0x6d: {  	_ =	shalt  }
0x6e: {  	_ =	shalt  }
0x6f: {  	_ =	shalt  }
0x70: {  	_ =	shalt  }
0x71: {  	_ =	shalt  }
0x72: {  	_ =	shalt  }
0x73: {  	_ =	shalt  }
0x74: {  	_ =	shalt  }
0x75: {  	_ =	shalt  }
0x76: {  	_ =	shalt  }
0x77: {  	_ =	shalt  }
0x78: {  	_ =	shalt  }
0x79: {  	_ =	shalt  }
0x7a: {  	_ =	shalt  }
0x7b: {  	_ =	shalt  }
0x7c: {  	_ =	shalt  }
0x7d: {  	_ =	shalt  }
0x7e: {  	_ =	shalt  }
0x7f: {  	_ =	shalt  }
0x80: {  	_ =	shalt  }
0x81: {  	_ =	shalt  }
0x82: {  	_ =	shalt  }
0x83: {  	_ =	shalt  }
0x84: {  	_ =	shalt  }
0x85: {  	_ =	shalt  }
0x86: {  	_ =	shalt  }
0x87: {  	_ =	shalt  }
.Lfunc_end0:
.L_simem_size_0:
called_computation_lowered:
.L_overlay_start_0:
0x88: {  	s2 =	sld [smem:$0x3FD9]  }
0x89: {  	s3 =	sld [smem:$0x3FFE];
	_ =	sdelay $0x1  }
0x8a: {  	s1 =	srdreg.scid  }
0x8b: {  	s0 =	sand.u32 $0x1, s1  }
0x8c: {  	s17 =	sshll.u32 s0, $0xA;
	s2 =	sadd.s32 s3, s2  }
0x8d: {  	s2 =	sadd.s32 s2, s17  }
0x8e: {  	[smem:$0x3FC2] =	sst s2  }
0x8f: {  	_ = 	snop  }
0x90: {  	s2 =	sld [smem:$0x3FD0];
	(tm) =	ssettm $0x1  }
0x91: {  	s18 =	sld [smem:$0x3FFB];
	_ =	sdelay $0x3  }
0x92: {  	_ =	strace s18  }
0x93: {  	s3 =	sld [smem:$0x3FFC];
	_ =	sdelay $0x3  }
0x94: {  	_ =	strace s3  }
0x95: {  	s3 =	sld [smem:$0x3FFD];
	_ =	sdelay $0x3  }
0x96: {  	_ =	strace s3  }
0x97: {  	_ =	strace $0x8FFFFFFF  }
0x98: {  	s19 =	sld [smem:$0x3FDB];
	_ =	sdelay $0x1  }
0x99: {  	s4 =	simm.s32 $_scs_section_size  }
0x9a: {  	s5 =	simm.s32 $_size__tile_overlayer_lowered;
	s6 =	simm.s32 $_tile_overlayer_lowered  }
0x9b: {  	s22 =	simm.s32 $0x1BFF;
	s21 =	sshll.u32 s6, $0x1;
	s3 =	sadd.s32 s4, s19  }
0x9c: {  	s7 =	simm.s32 $0x0;
	s20 =	sshll.u32 s5, $0x1;
	s5 =	sadd.s32 s21, s3  }
0x9d: {  	[timem:s7], [sflag:s22] =	dma.local [hbm:s5], s20  }
0x9e: {  	_ =	swait.ge [sflag:s22], s20  }
0x9f: {  	s4 =	ssub.s32 $0x0, s20;
	[sflag:s22] =	ssyncset.done $0x0  }
0xa0: {  	[sflag:s22] =	ssyncadd.s32 s4;
	_ =	sdelay $0x1  }
0xa1: {  	s23 =	simm.s32 $0x1B8B  }
0xa2: {  	_ =	swait.ge [sflag:s23], $0x1  }
0xa3: {  	[sflag:s23] =	ssyncset.done $0x0  }
0xa4: {  	s25 =	simm.s32 $0x1B8E;
	s24 =	sld [smem:$0x3FFE];
	[sflag:s23] =	ssyncadd.s32 $0xFFFFFFFF  }
0xa5: {  	s26 =	simm.s32 $execute0_lowered;
	[smem:$0x3FD2] =	sst s25  }
0xa6: {  	s5 =	sshll.u32 s26, $0x1;
	_ =	strace $0x80000046;
	[dreg:$0x1] =	wrdreg $0xFFFFFFFF  }
0xa7: {  	s28 =	simm.s32 $_size_execute0_lowered;
	s3 =	sadd.s32 s3, s5;
	[dreg:$0x0] =	wrdreg $0x0  }
0xa8: {  	s5 =	sshll.u32 s28, $0x1;
	[dreg:$0x2] =	wrdreg s3  }
0xa9: {  	[dreg:$0x3] =	wrdreg s5  }
0xaa: {  	[dreg:$0x4] =	wrdreg $0xC0  }
0xab: {  	_ =	task [dreg:s7], $0x5FFFF  }
0xac: {  	[dreg:$0x1] =	wrdreg $0xFFFFFFFF  }
0xad: {  	[dreg:$0x0] =	wrdreg $0x60  }
0xae: {  	[dreg:$0x2] =	wrdreg s24  }
0xaf: {  	[dreg:$0x3] =	wrdreg s2  }
0xb0: {  	[dreg:$0x4] =	wrdreg $0x28800  }
0xb1: {  	[dreg:$0x5] =	wrdreg $0x9  }
0xb2: {  	_ =	task.clear_ibuf [dreg:s7], $0x6FFFF;
	_ =	strace $0x90000046  }
0xb3: {  	s29 =	simm.s32 $0x9;
	_ =	strace $0x80000048  }
0xb4: {  	_ =	swait.ge [sflag:s29], $0x1  }
0xb5: {  	[sflag:s29] =	ssyncadd.s32 $0xFFFFFFFF  }
0xb6: {  	_ =	strace $0x90000048  }
0xb7: {  	_ =	sfence  }
0xb8: {  	s30 =	sld [smem:$0x0];
	_ =	sdelay $0x2  }
0xb9: {  	s31 =	sshll.u32 s1, $0xD;
	s1 =	sshrl.u32 s1, $0x2  }
0xba: {  	s3 =	sand.u32 $0x4000, s31;
	s1 =	sadd.s32 s1, s30  }
0xbb: {  	s0 =	sor.u32 s3, s0;
	s1 =	sshll.u32 s1, $0x11  }
0xbc: {  	s0 =	sor.u32 s1, s0  }
0xbd: {  	s0 =	sadd.s32 $0x8F2B, s0  }
0xbe: {  	[sflag:s0] =	ssyncadd.remote.s32 $0x1  }
0xbf: {  	_ =	sfence.sel $0xFFFF  }
0xc0: {  	[dreg:$0x0] =	wrdreg $0xFFFFFFFF;
	(pc) =	sbr.abs _section_cstart, $3  }
0xc1: {  	[dreg:$0x1] =	wrdreg $0xFFFFFFFF  }
0xc2: {  	_ =	task.clear_ibuf [dreg:s7], $0x2FFFF;
	_ =	strace $0x9FFFFFFF  }
0xc3: {  	(tm) =	ssettm $0x7FFFFFFF  }
tec
execute0_lowered:
.L_overlay_start_1:
0x0: {  	(tag) =	ssettag $0x1  }
0x1: {  	s5 =	rddreg [dreg:$0x0]  }
0x2: {  	s7 =	rddreg [dreg:$0x1]  }
0x3: {  	s2 =	rddreg [dreg:$0x2]  }
0x4: {  	s0 =	rddreg [dreg:$0x3]  }
0x5: {  	s3 =	simm.s32 $0x0;
	s1 =	stileid.u32;
	s4 =	srdreg.scid  }
0x6: {  	s13 =	simm.s32 $0x1;
	s14 =	simm.s32 $0x0;
	[smem:$0x7FF] =	sst s3  }
0x7: {  	s6 =	smul.u32 $0x280, s1;
	s4 =	sand.u32 $0x1, s4;
	s8 =	sshll.u32 s1, $0x1  }
0x8: {  	s30 =	sshll.u32 s1, $0x6;
	p0 =	sgt.u32 s1, $0xD;
	_ =	strace $0x80000047  }
0x9: {  	s8 =	sor.u32 s4, s8;
	s10 =	ssub.s32 $0x2, s4;
	s28 =	smul.u32 $0x2800, s4  }
0xa: {  	s9 =	sshrl.u32 s6, $0x3;
	s11 =	smul.u32 $0x4E, s8;
	s12 =	sshrl.u32 s10, $0x1  }
0xb: {  	s8 =	smax.u32 s8, $0x1C;
	s29 =	sadd.s32 s6, s2;
	s9 =	sadd.s32 s9, s5  }
0xc: {  	s10 =	ssub.s32 s10, s12;
	s12 =	simm.s32 $0x2800;
	s8 =	sadd.s32 s11, s8  }
0xd: {  	s4 =	sadd.s32 $0x15C00, s9;
	s11 =	sadd.s32 s6, s28;
	s9 =	sshrl.u32 s29, $0x3  }
0xe: {  	s8 =	sshll.u32 s8, $0x4;
	s31 =	sshrl.u32 s11, $0x3;
	s11 =	simm.s32 $0x80  }
0xf: {  	s8 =	sadd.s32 s5, s8;
	s5 =	sor.u32 $0x1C02, s30;
	s7 =	sadd.s32 s7, s31  }
0x10: {  	v0 =	vimm.f32 $1.000000000e+00;
	v1 =	vimm.s32 $0x2710;
	s6 =	sadd.s32 $0x2040, s8;
	s8 =	smax.u32 s10, $0x1;
	s10 =	simm.s32 $0x2  }
.LBB2_1:
0x11: {  	[tilespmem:$0x2800] =	vst v0  }
0x12: {  	[tilespmem:$0x2810] =	vst v0  }
0x13: {  	[tilespmem:$0x2820] =	vst v0  }
0x14: {  	[tilespmem:$0x2830] =	vst v0  }
0x15: {  	[tilespmem:$0x2840] =	vst v0  }
0x16: {  	[tilespmem:$0x2850] =	vst v0  }
0x17: {  	[tilespmem:$0x2860] =	vst v0  }
0x18: {  	[tilespmem:$0x2870] =	vst v0  }
0x19: {  	[spmem:s9], [sflag:s5] =	dma.local [hbm:s4], $0x50  }
0x1a: {  	_ =	swait.ge [sflag:s10], $0x50  }
0x1b: {  	[sflag:s10] =	ssyncset.done $0x0  }
0x1c: {  	[sflag:s10] =	ssyncadd.s32 $0xFFFFFFB0  }
0x1d: {  	[bflag:$0x0] =	sbarrier.arrive $0xFFFF  }
0x1e: {  	[tilespmem:s3], [sflag:$0x2] =	stream.linear.gather [hbm4b:s6+s3], $0x2780, $0x38;
	[tilespmem:$0x2B00] =	vst v63  }
0x1f: {  	_ =	swait.ge [sflag:s10], $0x2780  }
0x20: {  	[sflag:s10] =	ssyncset.done $0x0  }
0x21: {  	v2 =	vimm.s32 @!p0 $0x2710;
	[sflag:s10] =	ssyncadd.s32 $0xFFFFD880  }
0x22: {  	[tilespmem:$0x2700] =	vst @!p0 v2  }
0x23: {  	[tilespmem:$0x2710] =	vst @!p0 v2  }
0x24: {  	[tilespmem:$0x2720] =	vst @!p0 v2  }
0x25: {  	[tilespmem:$0x2730] =	vst @!p0 v2  }
0x26: {  	[tilespmem:$0x2740] =	vst @!p0 v2  }
0x27: {  	[tilespmem:$0x2750] =	vst @!p0 v2  }
0x28: {  	[tilespmem:$0x2760] =	vst @!p0 v2  }
0x29: {  	[tilespmem:$0x2770] =	vst @!p0 v2  }
0x2a: {  	[tilespmem:$0x2780] =	vst v1  }
0x2b: {  	[tilespmem:$0x2790] =	vst v1  }
0x2c: {  	[tilespmem:$0x27A0] =	vst v1  }
0x2d: {  	[tilespmem:$0x27B0] =	vst v1  }
0x2e: {  	[tilespmem:$0x27C0] =	vst v1  }
0x2f: {  	[tilespmem:$0x27D0] =	vst v1  }
0x30: {  	[tilespmem:$0x27E0] =	vst v1  }
0x31: {  	s15 =	simm.s32 $0x0;
	[tilespmem:$0x27F0] =	vst v1  }
0x32: {  	[spmem:s2] =	stream.indirect.scatter.add.f32 [tilespmem:s12], [sflag:$0x1], $0x1, s15, s11, $0xb8;
	[tilespmem:$0x2B00] =	vst v63  }
0x33: {  	s24 =	simm.s32 $0x80  }
0x34: {  	[spmem:s2] =	stream.indirect.scatter.add.f32 [tilespmem:s12], [sflag:$0x1], $0x1, s24, s11, $0xb8;
	[tilespmem:$0x2B00] =	vst v63  }
0x35: {  	s25 =	simm.s32 $0x100  }
0x36: {  	[spmem:s2] =	stream.indirect.scatter.add.f32 [tilespmem:s12], [sflag:$0x1], $0x1, s25, s11, $0xb8;
	[tilespmem:$0x2B00] =	vst v63  }
0x37: {  	s26 =	simm.s32 $0x180  }
0x38: {  	[spmem:s2] =	stream.indirect.scatter.add.f32 [tilespmem:s12], [sflag:$0x1], $0x1, s26, s11, $0xb8;
	[tilespmem:$0x2B00] =	vst v63  }
0x39: {  	s28 =	simm.s32 $0x200  }
0x3a: {  	[spmem:s2] =	stream.indirect.scatter.add.f32 [tilespmem:s12], [sflag:$0x1], $0x1, s28, s11, $0xb8;
	[tilespmem:$0x2B00] =	vst v63  }
0x3b: {  	s29 =	simm.s32 $0x280  }
0x3c: {  	[spmem:s2] =	stream.indirect.scatter.add.f32 [tilespmem:s12], [sflag:$0x1], $0x1, s29, s11, $0xb8;
	[tilespmem:$0x2B00] =	vst v63  }
0x3d: {  	s30 =	simm.s32 $0x300  }
0x3e: {  	[spmem:s2] =	stream.indirect.scatter.add.f32 [tilespmem:s12], [sflag:$0x1], $0x1, s30, s11, $0xb8;
	[tilespmem:$0x2B00] =	vst v63  }
0x3f: {  	s31 =	simm.s32 $0x380  }
0x40: {  	[spmem:s2] =	stream.indirect.scatter.add.f32 [tilespmem:s12], [sflag:$0x1], $0x1, s31, s11, $0xb8;
	[tilespmem:$0x2B00] =	vst v63  }
0x41: {  	_ =	swait.ge [sflag:s13], $0x80  }
0x42: {  	[sflag:s13] =	ssyncset.done $0x0  }
0x43: {  	[sflag:s13] =	ssyncadd.s32 $0xFFFFFF80  }
0x44: {  	_ =	swait.ge [sflag:s13], $0x80  }
0x45: {  	[sflag:s13] =	ssyncset.done $0x0  }
0x46: {  	[sflag:s13] =	ssyncadd.s32 $0xFFFFFF80  }
0x47: {  	_ =	swait.ge [sflag:s13], $0x80  }
0x48: {  	[sflag:s13] =	ssyncset.done $0x0  }
0x49: {  	[sflag:s13] =	ssyncadd.s32 $0xFFFFFF80  }
0x4a: {  	_ =	swait.ge [sflag:s13], $0x80  }
0x4b: {  	[sflag:s13] =	ssyncset.done $0x0  }
0x4c: {  	[sflag:s13] =	ssyncadd.s32 $0xFFFFFF80  }
0x4d: {  	_ =	swait.ge [sflag:s13], $0x80  }
0x4e: {  	[sflag:s13] =	ssyncset.done $0x0  }
0x4f: {  	[sflag:s13] =	ssyncadd.s32 $0xFFFFFF80  }
0x50: {  	_ =	swait.ge [sflag:s13], $0x80  }
0x51: {  	[sflag:s13] =	ssyncset.done $0x0  }
0x52: {  	[sflag:s13] =	ssyncadd.s32 $0xFFFFFF80  }
0x53: {  	_ =	swait.ge [sflag:s13], $0x80  }
0x54: {  	[sflag:s13] =	ssyncset.done $0x0  }
0x55: {  	[sflag:s13] =	ssyncadd.s32 $0xFFFFFF80  }
0x56: {  	_ =	swait.ge [sflag:s13], $0x80  }
0x57: {  	s17 =	simm.s32 $0x2000;
	s15 =	simm.s32 $0x1000;
	[sflag:s13] =	ssyncset.done $0x0  }
.LBB2_2:
0x58: {  	s18 =	sshra.s32 s15, $0x2  }
0x59: {  	[sflag:s13] =	ssyncadd.s32 $0xFFFFFF80;
	s15 =	smov.u32 s17;
	s16 =	sadd.s32 $0x1000, s17  }
0x5a: {  	[spmem:s2] =	stream.indirect.scatter.add.f32 [tilespmem:s12], [sflag:$0x1], $0x1, s18, s11, $0xb8;
	[tilespmem:$0x2B00] =	vst v63  }
0x5b: {  	p1 =	sne.s32 s17, $0x9000;
	s17 =	sadd.s32 $0x80, s18  }
0x5c: {  	[spmem:s2] =	stream.indirect.scatter.add.f32 [tilespmem:s12], [sflag:$0x1], $0x1, s17, s11, $0xb8;
	[tilespmem:$0x2B00] =	vst v63  }
0x5d: {  	s17 =	sadd.s32 $0x100, s18  }
0x5e: {  	[spmem:s2] =	stream.indirect.scatter.add.f32 [tilespmem:s12], [sflag:$0x1], $0x1, s17, s11, $0xb8;
	[tilespmem:$0x2B00] =	vst v63  }
0x5f: {  	s17 =	sadd.s32 $0x180, s18  }
0x60: {  	[spmem:s2] =	stream.indirect.scatter.add.f32 [tilespmem:s12], [sflag:$0x1], $0x1, s17, s11, $0xb8;
	[tilespmem:$0x2B00] =	vst v63  }
0x61: {  	s17 =	sadd.s32 $0x200, s18  }
0x62: {  	[spmem:s2] =	stream.indirect.scatter.add.f32 [tilespmem:s12], [sflag:$0x1], $0x1, s17, s11, $0xb8;
	[tilespmem:$0x2B00] =	vst v63  }
0x63: {  	s17 =	sadd.s32 $0x280, s18  }
0x64: {  	[spmem:s2] =	stream.indirect.scatter.add.f32 [tilespmem:s12], [sflag:$0x1], $0x1, s17, s11, $0xb8;
	[tilespmem:$0x2B00] =	vst v63  }
0x65: {  	s17 =	sadd.s32 $0x300, s18  }
0x66: {  	[spmem:s2] =	stream.indirect.scatter.add.f32 [tilespmem:s12], [sflag:$0x1], $0x1, s17, s11, $0xb8;
	[tilespmem:$0x2B00] =	vst v63  }
0x67: {  	s17 =	sadd.s32 $0x380, s18  }
0x68: {  	[spmem:s2] =	stream.indirect.scatter.add.f32 [tilespmem:s12], [sflag:$0x1], $0x1, s17, s11, $0xb8;
	[tilespmem:$0x2B00] =	vst v63  }
0x69: {  	_ =	swait.ge [sflag:s13], $0x80  }
0x6a: {  	[sflag:s13] =	ssyncset.done $0x0  }
0x6b: {  	[sflag:s13] =	ssyncadd.s32 $0xFFFFFF80  }
0x6c: {  	_ =	swait.ge [sflag:s13], $0x80  }
0x6d: {  	[sflag:s13] =	ssyncset.done $0x0  }
0x6e: {  	[sflag:s13] =	ssyncadd.s32 $0xFFFFFF80  }
0x6f: {  	_ =	swait.ge [sflag:s13], $0x80  }
0x70: {  	[sflag:s13] =	ssyncset.done $0x0  }
0x71: {  	[sflag:s13] =	ssyncadd.s32 $0xFFFFFF80  }
0x72: {  	_ =	swait.ge [sflag:s13], $0x80  }
0x73: {  	[sflag:s13] =	ssyncset.done $0x0  }
0x74: {  	[sflag:s13] =	ssyncadd.s32 $0xFFFFFF80  }
0x75: {  	_ =	swait.ge [sflag:s13], $0x80  }
0x76: {  	[sflag:s13] =	ssyncset.done $0x0  }
0x77: {  	[sflag:s13] =	ssyncadd.s32 $0xFFFFFF80  }
0x78: {  	_ =	swait.ge [sflag:s13], $0x80  }
0x79: {  	[sflag:s13] =	ssyncset.done $0x0  }
0x7a: {  	[sflag:s13] =	ssyncadd.s32 $0xFFFFFF80  }
.Ltmp0:
0x7b: {  	_ =	swait.ge [sflag:s13], $0x80;
	(pc) =	sbr.rel @p1 .LBB2_2-.Ltmp0, $4  }
0x7c: {  	[sflag:s13] =	ssyncset.done $0x0  }
0x7d: {  	[sflag:s13] =	ssyncadd.s32 $0xFFFFFF80  }
0x7e: {  	_ =	swait.ge [sflag:s13], $0x80  }
0x7f: {  	s17 =	smov.u32 s16;
	[sflag:s13] =	ssyncset.done $0x0  }
0x80: {  	s15 =	sshra.s32 s15, $0x2;
	[sflag:s13] =	ssyncadd.s32 $0xFFFFFF80  }
0x81: {  	[spmem:s2] =	stream.indirect.scatter.add.f32 [tilespmem:s12], [sflag:$0x1], $0x1, s15, s11, $0xb8;
	[tilespmem:$0x2B00] =	vst v63  }
0x82: {  	s16 =	sadd.s32 $0x80, s15  }
0x83: {  	[spmem:s2] =	stream.indirect.scatter.add.f32 [tilespmem:s12], [sflag:$0x1], $0x1, s16, s11, $0xb8;
	[tilespmem:$0x2B00] =	vst v63  }
0x84: {  	s26 =	sadd.s32 $0x100, s15  }
0x85: {  	[spmem:s2] =	stream.indirect.scatter.add.f32 [tilespmem:s12], [sflag:$0x1], $0x1, s26, s11, $0xb8;
	[tilespmem:$0x2B00] =	vst v63  }
0x86: {  	s28 =	sadd.s32 $0x180, s15  }
0x87: {  	[spmem:s2] =	stream.indirect.scatter.add.f32 [tilespmem:s12], [sflag:$0x1], $0x1, s28, s11, $0xb8;
	[tilespmem:$0x2B00] =	vst v63  }
0x88: {  	s29 =	sadd.s32 $0x200, s15  }
0x89: {  	[spmem:s2] =	stream.indirect.scatter.add.f32 [tilespmem:s12], [sflag:$0x1], $0x1, s29, s11, $0xb8;
	[tilespmem:$0x2B00] =	vst v63  }
0x8a: {  	s30 =	sadd.s32 $0x280, s15  }
0x8b: {  	[spmem:s2] =	stream.indirect.scatter.add.f32 [tilespmem:s12], [sflag:$0x1], $0x1, s30, s11, $0xb8;
	[tilespmem:$0x2B00] =	vst v63  }
0x8c: {  	s31 =	sadd.s32 $0x300, s15  }
0x8d: {  	[spmem:s2] =	stream.indirect.scatter.add.f32 [tilespmem:s12], [sflag:$0x1], $0x1, s31, s11, $0xb8;
	[tilespmem:$0x2B00] =	vst v63  }
0x8e: {  	s15 =	sadd.s32 $0x380, s15  }
0x8f: {  	[spmem:s2] =	stream.indirect.scatter.add.f32 [tilespmem:s12], [sflag:$0x1], $0x1, s15, s11, $0xb8;
	[tilespmem:$0x2B00] =	vst v63  }
0x90: {  	_ =	swait.ge [sflag:s13], $0x80  }
0x91: {  	[sflag:s13] =	ssyncset.done $0x0  }
0x92: {  	[sflag:s13] =	ssyncadd.s32 $0xFFFFFF80  }
0x93: {  	_ =	swait.ge [sflag:s13], $0x80  }
0x94: {  	[sflag:s13] =	ssyncset.done $0x0  }
0x95: {  	[sflag:s13] =	ssyncadd.s32 $0xFFFFFF80  }
0x96: {  	_ =	swait.ge [sflag:s13], $0x80  }
0x97: {  	[sflag:s13] =	ssyncset.done $0x0  }
0x98: {  	[sflag:s13] =	ssyncadd.s32 $0xFFFFFF80  }
0x99: {  	_ =	swait.ge [sflag:s13], $0x80  }
0x9a: {  	[sflag:s13] =	ssyncset.done $0x0  }
0x9b: {  	[sflag:s13] =	ssyncadd.s32 $0xFFFFFF80  }
0x9c: {  	_ =	swait.ge [sflag:s13], $0x80  }
0x9d: {  	[sflag:s13] =	ssyncset.done $0x0  }
0x9e: {  	[sflag:s13] =	ssyncadd.s32 $0xFFFFFF80  }
0x9f: {  	_ =	swait.ge [sflag:s13], $0x80  }
0xa0: {  	[sflag:s13] =	ssyncset.done $0x0  }
0xa1: {  	[sflag:s13] =	ssyncadd.s32 $0xFFFFFF80  }
0xa2: {  	_ =	swait.ge [sflag:s13], $0x80  }
0xa3: {  	[sflag:s13] =	ssyncset.done $0x0  }
0xa4: {  	[sflag:s13] =	ssyncadd.s32 $0xFFFFFF80  }
0xa5: {  	_ =	swait.ge [sflag:s13], $0x80  }
0xa6: {  	s14 =	sadd.s32 $0x1, s14;
	[sflag:s13] =	ssyncset.done $0x0  }
0xa7: {  	p1 =	sne.s32 s14, s8;
	[sflag:s13] =	ssyncadd.s32 $0xFFFFFF80  }
.Ltmp1:
0xa8: {  	[bflag:$0x0] =	sbarrier.arrive $0xFFFF;
	(pc) =	sbr.rel @p1 .LBB2_1-.Ltmp1, $4  }
0xa9: {  	[hbm:s7], [sflag:s5] =	dma.local [spmem:s9], $0x50  }
0xaa: {  	_ =	swait.ge [sflag:s10], $0x50  }
0xab: {  	[sflag:s10] =	ssyncset.done $0x0  }
0xac: {  	[sflag:s10] =	ssyncadd.s32 $0xFFFFFFB0  }
0xad: {  	_ =	sfence.sel $0x180000  }
0xae: {  	[bflag:$0x0] =	sbarrier.arrive $0xFFFF  }
0xaf: {  	p0 =	sne.s32 s1, $0x0;
	_ =	strace $0x90000047  }
0xb0: {  	s0 =	sadd.s32 @!p0 $0x100000, s0;
	[bflag:$0x2] =	sbarrier.arrive $0xFFFF  }
0xb1: {  	[sflag:s0] =	ssyncadd.tile.s32 @!p0 $0x1;
	_ =	shalt  }
.Lfunc_end2:
_tile_overlayer_lowered:
.L_overlay_start_2:
0xb2: {  	(tag) =	ssettag $0x2  }
0xb3: {  	s0 =	rddreg [dreg:$0x0];
	s2 =	stileid.u32  }
0xb4: {  	s1 =	rddreg [dreg:$0x1];
	p0 =	sne.s32 s2, $0x0  }
0xb5: {  	s3 =	rddreg [dreg:$0x2];
	[bflag:$0x3] =	sbarrier.arrive $0xFFFF;
	s2 =	simm.s32 @!p0 $0x1C02  }
0xb6: {  	[timem:s3], [sflag:s2] =	dma.local @!p0 [hbm:s0], s1  }
0xb7: {  	s0 =	simm.s32 @!p0 $0x2  }
0xb8: {  	_ =	swait.ge @!p0 [sflag:s0], s1  }
0xb9: {  	s1 =	ssub.s32 @!p0 $0x0, s1;
	[sflag:s0] =	ssyncset.done @!p0 $0x0  }
0xba: {  	[sflag:s0] =	ssyncadd.s32 @!p0 s1  }
0xbb: {  	[bflag:$0x3] =	sbarrier.arrive $0xFFFF  }
0xbc: {  	_ =	shalt  }

</sc_bundles>
